<compile_context>
chip_gen: v7x
topology: tpu7x:2x2x1
jax: 0.10.2.dev20260603
libtpu: 0.0.44.dev20260713+nightly
codegen_flags: <defaults>
</compile_context>

<pallas_src>
import functools

import jax
import jax.numpy as jnp
from jax import lax
from jax.experimental import pallas as pl
from jax.experimental.pallas import tpu as pltpu, tpu_sc as plsc

N = 10000
D = 128
E = 320000
THRESHOLD = 0.1

DS = D + 16
N_PAD = 10112
BLK = 632
GRID = N_PAD // BLK

NC = 2
NS = 16
NW = NC * NS
KB = 36
NBATCH = 288
EPW = KB * NBATCH
E_TOT = E + N
E_PAD = NW * EPW
ROWS_PER_TILE = N_PAD // NS

f32 = jnp.float32
i32 = jnp.int32


def _aux_cols(rn, rows):
    return jnp.concatenate(
        [rn, jnp.ones((rows, 1), f32), jnp.zeros((rows, 14), f32)], axis=1)



def _pre_body(x_ref, w_ref, xhat_ref, b_ref):
    x = x_ref[...]
    s = jnp.sum(x * x, axis=-1, keepdims=True)
    ni = jnp.maximum(jnp.sqrt(s), 1e-8)
    xhat_ref[...] = x / ni
    h = jnp.dot(x, w_ref[...], preferred_element_type=f32)
    rn = 1.0 / jnp.maximum(jnp.sqrt(jnp.sum(h * h, axis=-1, keepdims=True)), 1e-8)
    b_ref[:, 0:D] = h
    b_ref[:, D:DS] = _aux_cols(rn, BLK)


def _tc_pre(x_pad, W):
    return pl.pallas_call(
        _pre_body,
        grid=(GRID,),
        in_specs=[
            pl.BlockSpec((BLK, D), lambda i: (i, 0)),
            pl.BlockSpec((D, D), lambda i: (0, 0)),
        ],
        out_specs=[
            pl.BlockSpec((BLK, D), lambda i: (i, 0)),
            pl.BlockSpec((BLK, DS), lambda i: (i, 0)),
        ],
        out_shape=[
            jax.ShapeDtypeStruct((N_PAD, D), f32),
            jax.ShapeDtypeStruct((N_PAD, DS), f32),
        ],
    )(x_pad, W)


def _combine(acc_ref, b_ref):
    nm = acc_ref[0, :, 0:D] + acc_ref[1, :, 0:D]
    dd = acc_ref[0, :, D + 1:D + 2] + acc_ref[1, :, D + 1:D + 2] + 1e-16
    return nm / dd + b_ref[...]


def _mid_body(acc_ref, b_ref, lnw_ref, lnb_ref, w1_ref, xhat_ref, b2_ref):
    out = _combine(acc_ref, b_ref)
    mu = jnp.mean(out, axis=-1, keepdims=True)
    var = jnp.mean((out - mu) ** 2, axis=-1, keepdims=True)
    h1 = (out - mu) / jnp.sqrt(var + 1e-5) * lnw_ref[...] + lnb_ref[...]
    h1 = jnp.maximum(h1, 0.0)
    s = jnp.sum(h1 * h1, axis=-1, keepdims=True)
    ni = jnp.maximum(jnp.sqrt(s), 1e-8)
    xhat_ref[...] = h1 / ni
    h2 = jnp.dot(h1, w1_ref[...], preferred_element_type=f32)
    rn = 1.0 / jnp.maximum(jnp.sqrt(jnp.sum(h2 * h2, axis=-1, keepdims=True)), 1e-8)
    b2_ref[:, 0:D] = h2
    b2_ref[:, D:DS] = _aux_cols(rn, BLK)


def _tc_mid(acc, b0, ln_w, ln_b, W1):
    return pl.pallas_call(
        _mid_body,
        grid=(GRID,),
        in_specs=[
            pl.BlockSpec((NC, BLK, DS), lambda i: (0, i, 0)),
            pl.BlockSpec((1, D), lambda i: (0, 0)),
            pl.BlockSpec((1, D), lambda i: (0, 0)),
            pl.BlockSpec((1, D), lambda i: (0, 0)),
            pl.BlockSpec((D, D), lambda i: (0, 0)),
        ],
        out_specs=[
            pl.BlockSpec((BLK, D), lambda i: (i, 0)),
            pl.BlockSpec((BLK, DS), lambda i: (i, 0)),
        ],
        out_shape=[
            jax.ShapeDtypeStruct((N_PAD, D), f32),
            jax.ShapeDtypeStruct((N_PAD, DS), f32),
        ],
    )(acc, b0.reshape(1, D), ln_w.reshape(1, D), ln_b.reshape(1, D), W1)


def _final_body(acc_ref, b_ref, out_ref):
    out = _combine(acc_ref, b_ref)
    m = jnp.max(out, axis=-1, keepdims=True)
    z = out - m
    out_ref[...] = z - jnp.log(jnp.sum(jnp.exp(z), axis=-1, keepdims=True))


def _tc_final(acc, b1):
    return pl.pallas_call(
        _final_body,
        grid=(GRID,),
        in_specs=[
            pl.BlockSpec((NC, BLK, DS), lambda i: (0, i, 0)),
            pl.BlockSpec((1, D), lambda i: (0, 0)),
        ],
        out_specs=pl.BlockSpec((BLK, D), lambda i: (i, 0)),
        out_shape=jax.ShapeDtypeStruct((N_PAD, D), f32),
    )(acc, b1.reshape(1, D))



def _sc_body(xhat_hbm, srct_hbm, idx_hbm, zz_hbm,
             acc_hbm,
             idxb, bs0, bs1, bs2, bs3, xd0, xd1, xd2, xd3, spacc,
             gsem0, gsem1, gsem2, gsem3, ssem0, ssem1, ssem2, ssem3,
             isem0, isem1, isem2, isem3):
    c = lax.axis_index("c")
    s = lax.axis_index("s")
    wid = c * NS + s
    rbase = s * ROWS_PER_TILE

    bs = (bs0, bs1, bs2, bs3)
    xd = (xd0, xd1, xd2, xd3)
    gsem = (gsem0, gsem1, gsem2, gsem3)
    ssem = (ssem0, ssem1, ssem2, ssem3)
    isem = (isem0, isem1, isem2, isem3)

    pltpu.sync_copy(zz_hbm, spacc.at[pl.ds(rbase, ROWS_PER_TILE)])

    plsc.subcore_barrier()

    def compute(p):
        def edge_body(e, carry2):
            ch = [bs[p][e, pl.ds(cc * 16, 16)] for cc in range(8)]
            aux = bs[p][e, pl.ds(D, 16)]
            acc = ch[0] * xd[p][e, pl.ds(0, 16)]
            for cc in range(1, 8):
                acc = acc + ch[cc] * xd[p][e, pl.ds(cc * 16, 16)]
            w = jnp.sum(acc) * aux[0]
            w = jnp.where(w < THRESHOLD, f32(1e-6), w)
            for cc in range(8):
                bs[p][e, pl.ds(cc * 16, 16)] = ch[cc] * w
            bs[p][e, pl.ds(D, 16)] = aux * w
            return carry2

        lax.fori_loop(0, KB, edge_body, 0, unroll=2)

    def issue_gathers(b, p):
        sl = lax.rem(b, 8)
        pltpu.async_copy(srct_hbm.at[idxb.at[sl, 0]], bs[p], gsem[p])
        pltpu.async_copy(xhat_hbm.at[idxb.at[sl, 1]], xd[p], gsem[p])

    def drain_gathers(b, p):
        sl = lax.rem(b, 8)
        pltpu.make_async_copy(srct_hbm.at[idxb.at[sl, 0]], bs[p], gsem[p]).wait()
        pltpu.make_async_copy(xhat_hbm.at[idxb.at[sl, 1]], xd[p], gsem[p]).wait()

    def issue_scatter(b, p):
        sl = lax.rem(b, 8)
        pltpu.async_copy(bs[p], spacc.at[idxb.at[sl, 1]], ssem[p], add=True)

    def drain_scatter(b, p):
        sl = lax.rem(b, 8)
        pltpu.make_async_copy(bs[p], spacc.at[idxb.at[sl, 1]], ssem[p]).wait()

    def issue_idx(b, parity):
        sl = lax.rem(b, 8)
        pltpu.async_copy(idx_hbm.at[wid, b], idxb.at[sl], isem[parity])

    def drain_idx(b, parity):
        sl = lax.rem(b, 8)
        pltpu.make_async_copy(idx_hbm.at[wid, b], idxb.at[sl], isem[parity]).wait()

    pltpu.sync_copy(idx_hbm.at[wid, 0], idxb.at[0])
    pltpu.sync_copy(idx_hbm.at[wid, 1], idxb.at[1])
    issue_idx(2, 2)
    issue_idx(3, 3)
    issue_gathers(0, 0)
    issue_gathers(1, 1)

    def k_body(k, carry):
        for p in (0, 1, 2, 3):
            b = 4 * k + p

            def _prefetch_gathers():
                drain_idx(b + 2, (p + 2) % 4)
                issue_gathers(b + 2, (p + 2) % 4)

            drain_gathers(b, p)
            pl.when(b >= 2)(lambda: drain_scatter(b - 2, (p + 2) % 4))
            pl.when(b + 2 < NBATCH)(_prefetch_gathers)
            pl.when(b + 4 < NBATCH)(lambda: issue_idx(b + 4, p))
            compute(p)
            issue_scatter(b, p)
        return carry

    lax.fori_loop(0, NBATCH // 4, k_body, 0)

    drain_scatter(NBATCH - 2, 2)
    drain_scatter(NBATCH - 1, 3)

    plsc.subcore_barrier()

    pltpu.sync_copy(spacc.at[pl.ds(rbase, ROWS_PER_TILE)],
                    acc_hbm.at[c, pl.ds(rbase, ROWS_PER_TILE)])


_sc_attn = functools.partial(
    pl.kernel,
    out_type=jax.ShapeDtypeStruct((NC, N_PAD, DS), f32),
    mesh=plsc.VectorSubcoreMesh(core_axis_name="c", subcore_axis_name="s"),
    compiler_params=pltpu.CompilerParams(needs_layout_passes=False,
                                         use_tc_tiling_on_sc=False),
    scratch_types=(
        [pltpu.VMEM((8, 2, KB), i32)]
        + [pltpu.VMEM((KB, DS), f32)] * 4
        + [pltpu.VMEM((KB, D), f32)] * 4
        + [pltpu.VMEM_SHARED((N_PAD, DS), f32)]
        + [pltpu.SemaphoreType.DMA] * 12
    ),
)(_sc_body)



def kernel(x, edge_index, W0, b0, ln_w, ln_b, W1, b1):
    src = edge_index[0].astype(i32)
    dst = edge_index[1].astype(i32)
    bad = src == dst
    srcp = jnp.where(bad, N, src)
    dstp = jnp.where(bad, N, dst)
    loop_idx = jnp.arange(N, dtype=i32)
    padv = jnp.full((E_PAD - E_TOT,), N, dtype=i32)
    src_full = jnp.concatenate([srcp, loop_idx, padv]).reshape(NW, NBATCH, KB)
    dst_full = jnp.concatenate([dstp, loop_idx, padv]).reshape(NW, NBATCH, KB)
    idx_full = jnp.stack([src_full, dst_full], axis=2)

    x_pad = jnp.pad(x.astype(f32), ((0, N_PAD - N), (0, 0)))
    zz = jnp.zeros((ROWS_PER_TILE, DS), f32)

    xhat1, bt1 = _tc_pre(x_pad, W0)
    acc1 = _sc_attn(xhat1, bt1, idx_full, zz)
    xhat2, bt2 = _tc_mid(acc1, b0, ln_w, ln_b, W1)
    acc2 = _sc_attn(xhat2, bt2, idx_full, zz)
    out = _tc_final(acc2, b1)
    return out[:N]

# --- scband reference (transcript-rebuilt; emitter-appended) ---
"""Pipeline reference for scband-rgat-18047452578192 (READ-ONLY COPY).

The authoritative reference and input builder live on the scoring server;
editing this copy changes nothing except your own understanding.
"""

import jax, jax.numpy as jnp
import numpy as np

N = 10000
E = 320000
D = 128
THRESHOLD = 0.1

def setup_inputs(seed: int = 0) -> dict:
    key = jax.random.key(seed)
    ks = jax.random.split(key, 8)
    x = jax.random.normal(ks[0], (N, D), dtype=jnp.float32)
    edge_index = jax.random.randint(ks[1], (2, E), 0, N, dtype=jnp.int32)
    W0 = jax.random.normal(ks[2], (D, D), dtype=jnp.float32) / np.sqrt(D)
    b0 = jnp.zeros((D,), dtype=jnp.float32)
    ln_w = jnp.ones((D,), dtype=jnp.float32)
    ln_b = jnp.zeros((D,), dtype=jnp.float32)
    W1 = jax.random.normal(ks[3], (D, D), dtype=jnp.float32) / np.sqrt(D)
    b1 = jnp.zeros((D,), dtype=jnp.float32)
    return {"x": x, "edge_index": edge_index, "W0": W0, "b0": b0,
            "ln_w": ln_w, "ln_b": ln_b, "W1": W1, "b1": b1}

def _add_self_loops(edge_index, num_nodes):
    src = edge_index[0]
    dst = edge_index[1]
    keep = src != dst  # remove_self_loops
    loop = jnp.arange(num_nodes, dtype=src.dtype)
    src = jnp.concatenate([src, loop])
    dst = jnp.concatenate([dst, loop])
    keep = jnp.concatenate([keep, jnp.ones((num_nodes,), dtype=bool)])
    return src, dst, keep

def _rgat_conv(x, src, dst, keep, W, b, threshold):
    n = x.shape[0]
    h = x @ W  # lin_l, bias=False (PyG GATConv)
    x_j = h[dst * 0 + src]  # gather source-transformed features
    x_j = h[src]
    raw_i = x[dst]          # raw target features
    raw_j = x_j             # code path: no self.edge_index attr -> raw_j = x_j
    num = jnp.sum(raw_i * raw_j, axis=-1)
    ni = jnp.maximum(jnp.sqrt(jnp.sum(raw_i * raw_i, axis=-1)), 1e-8)
    nj = jnp.maximum(jnp.sqrt(jnp.sum(raw_j * raw_j, axis=-1)), 1e-8)
    alpha = num / (ni * nj)  # cosine similarity
    alpha = jnp.where(alpha < threshold, 1e-6, alpha)
    logits = jnp.log(alpha)
    logits = jnp.where(keep, logits, -jnp.inf)
    m = jax.ops.segment_max(logits, dst, num_segments=n)
    e = jnp.exp(logits - m[dst])
    s = jax.ops.segment_sum(e, dst, num_segments=n) + 1e-16
    a = e / s[dst]  # segment softmax over incoming edges
    out = jax.ops.segment_sum(x_j * a[:, None], dst, num_segments=n)
    return out + b  # concat=True, heads=1 -> [N, out_channels] + bias

def _layer_norm(h, w, b):
    mu = jnp.mean(h, axis=-1, keepdims=True)
    var = jnp.mean((h - mu) ** 2, axis=-1, keepdims=True)
    return (h - mu) / jnp.sqrt(var + 1e-5) * w + b

def reference(x, edge_index, W0, b0, ln_w, ln_b, W1, b1):
    src, dst, keep = _add_self_loops(edge_index, x.shape[0])
    h = _rgat_conv(x, src, dst, keep, W0, b0, THRESHOLD)
    h = _layer_norm(h, ln_w, ln_b)
    h = jax.nn.relu(h)
    # dropout inactive (eval mode)
    h = _rgat_conv(h, src, dst, keep, W1, b1, THRESHOLD)
    return jax.nn.log_softmax(h, axis=-1)

if __name__ == "__main__":
    import jax
    _d = setup_inputs()
    print(jax.jit(kernel)(*tuple(_d.values())))

</pallas_src>

<mosaic_0001>
#map = affine_map<(d0, d1) -> (0, 0)>
#map1 = affine_map<(d0, d1) -> (0, 0, 0, 0)>
#map2 = affine_map<(d0, d1) -> (0, 0, 0)>
module attributes {stable_mosaic.version = 14 : i64} {
  func.func @_sc_body(%arg0: i32, %arg1: i32, %arg2: memref<10112x128xf32, #tpu.memory_space<hbm>>, %arg3: memref<10112x144xf32, #tpu.memory_space<hbm>>, %arg4: memref<32x288x2x36xi32, #tpu.memory_space<hbm>>, %arg5: memref<632x144xf32, #tpu.memory_space<hbm>>, %arg6: memref<2x10112x144xf32, #tpu.memory_space<hbm>>, %arg7: memref<8x2x36xi32, #tpu.memory_space<vmem>>, %arg8: memref<36x144xf32, #tpu.memory_space<vmem>>, %arg9: memref<36x144xf32, #tpu.memory_space<vmem>>, %arg10: memref<36x144xf32, #tpu.memory_space<vmem>>, %arg11: memref<36x144xf32, #tpu.memory_space<vmem>>, %arg12: memref<36x128xf32, #tpu.memory_space<vmem>>, %arg13: memref<36x128xf32, #tpu.memory_space<vmem>>, %arg14: memref<36x128xf32, #tpu.memory_space<vmem>>, %arg15: memref<36x128xf32, #tpu.memory_space<vmem>>, %arg16: memref<10112x144xf32, #tpu.memory_space<vmem_shared>>, %arg17: memref<!tpu.dma_semaphore, #tpu.memory_space<semaphore_mem>>, %arg18: memref<!tpu.dma_semaphore, #tpu.memory_space<semaphore_mem>>, %arg19: memref<!tpu.dma_semaphore, #tpu.memory_space<semaphore_mem>>, %arg20: memref<!tpu.dma_semaphore, #tpu.memory_space<semaphore_mem>>, %arg21: memref<!tpu.dma_semaphore, #tpu.memory_space<semaphore_mem>>, %arg22: memref<!tpu.dma_semaphore, #tpu.memory_space<semaphore_mem>>, %arg23: memref<!tpu.dma_semaphore, #tpu.memory_space<semaphore_mem>>, %arg24: memref<!tpu.dma_semaphore, #tpu.memory_space<semaphore_mem>>, %arg25: memref<!tpu.dma_semaphore, #tpu.memory_space<semaphore_mem>>, %arg26: memref<!tpu.dma_semaphore, #tpu.memory_space<semaphore_mem>>, %arg27: memref<!tpu.dma_semaphore, #tpu.memory_space<semaphore_mem>>, %arg28: memref<!tpu.dma_semaphore, #tpu.memory_space<semaphore_mem>>) attributes {dimension_semantics = [#tpu.dimension_semantics<core_parallel>, #tpu.dimension_semantics<subcore_parallel>], iteration_bounds = array<i64: 2, 16>, scalar_prefetch = 0 : i64, scratch_operands = 22 : i64, tpu.core_type = #tpu.core_type<sc_vector_subcore>, window_params = [{transform_indices = #map}, {transform_indices = #map}, {transform_indices = #map1}, {transform_indices = #map}, {transform_indices = #map2}]} {
    %mul3A = arith.constant 16 : i32
    %mul3A_0 = arith.muli %arg0, %mul3A : i32
    %add3A = arith.addi %mul3A_0, %arg1 : i32
    %mul3A_1 = arith.constant 632 : i32
    %mul3A_2 = arith.muli %arg1, %mul3A_1 : i32
    "tpu.region"() ({
      %run_scoped3A_103 = tpu.sem_alloc : memref<!tpu.dma_semaphore, #tpu.memory_space<semaphore_mem>>
      %dma_start3A_104 = arith.constant 0 : i32
      %dma_start3A_105 = tpu.memref_slice %arg16[%mul3A_2, %dma_start3A_104] : memref<10112x144xf32, #tpu.memory_space<vmem_shared>> -> memref<632x144xf32, #tpu.memory_space<vmem_shared>>
      tpu.enqueue_dma source(%arg5 : memref<632x144xf32, #tpu.memory_space<hbm>>) target(%dma_start3A_105 : memref<632x144xf32, #tpu.memory_space<vmem_shared>>) target_semaphore(%run_scoped3A_103 : memref<!tpu.dma_semaphore, #tpu.memory_space<semaphore_mem>>)
      %dma_wait3A_106 = arith.constant 0 : i32
      %dma_wait3A_107 = tpu.memref_slice %arg16[%mul3A_2, %dma_wait3A_106] : memref<10112x144xf32, #tpu.memory_space<vmem_shared>> -> memref<632x144xf32, #tpu.memory_space<vmem_shared>>
      tpu.wait_dma2 semaphore(%run_scoped3A_103 : memref<!tpu.dma_semaphore, #tpu.memory_space<semaphore_mem>>) src(%arg5 : memref<632x144xf32, #tpu.memory_space<hbm>>) dst(%dma_wait3A_107 : memref<632x144xf32, #tpu.memory_space<vmem_shared>>)
      tpu.yield
    }) : () -> ()
    %barrier3A = arith.constant 0 : index
    tpu.barrier barrier_id(%barrier3A)
    %run_scoped3A = arith.constant 0 : i32
    %run_scoped3A_3 = arith.constant 0 : i32
    "tpu.region"() ({
      %run_scoped3A_103 = tpu.sem_alloc : memref<!tpu.dma_semaphore, #tpu.memory_space<semaphore_mem>>
      %dma_start3A_104 = arith.constant 0 : i32
      %dma_start3A_105 = arith.constant 0 : i32
      %dma_start3A_106 = tpu.memref_slice %arg7[%run_scoped3A_3, %dma_start3A_104, %dma_start3A_105] : memref<8x2x36xi32, #tpu.memory_space<vmem>> -> memref<1x2x36xi32, #tpu.memory_space<vmem>>
      %dma_start3A_107 = tpu.memref_squeeze %dma_start3A_106 : memref<1x2x36xi32, #tpu.memory_space<vmem>> -> memref<2x36xi32, #tpu.memory_space<vmem>>
      %dma_start3A_108 = arith.constant 0 : i32
      %dma_start3A_109 = arith.constant 0 : i32
      %dma_start3A_110 = tpu.memref_slice %arg4[%add3A, %run_scoped3A, %dma_start3A_108, %dma_start3A_109] : memref<32x288x2x36xi32, #tpu.memory_space<hbm>> -> memref<1x1x2x36xi32, #tpu.memory_space<hbm>>
      %dma_start3A_111 = tpu.memref_squeeze %dma_start3A_110 : memref<1x1x2x36xi32, #tpu.memory_space<hbm>> -> memref<2x36xi32, #tpu.memory_space<hbm>>
      %dma_start3A_112 = arith.constant 0 : i32
      %dma_start3A_113 = arith.constant 0 : i32
      %dma_start3A_114 = tpu.memref_slice %arg7[%run_scoped3A_3, %dma_start3A_112, %dma_start3A_113] : memref<8x2x36xi32, #tpu.memory_space<vmem>> -> memref<1x2x36xi32, #tpu.memory_space<vmem>>
      %dma_start3A_115 = tpu.memref_squeeze %dma_start3A_114 : memref<1x2x36xi32, #tpu.memory_space<vmem>> -> memref<2x36xi32, #tpu.memory_space<vmem>>
      %dma_start3A_116 = arith.constant 0 : i32
      %dma_start3A_117 = arith.constant 0 : i32
      %dma_start3A_118 = tpu.memref_slice %arg4[%add3A, %run_scoped3A, %dma_start3A_116, %dma_start3A_117] : memref<32x288x2x36xi32, #tpu.memory_space<hbm>> -> memref<1x1x2x36xi32, #tpu.memory_space<hbm>>
      %dma_start3A_119 = tpu.memref_squeeze %dma_start3A_118 : memref<1x1x2x36xi32, #tpu.memory_space<hbm>> -> memref<2x36xi32, #tpu.memory_space<hbm>>
      tpu.enqueue_dma source(%dma_start3A_119 : memref<2x36xi32, #tpu.memory_space<hbm>>) target(%dma_start3A_115 : memref<2x36xi32, #tpu.memory_space<vmem>>) target_semaphore(%run_scoped3A_103 : memref<!tpu.dma_semaphore, #tpu.memory_space<semaphore_mem>>)
      %dma_wait3A_120 = arith.constant 0 : i32
      %dma_wait3A_121 = arith.constant 0 : i32
      %dma_wait3A_122 = tpu.memref_slice %arg7[%run_scoped3A_3, %dma_wait3A_120, %dma_wait3A_121] : memref<8x2x36xi32, #tpu.memory_space<vmem>> -> memref<1x2x36xi32, #tpu.memory_space<vmem>>
      %dma_wait3A_123 = tpu.memref_squeeze %dma_wait3A_122 : memref<1x2x36xi32, #tpu.memory_space<vmem>> -> memref<2x36xi32, #tpu.memory_space<vmem>>
      %dma_wait3A_124 = arith.constant 0 : i32
      %dma_wait3A_125 = arith.constant 0 : i32
      %dma_wait3A_126 = tpu.memref_slice %arg4[%add3A, %run_scoped3A, %dma_wait3A_124, %dma_wait3A_125] : memref<32x288x2x36xi32, #tpu.memory_space<hbm>> -> memref<1x1x2x36xi32, #tpu.memory_space<hbm>>
      %dma_wait3A_127 = tpu.memref_squeeze %dma_wait3A_126 : memref<1x1x2x36xi32, #tpu.memory_space<hbm>> -> memref<2x36xi32, #tpu.memory_space<hbm>>
      %dma_wait3A_128 = arith.constant 0 : i32
      %dma_wait3A_129 = arith.constant 0 : i32
      %dma_wait3A_130 = tpu.memref_slice %arg7[%run_scoped3A_3, %dma_wait3A_128, %dma_wait3A_129] : memref<8x2x36xi32, #tpu.memory_space<vmem>> -> memref<1x2x36xi32, #tpu.memory_space<vmem>>
      %dma_wait3A_131 = tpu.memref_squeeze %dma_wait3A_130 : memref<1x2x36xi32, #tpu.memory_space<vmem>> -> memref<2x36xi32, #tpu.memory_space<vmem>>
      %dma_wait3A_132 = arith.constant 0 : i32
      %dma_wait3A_133 = arith.constant 0 : i32
      %dma_wait3A_134 = tpu.memref_slice %arg4[%add3A, %run_scoped3A, %dma_wait3A_132, %dma_wait3A_133] : memref<32x288x2x36xi32, #tpu.memory_space<hbm>> -> memref<1x1x2x36xi32, #tpu.memory_space<hbm>>
      %dma_wait3A_135 = tpu.memref_squeeze %dma_wait3A_134 : memref<1x1x2x36xi32, #tpu.memory_space<hbm>> -> memref<2x36xi32, #tpu.memory_space<hbm>>
      tpu.wait_dma2 semaphore(%run_scoped3A_103 : memref<!tpu.dma_semaphore, #tpu.memory_space<semaphore_mem>>) src(%dma_wait3A_135 : memref<2x36xi32, #tpu.memory_space<hbm>>) dst(%dma_wait3A_131 : memref<2x36xi32, #tpu.memory_space<vmem>>)
      tpu.yield
    }) : () -> ()
    %run_scoped3A_4 = arith.constant 1 : i32
    %run_scoped3A_5 = arith.constant 1 : i32
    "tpu.region"() ({
      %run_scoped3A_103 = tpu.sem_alloc : memref<!tpu.dma_semaphore, #tpu.memory_space<semaphore_mem>>
      %dma_start3A_104 = arith.constant 0 : i32
      %dma_start3A_105 = arith.constant 0 : i32
      %dma_start3A_106 = tpu.memref_slice %arg7[%run_scoped3A_5, %dma_start3A_104, %dma_start3A_105] : memref<8x2x36xi32, #tpu.memory_space<vmem>> -> memref<1x2x36xi32, #tpu.memory_space<vmem>>
      %dma_start3A_107 = tpu.memref_squeeze %dma_start3A_106 : memref<1x2x36xi32, #tpu.memory_space<vmem>> -> memref<2x36xi32, #tpu.memory_space<vmem>>
      %dma_start3A_108 = arith.constant 0 : i32
      %dma_start3A_109 = arith.constant 0 : i32
      %dma_start3A_110 = tpu.memref_slice %arg4[%add3A, %run_scoped3A_4, %dma_start3A_108, %dma_start3A_109] : memref<32x288x2x36xi32, #tpu.memory_space<hbm>> -> memref<1x1x2x36xi32, #tpu.memory_space<hbm>>
      %dma_start3A_111 = tpu.memref_squeeze %dma_start3A_110 : memref<1x1x2x36xi32, #tpu.memory_space<hbm>> -> memref<2x36xi32, #tpu.memory_space<hbm>>
      %dma_start3A_112 = arith.constant 0 : i32
      %dma_start3A_113 = arith.constant 0 : i32
      %dma_start3A_114 = tpu.memref_slice %arg7[%run_scoped3A_5, %dma_start3A_112, %dma_start3A_113] : memref<8x2x36xi32, #tpu.memory_space<vmem>> -> memref<1x2x36xi32, #tpu.memory_space<vmem>>
      %dma_start3A_115 = tpu.memref_squeeze %dma_start3A_114 : memref<1x2x36xi32, #tpu.memory_space<vmem>> -> memref<2x36xi32, #tpu.memory_space<vmem>>
      %dma_start3A_116 = arith.constant 0 : i32
      %dma_start3A_117 = arith.constant 0 : i32
      %dma_start3A_118 = tpu.memref_slice %arg4[%add3A, %run_scoped3A_4, %dma_start3A_116, %dma_start3A_117] : memref<32x288x2x36xi32, #tpu.memory_space<hbm>> -> memref<1x1x2x36xi32, #tpu.memory_space<hbm>>
      %dma_start3A_119 = tpu.memref_squeeze %dma_start3A_118 : memref<1x1x2x36xi32, #tpu.memory_space<hbm>> -> memref<2x36xi32, #tpu.memory_space<hbm>>
      tpu.enqueue_dma source(%dma_start3A_119 : memref<2x36xi32, #tpu.memory_space<hbm>>) target(%dma_start3A_115 : memref<2x36xi32, #tpu.memory_space<vmem>>) target_semaphore(%run_scoped3A_103 : memref<!tpu.dma_semaphore, #tpu.memory_space<semaphore_mem>>)
      %dma_wait3A_120 = arith.constant 0 : i32
      %dma_wait3A_121 = arith.constant 0 : i32
      %dma_wait3A_122 = tpu.memref_slice %arg7[%run_scoped3A_5, %dma_wait3A_120, %dma_wait3A_121] : memref<8x2x36xi32, #tpu.memory_space<vmem>> -> memref<1x2x36xi32, #tpu.memory_space<vmem>>
      %dma_wait3A_123 = tpu.memref_squeeze %dma_wait3A_122 : memref<1x2x36xi32, #tpu.memory_space<vmem>> -> memref<2x36xi32, #tpu.memory_space<vmem>>
      %dma_wait3A_124 = arith.constant 0 : i32
      %dma_wait3A_125 = arith.constant 0 : i32
      %dma_wait3A_126 = tpu.memref_slice %arg4[%add3A, %run_scoped3A_4, %dma_wait3A_124, %dma_wait3A_125] : memref<32x288x2x36xi32, #tpu.memory_space<hbm>> -> memref<1x1x2x36xi32, #tpu.memory_space<hbm>>
      %dma_wait3A_127 = tpu.memref_squeeze %dma_wait3A_126 : memref<1x1x2x36xi32, #tpu.memory_space<hbm>> -> memref<2x36xi32, #tpu.memory_space<hbm>>
      %dma_wait3A_128 = arith.constant 0 : i32
      %dma_wait3A_129 = arith.constant 0 : i32
      %dma_wait3A_130 = tpu.memref_slice %arg7[%run_scoped3A_5, %dma_wait3A_128, %dma_wait3A_129] : memref<8x2x36xi32, #tpu.memory_space<vmem>> -> memref<1x2x36xi32, #tpu.memory_space<vmem>>
      %dma_wait3A_131 = tpu.memref_squeeze %dma_wait3A_130 : memref<1x2x36xi32, #tpu.memory_space<vmem>> -> memref<2x36xi32, #tpu.memory_space<vmem>>
      %dma_wait3A_132 = arith.constant 0 : i32
      %dma_wait3A_133 = arith.constant 0 : i32
      %dma_wait3A_134 = tpu.memref_slice %arg4[%add3A, %run_scoped3A_4, %dma_wait3A_132, %dma_wait3A_133] : memref<32x288x2x36xi32, #tpu.memory_space<hbm>> -> memref<1x1x2x36xi32, #tpu.memory_space<hbm>>
      %dma_wait3A_135 = tpu.memref_squeeze %dma_wait3A_134 : memref<1x1x2x36xi32, #tpu.memory_space<hbm>> -> memref<2x36xi32, #tpu.memory_space<hbm>>
      tpu.wait_dma2 semaphore(%run_scoped3A_103 : memref<!tpu.dma_semaphore, #tpu.memory_space<semaphore_mem>>) src(%dma_wait3A_135 : memref<2x36xi32, #tpu.memory_space<hbm>>) dst(%dma_wait3A_131 : memref<2x36xi32, #tpu.memory_space<vmem>>)
      tpu.yield
    }) : () -> ()
    %rem3A = arith.constant 2 : i32
    %rem3A_6 = arith.constant 8 : i32
    %rem3A_7 = arith.remsi %rem3A, %rem3A_6 : i32
    %dma_start3A = arith.constant 2 : i32
    %dma_start3A_8 = arith.constant 0 : i32
    %dma_start3A_9 = arith.constant 0 : i32
    %dma_start3A_10 = tpu.memref_slice %arg7[%rem3A_7, %dma_start3A_8, %dma_start3A_9] : memref<8x2x36xi32, #tpu.memory_space<vmem>> -> memref<1x2x36xi32, #tpu.memory_space<vmem>>
    %dma_start3A_11 = tpu.memref_squeeze %dma_start3A_10 : memref<1x2x36xi32, #tpu.memory_space<vmem>> -> memref<2x36xi32, #tpu.memory_space<vmem>>
    %dma_start3A_12 = arith.constant 0 : i32
    %dma_start3A_13 = arith.constant 0 : i32
    %dma_start3A_14 = tpu.memref_slice %arg4[%add3A, %dma_start3A, %dma_start3A_12, %dma_start3A_13] : memref<32x288x2x36xi32, #tpu.memory_space<hbm>> -> memref<1x1x2x36xi32, #tpu.memory_space<hbm>>
    %dma_start3A_15 = tpu.memref_squeeze %dma_start3A_14 : memref<1x1x2x36xi32, #tpu.memory_space<hbm>> -> memref<2x36xi32, #tpu.memory_space<hbm>>
    %dma_start3A_16 = arith.constant 0 : i32
    %dma_start3A_17 = arith.constant 0 : i32
    %dma_start3A_18 = tpu.memref_slice %arg7[%rem3A_7, %dma_start3A_16, %dma_start3A_17] : memref<8x2x36xi32, #tpu.memory_space<vmem>> -> memref<1x2x36xi32, #tpu.memory_space<vmem>>
    %dma_start3A_19 = tpu.memref_squeeze %dma_start3A_18 : memref<1x2x36xi32, #tpu.memory_space<vmem>> -> memref<2x36xi32, #tpu.memory_space<vmem>>
    %dma_start3A_20 = arith.constant 0 : i32
    %dma_start3A_21 = arith.constant 0 : i32
    %dma_start3A_22 = tpu.memref_slice %arg4[%add3A, %dma_start3A, %dma_start3A_20, %dma_start3A_21] : memref<32x288x2x36xi32, #tpu.memory_space<hbm>> -> memref<1x1x2x36xi32, #tpu.memory_space<hbm>>
    %dma_start3A_23 = tpu.memref_squeeze %dma_start3A_22 : memref<1x1x2x36xi32, #tpu.memory_space<hbm>> -> memref<2x36xi32, #tpu.memory_space<hbm>>
    tpu.enqueue_dma source(%dma_start3A_23 : memref<2x36xi32, #tpu.memory_space<hbm>>) target(%dma_start3A_19 : memref<2x36xi32, #tpu.memory_space<vmem>>) target_semaphore(%arg27 : memref<!tpu.dma_semaphore, #tpu.memory_space<semaphore_mem>>)
    %rem3A_24 = arith.constant 3 : i32
    %rem3A_25 = arith.constant 8 : i32
    %rem3A_26 = arith.remsi %rem3A_24, %rem3A_25 : i32
    %dma_start3A_27 = arith.constant 3 : i32
    %dma_start3A_28 = arith.constant 0 : i32
    %dma_start3A_29 = arith.constant 0 : i32
    %dma_start3A_30 = tpu.memref_slice %arg7[%rem3A_26, %dma_start3A_28, %dma_start3A_29] : memref<8x2x36xi32, #tpu.memory_space<vmem>> -> memref<1x2x36xi32, #tpu.memory_space<vmem>>
    %dma_start3A_31 = tpu.memref_squeeze %dma_start3A_30 : memref<1x2x36xi32, #tpu.memory_space<vmem>> -> memref<2x36xi32, #tpu.memory_space<vmem>>
    %dma_start3A_32 = arith.constant 0 : i32
    %dma_start3A_33 = arith.constant 0 : i32
    %dma_start3A_34 = tpu.memref_slice %arg4[%add3A, %dma_start3A_27, %dma_start3A_32, %dma_start3A_33] : memref<32x288x2x36xi32, #tpu.memory_space<hbm>> -> memref<1x1x2x36xi32, #tpu.memory_space<hbm>>
    %dma_start3A_35 = tpu.memref_squeeze %dma_start3A_34 : memref<1x1x2x36xi32, #tpu.memory_space<hbm>> -> memref<2x36xi32, #tpu.memory_space<hbm>>
    %dma_start3A_36 = arith.constant 0 : i32
    %dma_start3A_37 = arith.constant 0 : i32
    %dma_start3A_38 = tpu.memref_slice %arg7[%rem3A_26, %dma_start3A_36, %dma_start3A_37] : memref<8x2x36xi32, #tpu.memory_space<vmem>> -> memref<1x2x36xi32, #tpu.memory_space<vmem>>
    %dma_start3A_39 = tpu.memref_squeeze %dma_start3A_38 : memref<1x2x36xi32, #tpu.memory_space<vmem>> -> memref<2x36xi32, #tpu.memory_space<vmem>>
    %dma_start3A_40 = arith.constant 0 : i32
    %dma_start3A_41 = arith.constant 0 : i32
    %dma_start3A_42 = tpu.memref_slice %arg4[%add3A, %dma_start3A_27, %dma_start3A_40, %dma_start3A_41] : memref<32x288x2x36xi32, #tpu.memory_space<hbm>> -> memref<1x1x2x36xi32, #tpu.memory_space<hbm>>
    %dma_start3A_43 = tpu.memref_squeeze %dma_start3A_42 : memref<1x1x2x36xi32, #tpu.memory_space<hbm>> -> memref<2x36xi32, #tpu.memory_space<hbm>>
    tpu.enqueue_dma source(%dma_start3A_43 : memref<2x36xi32, #tpu.memory_space<hbm>>) target(%dma_start3A_39 : memref<2x36xi32, #tpu.memory_space<vmem>>) target_semaphore(%arg28 : memref<!tpu.dma_semaphore, #tpu.memory_space<semaphore_mem>>)
    %rem3A_44 = arith.constant 0 : i32
    %rem3A_45 = arith.constant 8 : i32
    %rem3A_46 = arith.remsi %rem3A_44, %rem3A_45 : i32
    %dma_start3A_47 = arith.constant 0 : i32
    %dma_start3A_48 = arith.constant 0 : i32
    %dma_start3A_49 = tpu.memref_slice %arg7[%rem3A_46, %dma_start3A_47, %dma_start3A_48] : memref<8x2x36xi32, #tpu.memory_space<vmem>> -> memref<1x1x36xi32, #tpu.memory_space<vmem>>
    %dma_start3A_50 = tpu.memref_squeeze %dma_start3A_49 : memref<1x1x36xi32, #tpu.memory_space<vmem>> -> memref<36xi32, #tpu.memory_space<vmem>>
    %dma_start3A_51 = arith.constant 0 : i32
    %dma_start3A_52 = arith.constant 0 : i32
    %dma_start3A_53 = tpu.memref_slice %arg3[%dma_start3A_51, %dma_start3A_52] : memref<10112x144xf32, #tpu.memory_space<hbm>> -> memref<10112x144xf32, #tpu.memory_space<hbm>>
    tpu.enqueue_indirect_dma source(%dma_start3A_53 : memref<10112x144xf32, #tpu.memory_space<hbm>>) target(%arg8 : memref<36x144xf32, #tpu.memory_space<vmem>>) offsets(%dma_start3A_50 : memref<36xi32, #tpu.memory_space<vmem>>) semaphore(%arg17 : memref<!tpu.dma_semaphore, #tpu.memory_space<semaphore_mem>>)
    %dma_start3A_54 = arith.constant 1 : i32
    %dma_start3A_55 = arith.constant 0 : i32
    %dma_start3A_56 = tpu.memref_slice %arg7[%rem3A_46, %dma_start3A_54, %dma_start3A_55] : memref<8x2x36xi32, #tpu.memory_space<vmem>> -> memref<1x1x36xi32, #tpu.memory_space<vmem>>
    %dma_start3A_57 = tpu.memref_squeeze %dma_start3A_56 : memref<1x1x36xi32, #tpu.memory_space<vmem>> -> memref<36xi32, #tpu.memory_space<vmem>>
    %dma_start3A_58 = arith.constant 0 : i32
    %dma_start3A_59 = arith.constant 0 : i32
    %dma_start3A_60 = tpu.memref_slice %arg2[%dma_start3A_58, %dma_start3A_59] : memref<10112x128xf32, #tpu.memory_space<hbm>> -> memref<10112x128xf32, #tpu.memory_space<hbm>>
    tpu.enqueue_indirect_dma source(%dma_start3A_60 : memref<10112x128xf32, #tpu.memory_space<hbm>>) target(%arg12 : memref<36x128xf32, #tpu.memory_space<vmem>>) offsets(%dma_start3A_57 : memref<36xi32, #tpu.memory_space<vmem>>) semaphore(%arg17 : memref<!tpu.dma_semaphore, #tpu.memory_space<semaphore_mem>>)
    %rem3A_61 = arith.constant 1 : i32
    %rem3A_62 = arith.constant 8 : i32
    %rem3A_63 = arith.remsi %rem3A_61, %rem3A_62 : i32
    %dma_start3A_64 = arith.constant 0 : i32
    %dma_start3A_65 = arith.constant 0 : i32
    %dma_start3A_66 = tpu.memref_slice %arg7[%rem3A_63, %dma_start3A_64, %dma_start3A_65] : memref<8x2x36xi32, #tpu.memory_space<vmem>> -> memref<1x1x36xi32, #tpu.memory_space<vmem>>
    %dma_start3A_67 = tpu.memref_squeeze %dma_start3A_66 : memref<1x1x36xi32, #tpu.memory_space<vmem>> -> memref<36xi32, #tpu.memory_space<vmem>>
    %dma_start3A_68 = arith.constant 0 : i32
    %dma_start3A_69 = arith.constant 0 : i32
    %dma_start3A_70 = tpu.memref_slice %arg3[%dma_start3A_68, %dma_start3A_69] : memref<10112x144xf32, #tpu.memory_space<hbm>> -> memref<10112x144xf32, #tpu.memory_space<hbm>>
    tpu.enqueue_indirect_dma source(%dma_start3A_70 : memref<10112x144xf32, #tpu.memory_space<hbm>>) target(%arg9 : memref<36x144xf32, #tpu.memory_space<vmem>>) offsets(%dma_start3A_67 : memref<36xi32, #tpu.memory_space<vmem>>) semaphore(%arg18 : memref<!tpu.dma_semaphore, #tpu.memory_space<semaphore_mem>>)
    %dma_start3A_71 = arith.constant 1 : i32
    %dma_start3A_72 = arith.constant 0 : i32
    %dma_start3A_73 = tpu.memref_slice %arg7[%rem3A_63, %dma_start3A_71, %dma_start3A_72] : memref<8x2x36xi32, #tpu.memory_space<vmem>> -> memref<1x1x36xi32, #tpu.memory_space<vmem>>
    %dma_start3A_74 = tpu.memref_squeeze %dma_start3A_73 : memref<1x1x36xi32, #tpu.memory_space<vmem>> -> memref<36xi32, #tpu.memory_space<vmem>>
    %dma_start3A_75 = arith.constant 0 : i32
    %dma_start3A_76 = arith.constant 0 : i32
    %dma_start3A_77 = tpu.memref_slice %arg2[%dma_start3A_75, %dma_start3A_76] : memref<10112x128xf32, #tpu.memory_space<hbm>> -> memref<10112x128xf32, #tpu.memory_space<hbm>>
    tpu.enqueue_indirect_dma source(%dma_start3A_77 : memref<10112x128xf32, #tpu.memory_space<hbm>>) target(%arg13 : memref<36x128xf32, #tpu.memory_space<vmem>>) offsets(%dma_start3A_74 : memref<36xi32, #tpu.memory_space<vmem>>) semaphore(%arg18 : memref<!tpu.dma_semaphore, #tpu.memory_space<semaphore_mem>>)
    %scan3A = arith.constant 0 : i32
    %scan3A_78 = arith.constant 0 : i32
    %scan3A_79 = arith.constant 72 : i32
    %scan3A_80 = arith.addi %scan3A_78, %scan3A_79 : i32
    %scan3A_81 = arith.constant 1 : i32
    scf.for %scan3A_103 = %scan3A_78 to %scan3A_80 step %scan3A_81  : i32 {
      %mul3A_104 = arith.constant 4 : i32
      %mul3A_105 = arith.muli %mul3A_104, %scan3A_103 : i32
      %add3A_106 = arith.constant 0 : i32
      %add3A_107 = arith.addi %mul3A_105, %add3A_106 : i32
      %rem3A_108 = arith.constant 8 : i32
      %rem3A_109 = arith.remsi %add3A_107, %rem3A_108 : i32
      %dma_wait3A_110 = arith.constant 0 : i32
      %dma_wait3A_111 = arith.constant 0 : i32
      %dma_wait3A_112 = tpu.memref_slice %arg7[%rem3A_109, %dma_wait3A_110, %dma_wait3A_111] : memref<8x2x36xi32, #tpu.memory_space<vmem>> -> memref<1x1x36xi32, #tpu.memory_space<vmem>>
      %dma_wait3A_113 = tpu.memref_squeeze %dma_wait3A_112 : memref<1x1x36xi32, #tpu.memory_space<vmem>> -> memref<36xi32, #tpu.memory_space<vmem>>
      %dma_wait3A_114 = arith.constant 0 : i32
      %dma_wait3A_115 = arith.constant 0 : i32
      %dma_wait3A_116 = tpu.memref_slice %arg3[%dma_wait3A_114, %dma_wait3A_115] : memref<10112x144xf32, #tpu.memory_space<hbm>> -> memref<10112x144xf32, #tpu.memory_space<hbm>>
      tpu.wait_indirect_dma semaphore(%arg17 : memref<!tpu.dma_semaphore, #tpu.memory_space<semaphore_mem>>) src(%dma_wait3A_116 : memref<10112x144xf32, #tpu.memory_space<hbm>>) dst(%arg8 : memref<36x144xf32, #tpu.memory_space<vmem>>)
      %dma_wait3A_117 = arith.constant 1 : i32
      %dma_wait3A_118 = arith.constant 0 : i32
      %dma_wait3A_119 = tpu.memref_slice %arg7[%rem3A_109, %dma_wait3A_117, %dma_wait3A_118] : memref<8x2x36xi32, #tpu.memory_space<vmem>> -> memref<1x1x36xi32, #tpu.memory_space<vmem>>
      %dma_wait3A_120 = tpu.memref_squeeze %dma_wait3A_119 : memref<1x1x36xi32, #tpu.memory_space<vmem>> -> memref<36xi32, #tpu.memory_space<vmem>>
      %dma_wait3A_121 = arith.constant 0 : i32
      %dma_wait3A_122 = arith.constant 0 : i32
      %dma_wait3A_123 = tpu.memref_slice %arg2[%dma_wait3A_121, %dma_wait3A_122] : memref<10112x128xf32, #tpu.memory_space<hbm>> -> memref<10112x128xf32, #tpu.memory_space<hbm>>
      tpu.wait_indirect_dma semaphore(%arg17 : memref<!tpu.dma_semaphore, #tpu.memory_space<semaphore_mem>>) src(%dma_wait3A_123 : memref<10112x128xf32, #tpu.memory_space<hbm>>) dst(%arg12 : memref<36x128xf32, #tpu.memory_space<vmem>>)
      %ge3A = arith.constant 2 : i32
      %ge3A_124 = arith.cmpi sge, %add3A_107, %ge3A : i32
      %convert_element_type3A = arith.extui %ge3A_124 : i1 to i32
      %cond3A = arith.constant 0 : i32
      %cond3A_125 = arith.cmpi ne, %convert_element_type3A, %cond3A : i32
      scf.if %cond3A_125 {
        %sub3A = arith.constant 2 : i32
        %sub3A_316 = arith.subi %add3A_107, %sub3A : i32
        %rem3A_317 = arith.constant 8 : i32
        %rem3A_318 = arith.remsi %sub3A_316, %rem3A_317 : i32
        %dma_wait3A_319 = arith.constant 1 : i32
        %dma_wait3A_320 = arith.constant 0 : i32
        %dma_wait3A_321 = tpu.memref_slice %arg7[%rem3A_318, %dma_wait3A_319, %dma_wait3A_320] : memref<8x2x36xi32, #tpu.memory_space<vmem>> -> memref<1x1x36xi32, #tpu.memory_space<vmem>>
        %dma_wait3A_322 = tpu.memref_squeeze %dma_wait3A_321 : memref<1x1x36xi32, #tpu.memory_space<vmem>> -> memref<36xi32, #tpu.memory_space<vmem>>
        %dma_wait3A_323 = arith.constant 0 : i32
        %dma_wait3A_324 = arith.constant 0 : i32
        %dma_wait3A_325 = tpu.memref_slice %arg16[%dma_wait3A_323, %dma_wait3A_324] : memref<10112x144xf32, #tpu.memory_space<vmem_shared>> -> memref<10112x144xf32, #tpu.memory_space<vmem_shared>>
        tpu.wait_indirect_dma semaphore(%arg23 : memref<!tpu.dma_semaphore, #tpu.memory_space<semaphore_mem>>) src(%arg10 : memref<36x144xf32, #tpu.memory_space<vmem>>) dst(%dma_wait3A_325 : memref<10112x144xf32, #tpu.memory_space<vmem_shared>>)
      } else {
      }
      %add3A_126 = arith.constant 2 : i32
      %add3A_127 = arith.addi %add3A_107, %add3A_126 : i32
      %lt3A = arith.constant 288 : i32
      %lt3A_128 = arith.cmpi slt, %add3A_127, %lt3A : i32
      %convert_element_type3A_129 = arith.extui %lt3A_128 : i1 to i32
      %cond3A_130 = arith.constant 0 : i32
      %cond3A_131 = arith.cmpi ne, %convert_element_type3A_129, %cond3A_130 : i32
      scf.if %cond3A_131 {
        %add3A_316 = arith.constant 2 : i32
        %add3A_317 = arith.addi %add3A_107, %add3A_316 : i32
        %rem3A_318 = arith.constant 8 : i32
        %rem3A_319 = arith.remsi %add3A_317, %rem3A_318 : i32
        %dma_wait3A_320 = arith.constant 0 : i32
        %dma_wait3A_321 = arith.constant 0 : i32
        %dma_wait3A_322 = tpu.memref_slice %arg7[%rem3A_319, %dma_wait3A_320, %dma_wait3A_321] : memref<8x2x36xi32, #tpu.memory_space<vmem>> -> memref<1x2x36xi32, #tpu.memory_space<vmem>>
        %dma_wait3A_323 = tpu.memref_squeeze %dma_wait3A_322 : memref<1x2x36xi32, #tpu.memory_space<vmem>> -> memref<2x36xi32, #tpu.memory_space<vmem>>
        %dma_wait3A_324 = arith.constant 0 : i32
        %dma_wait3A_325 = arith.constant 0 : i32
        %dma_wait3A_326 = tpu.memref_slice %arg4[%add3A, %add3A_317, %dma_wait3A_324, %dma_wait3A_325] : memref<32x288x2x36xi32, #tpu.memory_space<hbm>> -> memref<1x1x2x36xi32, #tpu.memory_space<hbm>>
        %dma_wait3A_327 = tpu.memref_squeeze %dma_wait3A_326 : memref<1x1x2x36xi32, #tpu.memory_space<hbm>> -> memref<2x36xi32, #tpu.memory_space<hbm>>
        %dma_wait3A_328 = arith.constant 0 : i32
        %dma_wait3A_329 = arith.constant 0 : i32
        %dma_wait3A_330 = tpu.memref_slice %arg7[%rem3A_319, %dma_wait3A_328, %dma_wait3A_329] : memref<8x2x36xi32, #tpu.memory_space<vmem>> -> memref<1x2x36xi32, #tpu.memory_space<vmem>>
        %dma_wait3A_331 = tpu.memref_squeeze %dma_wait3A_330 : memref<1x2x36xi32, #tpu.memory_space<vmem>> -> memref<2x36xi32, #tpu.memory_space<vmem>>
        %dma_wait3A_332 = arith.constant 0 : i32
        %dma_wait3A_333 = arith.constant 0 : i32
        %dma_wait3A_334 = tpu.memref_slice %arg4[%add3A, %add3A_317, %dma_wait3A_332, %dma_wait3A_333] : memref<32x288x2x36xi32, #tpu.memory_space<hbm>> -> memref<1x1x2x36xi32, #tpu.memory_space<hbm>>
        %dma_wait3A_335 = tpu.memref_squeeze %dma_wait3A_334 : memref<1x1x2x36xi32, #tpu.memory_space<hbm>> -> memref<2x36xi32, #tpu.memory_space<hbm>>
        tpu.wait_dma2 semaphore(%arg27 : memref<!tpu.dma_semaphore, #tpu.memory_space<semaphore_mem>>) src(%dma_wait3A_335 : memref<2x36xi32, #tpu.memory_space<hbm>>) dst(%dma_wait3A_331 : memref<2x36xi32, #tpu.memory_space<vmem>>)
        %add3A_336 = arith.constant 2 : i32
        %add3A_337 = arith.addi %add3A_107, %add3A_336 : i32
        %rem3A_338 = arith.constant 8 : i32
        %rem3A_339 = arith.remsi %add3A_337, %rem3A_338 : i32
        %dma_start3A_340 = arith.constant 0 : i32
        %dma_start3A_341 = arith.constant 0 : i32
        %dma_start3A_342 = tpu.memref_slice %arg7[%rem3A_339, %dma_start3A_340, %dma_start3A_341] : memref<8x2x36xi32, #tpu.memory_space<vmem>> -> memref<1x1x36xi32, #tpu.memory_space<vmem>>
        %dma_start3A_343 = tpu.memref_squeeze %dma_start3A_342 : memref<1x1x36xi32, #tpu.memory_space<vmem>> -> memref<36xi32, #tpu.memory_space<vmem>>
        %dma_start3A_344 = arith.constant 0 : i32
        %dma_start3A_345 = arith.constant 0 : i32
        %dma_start3A_346 = tpu.memref_slice %arg3[%dma_start3A_344, %dma_start3A_345] : memref<10112x144xf32, #tpu.memory_space<hbm>> -> memref<10112x144xf32, #tpu.memory_space<hbm>>
        tpu.enqueue_indirect_dma source(%dma_start3A_346 : memref<10112x144xf32, #tpu.memory_space<hbm>>) target(%arg10 : memref<36x144xf32, #tpu.memory_space<vmem>>) offsets(%dma_start3A_343 : memref<36xi32, #tpu.memory_space<vmem>>) semaphore(%arg19 : memref<!tpu.dma_semaphore, #tpu.memory_space<semaphore_mem>>)
        %dma_start3A_347 = arith.constant 1 : i32
        %dma_start3A_348 = arith.constant 0 : i32
        %dma_start3A_349 = tpu.memref_slice %arg7[%rem3A_339, %dma_start3A_347, %dma_start3A_348] : memref<8x2x36xi32, #tpu.memory_space<vmem>> -> memref<1x1x36xi32, #tpu.memory_space<vmem>>
        %dma_start3A_350 = tpu.memref_squeeze %dma_start3A_349 : memref<1x1x36xi32, #tpu.memory_space<vmem>> -> memref<36xi32, #tpu.memory_space<vmem>>
        %dma_start3A_351 = arith.constant 0 : i32
        %dma_start3A_352 = arith.constant 0 : i32
        %dma_start3A_353 = tpu.memref_slice %arg2[%dma_start3A_351, %dma_start3A_352] : memref<10112x128xf32, #tpu.memory_space<hbm>> -> memref<10112x128xf32, #tpu.memory_space<hbm>>
        tpu.enqueue_indirect_dma source(%dma_start3A_353 : memref<10112x128xf32, #tpu.memory_space<hbm>>) target(%arg14 : memref<36x128xf32, #tpu.memory_space<vmem>>) offsets(%dma_start3A_350 : memref<36xi32, #tpu.memory_space<vmem>>) semaphore(%arg19 : memref<!tpu.dma_semaphore, #tpu.memory_space<semaphore_mem>>)
      } else {
      }
      %add3A_132 = arith.constant 4 : i32
      %add3A_133 = arith.addi %add3A_107, %add3A_132 : i32
      %lt3A_134 = arith.constant 288 : i32
      %lt3A_135 = arith.cmpi slt, %add3A_133, %lt3A_134 : i32
      %convert_element_type3A_136 = arith.extui %lt3A_135 : i1 to i32
      %cond3A_137 = arith.constant 0 : i32
      %cond3A_138 = arith.cmpi ne, %convert_element_type3A_136, %cond3A_137 : i32
      scf.if %cond3A_138 {
        %add3A_316 = arith.constant 4 : i32
        %add3A_317 = arith.addi %add3A_107, %add3A_316 : i32
        %rem3A_318 = arith.constant 8 : i32
        %rem3A_319 = arith.remsi %add3A_317, %rem3A_318 : i32
        %dma_start3A_320 = arith.constant 0 : i32
        %dma_start3A_321 = arith.constant 0 : i32
        %dma_start3A_322 = tpu.memref_slice %arg7[%rem3A_319, %dma_start3A_320, %dma_start3A_321] : memref<8x2x36xi32, #tpu.memory_space<vmem>> -> memref<1x2x36xi32, #tpu.memory_space<vmem>>
        %dma_start3A_323 = tpu.memref_squeeze %dma_start3A_322 : memref<1x2x36xi32, #tpu.memory_space<vmem>> -> memref<2x36xi32, #tpu.memory_space<vmem>>
        %dma_start3A_324 = arith.constant 0 : i32
        %dma_start3A_325 = arith.constant 0 : i32
        %dma_start3A_326 = tpu.memref_slice %arg4[%add3A, %add3A_317, %dma_start3A_324, %dma_start3A_325] : memref<32x288x2x36xi32, #tpu.memory_space<hbm>> -> memref<1x1x2x36xi32, #tpu.memory_space<hbm>>
        %dma_start3A_327 = tpu.memref_squeeze %dma_start3A_326 : memref<1x1x2x36xi32, #tpu.memory_space<hbm>> -> memref<2x36xi32, #tpu.memory_space<hbm>>
        %dma_start3A_328 = arith.constant 0 : i32
        %dma_start3A_329 = arith.constant 0 : i32
        %dma_start3A_330 = tpu.memref_slice %arg7[%rem3A_319, %dma_start3A_328, %dma_start3A_329] : memref<8x2x36xi32, #tpu.memory_space<vmem>> -> memref<1x2x36xi32, #tpu.memory_space<vmem>>
        %dma_start3A_331 = tpu.memref_squeeze %dma_start3A_330 : memref<1x2x36xi32, #tpu.memory_space<vmem>> -> memref<2x36xi32, #tpu.memory_space<vmem>>
        %dma_start3A_332 = arith.constant 0 : i32
        %dma_start3A_333 = arith.constant 0 : i32
        %dma_start3A_334 = tpu.memref_slice %arg4[%add3A, %add3A_317, %dma_start3A_332, %dma_start3A_333] : memref<32x288x2x36xi32, #tpu.memory_space<hbm>> -> memref<1x1x2x36xi32, #tpu.memory_space<hbm>>
        %dma_start3A_335 = tpu.memref_squeeze %dma_start3A_334 : memref<1x1x2x36xi32, #tpu.memory_space<hbm>> -> memref<2x36xi32, #tpu.memory_space<hbm>>
        tpu.enqueue_dma source(%dma_start3A_335 : memref<2x36xi32, #tpu.memory_space<hbm>>) target(%dma_start3A_331 : memref<2x36xi32, #tpu.memory_space<vmem>>) target_semaphore(%arg25 : memref<!tpu.dma_semaphore, #tpu.memory_space<semaphore_mem>>)
      } else {
      }
      %scan3A_139 = arith.constant 0 : i32
      %scan3A_140 = arith.constant 0 : i32
      %scan3A_141 = arith.constant 36 : i32
      %scan3A_142 = arith.addi %scan3A_140, %scan3A_141 : i32
      %scan3A_143 = arith.constant 2 : i32
      scf.for %scan3A_316 = %scan3A_140 to %scan3A_142 step %scan3A_143  : i32 {
        %get3A = arith.index_cast %scan3A_316 : i32 to index
        %get3A_317 = arith.constant 0 : index
        %get3A_318 = tpu.vector_load %arg8[%get3A, %get3A_317] {strides = array<i32>} : memref<36x144xf32, #tpu.memory_space<vmem>>, vector<16xf32>,
        %get3A_319 = arith.index_cast %scan3A_316 : i32 to index
        %get3A_320 = arith.constant 16 : index
        %get3A_321 = tpu.vector_load %arg8[%get3A_319, %get3A_320] {strides = array<i32>} : memref<36x144xf32, #tpu.memory_space<vmem>>, vector<16xf32>,
        %get3A_322 = arith.index_cast %scan3A_316 : i32 to index
        %get3A_323 = arith.constant 32 : index
        %get3A_324 = tpu.vector_load %arg8[%get3A_322, %get3A_323] {strides = array<i32>} : memref<36x144xf32, #tpu.memory_space<vmem>>, vector<16xf32>,
        %get3A_325 = arith.index_cast %scan3A_316 : i32 to index
        %get3A_326 = arith.constant 48 : index
        %get3A_327 = tpu.vector_load %arg8[%get3A_325, %get3A_326] {strides = array<i32>} : memref<36x144xf32, #tpu.memory_space<vmem>>, vector<16xf32>,
        %get3A_328 = arith.index_cast %scan3A_316 : i32 to index
        %get3A_329 = arith.constant 64 : index
        %get3A_330 = tpu.vector_load %arg8[%get3A_328, %get3A_329] {strides = array<i32>} : memref<36x144xf32, #tpu.memory_space<vmem>>, vector<16xf32>,
        %get3A_331 = arith.index_cast %scan3A_316 : i32 to index
        %get3A_332 = arith.constant 80 : index
        %get3A_333 = tpu.vector_load %arg8[%get3A_331, %get3A_332] {strides = array<i32>} : memref<36x144xf32, #tpu.memory_space<vmem>>, vector<16xf32>,
        %get3A_334 = arith.index_cast %scan3A_316 : i32 to index
        %get3A_335 = arith.constant 96 : index
        %get3A_336 = tpu.vector_load %arg8[%get3A_334, %get3A_335] {strides = array<i32>} : memref<36x144xf32, #tpu.memory_space<vmem>>, vector<16xf32>,
        %get3A_337 = arith.index_cast %scan3A_316 : i32 to index
        %get3A_338 = arith.constant 112 : index
        %get3A_339 = tpu.vector_load %arg8[%get3A_337, %get3A_338] {strides = array<i32>} : memref<36x144xf32, #tpu.memory_space<vmem>>, vector<16xf32>,
        %get3A_340 = arith.index_cast %scan3A_316 : i32 to index
        %get3A_341 = arith.constant 128 : index
        %get3A_342 = tpu.vector_load %arg8[%get3A_340, %get3A_341] {strides = array<i32>} : memref<36x144xf32, #tpu.memory_space<vmem>>, vector<16xf32>,
        %get3A_343 = arith.index_cast %scan3A_316 : i32 to index
        %get3A_344 = arith.constant 0 : index
        %get3A_345 = tpu.vector_load %arg12[%get3A_343, %get3A_344] {strides = array<i32>} : memref<36x128xf32, #tpu.memory_space<vmem>>, vector<16xf32>,
        %mul3A_346 = arith.mulf %get3A_318, %get3A_345 : vector<16xf32>
        %get3A_347 = arith.index_cast %scan3A_316 : i32 to index
        %get3A_348 = arith.constant 16 : index
        %get3A_349 = tpu.vector_load %arg12[%get3A_347, %get3A_348] {strides = array<i32>} : memref<36x128xf32, #tpu.memory_space<vmem>>, vector<16xf32>,
        %mul3A_350 = arith.mulf %get3A_321, %get3A_349 : vector<16xf32>
        %add3A_351 = arith.addf %mul3A_346, %mul3A_350 : vector<16xf32>
        %get3A_352 = arith.index_cast %scan3A_316 : i32 to index
        %get3A_353 = arith.constant 32 : index
        %get3A_354 = tpu.vector_load %arg12[%get3A_352, %get3A_353] {strides = array<i32>} : memref<36x128xf32, #tpu.memory_space<vmem>>, vector<16xf32>,
        %mul3A_355 = arith.mulf %get3A_324, %get3A_354 : vector<16xf32>
        %add3A_356 = arith.addf %add3A_351, %mul3A_355 : vector<16xf32>
        %get3A_357 = arith.index_cast %scan3A_316 : i32 to index
        %get3A_358 = arith.constant 48 : index
        %get3A_359 = tpu.vector_load %arg12[%get3A_357, %get3A_358] {strides = array<i32>} : memref<36x128xf32, #tpu.memory_space<vmem>>, vector<16xf32>,
        %mul3A_360 = arith.mulf %get3A_327, %get3A_359 : vector<16xf32>
        %add3A_361 = arith.addf %add3A_356, %mul3A_360 : vector<16xf32>
        %get3A_362 = arith.index_cast %scan3A_316 : i32 to index
        %get3A_363 = arith.constant 64 : index
        %get3A_364 = tpu.vector_load %arg12[%get3A_362, %get3A_363] {strides = array<i32>} : memref<36x128xf32, #tpu.memory_space<vmem>>, vector<16xf32>,
        %mul3A_365 = arith.mulf %get3A_330, %get3A_364 : vector<16xf32>
        %add3A_366 = arith.addf %add3A_361, %mul3A_365 : vector<16xf32>
        %get3A_367 = arith.index_cast %scan3A_316 : i32 to index
        %get3A_368 = arith.constant 80 : index
        %get3A_369 = tpu.vector_load %arg12[%get3A_367, %get3A_368] {strides = array<i32>} : memref<36x128xf32, #tpu.memory_space<vmem>>, vector<16xf32>,
        %mul3A_370 = arith.mulf %get3A_333, %get3A_369 : vector<16xf32>
        %add3A_371 = arith.addf %add3A_366, %mul3A_370 : vector<16xf32>
        %get3A_372 = arith.index_cast %scan3A_316 : i32 to index
        %get3A_373 = arith.constant 96 : index
        %get3A_374 = tpu.vector_load %arg12[%get3A_372, %get3A_373] {strides = array<i32>} : memref<36x128xf32, #tpu.memory_space<vmem>>, vector<16xf32>,
        %mul3A_375 = arith.mulf %get3A_336, %get3A_374 : vector<16xf32>
        %add3A_376 = arith.addf %add3A_371, %mul3A_375 : vector<16xf32>
        %get3A_377 = arith.index_cast %scan3A_316 : i32 to index
        %get3A_378 = arith.constant 112 : index
        %get3A_379 = tpu.vector_load %arg12[%get3A_377, %get3A_378] {strides = array<i32>} : memref<36x128xf32, #tpu.memory_space<vmem>>, vector<16xf32>,
        %mul3A_380 = arith.mulf %get3A_339, %get3A_379 : vector<16xf32>
        %add3A_381 = arith.addf %add3A_376, %mul3A_380 : vector<16xf32>
        %reduce_sum3A = arith.constant true
        %reduce_sum3A_382 = vector.broadcast %reduce_sum3A : i1 to vector<16xi1>
        %reduce_sum3A_383 = tpu.scan <sum>, %add3A_381 masked %reduce_sum3A_382 : vector<16xf32>, vector<16xi1> -> vector<16xf32>
        %reduce_sum3A_384 = vector.extract %reduce_sum3A_383[15] : f32 from vector<16xf32>
        %slice3A = vector.extract_strided_slice %get3A_342 {offsets = [0], sizes = [1], strides = [1]} : vector<16xf32> to vector<1xf32>
        %squeeze3A = vector.extract %slice3A[0] : f32 from vector<1xf32>
        %mul3A_385 = arith.mulf %reduce_sum3A_384, %squeeze3A : f32
        %lt3A_386 = arith.constant 1.000000e-01 : f32
        %lt3A_387 = arith.cmpf olt, %mul3A_385, %lt3A_386 : f32
        %jit3A = arith.constant 9.99999997E-7 : f32
        %select_n3A = arith.select %lt3A_387, %jit3A, %mul3A_385 : f32
        %mul3A_388 = vector.broadcast %select_n3A : f32 to vector<16xf32>
        %mul3A_389 = arith.mulf %get3A_318, %mul3A_388 : vector<16xf32>
        %swap3A = arith.index_cast %scan3A_316 : i32 to index
        %swap3A_390 = arith.constant 0 : index
        %swap3A_391 = tpu.vector_load %arg8[%swap3A, %swap3A_390] {strides = array<i32>} : memref<36x144xf32, #tpu.memory_space<vmem>>, vector<16xf32>,
        tpu.vector_store %arg8[%swap3A, %swap3A_390], %mul3A_389 {strides = array<i32>} : memref<36x144xf32, #tpu.memory_space<vmem>>, vector<16xf32>,
        %mul3A_392 = vector.broadcast %select_n3A : f32 to vector<16xf32>
        %mul3A_393 = arith.mulf %get3A_321, %mul3A_392 : vector<16xf32>
        %swap3A_394 = arith.index_cast %scan3A_316 : i32 to index
        %swap3A_395 = arith.constant 16 : index
        %swap3A_396 = tpu.vector_load %arg8[%swap3A_394, %swap3A_395] {strides = array<i32>} : memref<36x144xf32, #tpu.memory_space<vmem>>, vector<16xf32>,
        tpu.vector_store %arg8[%swap3A_394, %swap3A_395], %mul3A_393 {strides = array<i32>} : memref<36x144xf32, #tpu.memory_space<vmem>>, vector<16xf32>,
        %mul3A_397 = vector.broadcast %select_n3A : f32 to vector<16xf32>
        %mul3A_398 = arith.mulf %get3A_324, %mul3A_397 : vector<16xf32>
        %swap3A_399 = arith.index_cast %scan3A_316 : i32 to index
        %swap3A_400 = arith.constant 32 : index
        %swap3A_401 = tpu.vector_load %arg8[%swap3A_399, %swap3A_400] {strides = array<i32>} : memref<36x144xf32, #tpu.memory_space<vmem>>, vector<16xf32>,
        tpu.vector_store %arg8[%swap3A_399, %swap3A_400], %mul3A_398 {strides = array<i32>} : memref<36x144xf32, #tpu.memory_space<vmem>>, vector<16xf32>,
        %mul3A_402 = vector.broadcast %select_n3A : f32 to vector<16xf32>
        %mul3A_403 = arith.mulf %get3A_327, %mul3A_402 : vector<16xf32>
        %swap3A_404 = arith.index_cast %scan3A_316 : i32 to index
        %swap3A_405 = arith.constant 48 : index
        %swap3A_406 = tpu.vector_load %arg8[%swap3A_404, %swap3A_405] {strides = array<i32>} : memref<36x144xf32, #tpu.memory_space<vmem>>, vector<16xf32>,
        tpu.vector_store %arg8[%swap3A_404, %swap3A_405], %mul3A_403 {strides = array<i32>} : memref<36x144xf32, #tpu.memory_space<vmem>>, vector<16xf32>,
        %mul3A_407 = vector.broadcast %select_n3A : f32 to vector<16xf32>
        %mul3A_408 = arith.mulf %get3A_330, %mul3A_407 : vector<16xf32>
        %swap3A_409 = arith.index_cast %scan3A_316 : i32 to index
        %swap3A_410 = arith.constant 64 : index
        %swap3A_411 = tpu.vector_load %arg8[%swap3A_409, %swap3A_410] {strides = array<i32>} : memref<36x144xf32, #tpu.memory_space<vmem>>, vector<16xf32>,
        tpu.vector_store %arg8[%swap3A_409, %swap3A_410], %mul3A_408 {strides = array<i32>} : memref<36x144xf32, #tpu.memory_space<vmem>>, vector<16xf32>,
        %mul3A_412 = vector.broadcast %select_n3A : f32 to vector<16xf32>
        %mul3A_413 = arith.mulf %get3A_333, %mul3A_412 : vector<16xf32>
        %swap3A_414 = arith.index_cast %scan3A_316 : i32 to index
        %swap3A_415 = arith.constant 80 : index
        %swap3A_416 = tpu.vector_load %arg8[%swap3A_414, %swap3A_415] {strides = array<i32>} : memref<36x144xf32, #tpu.memory_space<vmem>>, vector<16xf32>,
        tpu.vector_store %arg8[%swap3A_414, %swap3A_415], %mul3A_413 {strides = array<i32>} : memref<36x144xf32, #tpu.memory_space<vmem>>, vector<16xf32>,
        %mul3A_417 = vector.broadcast %select_n3A : f32 to vector<16xf32>
        %mul3A_418 = arith.mulf %get3A_336, %mul3A_417 : vector<16xf32>
        %swap3A_419 = arith.index_cast %scan3A_316 : i32 to index
        %swap3A_420 = arith.constant 96 : index
        %swap3A_421 = tpu.vector_load %arg8[%swap3A_419, %swap3A_420] {strides = array<i32>} : memref<36x144xf32, #tpu.memory_space<vmem>>, vector<16xf32>,
        tpu.vector_store %arg8[%swap3A_419, %swap3A_420], %mul3A_418 {strides = array<i32>} : memref<36x144xf32, #tpu.memory_space<vmem>>, vector<16xf32>,
        %mul3A_422 = vector.broadcast %select_n3A : f32 to vector<16xf32>
        %mul3A_423 = arith.mulf %get3A_339, %mul3A_422 : vector<16xf32>
        %swap3A_424 = arith.index_cast %scan3A_316 : i32 to index
        %swap3A_425 = arith.constant 112 : index
        %swap3A_426 = tpu.vector_load %arg8[%swap3A_424, %swap3A_425] {strides = array<i32>} : memref<36x144xf32, #tpu.memory_space<vmem>>, vector<16xf32>,
        tpu.vector_store %arg8[%swap3A_424, %swap3A_425], %mul3A_423 {strides = array<i32>} : memref<36x144xf32, #tpu.memory_space<vmem>>, vector<16xf32>,
        %mul3A_427 = vector.broadcast %select_n3A : f32 to vector<16xf32>
        %mul3A_428 = arith.mulf %get3A_342, %mul3A_427 : vector<16xf32>
        %swap3A_429 = arith.index_cast %scan3A_316 : i32 to index
        %swap3A_430 = arith.constant 128 : index
        %swap3A_431 = tpu.vector_load %arg8[%swap3A_429, %swap3A_430] {strides = array<i32>} : memref<36x144xf32, #tpu.memory_space<vmem>>, vector<16xf32>,
        tpu.vector_store %arg8[%swap3A_429, %swap3A_430], %mul3A_428 {strides = array<i32>} : memref<36x144xf32, #tpu.memory_space<vmem>>, vector<16xf32>,
        %scan3A_432 = arith.constant 1 : i32
        %scan3A_433 = arith.addi %scan3A_316, %scan3A_432 : i32
        %get3A_434 = arith.index_cast %scan3A_433 : i32 to index
        %get3A_435 = arith.constant 0 : index
        %get3A_436 = tpu.vector_load %arg8[%get3A_434, %get3A_435] {strides = array<i32>} : memref<36x144xf32, #tpu.memory_space<vmem>>, vector<16xf32>,
        %get3A_437 = arith.index_cast %scan3A_433 : i32 to index
        %get3A_438 = arith.constant 16 : index
        %get3A_439 = tpu.vector_load %arg8[%get3A_437, %get3A_438] {strides = array<i32>} : memref<36x144xf32, #tpu.memory_space<vmem>>, vector<16xf32>,
        %get3A_440 = arith.index_cast %scan3A_433 : i32 to index
        %get3A_441 = arith.constant 32 : index
        %get3A_442 = tpu.vector_load %arg8[%get3A_440, %get3A_441] {strides = array<i32>} : memref<36x144xf32, #tpu.memory_space<vmem>>, vector<16xf32>,
        %get3A_443 = arith.index_cast %scan3A_433 : i32 to index
        %get3A_444 = arith.constant 48 : index
        %get3A_445 = tpu.vector_load %arg8[%get3A_443, %get3A_444] {strides = array<i32>} : memref<36x144xf32, #tpu.memory_space<vmem>>, vector<16xf32>,
        %get3A_446 = arith.index_cast %scan3A_433 : i32 to index
        %get3A_447 = arith.constant 64 : index
        %get3A_448 = tpu.vector_load %arg8[%get3A_446, %get3A_447] {strides = array<i32>} : memref<36x144xf32, #tpu.memory_space<vmem>>, vector<16xf32>,
        %get3A_449 = arith.index_cast %scan3A_433 : i32 to index
        %get3A_450 = arith.constant 80 : index
        %get3A_451 = tpu.vector_load %arg8[%get3A_449, %get3A_450] {strides = array<i32>} : memref<36x144xf32, #tpu.memory_space<vmem>>, vector<16xf32>,
        %get3A_452 = arith.index_cast %scan3A_433 : i32 to index
        %get3A_453 = arith.constant 96 : index
        %get3A_454 = tpu.vector_load %arg8[%get3A_452, %get3A_453] {strides = array<i32>} : memref<36x144xf32, #tpu.memory_space<vmem>>, vector<16xf32>,
        %get3A_455 = arith.index_cast %scan3A_433 : i32 to index
        %get3A_456 = arith.constant 112 : index
        %get3A_457 = tpu.vector_load %arg8[%get3A_455, %get3A_456] {strides = array<i32>} : memref<36x144xf32, #tpu.memory_space<vmem>>, vector<16xf32>,
        %get3A_458 = arith.index_cast %scan3A_433 : i32 to index
        %get3A_459 = arith.constant 128 : index
        %get3A_460 = tpu.vector_load %arg8[%get3A_458, %get3A_459] {strides = array<i32>} : memref<36x144xf32, #tpu.memory_space<vmem>>, vector<16xf32>,
        %get3A_461 = arith.index_cast %scan3A_433 : i32 to index
        %get3A_462 = arith.constant 0 : index
        %get3A_463 = tpu.vector_load %arg12[%get3A_461, %get3A_462] {strides = array<i32>} : memref<36x128xf32, #tpu.memory_space<vmem>>, vector<16xf32>,
        %mul3A_464 = arith.mulf %get3A_436, %get3A_463 : vector<16xf32>
        %get3A_465 = arith.index_cast %scan3A_433 : i32 to index
        %get3A_466 = arith.constant 16 : index
        %get3A_467 = tpu.vector_load %arg12[%get3A_465, %get3A_466] {strides = array<i32>} : memref<36x128xf32, #tpu.memory_space<vmem>>, vector<16xf32>,
        %mul3A_468 = arith.mulf %get3A_439, %get3A_467 : vector<16xf32>
        %add3A_469 = arith.addf %mul3A_464, %mul3A_468 : vector<16xf32>
        %get3A_470 = arith.index_cast %scan3A_433 : i32 to index
        %get3A_471 = arith.constant 32 : index
        %get3A_472 = tpu.vector_load %arg12[%get3A_470, %get3A_471] {strides = array<i32>} : memref<36x128xf32, #tpu.memory_space<vmem>>, vector<16xf32>,
        %mul3A_473 = arith.mulf %get3A_442, %get3A_472 : vector<16xf32>
        %add3A_474 = arith.addf %add3A_469, %mul3A_473 : vector<16xf32>
        %get3A_475 = arith.index_cast %scan3A_433 : i32 to index
        %get3A_476 = arith.constant 48 : index
        %get3A_477 = tpu.vector_load %arg12[%get3A_475, %get3A_476] {strides = array<i32>} : memref<36x128xf32, #tpu.memory_space<vmem>>, vector<16xf32>,
        %mul3A_478 = arith.mulf %get3A_445, %get3A_477 : vector<16xf32>
        %add3A_479 = arith.addf %add3A_474, %mul3A_478 : vector<16xf32>
        %get3A_480 = arith.index_cast %scan3A_433 : i32 to index
        %get3A_481 = arith.constant 64 : index
        %get3A_482 = tpu.vector_load %arg12[%get3A_480, %get3A_481] {strides = array<i32>} : memref<36x128xf32, #tpu.memory_space<vmem>>, vector<16xf32>,
        %mul3A_483 = arith.mulf %get3A_448, %get3A_482 : vector<16xf32>
        %add3A_484 = arith.addf %add3A_479, %mul3A_483 : vector<16xf32>
        %get3A_485 = arith.index_cast %scan3A_433 : i32 to index
        %get3A_486 = arith.constant 80 : index
        %get3A_487 = tpu.vector_load %arg12[%get3A_485, %get3A_486] {strides = array<i32>} : memref<36x128xf32, #tpu.memory_space<vmem>>, vector<16xf32>,
        %mul3A_488 = arith.mulf %get3A_451, %get3A_487 : vector<16xf32>
        %add3A_489 = arith.addf %add3A_484, %mul3A_488 : vector<16xf32>
        %get3A_490 = arith.index_cast %scan3A_433 : i32 to index
        %get3A_491 = arith.constant 96 : index
        %get3A_492 = tpu.vector_load %arg12[%get3A_490, %get3A_491] {strides = array<i32>} : memref<36x128xf32, #tpu.memory_space<vmem>>, vector<16xf32>,
        %mul3A_493 = arith.mulf %get3A_454, %get3A_492 : vector<16xf32>
        %add3A_494 = arith.addf %add3A_489, %mul3A_493 : vector<16xf32>
        %get3A_495 = arith.index_cast %scan3A_433 : i32 to index
        %get3A_496 = arith.constant 112 : index
        %get3A_497 = tpu.vector_load %arg12[%get3A_495, %get3A_496] {strides = array<i32>} : memref<36x128xf32, #tpu.memory_space<vmem>>, vector<16xf32>,
        %mul3A_498 = arith.mulf %get3A_457, %get3A_497 : vector<16xf32>
        %add3A_499 = arith.addf %add3A_494, %mul3A_498 : vector<16xf32>
        %reduce_sum3A_500 = arith.constant true
        %reduce_sum3A_501 = vector.broadcast %reduce_sum3A_500 : i1 to vector<16xi1>
        %reduce_sum3A_502 = tpu.scan <sum>, %add3A_499 masked %reduce_sum3A_501 : vector<16xf32>, vector<16xi1> -> vector<16xf32>
        %reduce_sum3A_503 = vector.extract %reduce_sum3A_502[15] : f32 from vector<16xf32>
        %slice3A_504 = vector.extract_strided_slice %get3A_460 {offsets = [0], sizes = [1], strides = [1]} : vector<16xf32> to vector<1xf32>
        %squeeze3A_505 = vector.extract %slice3A_504[0] : f32 from vector<1xf32>
        %mul3A_506 = arith.mulf %reduce_sum3A_503, %squeeze3A_505 : f32
        %lt3A_507 = arith.constant 1.000000e-01 : f32
        %lt3A_508 = arith.cmpf olt, %mul3A_506, %lt3A_507 : f32
        %jit3A_509 = arith.constant 9.99999997E-7 : f32
        %select_n3A_510 = arith.select %lt3A_508, %jit3A_509, %mul3A_506 : f32
        %mul3A_511 = vector.broadcast %select_n3A_510 : f32 to vector<16xf32>
        %mul3A_512 = arith.mulf %get3A_436, %mul3A_511 : vector<16xf32>
        %swap3A_513 = arith.index_cast %scan3A_433 : i32 to index
        %swap3A_514 = arith.constant 0 : index
        %swap3A_515 = tpu.vector_load %arg8[%swap3A_513, %swap3A_514] {strides = array<i32>} : memref<36x144xf32, #tpu.memory_space<vmem>>, vector<16xf32>,
        tpu.vector_store %arg8[%swap3A_513, %swap3A_514], %mul3A_512 {strides = array<i32>} : memref<36x144xf32, #tpu.memory_space<vmem>>, vector<16xf32>,
        %mul3A_516 = vector.broadcast %select_n3A_510 : f32 to vector<16xf32>
        %mul3A_517 = arith.mulf %get3A_439, %mul3A_516 : vector<16xf32>
        %swap3A_518 = arith.index_cast %scan3A_433 : i32 to index
        %swap3A_519 = arith.constant 16 : index
        %swap3A_520 = tpu.vector_load %arg8[%swap3A_518, %swap3A_519] {strides = array<i32>} : memref<36x144xf32, #tpu.memory_space<vmem>>, vector<16xf32>,
        tpu.vector_store %arg8[%swap3A_518, %swap3A_519], %mul3A_517 {strides = array<i32>} : memref<36x144xf32, #tpu.memory_space<vmem>>, vector<16xf32>,
        %mul3A_521 = vector.broadcast %select_n3A_510 : f32 to vector<16xf32>
        %mul3A_522 = arith.mulf %get3A_442, %mul3A_521 : vector<16xf32>
        %swap3A_523 = arith.index_cast %scan3A_433 : i32 to index
        %swap3A_524 = arith.constant 32 : index
        %swap3A_525 = tpu.vector_load %arg8[%swap3A_523, %swap3A_524] {strides = array<i32>} : memref<36x144xf32, #tpu.memory_space<vmem>>, vector<16xf32>,
        tpu.vector_store %arg8[%swap3A_523, %swap3A_524], %mul3A_522 {strides = array<i32>} : memref<36x144xf32, #tpu.memory_space<vmem>>, vector<16xf32>,
        %mul3A_526 = vector.broadcast %select_n3A_510 : f32 to vector<16xf32>
        %mul3A_527 = arith.mulf %get3A_445, %mul3A_526 : vector<16xf32>
        %swap3A_528 = arith.index_cast %scan3A_433 : i32 to index
        %swap3A_529 = arith.constant 48 : index
        %swap3A_530 = tpu.vector_load %arg8[%swap3A_528, %swap3A_529] {strides = array<i32>} : memref<36x144xf32, #tpu.memory_space<vmem>>, vector<16xf32>,
        tpu.vector_store %arg8[%swap3A_528, %swap3A_529], %mul3A_527 {strides = array<i32>} : memref<36x144xf32, #tpu.memory_space<vmem>>, vector<16xf32>,
        %mul3A_531 = vector.broadcast %select_n3A_510 : f32 to vector<16xf32>
        %mul3A_532 = arith.mulf %get3A_448, %mul3A_531 : vector<16xf32>
        %swap3A_533 = arith.index_cast %scan3A_433 : i32 to index
        %swap3A_534 = arith.constant 64 : index
        %swap3A_535 = tpu.vector_load %arg8[%swap3A_533, %swap3A_534] {strides = array<i32>} : memref<36x144xf32, #tpu.memory_space<vmem>>, vector<16xf32>,
        tpu.vector_store %arg8[%swap3A_533, %swap3A_534], %mul3A_532 {strides = array<i32>} : memref<36x144xf32, #tpu.memory_space<vmem>>, vector<16xf32>,
        %mul3A_536 = vector.broadcast %select_n3A_510 : f32 to vector<16xf32>
        %mul3A_537 = arith.mulf %get3A_451, %mul3A_536 : vector<16xf32>
        %swap3A_538 = arith.index_cast %scan3A_433 : i32 to index
        %swap3A_539 = arith.constant 80 : index
        %swap3A_540 = tpu.vector_load %arg8[%swap3A_538, %swap3A_539] {strides = array<i32>} : memref<36x144xf32, #tpu.memory_space<vmem>>, vector<16xf32>,
        tpu.vector_store %arg8[%swap3A_538, %swap3A_539], %mul3A_537 {strides = array<i32>} : memref<36x144xf32, #tpu.memory_space<vmem>>, vector<16xf32>,
        %mul3A_541 = vector.broadcast %select_n3A_510 : f32 to vector<16xf32>
        %mul3A_542 = arith.mulf %get3A_454, %mul3A_541 : vector<16xf32>
        %swap3A_543 = arith.index_cast %scan3A_433 : i32 to index
        %swap3A_544 = arith.constant 96 : index
        %swap3A_545 = tpu.vector_load %arg8[%swap3A_543, %swap3A_544] {strides = array<i32>} : memref<36x144xf32, #tpu.memory_space<vmem>>, vector<16xf32>,
        tpu.vector_store %arg8[%swap3A_543, %swap3A_544], %mul3A_542 {strides = array<i32>} : memref<36x144xf32, #tpu.memory_space<vmem>>, vector<16xf32>,
        %mul3A_546 = vector.broadcast %select_n3A_510 : f32 to vector<16xf32>
        %mul3A_547 = arith.mulf %get3A_457, %mul3A_546 : vector<16xf32>
        %swap3A_548 = arith.index_cast %scan3A_433 : i32 to index
        %swap3A_549 = arith.constant 112 : index
        %swap3A_550 = tpu.vector_load %arg8[%swap3A_548, %swap3A_549] {strides = array<i32>} : memref<36x144xf32, #tpu.memory_space<vmem>>, vector<16xf32>,
        tpu.vector_store %arg8[%swap3A_548, %swap3A_549], %mul3A_547 {strides = array<i32>} : memref<36x144xf32, #tpu.memory_space<vmem>>, vector<16xf32>,
        %mul3A_551 = vector.broadcast %select_n3A_510 : f32 to vector<16xf32>
        %mul3A_552 = arith.mulf %get3A_460, %mul3A_551 : vector<16xf32>
        %swap3A_553 = arith.index_cast %scan3A_433 : i32 to index
        %swap3A_554 = arith.constant 128 : index
        %swap3A_555 = tpu.vector_load %arg8[%swap3A_553, %swap3A_554] {strides = array<i32>} : memref<36x144xf32, #tpu.memory_space<vmem>>, vector<16xf32>,
        tpu.vector_store %arg8[%swap3A_553, %swap3A_554], %mul3A_552 {strides = array<i32>} : memref<36x144xf32, #tpu.memory_space<vmem>>, vector<16xf32>,
      }
      %scan3A_144 = arith.constant 36 : i32
      %rem3A_145 = arith.constant 8 : i32
      %rem3A_146 = arith.remsi %add3A_107, %rem3A_145 : i32
      %dma_start3A_147 = arith.constant 1 : i32
      %dma_start3A_148 = arith.constant 0 : i32
      %dma_start3A_149 = tpu.memref_slice %arg7[%rem3A_146, %dma_start3A_147, %dma_start3A_148] : memref<8x2x36xi32, #tpu.memory_space<vmem>> -> memref<1x1x36xi32, #tpu.memory_space<vmem>>
      %dma_start3A_150 = tpu.memref_squeeze %dma_start3A_149 : memref<1x1x36xi32, #tpu.memory_space<vmem>> -> memref<36xi32, #tpu.memory_space<vmem>>
      %dma_start3A_151 = arith.constant 0 : i32
      %dma_start3A_152 = arith.constant 0 : i32
      %dma_start3A_153 = tpu.memref_slice %arg16[%dma_start3A_151, %dma_start3A_152] : memref<10112x144xf32, #tpu.memory_space<vmem_shared>> -> memref<10112x144xf32, #tpu.memory_space<vmem_shared>>
      tpu.enqueue_indirect_dma source(%arg8 : memref<36x144xf32, #tpu.memory_space<vmem>>) target(%dma_start3A_153 : memref<10112x144xf32, #tpu.memory_space<vmem_shared>>) offsets(%dma_start3A_150 : memref<36xi32, #tpu.memory_space<vmem>>) semaphore(%arg21 : memref<!tpu.dma_semaphore, #tpu.memory_space<semaphore_mem>>) {add = true}
      %mul3A_154 = arith.constant 4 : i32
      %mul3A_155 = arith.muli %mul3A_154, %scan3A_103 : i32
      %add3A_156 = arith.constant 1 : i32
      %add3A_157 = arith.addi %mul3A_155, %add3A_156 : i32
      %rem3A_158 = arith.constant 8 : i32
      %rem3A_159 = arith.remsi %add3A_157, %rem3A_158 : i32
      %dma_wait3A_160 = arith.constant 0 : i32
      %dma_wait3A_161 = arith.constant 0 : i32
      %dma_wait3A_162 = tpu.memref_slice %arg7[%rem3A_159, %dma_wait3A_160, %dma_wait3A_161] : memref<8x2x36xi32, #tpu.memory_space<vmem>> -> memref<1x1x36xi32, #tpu.memory_space<vmem>>
      %dma_wait3A_163 = tpu.memref_squeeze %dma_wait3A_162 : memref<1x1x36xi32, #tpu.memory_space<vmem>> -> memref<36xi32, #tpu.memory_space<vmem>>
      %dma_wait3A_164 = arith.constant 0 : i32
      %dma_wait3A_165 = arith.constant 0 : i32
      %dma_wait3A_166 = tpu.memref_slice %arg3[%dma_wait3A_164, %dma_wait3A_165] : memref<10112x144xf32, #tpu.memory_space<hbm>> -> memref<10112x144xf32, #tpu.memory_space<hbm>>
      tpu.wait_indirect_dma semaphore(%arg18 : memref<!tpu.dma_semaphore, #tpu.memory_space<semaphore_mem>>) src(%dma_wait3A_166 : memref<10112x144xf32, #tpu.memory_space<hbm>>) dst(%arg9 : memref<36x144xf32, #tpu.memory_space<vmem>>)
      %dma_wait3A_167 = arith.constant 1 : i32
      %dma_wait3A_168 = arith.constant 0 : i32
      %dma_wait3A_169 = tpu.memref_slice %arg7[%rem3A_159, %dma_wait3A_167, %dma_wait3A_168] : memref<8x2x36xi32, #tpu.memory_space<vmem>> -> memref<1x1x36xi32, #tpu.memory_space<vmem>>
      %dma_wait3A_170 = tpu.memref_squeeze %dma_wait3A_169 : memref<1x1x36xi32, #tpu.memory_space<vmem>> -> memref<36xi32, #tpu.memory_space<vmem>>
      %dma_wait3A_171 = arith.constant 0 : i32
      %dma_wait3A_172 = arith.constant 0 : i32
      %dma_wait3A_173 = tpu.memref_slice %arg2[%dma_wait3A_171, %dma_wait3A_172] : memref<10112x128xf32, #tpu.memory_space<hbm>> -> memref<10112x128xf32, #tpu.memory_space<hbm>>
      tpu.wait_indirect_dma semaphore(%arg18 : memref<!tpu.dma_semaphore, #tpu.memory_space<semaphore_mem>>) src(%dma_wait3A_173 : memref<10112x128xf32, #tpu.memory_space<hbm>>) dst(%arg13 : memref<36x128xf32, #tpu.memory_space<vmem>>)
      %ge3A_174 = arith.constant 2 : i32
      %ge3A_175 = arith.cmpi sge, %add3A_157, %ge3A_174 : i32
      %convert_element_type3A_176 = arith.extui %ge3A_175 : i1 to i32
      %cond3A_177 = arith.constant 0 : i32
      %cond3A_178 = arith.cmpi ne, %convert_element_type3A_176, %cond3A_177 : i32
      scf.if %cond3A_178 {
        %sub3A = arith.constant 2 : i32
        %sub3A_316 = arith.subi %add3A_157, %sub3A : i32
        %rem3A_317 = arith.constant 8 : i32
        %rem3A_318 = arith.remsi %sub3A_316, %rem3A_317 : i32
        %dma_wait3A_319 = arith.constant 1 : i32
        %dma_wait3A_320 = arith.constant 0 : i32
        %dma_wait3A_321 = tpu.memref_slice %arg7[%rem3A_318, %dma_wait3A_319, %dma_wait3A_320] : memref<8x2x36xi32, #tpu.memory_space<vmem>> -> memref<1x1x36xi32, #tpu.memory_space<vmem>>
        %dma_wait3A_322 = tpu.memref_squeeze %dma_wait3A_321 : memref<1x1x36xi32, #tpu.memory_space<vmem>> -> memref<36xi32, #tpu.memory_space<vmem>>
        %dma_wait3A_323 = arith.constant 0 : i32
        %dma_wait3A_324 = arith.constant 0 : i32
        %dma_wait3A_325 = tpu.memref_slice %arg16[%dma_wait3A_323, %dma_wait3A_324] : memref<10112x144xf32, #tpu.memory_space<vmem_shared>> -> memref<10112x144xf32, #tpu.memory_space<vmem_shared>>
        tpu.wait_indirect_dma semaphore(%arg24 : memref<!tpu.dma_semaphore, #tpu.memory_space<semaphore_mem>>) src(%arg11 : memref<36x144xf32, #tpu.memory_space<vmem>>) dst(%dma_wait3A_325 : memref<10112x144xf32, #tpu.memory_space<vmem_shared>>)
      } else {
      }
      %add3A_179 = arith.constant 2 : i32
      %add3A_180 = arith.addi %add3A_157, %add3A_179 : i32
      %lt3A_181 = arith.constant 288 : i32
      %lt3A_182 = arith.cmpi slt, %add3A_180, %lt3A_181 : i32
      %convert_element_type3A_183 = arith.extui %lt3A_182 : i1 to i32
      %cond3A_184 = arith.constant 0 : i32
      %cond3A_185 = arith.cmpi ne, %convert_element_type3A_183, %cond3A_184 : i32
      scf.if %cond3A_185 {
        %add3A_316 = arith.constant 2 : i32
        %add3A_317 = arith.addi %add3A_157, %add3A_316 : i32
        %rem3A_318 = arith.constant 8 : i32
        %rem3A_319 = arith.remsi %add3A_317, %rem3A_318 : i32
        %dma_wait3A_320 = arith.constant 0 : i32
        %dma_wait3A_321 = arith.constant 0 : i32
        %dma_wait3A_322 = tpu.memref_slice %arg7[%rem3A_319, %dma_wait3A_320, %dma_wait3A_321] : memref<8x2x36xi32, #tpu.memory_space<vmem>> -> memref<1x2x36xi32, #tpu.memory_space<vmem>>
        %dma_wait3A_323 = tpu.memref_squeeze %dma_wait3A_322 : memref<1x2x36xi32, #tpu.memory_space<vmem>> -> memref<2x36xi32, #tpu.memory_space<vmem>>
        %dma_wait3A_324 = arith.constant 0 : i32
        %dma_wait3A_325 = arith.constant 0 : i32
        %dma_wait3A_326 = tpu.memref_slice %arg4[%add3A, %add3A_317, %dma_wait3A_324, %dma_wait3A_325] : memref<32x288x2x36xi32, #tpu.memory_space<hbm>> -> memref<1x1x2x36xi32, #tpu.memory_space<hbm>>
        %dma_wait3A_327 = tpu.memref_squeeze %dma_wait3A_326 : memref<1x1x2x36xi32, #tpu.memory_space<hbm>> -> memref<2x36xi32, #tpu.memory_space<hbm>>
        %dma_wait3A_328 = arith.constant 0 : i32
        %dma_wait3A_329 = arith.constant 0 : i32
        %dma_wait3A_330 = tpu.memref_slice %arg7[%rem3A_319, %dma_wait3A_328, %dma_wait3A_329] : memref<8x2x36xi32, #tpu.memory_space<vmem>> -> memref<1x2x36xi32, #tpu.memory_space<vmem>>
        %dma_wait3A_331 = tpu.memref_squeeze %dma_wait3A_330 : memref<1x2x36xi32, #tpu.memory_space<vmem>> -> memref<2x36xi32, #tpu.memory_space<vmem>>
        %dma_wait3A_332 = arith.constant 0 : i32
        %dma_wait3A_333 = arith.constant 0 : i32
        %dma_wait3A_334 = tpu.memref_slice %arg4[%add3A, %add3A_317, %dma_wait3A_332, %dma_wait3A_333] : memref<32x288x2x36xi32, #tpu.memory_space<hbm>> -> memref<1x1x2x36xi32, #tpu.memory_space<hbm>>
        %dma_wait3A_335 = tpu.memref_squeeze %dma_wait3A_334 : memref<1x1x2x36xi32, #tpu.memory_space<hbm>> -> memref<2x36xi32, #tpu.memory_space<hbm>>
        tpu.wait_dma2 semaphore(%arg28 : memref<!tpu.dma_semaphore, #tpu.memory_space<semaphore_mem>>) src(%dma_wait3A_335 : memref<2x36xi32, #tpu.memory_space<hbm>>) dst(%dma_wait3A_331 : memref<2x36xi32, #tpu.memory_space<vmem>>)
        %add3A_336 = arith.constant 2 : i32
        %add3A_337 = arith.addi %add3A_157, %add3A_336 : i32
        %rem3A_338 = arith.constant 8 : i32
        %rem3A_339 = arith.remsi %add3A_337, %rem3A_338 : i32
        %dma_start3A_340 = arith.constant 0 : i32
        %dma_start3A_341 = arith.constant 0 : i32
        %dma_start3A_342 = tpu.memref_slice %arg7[%rem3A_339, %dma_start3A_340, %dma_start3A_341] : memref<8x2x36xi32, #tpu.memory_space<vmem>> -> memref<1x1x36xi32, #tpu.memory_space<vmem>>
        %dma_start3A_343 = tpu.memref_squeeze %dma_start3A_342 : memref<1x1x36xi32, #tpu.memory_space<vmem>> -> memref<36xi32, #tpu.memory_space<vmem>>
        %dma_start3A_344 = arith.constant 0 : i32
        %dma_start3A_345 = arith.constant 0 : i32
        %dma_start3A_346 = tpu.memref_slice %arg3[%dma_start3A_344, %dma_start3A_345] : memref<10112x144xf32, #tpu.memory_space<hbm>> -> memref<10112x144xf32, #tpu.memory_space<hbm>>
        tpu.enqueue_indirect_dma source(%dma_start3A_346 : memref<10112x144xf32, #tpu.memory_space<hbm>>) target(%arg11 : memref<36x144xf32, #tpu.memory_space<vmem>>) offsets(%dma_start3A_343 : memref<36xi32, #tpu.memory_space<vmem>>) semaphore(%arg20 : memref<!tpu.dma_semaphore, #tpu.memory_space<semaphore_mem>>)
        %dma_start3A_347 = arith.constant 1 : i32
        %dma_start3A_348 = arith.constant 0 : i32
        %dma_start3A_349 = tpu.memref_slice %arg7[%rem3A_339, %dma_start3A_347, %dma_start3A_348] : memref<8x2x36xi32, #tpu.memory_space<vmem>> -> memref<1x1x36xi32, #tpu.memory_space<vmem>>
        %dma_start3A_350 = tpu.memref_squeeze %dma_start3A_349 : memref<1x1x36xi32, #tpu.memory_space<vmem>> -> memref<36xi32, #tpu.memory_space<vmem>>
        %dma_start3A_351 = arith.constant 0 : i32
        %dma_start3A_352 = arith.constant 0 : i32
        %dma_start3A_353 = tpu.memref_slice %arg2[%dma_start3A_351, %dma_start3A_352] : memref<10112x128xf32, #tpu.memory_space<hbm>> -> memref<10112x128xf32, #tpu.memory_space<hbm>>
        tpu.enqueue_indirect_dma source(%dma_start3A_353 : memref<10112x128xf32, #tpu.memory_space<hbm>>) target(%arg15 : memref<36x128xf32, #tpu.memory_space<vmem>>) offsets(%dma_start3A_350 : memref<36xi32, #tpu.memory_space<vmem>>) semaphore(%arg20 : memref<!tpu.dma_semaphore, #tpu.memory_space<semaphore_mem>>)
      } else {
      }
      %add3A_186 = arith.constant 4 : i32
      %add3A_187 = arith.addi %add3A_157, %add3A_186 : i32
      %lt3A_188 = arith.constant 288 : i32
      %lt3A_189 = arith.cmpi slt, %add3A_187, %lt3A_188 : i32
      %convert_element_type3A_190 = arith.extui %lt3A_189 : i1 to i32
      %cond3A_191 = arith.constant 0 : i32
      %cond3A_192 = arith.cmpi ne, %convert_element_type3A_190, %cond3A_191 : i32
      scf.if %cond3A_192 {
        %add3A_316 = arith.constant 4 : i32
        %add3A_317 = arith.addi %add3A_157, %add3A_316 : i32
        %rem3A_318 = arith.constant 8 : i32
        %rem3A_319 = arith.remsi %add3A_317, %rem3A_318 : i32
        %dma_start3A_320 = arith.constant 0 : i32
        %dma_start3A_321 = arith.constant 0 : i32
        %dma_start3A_322 = tpu.memref_slice %arg7[%rem3A_319, %dma_start3A_320, %dma_start3A_321] : memref<8x2x36xi32, #tpu.memory_space<vmem>> -> memref<1x2x36xi32, #tpu.memory_space<vmem>>
        %dma_start3A_323 = tpu.memref_squeeze %dma_start3A_322 : memref<1x2x36xi32, #tpu.memory_space<vmem>> -> memref<2x36xi32, #tpu.memory_space<vmem>>
        %dma_start3A_324 = arith.constant 0 : i32
        %dma_start3A_325 = arith.constant 0 : i32
        %dma_start3A_326 = tpu.memref_slice %arg4[%add3A, %add3A_317, %dma_start3A_324, %dma_start3A_325] : memref<32x288x2x36xi32, #tpu.memory_space<hbm>> -> memref<1x1x2x36xi32, #tpu.memory_space<hbm>>
        %dma_start3A_327 = tpu.memref_squeeze %dma_start3A_326 : memref<1x1x2x36xi32, #tpu.memory_space<hbm>> -> memref<2x36xi32, #tpu.memory_space<hbm>>
        %dma_start3A_328 = arith.constant 0 : i32
        %dma_start3A_329 = arith.constant 0 : i32
        %dma_start3A_330 = tpu.memref_slice %arg7[%rem3A_319, %dma_start3A_328, %dma_start3A_329] : memref<8x2x36xi32, #tpu.memory_space<vmem>> -> memref<1x2x36xi32, #tpu.memory_space<vmem>>
        %dma_start3A_331 = tpu.memref_squeeze %dma_start3A_330 : memref<1x2x36xi32, #tpu.memory_space<vmem>> -> memref<2x36xi32, #tpu.memory_space<vmem>>
        %dma_start3A_332 = arith.constant 0 : i32
        %dma_start3A_333 = arith.constant 0 : i32
        %dma_start3A_334 = tpu.memref_slice %arg4[%add3A, %add3A_317, %dma_start3A_332, %dma_start3A_333] : memref<32x288x2x36xi32, #tpu.memory_space<hbm>> -> memref<1x1x2x36xi32, #tpu.memory_space<hbm>>
        %dma_start3A_335 = tpu.memref_squeeze %dma_start3A_334 : memref<1x1x2x36xi32, #tpu.memory_space<hbm>> -> memref<2x36xi32, #tpu.memory_space<hbm>>
        tpu.enqueue_dma source(%dma_start3A_335 : memref<2x36xi32, #tpu.memory_space<hbm>>) target(%dma_start3A_331 : memref<2x36xi32, #tpu.memory_space<vmem>>) target_semaphore(%arg26 : memref<!tpu.dma_semaphore, #tpu.memory_space<semaphore_mem>>)
      } else {
      }
      %scan3A_193 = arith.constant 0 : i32
      %scan3A_194 = arith.constant 0 : i32
      %scan3A_195 = arith.constant 36 : i32
      %scan3A_196 = arith.addi %scan3A_194, %scan3A_195 : i32
      %scan3A_197 = arith.constant 2 : i32
      scf.for %scan3A_316 = %scan3A_194 to %scan3A_196 step %scan3A_197  : i32 {
        %get3A = arith.index_cast %scan3A_316 : i32 to index
        %get3A_317 = arith.constant 0 : index
        %get3A_318 = tpu.vector_load %arg9[%get3A, %get3A_317] {strides = array<i32>} : memref<36x144xf32, #tpu.memory_space<vmem>>, vector<16xf32>,
        %get3A_319 = arith.index_cast %scan3A_316 : i32 to index
        %get3A_320 = arith.constant 16 : index
        %get3A_321 = tpu.vector_load %arg9[%get3A_319, %get3A_320] {strides = array<i32>} : memref<36x144xf32, #tpu.memory_space<vmem>>, vector<16xf32>,
        %get3A_322 = arith.index_cast %scan3A_316 : i32 to index
        %get3A_323 = arith.constant 32 : index
        %get3A_324 = tpu.vector_load %arg9[%get3A_322, %get3A_323] {strides = array<i32>} : memref<36x144xf32, #tpu.memory_space<vmem>>, vector<16xf32>,
        %get3A_325 = arith.index_cast %scan3A_316 : i32 to index
        %get3A_326 = arith.constant 48 : index
        %get3A_327 = tpu.vector_load %arg9[%get3A_325, %get3A_326] {strides = array<i32>} : memref<36x144xf32, #tpu.memory_space<vmem>>, vector<16xf32>,
        %get3A_328 = arith.index_cast %scan3A_316 : i32 to index
        %get3A_329 = arith.constant 64 : index
        %get3A_330 = tpu.vector_load %arg9[%get3A_328, %get3A_329] {strides = array<i32>} : memref<36x144xf32, #tpu.memory_space<vmem>>, vector<16xf32>,
        %get3A_331 = arith.index_cast %scan3A_316 : i32 to index
        %get3A_332 = arith.constant 80 : index
        %get3A_333 = tpu.vector_load %arg9[%get3A_331, %get3A_332] {strides = array<i32>} : memref<36x144xf32, #tpu.memory_space<vmem>>, vector<16xf32>,
        %get3A_334 = arith.index_cast %scan3A_316 : i32 to index
        %get3A_335 = arith.constant 96 : index
        %get3A_336 = tpu.vector_load %arg9[%get3A_334, %get3A_335] {strides = array<i32>} : memref<36x144xf32, #tpu.memory_space<vmem>>, vector<16xf32>,
        %get3A_337 = arith.index_cast %scan3A_316 : i32 to index
        %get3A_338 = arith.constant 112 : index
        %get3A_339 = tpu.vector_load %arg9[%get3A_337, %get3A_338] {strides = array<i32>} : memref<36x144xf32, #tpu.memory_space<vmem>>, vector<16xf32>,
        %get3A_340 = arith.index_cast %scan3A_316 : i32 to index
        %get3A_341 = arith.constant 128 : index
        %get3A_342 = tpu.vector_load %arg9[%get3A_340, %get3A_341] {strides = array<i32>} : memref<36x144xf32, #tpu.memory_space<vmem>>, vector<16xf32>,
        %get3A_343 = arith.index_cast %scan3A_316 : i32 to index
        %get3A_344 = arith.constant 0 : index
        %get3A_345 = tpu.vector_load %arg13[%get3A_343, %get3A_344] {strides = array<i32>} : memref<36x128xf32, #tpu.memory_space<vmem>>, vector<16xf32>,
        %mul3A_346 = arith.mulf %get3A_318, %get3A_345 : vector<16xf32>
        %get3A_347 = arith.index_cast %scan3A_316 : i32 to index
        %get3A_348 = arith.constant 16 : index
        %get3A_349 = tpu.vector_load %arg13[%get3A_347, %get3A_348] {strides = array<i32>} : memref<36x128xf32, #tpu.memory_space<vmem>>, vector<16xf32>,
        %mul3A_350 = arith.mulf %get3A_321, %get3A_349 : vector<16xf32>
        %add3A_351 = arith.addf %mul3A_346, %mul3A_350 : vector<16xf32>
        %get3A_352 = arith.index_cast %scan3A_316 : i32 to index
        %get3A_353 = arith.constant 32 : index
        %get3A_354 = tpu.vector_load %arg13[%get3A_352, %get3A_353] {strides = array<i32>} : memref<36x128xf32, #tpu.memory_space<vmem>>, vector<16xf32>,
        %mul3A_355 = arith.mulf %get3A_324, %get3A_354 : vector<16xf32>
        %add3A_356 = arith.addf %add3A_351, %mul3A_355 : vector<16xf32>
        %get3A_357 = arith.index_cast %scan3A_316 : i32 to index
        %get3A_358 = arith.constant 48 : index
        %get3A_359 = tpu.vector_load %arg13[%get3A_357, %get3A_358] {strides = array<i32>} : memref<36x128xf32, #tpu.memory_space<vmem>>, vector<16xf32>,
        %mul3A_360 = arith.mulf %get3A_327, %get3A_359 : vector<16xf32>
        %add3A_361 = arith.addf %add3A_356, %mul3A_360 : vector<16xf32>
        %get3A_362 = arith.index_cast %scan3A_316 : i32 to index
        %get3A_363 = arith.constant 64 : index
        %get3A_364 = tpu.vector_load %arg13[%get3A_362, %get3A_363] {strides = array<i32>} : memref<36x128xf32, #tpu.memory_space<vmem>>, vector<16xf32>,
        %mul3A_365 = arith.mulf %get3A_330, %get3A_364 : vector<16xf32>
        %add3A_366 = arith.addf %add3A_361, %mul3A_365 : vector<16xf32>
        %get3A_367 = arith.index_cast %scan3A_316 : i32 to index
        %get3A_368 = arith.constant 80 : index
        %get3A_369 = tpu.vector_load %arg13[%get3A_367, %get3A_368] {strides = array<i32>} : memref<36x128xf32, #tpu.memory_space<vmem>>, vector<16xf32>,
        %mul3A_370 = arith.mulf %get3A_333, %get3A_369 : vector<16xf32>
        %add3A_371 = arith.addf %add3A_366, %mul3A_370 : vector<16xf32>
        %get3A_372 = arith.index_cast %scan3A_316 : i32 to index
        %get3A_373 = arith.constant 96 : index
        %get3A_374 = tpu.vector_load %arg13[%get3A_372, %get3A_373] {strides = array<i32>} : memref<36x128xf32, #tpu.memory_space<vmem>>, vector<16xf32>,
        %mul3A_375 = arith.mulf %get3A_336, %get3A_374 : vector<16xf32>
        %add3A_376 = arith.addf %add3A_371, %mul3A_375 : vector<16xf32>
        %get3A_377 = arith.index_cast %scan3A_316 : i32 to index
        %get3A_378 = arith.constant 112 : index
        %get3A_379 = tpu.vector_load %arg13[%get3A_377, %get3A_378] {strides = array<i32>} : memref<36x128xf32, #tpu.memory_space<vmem>>, vector<16xf32>,
        %mul3A_380 = arith.mulf %get3A_339, %get3A_379 : vector<16xf32>
        %add3A_381 = arith.addf %add3A_376, %mul3A_380 : vector<16xf32>
        %reduce_sum3A = arith.constant true
        %reduce_sum3A_382 = vector.broadcast %reduce_sum3A : i1 to vector<16xi1>
        %reduce_sum3A_383 = tpu.scan <sum>, %add3A_381 masked %reduce_sum3A_382 : vector<16xf32>, vector<16xi1> -> vector<16xf32>
        %reduce_sum3A_384 = vector.extract %reduce_sum3A_383[15] : f32 from vector<16xf32>
        %slice3A = vector.extract_strided_slice %get3A_342 {offsets = [0], sizes = [1], strides = [1]} : vector<16xf32> to vector<1xf32>
        %squeeze3A = vector.extract %slice3A[0] : f32 from vector<1xf32>
        %mul3A_385 = arith.mulf %reduce_sum3A_384, %squeeze3A : f32
        %lt3A_386 = arith.constant 1.000000e-01 : f32
        %lt3A_387 = arith.cmpf olt, %mul3A_385, %lt3A_386 : f32
        %jit3A = arith.constant 9.99999997E-7 : f32
        %select_n3A = arith.select %lt3A_387, %jit3A, %mul3A_385 : f32
        %mul3A_388 = vector.broadcast %select_n3A : f32 to vector<16xf32>
        %mul3A_389 = arith.mulf %get3A_318, %mul3A_388 : vector<16xf32>
        %swap3A = arith.index_cast %scan3A_316 : i32 to index
        %swap3A_390 = arith.constant 0 : index
        %swap3A_391 = tpu.vector_load %arg9[%swap3A, %swap3A_390] {strides = array<i32>} : memref<36x144xf32, #tpu.memory_space<vmem>>, vector<16xf32>,
        tpu.vector_store %arg9[%swap3A, %swap3A_390], %mul3A_389 {strides = array<i32>} : memref<36x144xf32, #tpu.memory_space<vmem>>, vector<16xf32>,
        %mul3A_392 = vector.broadcast %select_n3A : f32 to vector<16xf32>
        %mul3A_393 = arith.mulf %get3A_321, %mul3A_392 : vector<16xf32>
        %swap3A_394 = arith.index_cast %scan3A_316 : i32 to index
        %swap3A_395 = arith.constant 16 : index
        %swap3A_396 = tpu.vector_load %arg9[%swap3A_394, %swap3A_395] {strides = array<i32>} : memref<36x144xf32, #tpu.memory_space<vmem>>, vector<16xf32>,
        tpu.vector_store %arg9[%swap3A_394, %swap3A_395], %mul3A_393 {strides = array<i32>} : memref<36x144xf32, #tpu.memory_space<vmem>>, vector<16xf32>,
        %mul3A_397 = vector.broadcast %select_n3A : f32 to vector<16xf32>
        %mul3A_398 = arith.mulf %get3A_324, %mul3A_397 : vector<16xf32>
        %swap3A_399 = arith.index_cast %scan3A_316 : i32 to index
        %swap3A_400 = arith.constant 32 : index
        %swap3A_401 = tpu.vector_load %arg9[%swap3A_399, %swap3A_400] {strides = array<i32>} : memref<36x144xf32, #tpu.memory_space<vmem>>, vector<16xf32>,
        tpu.vector_store %arg9[%swap3A_399, %swap3A_400], %mul3A_398 {strides = array<i32>} : memref<36x144xf32, #tpu.memory_space<vmem>>, vector<16xf32>,
        %mul3A_402 = vector.broadcast %select_n3A : f32 to vector<16xf32>
        %mul3A_403 = arith.mulf %get3A_327, %mul3A_402 : vector<16xf32>
        %swap3A_404 = arith.index_cast %scan3A_316 : i32 to index
        %swap3A_405 = arith.constant 48 : index
        %swap3A_406 = tpu.vector_load %arg9[%swap3A_404, %swap3A_405] {strides = array<i32>} : memref<36x144xf32, #tpu.memory_space<vmem>>, vector<16xf32>,
        tpu.vector_store %arg9[%swap3A_404, %swap3A_405], %mul3A_403 {strides = array<i32>} : memref<36x144xf32, #tpu.memory_space<vmem>>, vector<16xf32>,
        %mul3A_407 = vector.broadcast %select_n3A : f32 to vector<16xf32>
        %mul3A_408 = arith.mulf %get3A_330, %mul3A_407 : vector<16xf32>
        %swap3A_409 = arith.index_cast %scan3A_316 : i32 to index
        %swap3A_410 = arith.constant 64 : index
        %swap3A_411 = tpu.vector_load %arg9[%swap3A_409, %swap3A_410] {strides = array<i32>} : memref<36x144xf32, #tpu.memory_space<vmem>>, vector<16xf32>,
        tpu.vector_store %arg9[%swap3A_409, %swap3A_410], %mul3A_408 {strides = array<i32>} : memref<36x144xf32, #tpu.memory_space<vmem>>, vector<16xf32>,
        %mul3A_412 = vector.broadcast %select_n3A : f32 to vector<16xf32>
        %mul3A_413 = arith.mulf %get3A_333, %mul3A_412 : vector<16xf32>
        %swap3A_414 = arith.index_cast %scan3A_316 : i32 to index
        %swap3A_415 = arith.constant 80 : index
        %swap3A_416 = tpu.vector_load %arg9[%swap3A_414, %swap3A_415] {strides = array<i32>} : memref<36x144xf32, #tpu.memory_space<vmem>>, vector<16xf32>,
        tpu.vector_store %arg9[%swap3A_414, %swap3A_415], %mul3A_413 {strides = array<i32>} : memref<36x144xf32, #tpu.memory_space<vmem>>, vector<16xf32>,
        %mul3A_417 = vector.broadcast %select_n3A : f32 to vector<16xf32>
        %mul3A_418 = arith.mulf %get3A_336, %mul3A_417 : vector<16xf32>
        %swap3A_419 = arith.index_cast %scan3A_316 : i32 to index
        %swap3A_420 = arith.constant 96 : index
        %swap3A_421 = tpu.vector_load %arg9[%swap3A_419, %swap3A_420] {strides = array<i32>} : memref<36x144xf32, #tpu.memory_space<vmem>>, vector<16xf32>,
        tpu.vector_store %arg9[%swap3A_419, %swap3A_420], %mul3A_418 {strides = array<i32>} : memref<36x144xf32, #tpu.memory_space<vmem>>, vector<16xf32>,
        %mul3A_422 = vector.broadcast %select_n3A : f32 to vector<16xf32>
        %mul3A_423 = arith.mulf %get3A_339, %mul3A_422 : vector<16xf32>
        %swap3A_424 = arith.index_cast %scan3A_316 : i32 to index
        %swap3A_425 = arith.constant 112 : index
        %swap3A_426 = tpu.vector_load %arg9[%swap3A_424, %swap3A_425] {strides = array<i32>} : memref<36x144xf32, #tpu.memory_space<vmem>>, vector<16xf32>,
        tpu.vector_store %arg9[%swap3A_424, %swap3A_425], %mul3A_423 {strides = array<i32>} : memref<36x144xf32, #tpu.memory_space<vmem>>, vector<16xf32>,
        %mul3A_427 = vector.broadcast %select_n3A : f32 to vector<16xf32>
        %mul3A_428 = arith.mulf %get3A_342, %mul3A_427 : vector<16xf32>
        %swap3A_429 = arith.index_cast %scan3A_316 : i32 to index
        %swap3A_430 = arith.constant 128 : index
        %swap3A_431 = tpu.vector_load %arg9[%swap3A_429, %swap3A_430] {strides = array<i32>} : memref<36x144xf32, #tpu.memory_space<vmem>>, vector<16xf32>,
        tpu.vector_store %arg9[%swap3A_429, %swap3A_430], %mul3A_428 {strides = array<i32>} : memref<36x144xf32, #tpu.memory_space<vmem>>, vector<16xf32>,
        %scan3A_432 = arith.constant 1 : i32
        %scan3A_433 = arith.addi %scan3A_316, %scan3A_432 : i32
        %get3A_434 = arith.index_cast %scan3A_433 : i32 to index
        %get3A_435 = arith.constant 0 : index
        %get3A_436 = tpu.vector_load %arg9[%get3A_434, %get3A_435] {strides = array<i32>} : memref<36x144xf32, #tpu.memory_space<vmem>>, vector<16xf32>,
        %get3A_437 = arith.index_cast %scan3A_433 : i32 to index
        %get3A_438 = arith.constant 16 : index
        %get3A_439 = tpu.vector_load %arg9[%get3A_437, %get3A_438] {strides = array<i32>} : memref<36x144xf32, #tpu.memory_space<vmem>>, vector<16xf32>,
        %get3A_440 = arith.index_cast %scan3A_433 : i32 to index
        %get3A_441 = arith.constant 32 : index
        %get3A_442 = tpu.vector_load %arg9[%get3A_440, %get3A_441] {strides = array<i32>} : memref<36x144xf32, #tpu.memory_space<vmem>>, vector<16xf32>,
        %get3A_443 = arith.index_cast %scan3A_433 : i32 to index
        %get3A_444 = arith.constant 48 : index
        %get3A_445 = tpu.vector_load %arg9[%get3A_443, %get3A_444] {strides = array<i32>} : memref<36x144xf32, #tpu.memory_space<vmem>>, vector<16xf32>,
        %get3A_446 = arith.index_cast %scan3A_433 : i32 to index
        %get3A_447 = arith.constant 64 : index
        %get3A_448 = tpu.vector_load %arg9[%get3A_446, %get3A_447] {strides = array<i32>} : memref<36x144xf32, #tpu.memory_space<vmem>>, vector<16xf32>,
        %get3A_449 = arith.index_cast %scan3A_433 : i32 to index
        %get3A_450 = arith.constant 80 : index
        %get3A_451 = tpu.vector_load %arg9[%get3A_449, %get3A_450] {strides = array<i32>} : memref<36x144xf32, #tpu.memory_space<vmem>>, vector<16xf32>,
        %get3A_452 = arith.index_cast %scan3A_433 : i32 to index
        %get3A_453 = arith.constant 96 : index
        %get3A_454 = tpu.vector_load %arg9[%get3A_452, %get3A_453] {strides = array<i32>} : memref<36x144xf32, #tpu.memory_space<vmem>>, vector<16xf32>,
        %get3A_455 = arith.index_cast %scan3A_433 : i32 to index
        %get3A_456 = arith.constant 112 : index
        %get3A_457 = tpu.vector_load %arg9[%get3A_455, %get3A_456] {strides = array<i32>} : memref<36x144xf32, #tpu.memory_space<vmem>>, vector<16xf32>,
        %get3A_458 = arith.index_cast %scan3A_433 : i32 to index
        %get3A_459 = arith.constant 128 : index
        %get3A_460 = tpu.vector_load %arg9[%get3A_458, %get3A_459] {strides = array<i32>} : memref<36x144xf32, #tpu.memory_space<vmem>>, vector<16xf32>,
        %get3A_461 = arith.index_cast %scan3A_433 : i32 to index
        %get3A_462 = arith.constant 0 : index
        %get3A_463 = tpu.vector_load %arg13[%get3A_461, %get3A_462] {strides = array<i32>} : memref<36x128xf32, #tpu.memory_space<vmem>>, vector<16xf32>,
        %mul3A_464 = arith.mulf %get3A_436, %get3A_463 : vector<16xf32>
        %get3A_465 = arith.index_cast %scan3A_433 : i32 to index
        %get3A_466 = arith.constant 16 : index
        %get3A_467 = tpu.vector_load %arg13[%get3A_465, %get3A_466] {strides = array<i32>} : memref<36x128xf32, #tpu.memory_space<vmem>>, vector<16xf32>,
        %mul3A_468 = arith.mulf %get3A_439, %get3A_467 : vector<16xf32>
        %add3A_469 = arith.addf %mul3A_464, %mul3A_468 : vector<16xf32>
        %get3A_470 = arith.index_cast %scan3A_433 : i32 to index
        %get3A_471 = arith.constant 32 : index
        %get3A_472 = tpu.vector_load %arg13[%get3A_470, %get3A_471] {strides = array<i32>} : memref<36x128xf32, #tpu.memory_space<vmem>>, vector<16xf32>,
        %mul3A_473 = arith.mulf %get3A_442, %get3A_472 : vector<16xf32>
        %add3A_474 = arith.addf %add3A_469, %mul3A_473 : vector<16xf32>
        %get3A_475 = arith.index_cast %scan3A_433 : i32 to index
        %get3A_476 = arith.constant 48 : index
        %get3A_477 = tpu.vector_load %arg13[%get3A_475, %get3A_476] {strides = array<i32>} : memref<36x128xf32, #tpu.memory_space<vmem>>, vector<16xf32>,
        %mul3A_478 = arith.mulf %get3A_445, %get3A_477 : vector<16xf32>
        %add3A_479 = arith.addf %add3A_474, %mul3A_478 : vector<16xf32>
        %get3A_480 = arith.index_cast %scan3A_433 : i32 to index
        %get3A_481 = arith.constant 64 : index
        %get3A_482 = tpu.vector_load %arg13[%get3A_480, %get3A_481] {strides = array<i32>} : memref<36x128xf32, #tpu.memory_space<vmem>>, vector<16xf32>,
        %mul3A_483 = arith.mulf %get3A_448, %get3A_482 : vector<16xf32>
        %add3A_484 = arith.addf %add3A_479, %mul3A_483 : vector<16xf32>
        %get3A_485 = arith.index_cast %scan3A_433 : i32 to index
        %get3A_486 = arith.constant 80 : index
        %get3A_487 = tpu.vector_load %arg13[%get3A_485, %get3A_486] {strides = array<i32>} : memref<36x128xf32, #tpu.memory_space<vmem>>, vector<16xf32>,
        %mul3A_488 = arith.mulf %get3A_451, %get3A_487 : vector<16xf32>
        %add3A_489 = arith.addf %add3A_484, %mul3A_488 : vector<16xf32>
        %get3A_490 = arith.index_cast %scan3A_433 : i32 to index
        %get3A_491 = arith.constant 96 : index
        %get3A_492 = tpu.vector_load %arg13[%get3A_490, %get3A_491] {strides = array<i32>} : memref<36x128xf32, #tpu.memory_space<vmem>>, vector<16xf32>,
        %mul3A_493 = arith.mulf %get3A_454, %get3A_492 : vector<16xf32>
        %add3A_494 = arith.addf %add3A_489, %mul3A_493 : vector<16xf32>
        %get3A_495 = arith.index_cast %scan3A_433 : i32 to index
        %get3A_496 = arith.constant 112 : index
        %get3A_497 = tpu.vector_load %arg13[%get3A_495, %get3A_496] {strides = array<i32>} : memref<36x128xf32, #tpu.memory_space<vmem>>, vector<16xf32>,
        %mul3A_498 = arith.mulf %get3A_457, %get3A_497 : vector<16xf32>
        %add3A_499 = arith.addf %add3A_494, %mul3A_498 : vector<16xf32>
        %reduce_sum3A_500 = arith.constant true
        %reduce_sum3A_501 = vector.broadcast %reduce_sum3A_500 : i1 to vector<16xi1>
        %reduce_sum3A_502 = tpu.scan <sum>, %add3A_499 masked %reduce_sum3A_501 : vector<16xf32>, vector<16xi1> -> vector<16xf32>
        %reduce_sum3A_503 = vector.extract %reduce_sum3A_502[15] : f32 from vector<16xf32>
        %slice3A_504 = vector.extract_strided_slice %get3A_460 {offsets = [0], sizes = [1], strides = [1]} : vector<16xf32> to vector<1xf32>
        %squeeze3A_505 = vector.extract %slice3A_504[0] : f32 from vector<1xf32>
        %mul3A_506 = arith.mulf %reduce_sum3A_503, %squeeze3A_505 : f32
        %lt3A_507 = arith.constant 1.000000e-01 : f32
        %lt3A_508 = arith.cmpf olt, %mul3A_506, %lt3A_507 : f32
        %jit3A_509 = arith.constant 9.99999997E-7 : f32
        %select_n3A_510 = arith.select %lt3A_508, %jit3A_509, %mul3A_506 : f32
        %mul3A_511 = vector.broadcast %select_n3A_510 : f32 to vector<16xf32>
        %mul3A_512 = arith.mulf %get3A_436, %mul3A_511 : vector<16xf32>
        %swap3A_513 = arith.index_cast %scan3A_433 : i32 to index
        %swap3A_514 = arith.constant 0 : index
        %swap3A_515 = tpu.vector_load %arg9[%swap3A_513, %swap3A_514] {strides = array<i32>} : memref<36x144xf32, #tpu.memory_space<vmem>>, vector<16xf32>,
        tpu.vector_store %arg9[%swap3A_513, %swap3A_514], %mul3A_512 {strides = array<i32>} : memref<36x144xf32, #tpu.memory_space<vmem>>, vector<16xf32>,
        %mul3A_516 = vector.broadcast %select_n3A_510 : f32 to vector<16xf32>
        %mul3A_517 = arith.mulf %get3A_439, %mul3A_516 : vector<16xf32>
        %swap3A_518 = arith.index_cast %scan3A_433 : i32 to index
        %swap3A_519 = arith.constant 16 : index
        %swap3A_520 = tpu.vector_load %arg9[%swap3A_518, %swap3A_519] {strides = array<i32>} : memref<36x144xf32, #tpu.memory_space<vmem>>, vector<16xf32>,
        tpu.vector_store %arg9[%swap3A_518, %swap3A_519], %mul3A_517 {strides = array<i32>} : memref<36x144xf32, #tpu.memory_space<vmem>>, vector<16xf32>,
        %mul3A_521 = vector.broadcast %select_n3A_510 : f32 to vector<16xf32>
        %mul3A_522 = arith.mulf %get3A_442, %mul3A_521 : vector<16xf32>
        %swap3A_523 = arith.index_cast %scan3A_433 : i32 to index
        %swap3A_524 = arith.constant 32 : index
        %swap3A_525 = tpu.vector_load %arg9[%swap3A_523, %swap3A_524] {strides = array<i32>} : memref<36x144xf32, #tpu.memory_space<vmem>>, vector<16xf32>,
        tpu.vector_store %arg9[%swap3A_523, %swap3A_524], %mul3A_522 {strides = array<i32>} : memref<36x144xf32, #tpu.memory_space<vmem>>, vector<16xf32>,
        %mul3A_526 = vector.broadcast %select_n3A_510 : f32 to vector<16xf32>
        %mul3A_527 = arith.mulf %get3A_445, %mul3A_526 : vector<16xf32>
        %swap3A_528 = arith.index_cast %scan3A_433 : i32 to index
        %swap3A_529 = arith.constant 48 : index
        %swap3A_530 = tpu.vector_load %arg9[%swap3A_528, %swap3A_529] {strides = array<i32>} : memref<36x144xf32, #tpu.memory_space<vmem>>, vector<16xf32>,
        tpu.vector_store %arg9[%swap3A_528, %swap3A_529], %mul3A_527 {strides = array<i32>} : memref<36x144xf32, #tpu.memory_space<vmem>>, vector<16xf32>,
        %mul3A_531 = vector.broadcast %select_n3A_510 : f32 to vector<16xf32>
        %mul3A_532 = arith.mulf %get3A_448, %mul3A_531 : vector<16xf32>
        %swap3A_533 = arith.index_cast %scan3A_433 : i32 to index
        %swap3A_534 = arith.constant 64 : index
        %swap3A_535 = tpu.vector_load %arg9[%swap3A_533, %swap3A_534] {strides = array<i32>} : memref<36x144xf32, #tpu.memory_space<vmem>>, vector<16xf32>,
        tpu.vector_store %arg9[%swap3A_533, %swap3A_534], %mul3A_532 {strides = array<i32>} : memref<36x144xf32, #tpu.memory_space<vmem>>, vector<16xf32>,
        %mul3A_536 = vector.broadcast %select_n3A_510 : f32 to vector<16xf32>
        %mul3A_537 = arith.mulf %get3A_451, %mul3A_536 : vector<16xf32>
        %swap3A_538 = arith.index_cast %scan3A_433 : i32 to index
        %swap3A_539 = arith.constant 80 : index
        %swap3A_540 = tpu.vector_load %arg9[%swap3A_538, %swap3A_539] {strides = array<i32>} : memref<36x144xf32, #tpu.memory_space<vmem>>, vector<16xf32>,
        tpu.vector_store %arg9[%swap3A_538, %swap3A_539], %mul3A_537 {strides = array<i32>} : memref<36x144xf32, #tpu.memory_space<vmem>>, vector<16xf32>,
        %mul3A_541 = vector.broadcast %select_n3A_510 : f32 to vector<16xf32>
        %mul3A_542 = arith.mulf %get3A_454, %mul3A_541 : vector<16xf32>
        %swap3A_543 = arith.index_cast %scan3A_433 : i32 to index
        %swap3A_544 = arith.constant 96 : index
        %swap3A_545 = tpu.vector_load %arg9[%swap3A_543, %swap3A_544] {strides = array<i32>} : memref<36x144xf32, #tpu.memory_space<vmem>>, vector<16xf32>,
        tpu.vector_store %arg9[%swap3A_543, %swap3A_544], %mul3A_542 {strides = array<i32>} : memref<36x144xf32, #tpu.memory_space<vmem>>, vector<16xf32>,
        %mul3A_546 = vector.broadcast %select_n3A_510 : f32 to vector<16xf32>
        %mul3A_547 = arith.mulf %get3A_457, %mul3A_546 : vector<16xf32>
        %swap3A_548 = arith.index_cast %scan3A_433 : i32 to index
        %swap3A_549 = arith.constant 112 : index
        %swap3A_550 = tpu.vector_load %arg9[%swap3A_548, %swap3A_549] {strides = array<i32>} : memref<36x144xf32, #tpu.memory_space<vmem>>, vector<16xf32>,
        tpu.vector_store %arg9[%swap3A_548, %swap3A_549], %mul3A_547 {strides = array<i32>} : memref<36x144xf32, #tpu.memory_space<vmem>>, vector<16xf32>,
        %mul3A_551 = vector.broadcast %select_n3A_510 : f32 to vector<16xf32>
        %mul3A_552 = arith.mulf %get3A_460, %mul3A_551 : vector<16xf32>
        %swap3A_553 = arith.index_cast %scan3A_433 : i32 to index
        %swap3A_554 = arith.constant 128 : index
        %swap3A_555 = tpu.vector_load %arg9[%swap3A_553, %swap3A_554] {strides = array<i32>} : memref<36x144xf32, #tpu.memory_space<vmem>>, vector<16xf32>,
        tpu.vector_store %arg9[%swap3A_553, %swap3A_554], %mul3A_552 {strides = array<i32>} : memref<36x144xf32, #tpu.memory_space<vmem>>, vector<16xf32>,
      }
      %scan3A_198 = arith.constant 36 : i32
      %rem3A_199 = arith.constant 8 : i32
      %rem3A_200 = arith.remsi %add3A_157, %rem3A_199 : i32
      %dma_start3A_201 = arith.constant 1 : i32
      %dma_start3A_202 = arith.constant 0 : i32
      %dma_start3A_203 = tpu.memref_slice %arg7[%rem3A_200, %dma_start3A_201, %dma_start3A_202] : memref<8x2x36xi32, #tpu.memory_space<vmem>> -> memref<1x1x36xi32, #tpu.memory_space<vmem>>
      %dma_start3A_204 = tpu.memref_squeeze %dma_start3A_203 : memref<1x1x36xi32, #tpu.memory_space<vmem>> -> memref<36xi32, #tpu.memory_space<vmem>>
      %dma_start3A_205 = arith.constant 0 : i32
      %dma_start3A_206 = arith.constant 0 : i32
      %dma_start3A_207 = tpu.memref_slice %arg16[%dma_start3A_205, %dma_start3A_206] : memref<10112x144xf32, #tpu.memory_space<vmem_shared>> -> memref<10112x144xf32, #tpu.memory_space<vmem_shared>>
      tpu.enqueue_indirect_dma source(%arg9 : memref<36x144xf32, #tpu.memory_space<vmem>>) target(%dma_start3A_207 : memref<10112x144xf32, #tpu.memory_space<vmem_shared>>) offsets(%dma_start3A_204 : memref<36xi32, #tpu.memory_space<vmem>>) semaphore(%arg22 : memref<!tpu.dma_semaphore, #tpu.memory_space<semaphore_mem>>) {add = true}
      %mul3A_208 = arith.constant 4 : i32
      %mul3A_209 = arith.muli %mul3A_208, %scan3A_103 : i32
      %add3A_210 = arith.constant 2 : i32
      %add3A_211 = arith.addi %mul3A_209, %add3A_210 : i32
      %rem3A_212 = arith.constant 8 : i32
      %rem3A_213 = arith.remsi %add3A_211, %rem3A_212 : i32
      %dma_wait3A_214 = arith.constant 0 : i32
      %dma_wait3A_215 = arith.constant 0 : i32
      %dma_wait3A_216 = tpu.memref_slice %arg7[%rem3A_213, %dma_wait3A_214, %dma_wait3A_215] : memref<8x2x36xi32, #tpu.memory_space<vmem>> -> memref<1x1x36xi32, #tpu.memory_space<vmem>>
      %dma_wait3A_217 = tpu.memref_squeeze %dma_wait3A_216 : memref<1x1x36xi32, #tpu.memory_space<vmem>> -> memref<36xi32, #tpu.memory_space<vmem>>
      %dma_wait3A_218 = arith.constant 0 : i32
      %dma_wait3A_219 = arith.constant 0 : i32
      %dma_wait3A_220 = tpu.memref_slice %arg3[%dma_wait3A_218, %dma_wait3A_219] : memref<10112x144xf32, #tpu.memory_space<hbm>> -> memref<10112x144xf32, #tpu.memory_space<hbm>>
      tpu.wait_indirect_dma semaphore(%arg19 : memref<!tpu.dma_semaphore, #tpu.memory_space<semaphore_mem>>) src(%dma_wait3A_220 : memref<10112x144xf32, #tpu.memory_space<hbm>>) dst(%arg10 : memref<36x144xf32, #tpu.memory_space<vmem>>)
      %dma_wait3A_221 = arith.constant 1 : i32
      %dma_wait3A_222 = arith.constant 0 : i32
      %dma_wait3A_223 = tpu.memref_slice %arg7[%rem3A_213, %dma_wait3A_221, %dma_wait3A_222] : memref<8x2x36xi32, #tpu.memory_space<vmem>> -> memref<1x1x36xi32, #tpu.memory_space<vmem>>
      %dma_wait3A_224 = tpu.memref_squeeze %dma_wait3A_223 : memref<1x1x36xi32, #tpu.memory_space<vmem>> -> memref<36xi32, #tpu.memory_space<vmem>>
      %dma_wait3A_225 = arith.constant 0 : i32
      %dma_wait3A_226 = arith.constant 0 : i32
      %dma_wait3A_227 = tpu.memref_slice %arg2[%dma_wait3A_225, %dma_wait3A_226] : memref<10112x128xf32, #tpu.memory_space<hbm>> -> memref<10112x128xf32, #tpu.memory_space<hbm>>
      tpu.wait_indirect_dma semaphore(%arg19 : memref<!tpu.dma_semaphore, #tpu.memory_space<semaphore_mem>>) src(%dma_wait3A_227 : memref<10112x128xf32, #tpu.memory_space<hbm>>) dst(%arg14 : memref<36x128xf32, #tpu.memory_space<vmem>>)
      %ge3A_228 = arith.constant 2 : i32
      %ge3A_229 = arith.cmpi sge, %add3A_211, %ge3A_228 : i32
      %convert_element_type3A_230 = arith.extui %ge3A_229 : i1 to i32
      %cond3A_231 = arith.constant 0 : i32
      %cond3A_232 = arith.cmpi ne, %convert_element_type3A_230, %cond3A_231 : i32
      scf.if %cond3A_232 {
        %sub3A = arith.constant 2 : i32
        %sub3A_316 = arith.subi %add3A_211, %sub3A : i32
        %rem3A_317 = arith.constant 8 : i32
        %rem3A_318 = arith.remsi %sub3A_316, %rem3A_317 : i32
        %dma_wait3A_319 = arith.constant 1 : i32
        %dma_wait3A_320 = arith.constant 0 : i32
        %dma_wait3A_321 = tpu.memref_slice %arg7[%rem3A_318, %dma_wait3A_319, %dma_wait3A_320] : memref<8x2x36xi32, #tpu.memory_space<vmem>> -> memref<1x1x36xi32, #tpu.memory_space<vmem>>
        %dma_wait3A_322 = tpu.memref_squeeze %dma_wait3A_321 : memref<1x1x36xi32, #tpu.memory_space<vmem>> -> memref<36xi32, #tpu.memory_space<vmem>>
        %dma_wait3A_323 = arith.constant 0 : i32
        %dma_wait3A_324 = arith.constant 0 : i32
        %dma_wait3A_325 = tpu.memref_slice %arg16[%dma_wait3A_323, %dma_wait3A_324] : memref<10112x144xf32, #tpu.memory_space<vmem_shared>> -> memref<10112x144xf32, #tpu.memory_space<vmem_shared>>
        tpu.wait_indirect_dma semaphore(%arg21 : memref<!tpu.dma_semaphore, #tpu.memory_space<semaphore_mem>>) src(%arg8 : memref<36x144xf32, #tpu.memory_space<vmem>>) dst(%dma_wait3A_325 : memref<10112x144xf32, #tpu.memory_space<vmem_shared>>)
      } else {
      }
      %add3A_233 = arith.constant 2 : i32
      %add3A_234 = arith.addi %add3A_211, %add3A_233 : i32
      %lt3A_235 = arith.constant 288 : i32
      %lt3A_236 = arith.cmpi slt, %add3A_234, %lt3A_235 : i32
      %convert_element_type3A_237 = arith.extui %lt3A_236 : i1 to i32
      %cond3A_238 = arith.constant 0 : i32
      %cond3A_239 = arith.cmpi ne, %convert_element_type3A_237, %cond3A_238 : i32
      scf.if %cond3A_239 {
        %add3A_316 = arith.constant 2 : i32
        %add3A_317 = arith.addi %add3A_211, %add3A_316 : i32
        %rem3A_318 = arith.constant 8 : i32
        %rem3A_319 = arith.remsi %add3A_317, %rem3A_318 : i32
        %dma_wait3A_320 = arith.constant 0 : i32
        %dma_wait3A_321 = arith.constant 0 : i32
        %dma_wait3A_322 = tpu.memref_slice %arg7[%rem3A_319, %dma_wait3A_320, %dma_wait3A_321] : memref<8x2x36xi32, #tpu.memory_space<vmem>> -> memref<1x2x36xi32, #tpu.memory_space<vmem>>
        %dma_wait3A_323 = tpu.memref_squeeze %dma_wait3A_322 : memref<1x2x36xi32, #tpu.memory_space<vmem>> -> memref<2x36xi32, #tpu.memory_space<vmem>>
        %dma_wait3A_324 = arith.constant 0 : i32
        %dma_wait3A_325 = arith.constant 0 : i32
        %dma_wait3A_326 = tpu.memref_slice %arg4[%add3A, %add3A_317, %dma_wait3A_324, %dma_wait3A_325] : memref<32x288x2x36xi32, #tpu.memory_space<hbm>> -> memref<1x1x2x36xi32, #tpu.memory_space<hbm>>
        %dma_wait3A_327 = tpu.memref_squeeze %dma_wait3A_326 : memref<1x1x2x36xi32, #tpu.memory_space<hbm>> -> memref<2x36xi32, #tpu.memory_space<hbm>>
        %dma_wait3A_328 = arith.constant 0 : i32
        %dma_wait3A_329 = arith.constant 0 : i32
        %dma_wait3A_330 = tpu.memref_slice %arg7[%rem3A_319, %dma_wait3A_328, %dma_wait3A_329] : memref<8x2x36xi32, #tpu.memory_space<vmem>> -> memref<1x2x36xi32, #tpu.memory_space<vmem>>
        %dma_wait3A_331 = tpu.memref_squeeze %dma_wait3A_330 : memref<1x2x36xi32, #tpu.memory_space<vmem>> -> memref<2x36xi32, #tpu.memory_space<vmem>>
        %dma_wait3A_332 = arith.constant 0 : i32
        %dma_wait3A_333 = arith.constant 0 : i32
        %dma_wait3A_334 = tpu.memref_slice %arg4[%add3A, %add3A_317, %dma_wait3A_332, %dma_wait3A_333] : memref<32x288x2x36xi32, #tpu.memory_space<hbm>> -> memref<1x1x2x36xi32, #tpu.memory_space<hbm>>
        %dma_wait3A_335 = tpu.memref_squeeze %dma_wait3A_334 : memref<1x1x2x36xi32, #tpu.memory_space<hbm>> -> memref<2x36xi32, #tpu.memory_space<hbm>>
        tpu.wait_dma2 semaphore(%arg25 : memref<!tpu.dma_semaphore, #tpu.memory_space<semaphore_mem>>) src(%dma_wait3A_335 : memref<2x36xi32, #tpu.memory_space<hbm>>) dst(%dma_wait3A_331 : memref<2x36xi32, #tpu.memory_space<vmem>>)
        %add3A_336 = arith.constant 2 : i32
        %add3A_337 = arith.addi %add3A_211, %add3A_336 : i32
        %rem3A_338 = arith.constant 8 : i32
        %rem3A_339 = arith.remsi %add3A_337, %rem3A_338 : i32
        %dma_start3A_340 = arith.constant 0 : i32
        %dma_start3A_341 = arith.constant 0 : i32
        %dma_start3A_342 = tpu.memref_slice %arg7[%rem3A_339, %dma_start3A_340, %dma_start3A_341] : memref<8x2x36xi32, #tpu.memory_space<vmem>> -> memref<1x1x36xi32, #tpu.memory_space<vmem>>
        %dma_start3A_343 = tpu.memref_squeeze %dma_start3A_342 : memref<1x1x36xi32, #tpu.memory_space<vmem>> -> memref<36xi32, #tpu.memory_space<vmem>>
        %dma_start3A_344 = arith.constant 0 : i32
        %dma_start3A_345 = arith.constant 0 : i32
        %dma_start3A_346 = tpu.memref_slice %arg3[%dma_start3A_344, %dma_start3A_345] : memref<10112x144xf32, #tpu.memory_space<hbm>> -> memref<10112x144xf32, #tpu.memory_space<hbm>>
        tpu.enqueue_indirect_dma source(%dma_start3A_346 : memref<10112x144xf32, #tpu.memory_space<hbm>>) target(%arg8 : memref<36x144xf32, #tpu.memory_space<vmem>>) offsets(%dma_start3A_343 : memref<36xi32, #tpu.memory_space<vmem>>) semaphore(%arg17 : memref<!tpu.dma_semaphore, #tpu.memory_space<semaphore_mem>>)
        %dma_start3A_347 = arith.constant 1 : i32
        %dma_start3A_348 = arith.constant 0 : i32
        %dma_start3A_349 = tpu.memref_slice %arg7[%rem3A_339, %dma_start3A_347, %dma_start3A_348] : memref<8x2x36xi32, #tpu.memory_space<vmem>> -> memref<1x1x36xi32, #tpu.memory_space<vmem>>
        %dma_start3A_350 = tpu.memref_squeeze %dma_start3A_349 : memref<1x1x36xi32, #tpu.memory_space<vmem>> -> memref<36xi32, #tpu.memory_space<vmem>>
        %dma_start3A_351 = arith.constant 0 : i32
        %dma_start3A_352 = arith.constant 0 : i32
        %dma_start3A_353 = tpu.memref_slice %arg2[%dma_start3A_351, %dma_start3A_352] : memref<10112x128xf32, #tpu.memory_space<hbm>> -> memref<10112x128xf32, #tpu.memory_space<hbm>>
        tpu.enqueue_indirect_dma source(%dma_start3A_353 : memref<10112x128xf32, #tpu.memory_space<hbm>>) target(%arg12 : memref<36x128xf32, #tpu.memory_space<vmem>>) offsets(%dma_start3A_350 : memref<36xi32, #tpu.memory_space<vmem>>) semaphore(%arg17 : memref<!tpu.dma_semaphore, #tpu.memory_space<semaphore_mem>>)
      } else {
      }
      %add3A_240 = arith.constant 4 : i32
      %add3A_241 = arith.addi %add3A_211, %add3A_240 : i32
      %lt3A_242 = arith.constant 288 : i32
      %lt3A_243 = arith.cmpi slt, %add3A_241, %lt3A_242 : i32
      %convert_element_type3A_244 = arith.extui %lt3A_243 : i1 to i32
      %cond3A_245 = arith.constant 0 : i32
      %cond3A_246 = arith.cmpi ne, %convert_element_type3A_244, %cond3A_245 : i32
      scf.if %cond3A_246 {
        %add3A_316 = arith.constant 4 : i32
        %add3A_317 = arith.addi %add3A_211, %add3A_316 : i32
        %rem3A_318 = arith.constant 8 : i32
        %rem3A_319 = arith.remsi %add3A_317, %rem3A_318 : i32
        %dma_start3A_320 = arith.constant 0 : i32
        %dma_start3A_321 = arith.constant 0 : i32
        %dma_start3A_322 = tpu.memref_slice %arg7[%rem3A_319, %dma_start3A_320, %dma_start3A_321] : memref<8x2x36xi32, #tpu.memory_space<vmem>> -> memref<1x2x36xi32, #tpu.memory_space<vmem>>
        %dma_start3A_323 = tpu.memref_squeeze %dma_start3A_322 : memref<1x2x36xi32, #tpu.memory_space<vmem>> -> memref<2x36xi32, #tpu.memory_space<vmem>>
        %dma_start3A_324 = arith.constant 0 : i32
        %dma_start3A_325 = arith.constant 0 : i32
        %dma_start3A_326 = tpu.memref_slice %arg4[%add3A, %add3A_317, %dma_start3A_324, %dma_start3A_325] : memref<32x288x2x36xi32, #tpu.memory_space<hbm>> -> memref<1x1x2x36xi32, #tpu.memory_space<hbm>>
        %dma_start3A_327 = tpu.memref_squeeze %dma_start3A_326 : memref<1x1x2x36xi32, #tpu.memory_space<hbm>> -> memref<2x36xi32, #tpu.memory_space<hbm>>
        %dma_start3A_328 = arith.constant 0 : i32
        %dma_start3A_329 = arith.constant 0 : i32
        %dma_start3A_330 = tpu.memref_slice %arg7[%rem3A_319, %dma_start3A_328, %dma_start3A_329] : memref<8x2x36xi32, #tpu.memory_space<vmem>> -> memref<1x2x36xi32, #tpu.memory_space<vmem>>
        %dma_start3A_331 = tpu.memref_squeeze %dma_start3A_330 : memref<1x2x36xi32, #tpu.memory_space<vmem>> -> memref<2x36xi32, #tpu.memory_space<vmem>>
        %dma_start3A_332 = arith.constant 0 : i32
        %dma_start3A_333 = arith.constant 0 : i32
        %dma_start3A_334 = tpu.memref_slice %arg4[%add3A, %add3A_317, %dma_start3A_332, %dma_start3A_333] : memref<32x288x2x36xi32, #tpu.memory_space<hbm>> -> memref<1x1x2x36xi32, #tpu.memory_space<hbm>>
        %dma_start3A_335 = tpu.memref_squeeze %dma_start3A_334 : memref<1x1x2x36xi32, #tpu.memory_space<hbm>> -> memref<2x36xi32, #tpu.memory_space<hbm>>
        tpu.enqueue_dma source(%dma_start3A_335 : memref<2x36xi32, #tpu.memory_space<hbm>>) target(%dma_start3A_331 : memref<2x36xi32, #tpu.memory_space<vmem>>) target_semaphore(%arg27 : memref<!tpu.dma_semaphore, #tpu.memory_space<semaphore_mem>>)
      } else {
      }
      %scan3A_247 = arith.constant 0 : i32
      %scan3A_248 = arith.constant 0 : i32
      %scan3A_249 = arith.constant 36 : i32
      %scan3A_250 = arith.addi %scan3A_248, %scan3A_249 : i32
      %scan3A_251 = arith.constant 2 : i32
      scf.for %scan3A_316 = %scan3A_248 to %scan3A_250 step %scan3A_251  : i32 {
        %get3A = arith.index_cast %scan3A_316 : i32 to index
        %get3A_317 = arith.constant 0 : index
        %get3A_318 = tpu.vector_load %arg10[%get3A, %get3A_317] {strides = array<i32>} : memref<36x144xf32, #tpu.memory_space<vmem>>, vector<16xf32>,
        %get3A_319 = arith.index_cast %scan3A_316 : i32 to index
        %get3A_320 = arith.constant 16 : index
        %get3A_321 = tpu.vector_load %arg10[%get3A_319, %get3A_320] {strides = array<i32>} : memref<36x144xf32, #tpu.memory_space<vmem>>, vector<16xf32>,
        %get3A_322 = arith.index_cast %scan3A_316 : i32 to index
        %get3A_323 = arith.constant 32 : index
        %get3A_324 = tpu.vector_load %arg10[%get3A_322, %get3A_323] {strides = array<i32>} : memref<36x144xf32, #tpu.memory_space<vmem>>, vector<16xf32>,
        %get3A_325 = arith.index_cast %scan3A_316 : i32 to index
        %get3A_326 = arith.constant 48 : index
        %get3A_327 = tpu.vector_load %arg10[%get3A_325, %get3A_326] {strides = array<i32>} : memref<36x144xf32, #tpu.memory_space<vmem>>, vector<16xf32>,
        %get3A_328 = arith.index_cast %scan3A_316 : i32 to index
        %get3A_329 = arith.constant 64 : index
        %get3A_330 = tpu.vector_load %arg10[%get3A_328, %get3A_329] {strides = array<i32>} : memref<36x144xf32, #tpu.memory_space<vmem>>, vector<16xf32>,
        %get3A_331 = arith.index_cast %scan3A_316 : i32 to index
        %get3A_332 = arith.constant 80 : index
        %get3A_333 = tpu.vector_load %arg10[%get3A_331, %get3A_332] {strides = array<i32>} : memref<36x144xf32, #tpu.memory_space<vmem>>, vector<16xf32>,
        %get3A_334 = arith.index_cast %scan3A_316 : i32 to index
        %get3A_335 = arith.constant 96 : index
        %get3A_336 = tpu.vector_load %arg10[%get3A_334, %get3A_335] {strides = array<i32>} : memref<36x144xf32, #tpu.memory_space<vmem>>, vector<16xf32>,
        %get3A_337 = arith.index_cast %scan3A_316 : i32 to index
        %get3A_338 = arith.constant 112 : index
        %get3A_339 = tpu.vector_load %arg10[%get3A_337, %get3A_338] {strides = array<i32>} : memref<36x144xf32, #tpu.memory_space<vmem>>, vector<16xf32>,
        %get3A_340 = arith.index_cast %scan3A_316 : i32 to index
        %get3A_341 = arith.constant 128 : index
        %get3A_342 = tpu.vector_load %arg10[%get3A_340, %get3A_341] {strides = array<i32>} : memref<36x144xf32, #tpu.memory_space<vmem>>, vector<16xf32>,
        %get3A_343 = arith.index_cast %scan3A_316 : i32 to index
        %get3A_344 = arith.constant 0 : index
        %get3A_345 = tpu.vector_load %arg14[%get3A_343, %get3A_344] {strides = array<i32>} : memref<36x128xf32, #tpu.memory_space<vmem>>, vector<16xf32>,
        %mul3A_346 = arith.mulf %get3A_318, %get3A_345 : vector<16xf32>
        %get3A_347 = arith.index_cast %scan3A_316 : i32 to index
        %get3A_348 = arith.constant 16 : index
        %get3A_349 = tpu.vector_load %arg14[%get3A_347, %get3A_348] {strides = array<i32>} : memref<36x128xf32, #tpu.memory_space<vmem>>, vector<16xf32>,
        %mul3A_350 = arith.mulf %get3A_321, %get3A_349 : vector<16xf32>
        %add3A_351 = arith.addf %mul3A_346, %mul3A_350 : vector<16xf32>
        %get3A_352 = arith.index_cast %scan3A_316 : i32 to index
        %get3A_353 = arith.constant 32 : index
        %get3A_354 = tpu.vector_load %arg14[%get3A_352, %get3A_353] {strides = array<i32>} : memref<36x128xf32, #tpu.memory_space<vmem>>, vector<16xf32>,
        %mul3A_355 = arith.mulf %get3A_324, %get3A_354 : vector<16xf32>
        %add3A_356 = arith.addf %add3A_351, %mul3A_355 : vector<16xf32>
        %get3A_357 = arith.index_cast %scan3A_316 : i32 to index
        %get3A_358 = arith.constant 48 : index
        %get3A_359 = tpu.vector_load %arg14[%get3A_357, %get3A_358] {strides = array<i32>} : memref<36x128xf32, #tpu.memory_space<vmem>>, vector<16xf32>,
        %mul3A_360 = arith.mulf %get3A_327, %get3A_359 : vector<16xf32>
        %add3A_361 = arith.addf %add3A_356, %mul3A_360 : vector<16xf32>
        %get3A_362 = arith.index_cast %scan3A_316 : i32 to index
        %get3A_363 = arith.constant 64 : index
        %get3A_364 = tpu.vector_load %arg14[%get3A_362, %get3A_363] {strides = array<i32>} : memref<36x128xf32, #tpu.memory_space<vmem>>, vector<16xf32>,
        %mul3A_365 = arith.mulf %get3A_330, %get3A_364 : vector<16xf32>
        %add3A_366 = arith.addf %add3A_361, %mul3A_365 : vector<16xf32>
        %get3A_367 = arith.index_cast %scan3A_316 : i32 to index
        %get3A_368 = arith.constant 80 : index
        %get3A_369 = tpu.vector_load %arg14[%get3A_367, %get3A_368] {strides = array<i32>} : memref<36x128xf32, #tpu.memory_space<vmem>>, vector<16xf32>,
        %mul3A_370 = arith.mulf %get3A_333, %get3A_369 : vector<16xf32>
        %add3A_371 = arith.addf %add3A_366, %mul3A_370 : vector<16xf32>
        %get3A_372 = arith.index_cast %scan3A_316 : i32 to index
        %get3A_373 = arith.constant 96 : index
        %get3A_374 = tpu.vector_load %arg14[%get3A_372, %get3A_373] {strides = array<i32>} : memref<36x128xf32, #tpu.memory_space<vmem>>, vector<16xf32>,
        %mul3A_375 = arith.mulf %get3A_336, %get3A_374 : vector<16xf32>
        %add3A_376 = arith.addf %add3A_371, %mul3A_375 : vector<16xf32>
        %get3A_377 = arith.index_cast %scan3A_316 : i32 to index
        %get3A_378 = arith.constant 112 : index
        %get3A_379 = tpu.vector_load %arg14[%get3A_377, %get3A_378] {strides = array<i32>} : memref<36x128xf32, #tpu.memory_space<vmem>>, vector<16xf32>,
        %mul3A_380 = arith.mulf %get3A_339, %get3A_379 : vector<16xf32>
        %add3A_381 = arith.addf %add3A_376, %mul3A_380 : vector<16xf32>
        %reduce_sum3A = arith.constant true
        %reduce_sum3A_382 = vector.broadcast %reduce_sum3A : i1 to vector<16xi1>
        %reduce_sum3A_383 = tpu.scan <sum>, %add3A_381 masked %reduce_sum3A_382 : vector<16xf32>, vector<16xi1> -> vector<16xf32>
        %reduce_sum3A_384 = vector.extract %reduce_sum3A_383[15] : f32 from vector<16xf32>
        %slice3A = vector.extract_strided_slice %get3A_342 {offsets = [0], sizes = [1], strides = [1]} : vector<16xf32> to vector<1xf32>
        %squeeze3A = vector.extract %slice3A[0] : f32 from vector<1xf32>
        %mul3A_385 = arith.mulf %reduce_sum3A_384, %squeeze3A : f32
        %lt3A_386 = arith.constant 1.000000e-01 : f32
        %lt3A_387 = arith.cmpf olt, %mul3A_385, %lt3A_386 : f32
        %jit3A = arith.constant 9.99999997E-7 : f32
        %select_n3A = arith.select %lt3A_387, %jit3A, %mul3A_385 : f32
        %mul3A_388 = vector.broadcast %select_n3A : f32 to vector<16xf32>
        %mul3A_389 = arith.mulf %get3A_318, %mul3A_388 : vector<16xf32>
        %swap3A = arith.index_cast %scan3A_316 : i32 to index
        %swap3A_390 = arith.constant 0 : index
        %swap3A_391 = tpu.vector_load %arg10[%swap3A, %swap3A_390] {strides = array<i32>} : memref<36x144xf32, #tpu.memory_space<vmem>>, vector<16xf32>,
        tpu.vector_store %arg10[%swap3A, %swap3A_390], %mul3A_389 {strides = array<i32>} : memref<36x144xf32, #tpu.memory_space<vmem>>, vector<16xf32>,
        %mul3A_392 = vector.broadcast %select_n3A : f32 to vector<16xf32>
        %mul3A_393 = arith.mulf %get3A_321, %mul3A_392 : vector<16xf32>
        %swap3A_394 = arith.index_cast %scan3A_316 : i32 to index
        %swap3A_395 = arith.constant 16 : index
        %swap3A_396 = tpu.vector_load %arg10[%swap3A_394, %swap3A_395] {strides = array<i32>} : memref<36x144xf32, #tpu.memory_space<vmem>>, vector<16xf32>,
        tpu.vector_store %arg10[%swap3A_394, %swap3A_395], %mul3A_393 {strides = array<i32>} : memref<36x144xf32, #tpu.memory_space<vmem>>, vector<16xf32>,
        %mul3A_397 = vector.broadcast %select_n3A : f32 to vector<16xf32>
        %mul3A_398 = arith.mulf %get3A_324, %mul3A_397 : vector<16xf32>
        %swap3A_399 = arith.index_cast %scan3A_316 : i32 to index
        %swap3A_400 = arith.constant 32 : index
        %swap3A_401 = tpu.vector_load %arg10[%swap3A_399, %swap3A_400] {strides = array<i32>} : memref<36x144xf32, #tpu.memory_space<vmem>>, vector<16xf32>,
        tpu.vector_store %arg10[%swap3A_399, %swap3A_400], %mul3A_398 {strides = array<i32>} : memref<36x144xf32, #tpu.memory_space<vmem>>, vector<16xf32>,
        %mul3A_402 = vector.broadcast %select_n3A : f32 to vector<16xf32>
        %mul3A_403 = arith.mulf %get3A_327, %mul3A_402 : vector<16xf32>
        %swap3A_404 = arith.index_cast %scan3A_316 : i32 to index
        %swap3A_405 = arith.constant 48 : index
        %swap3A_406 = tpu.vector_load %arg10[%swap3A_404, %swap3A_405] {strides = array<i32>} : memref<36x144xf32, #tpu.memory_space<vmem>>, vector<16xf32>,
        tpu.vector_store %arg10[%swap3A_404, %swap3A_405], %mul3A_403 {strides = array<i32>} : memref<36x144xf32, #tpu.memory_space<vmem>>, vector<16xf32>,
        %mul3A_407 = vector.broadcast %select_n3A : f32 to vector<16xf32>
        %mul3A_408 = arith.mulf %get3A_330, %mul3A_407 : vector<16xf32>
        %swap3A_409 = arith.index_cast %scan3A_316 : i32 to index
        %swap3A_410 = arith.constant 64 : index
        %swap3A_411 = tpu.vector_load %arg10[%swap3A_409, %swap3A_410] {strides = array<i32>} : memref<36x144xf32, #tpu.memory_space<vmem>>, vector<16xf32>,
        tpu.vector_store %arg10[%swap3A_409, %swap3A_410], %mul3A_408 {strides = array<i32>} : memref<36x144xf32, #tpu.memory_space<vmem>>, vector<16xf32>,
        %mul3A_412 = vector.broadcast %select_n3A : f32 to vector<16xf32>
        %mul3A_413 = arith.mulf %get3A_333, %mul3A_412 : vector<16xf32>
        %swap3A_414 = arith.index_cast %scan3A_316 : i32 to index
        %swap3A_415 = arith.constant 80 : index
        %swap3A_416 = tpu.vector_load %arg10[%swap3A_414, %swap3A_415] {strides = array<i32>} : memref<36x144xf32, #tpu.memory_space<vmem>>, vector<16xf32>,
        tpu.vector_store %arg10[%swap3A_414, %swap3A_415], %mul3A_413 {strides = array<i32>} : memref<36x144xf32, #tpu.memory_space<vmem>>, vector<16xf32>,
        %mul3A_417 = vector.broadcast %select_n3A : f32 to vector<16xf32>
        %mul3A_418 = arith.mulf %get3A_336, %mul3A_417 : vector<16xf32>
        %swap3A_419 = arith.index_cast %scan3A_316 : i32 to index
        %swap3A_420 = arith.constant 96 : index
        %swap3A_421 = tpu.vector_load %arg10[%swap3A_419, %swap3A_420] {strides = array<i32>} : memref<36x144xf32, #tpu.memory_space<vmem>>, vector<16xf32>,
        tpu.vector_store %arg10[%swap3A_419, %swap3A_420], %mul3A_418 {strides = array<i32>} : memref<36x144xf32, #tpu.memory_space<vmem>>, vector<16xf32>,
        %mul3A_422 = vector.broadcast %select_n3A : f32 to vector<16xf32>
        %mul3A_423 = arith.mulf %get3A_339, %mul3A_422 : vector<16xf32>
        %swap3A_424 = arith.index_cast %scan3A_316 : i32 to index
        %swap3A_425 = arith.constant 112 : index
        %swap3A_426 = tpu.vector_load %arg10[%swap3A_424, %swap3A_425] {strides = array<i32>} : memref<36x144xf32, #tpu.memory_space<vmem>>, vector<16xf32>,
        tpu.vector_store %arg10[%swap3A_424, %swap3A_425], %mul3A_423 {strides = array<i32>} : memref<36x144xf32, #tpu.memory_space<vmem>>, vector<16xf32>,
        %mul3A_427 = vector.broadcast %select_n3A : f32 to vector<16xf32>
        %mul3A_428 = arith.mulf %get3A_342, %mul3A_427 : vector<16xf32>
        %swap3A_429 = arith.index_cast %scan3A_316 : i32 to index
        %swap3A_430 = arith.constant 128 : index
        %swap3A_431 = tpu.vector_load %arg10[%swap3A_429, %swap3A_430] {strides = array<i32>} : memref<36x144xf32, #tpu.memory_space<vmem>>, vector<16xf32>,
        tpu.vector_store %arg10[%swap3A_429, %swap3A_430], %mul3A_428 {strides = array<i32>} : memref<36x144xf32, #tpu.memory_space<vmem>>, vector<16xf32>,
        %scan3A_432 = arith.constant 1 : i32
        %scan3A_433 = arith.addi %scan3A_316, %scan3A_432 : i32
        %get3A_434 = arith.index_cast %scan3A_433 : i32 to index
        %get3A_435 = arith.constant 0 : index
        %get3A_436 = tpu.vector_load %arg10[%get3A_434, %get3A_435] {strides = array<i32>} : memref<36x144xf32, #tpu.memory_space<vmem>>, vector<16xf32>,
        %get3A_437 = arith.index_cast %scan3A_433 : i32 to index
        %get3A_438 = arith.constant 16 : index
        %get3A_439 = tpu.vector_load %arg10[%get3A_437, %get3A_438] {strides = array<i32>} : memref<36x144xf32, #tpu.memory_space<vmem>>, vector<16xf32>,
        %get3A_440 = arith.index_cast %scan3A_433 : i32 to index
        %get3A_441 = arith.constant 32 : index
        %get3A_442 = tpu.vector_load %arg10[%get3A_440, %get3A_441] {strides = array<i32>} : memref<36x144xf32, #tpu.memory_space<vmem>>, vector<16xf32>,
        %get3A_443 = arith.index_cast %scan3A_433 : i32 to index
        %get3A_444 = arith.constant 48 : index
        %get3A_445 = tpu.vector_load %arg10[%get3A_443, %get3A_444] {strides = array<i32>} : memref<36x144xf32, #tpu.memory_space<vmem>>, vector<16xf32>,
        %get3A_446 = arith.index_cast %scan3A_433 : i32 to index
        %get3A_447 = arith.constant 64 : index
        %get3A_448 = tpu.vector_load %arg10[%get3A_446, %get3A_447] {strides = array<i32>} : memref<36x144xf32, #tpu.memory_space<vmem>>, vector<16xf32>,
        %get3A_449 = arith.index_cast %scan3A_433 : i32 to index
        %get3A_450 = arith.constant 80 : index
        %get3A_451 = tpu.vector_load %arg10[%get3A_449, %get3A_450] {strides = array<i32>} : memref<36x144xf32, #tpu.memory_space<vmem>>, vector<16xf32>,
        %get3A_452 = arith.index_cast %scan3A_433 : i32 to index
        %get3A_453 = arith.constant 96 : index
        %get3A_454 = tpu.vector_load %arg10[%get3A_452, %get3A_453] {strides = array<i32>} : memref<36x144xf32, #tpu.memory_space<vmem>>, vector<16xf32>,
        %get3A_455 = arith.index_cast %scan3A_433 : i32 to index
        %get3A_456 = arith.constant 112 : index
        %get3A_457 = tpu.vector_load %arg10[%get3A_455, %get3A_456] {strides = array<i32>} : memref<36x144xf32, #tpu.memory_space<vmem>>, vector<16xf32>,
        %get3A_458 = arith.index_cast %scan3A_433 : i32 to index
        %get3A_459 = arith.constant 128 : index
        %get3A_460 = tpu.vector_load %arg10[%get3A_458, %get3A_459] {strides = array<i32>} : memref<36x144xf32, #tpu.memory_space<vmem>>, vector<16xf32>,
        %get3A_461 = arith.index_cast %scan3A_433 : i32 to index
        %get3A_462 = arith.constant 0 : index
        %get3A_463 = tpu.vector_load %arg14[%get3A_461, %get3A_462] {strides = array<i32>} : memref<36x128xf32, #tpu.memory_space<vmem>>, vector<16xf32>,
        %mul3A_464 = arith.mulf %get3A_436, %get3A_463 : vector<16xf32>
        %get3A_465 = arith.index_cast %scan3A_433 : i32 to index
        %get3A_466 = arith.constant 16 : index
        %get3A_467 = tpu.vector_load %arg14[%get3A_465, %get3A_466] {strides = array<i32>} : memref<36x128xf32, #tpu.memory_space<vmem>>, vector<16xf32>,
        %mul3A_468 = arith.mulf %get3A_439, %get3A_467 : vector<16xf32>
        %add3A_469 = arith.addf %mul3A_464, %mul3A_468 : vector<16xf32>
        %get3A_470 = arith.index_cast %scan3A_433 : i32 to index
        %get3A_471 = arith.constant 32 : index
        %get3A_472 = tpu.vector_load %arg14[%get3A_470, %get3A_471] {strides = array<i32>} : memref<36x128xf32, #tpu.memory_space<vmem>>, vector<16xf32>,
        %mul3A_473 = arith.mulf %get3A_442, %get3A_472 : vector<16xf32>
        %add3A_474 = arith.addf %add3A_469, %mul3A_473 : vector<16xf32>
        %get3A_475 = arith.index_cast %scan3A_433 : i32 to index
        %get3A_476 = arith.constant 48 : index
        %get3A_477 = tpu.vector_load %arg14[%get3A_475, %get3A_476] {strides = array<i32>} : memref<36x128xf32, #tpu.memory_space<vmem>>, vector<16xf32>,
        %mul3A_478 = arith.mulf %get3A_445, %get3A_477 : vector<16xf32>
        %add3A_479 = arith.addf %add3A_474, %mul3A_478 : vector<16xf32>
        %get3A_480 = arith.index_cast %scan3A_433 : i32 to index
        %get3A_481 = arith.constant 64 : index
        %get3A_482 = tpu.vector_load %arg14[%get3A_480, %get3A_481] {strides = array<i32>} : memref<36x128xf32, #tpu.memory_space<vmem>>, vector<16xf32>,
        %mul3A_483 = arith.mulf %get3A_448, %get3A_482 : vector<16xf32>
        %add3A_484 = arith.addf %add3A_479, %mul3A_483 : vector<16xf32>
        %get3A_485 = arith.index_cast %scan3A_433 : i32 to index
        %get3A_486 = arith.constant 80 : index
        %get3A_487 = tpu.vector_load %arg14[%get3A_485, %get3A_486] {strides = array<i32>} : memref<36x128xf32, #tpu.memory_space<vmem>>, vector<16xf32>,
        %mul3A_488 = arith.mulf %get3A_451, %get3A_487 : vector<16xf32>
        %add3A_489 = arith.addf %add3A_484, %mul3A_488 : vector<16xf32>
        %get3A_490 = arith.index_cast %scan3A_433 : i32 to index
        %get3A_491 = arith.constant 96 : index
        %get3A_492 = tpu.vector_load %arg14[%get3A_490, %get3A_491] {strides = array<i32>} : memref<36x128xf32, #tpu.memory_space<vmem>>, vector<16xf32>,
        %mul3A_493 = arith.mulf %get3A_454, %get3A_492 : vector<16xf32>
        %add3A_494 = arith.addf %add3A_489, %mul3A_493 : vector<16xf32>
        %get3A_495 = arith.index_cast %scan3A_433 : i32 to index
        %get3A_496 = arith.constant 112 : index
        %get3A_497 = tpu.vector_load %arg14[%get3A_495, %get3A_496] {strides = array<i32>} : memref<36x128xf32, #tpu.memory_space<vmem>>, vector<16xf32>,
        %mul3A_498 = arith.mulf %get3A_457, %get3A_497 : vector<16xf32>
        %add3A_499 = arith.addf %add3A_494, %mul3A_498 : vector<16xf32>
        %reduce_sum3A_500 = arith.constant true
        %reduce_sum3A_501 = vector.broadcast %reduce_sum3A_500 : i1 to vector<16xi1>
        %reduce_sum3A_502 = tpu.scan <sum>, %add3A_499 masked %reduce_sum3A_501 : vector<16xf32>, vector<16xi1> -> vector<16xf32>
        %reduce_sum3A_503 = vector.extract %reduce_sum3A_502[15] : f32 from vector<16xf32>
        %slice3A_504 = vector.extract_strided_slice %get3A_460 {offsets = [0], sizes = [1], strides = [1]} : vector<16xf32> to vector<1xf32>
        %squeeze3A_505 = vector.extract %slice3A_504[0] : f32 from vector<1xf32>
        %mul3A_506 = arith.mulf %reduce_sum3A_503, %squeeze3A_505 : f32
        %lt3A_507 = arith.constant 1.000000e-01 : f32
        %lt3A_508 = arith.cmpf olt, %mul3A_506, %lt3A_507 : f32
        %jit3A_509 = arith.constant 9.99999997E-7 : f32
        %select_n3A_510 = arith.select %lt3A_508, %jit3A_509, %mul3A_506 : f32
        %mul3A_511 = vector.broadcast %select_n3A_510 : f32 to vector<16xf32>
        %mul3A_512 = arith.mulf %get3A_436, %mul3A_511 : vector<16xf32>
        %swap3A_513 = arith.index_cast %scan3A_433 : i32 to index
        %swap3A_514 = arith.constant 0 : index
        %swap3A_515 = tpu.vector_load %arg10[%swap3A_513, %swap3A_514] {strides = array<i32>} : memref<36x144xf32, #tpu.memory_space<vmem>>, vector<16xf32>,
        tpu.vector_store %arg10[%swap3A_513, %swap3A_514], %mul3A_512 {strides = array<i32>} : memref<36x144xf32, #tpu.memory_space<vmem>>, vector<16xf32>,
        %mul3A_516 = vector.broadcast %select_n3A_510 : f32 to vector<16xf32>
        %mul3A_517 = arith.mulf %get3A_439, %mul3A_516 : vector<16xf32>
        %swap3A_518 = arith.index_cast %scan3A_433 : i32 to index
        %swap3A_519 = arith.constant 16 : index
        %swap3A_520 = tpu.vector_load %arg10[%swap3A_518, %swap3A_519] {strides = array<i32>} : memref<36x144xf32, #tpu.memory_space<vmem>>, vector<16xf32>,
        tpu.vector_store %arg10[%swap3A_518, %swap3A_519], %mul3A_517 {strides = array<i32>} : memref<36x144xf32, #tpu.memory_space<vmem>>, vector<16xf32>,
        %mul3A_521 = vector.broadcast %select_n3A_510 : f32 to vector<16xf32>
        %mul3A_522 = arith.mulf %get3A_442, %mul3A_521 : vector<16xf32>
        %swap3A_523 = arith.index_cast %scan3A_433 : i32 to index
        %swap3A_524 = arith.constant 32 : index
        %swap3A_525 = tpu.vector_load %arg10[%swap3A_523, %swap3A_524] {strides = array<i32>} : memref<36x144xf32, #tpu.memory_space<vmem>>, vector<16xf32>,
        tpu.vector_store %arg10[%swap3A_523, %swap3A_524], %mul3A_522 {strides = array<i32>} : memref<36x144xf32, #tpu.memory_space<vmem>>, vector<16xf32>,
        %mul3A_526 = vector.broadcast %select_n3A_510 : f32 to vector<16xf32>
        %mul3A_527 = arith.mulf %get3A_445, %mul3A_526 : vector<16xf32>
        %swap3A_528 = arith.index_cast %scan3A_433 : i32 to index
        %swap3A_529 = arith.constant 48 : index
        %swap3A_530 = tpu.vector_load %arg10[%swap3A_528, %swap3A_529] {strides = array<i32>} : memref<36x144xf32, #tpu.memory_space<vmem>>, vector<16xf32>,
        tpu.vector_store %arg10[%swap3A_528, %swap3A_529], %mul3A_527 {strides = array<i32>} : memref<36x144xf32, #tpu.memory_space<vmem>>, vector<16xf32>,
        %mul3A_531 = vector.broadcast %select_n3A_510 : f32 to vector<16xf32>
        %mul3A_532 = arith.mulf %get3A_448, %mul3A_531 : vector<16xf32>
        %swap3A_533 = arith.index_cast %scan3A_433 : i32 to index
        %swap3A_534 = arith.constant 64 : index
        %swap3A_535 = tpu.vector_load %arg10[%swap3A_533, %swap3A_534] {strides = array<i32>} : memref<36x144xf32, #tpu.memory_space<vmem>>, vector<16xf32>,
        tpu.vector_store %arg10[%swap3A_533, %swap3A_534], %mul3A_532 {strides = array<i32>} : memref<36x144xf32, #tpu.memory_space<vmem>>, vector<16xf32>,
        %mul3A_536 = vector.broadcast %select_n3A_510 : f32 to vector<16xf32>
        %mul3A_537 = arith.mulf %get3A_451, %mul3A_536 : vector<16xf32>
        %swap3A_538 = arith.index_cast %scan3A_433 : i32 to index
        %swap3A_539 = arith.constant 80 : index
        %swap3A_540 = tpu.vector_load %arg10[%swap3A_538, %swap3A_539] {strides = array<i32>} : memref<36x144xf32, #tpu.memory_space<vmem>>, vector<16xf32>,
        tpu.vector_store %arg10[%swap3A_538, %swap3A_539], %mul3A_537 {strides = array<i32>} : memref<36x144xf32, #tpu.memory_space<vmem>>, vector<16xf32>,
        %mul3A_541 = vector.broadcast %select_n3A_510 : f32 to vector<16xf32>
        %mul3A_542 = arith.mulf %get3A_454, %mul3A_541 : vector<16xf32>
        %swap3A_543 = arith.index_cast %scan3A_433 : i32 to index
        %swap3A_544 = arith.constant 96 : index
        %swap3A_545 = tpu.vector_load %arg10[%swap3A_543, %swap3A_544] {strides = array<i32>} : memref<36x144xf32, #tpu.memory_space<vmem>>, vector<16xf32>,
        tpu.vector_store %arg10[%swap3A_543, %swap3A_544], %mul3A_542 {strides = array<i32>} : memref<36x144xf32, #tpu.memory_space<vmem>>, vector<16xf32>,
        %mul3A_546 = vector.broadcast %select_n3A_510 : f32 to vector<16xf32>
        %mul3A_547 = arith.mulf %get3A_457, %mul3A_546 : vector<16xf32>
        %swap3A_548 = arith.index_cast %scan3A_433 : i32 to index
        %swap3A_549 = arith.constant 112 : index
        %swap3A_550 = tpu.vector_load %arg10[%swap3A_548, %swap3A_549] {strides = array<i32>} : memref<36x144xf32, #tpu.memory_space<vmem>>, vector<16xf32>,
        tpu.vector_store %arg10[%swap3A_548, %swap3A_549], %mul3A_547 {strides = array<i32>} : memref<36x144xf32, #tpu.memory_space<vmem>>, vector<16xf32>,
        %mul3A_551 = vector.broadcast %select_n3A_510 : f32 to vector<16xf32>
        %mul3A_552 = arith.mulf %get3A_460, %mul3A_551 : vector<16xf32>
        %swap3A_553 = arith.index_cast %scan3A_433 : i32 to index
        %swap3A_554 = arith.constant 128 : index
        %swap3A_555 = tpu.vector_load %arg10[%swap3A_553, %swap3A_554] {strides = array<i32>} : memref<36x144xf32, #tpu.memory_space<vmem>>, vector<16xf32>,
        tpu.vector_store %arg10[%swap3A_553, %swap3A_554], %mul3A_552 {strides = array<i32>} : memref<36x144xf32, #tpu.memory_space<vmem>>, vector<16xf32>,
      }
      %scan3A_252 = arith.constant 36 : i32
      %rem3A_253 = arith.constant 8 : i32
      %rem3A_254 = arith.remsi %add3A_211, %rem3A_253 : i32
      %dma_start3A_255 = arith.constant 1 : i32
      %dma_start3A_256 = arith.constant 0 : i32
      %dma_start3A_257 = tpu.memref_slice %arg7[%rem3A_254, %dma_start3A_255, %dma_start3A_256] : memref<8x2x36xi32, #tpu.memory_space<vmem>> -> memref<1x1x36xi32, #tpu.memory_space<vmem>>
      %dma_start3A_258 = tpu.memref_squeeze %dma_start3A_257 : memref<1x1x36xi32, #tpu.memory_space<vmem>> -> memref<36xi32, #tpu.memory_space<vmem>>
      %dma_start3A_259 = arith.constant 0 : i32
      %dma_start3A_260 = arith.constant 0 : i32
      %dma_start3A_261 = tpu.memref_slice %arg16[%dma_start3A_259, %dma_start3A_260] : memref<10112x144xf32, #tpu.memory_space<vmem_shared>> -> memref<10112x144xf32, #tpu.memory_space<vmem_shared>>
      tpu.enqueue_indirect_dma source(%arg10 : memref<36x144xf32, #tpu.memory_space<vmem>>) target(%dma_start3A_261 : memref<10112x144xf32, #tpu.memory_space<vmem_shared>>) offsets(%dma_start3A_258 : memref<36xi32, #tpu.memory_space<vmem>>) semaphore(%arg23 : memref<!tpu.dma_semaphore, #tpu.memory_space<semaphore_mem>>) {add = true}
      %mul3A_262 = arith.constant 4 : i32
      %mul3A_263 = arith.muli %mul3A_262, %scan3A_103 : i32
      %add3A_264 = arith.constant 3 : i32
      %add3A_265 = arith.addi %mul3A_263, %add3A_264 : i32
      %rem3A_266 = arith.constant 8 : i32
      %rem3A_267 = arith.remsi %add3A_265, %rem3A_266 : i32
      %dma_wait3A_268 = arith.constant 0 : i32
      %dma_wait3A_269 = arith.constant 0 : i32
      %dma_wait3A_270 = tpu.memref_slice %arg7[%rem3A_267, %dma_wait3A_268, %dma_wait3A_269] : memref<8x2x36xi32, #tpu.memory_space<vmem>> -> memref<1x1x36xi32, #tpu.memory_space<vmem>>
      %dma_wait3A_271 = tpu.memref_squeeze %dma_wait3A_270 : memref<1x1x36xi32, #tpu.memory_space<vmem>> -> memref<36xi32, #tpu.memory_space<vmem>>
      %dma_wait3A_272 = arith.constant 0 : i32
      %dma_wait3A_273 = arith.constant 0 : i32
      %dma_wait3A_274 = tpu.memref_slice %arg3[%dma_wait3A_272, %dma_wait3A_273] : memref<10112x144xf32, #tpu.memory_space<hbm>> -> memref<10112x144xf32, #tpu.memory_space<hbm>>
      tpu.wait_indirect_dma semaphore(%arg20 : memref<!tpu.dma_semaphore, #tpu.memory_space<semaphore_mem>>) src(%dma_wait3A_274 : memref<10112x144xf32, #tpu.memory_space<hbm>>) dst(%arg11 : memref<36x144xf32, #tpu.memory_space<vmem>>)
      %dma_wait3A_275 = arith.constant 1 : i32
      %dma_wait3A_276 = arith.constant 0 : i32
      %dma_wait3A_277 = tpu.memref_slice %arg7[%rem3A_267, %dma_wait3A_275, %dma_wait3A_276] : memref<8x2x36xi32, #tpu.memory_space<vmem>> -> memref<1x1x36xi32, #tpu.memory_space<vmem>>
      %dma_wait3A_278 = tpu.memref_squeeze %dma_wait3A_277 : memref<1x1x36xi32, #tpu.memory_space<vmem>> -> memref<36xi32, #tpu.memory_space<vmem>>
      %dma_wait3A_279 = arith.constant 0 : i32
      %dma_wait3A_280 = arith.constant 0 : i32
      %dma_wait3A_281 = tpu.memref_slice %arg2[%dma_wait3A_279, %dma_wait3A_280] : memref<10112x128xf32, #tpu.memory_space<hbm>> -> memref<10112x128xf32, #tpu.memory_space<hbm>>
      tpu.wait_indirect_dma semaphore(%arg20 : memref<!tpu.dma_semaphore, #tpu.memory_space<semaphore_mem>>) src(%dma_wait3A_281 : memref<10112x128xf32, #tpu.memory_space<hbm>>) dst(%arg15 : memref<36x128xf32, #tpu.memory_space<vmem>>)
      %ge3A_282 = arith.constant 2 : i32
      %ge3A_283 = arith.cmpi sge, %add3A_265, %ge3A_282 : i32
      %convert_element_type3A_284 = arith.extui %ge3A_283 : i1 to i32
      %cond3A_285 = arith.constant 0 : i32
      %cond3A_286 = arith.cmpi ne, %convert_element_type3A_284, %cond3A_285 : i32
      scf.if %cond3A_286 {
        %sub3A = arith.constant 2 : i32
        %sub3A_316 = arith.subi %add3A_265, %sub3A : i32
        %rem3A_317 = arith.constant 8 : i32
        %rem3A_318 = arith.remsi %sub3A_316, %rem3A_317 : i32
        %dma_wait3A_319 = arith.constant 1 : i32
        %dma_wait3A_320 = arith.constant 0 : i32
        %dma_wait3A_321 = tpu.memref_slice %arg7[%rem3A_318, %dma_wait3A_319, %dma_wait3A_320] : memref<8x2x36xi32, #tpu.memory_space<vmem>> -> memref<1x1x36xi32, #tpu.memory_space<vmem>>
        %dma_wait3A_322 = tpu.memref_squeeze %dma_wait3A_321 : memref<1x1x36xi32, #tpu.memory_space<vmem>> -> memref<36xi32, #tpu.memory_space<vmem>>
        %dma_wait3A_323 = arith.constant 0 : i32
        %dma_wait3A_324 = arith.constant 0 : i32
        %dma_wait3A_325 = tpu.memref_slice %arg16[%dma_wait3A_323, %dma_wait3A_324] : memref<10112x144xf32, #tpu.memory_space<vmem_shared>> -> memref<10112x144xf32, #tpu.memory_space<vmem_shared>>
        tpu.wait_indirect_dma semaphore(%arg22 : memref<!tpu.dma_semaphore, #tpu.memory_space<semaphore_mem>>) src(%arg9 : memref<36x144xf32, #tpu.memory_space<vmem>>) dst(%dma_wait3A_325 : memref<10112x144xf32, #tpu.memory_space<vmem_shared>>)
      } else {
      }
      %add3A_287 = arith.constant 2 : i32
      %add3A_288 = arith.addi %add3A_265, %add3A_287 : i32
      %lt3A_289 = arith.constant 288 : i32
      %lt3A_290 = arith.cmpi slt, %add3A_288, %lt3A_289 : i32
      %convert_element_type3A_291 = arith.extui %lt3A_290 : i1 to i32
      %cond3A_292 = arith.constant 0 : i32
      %cond3A_293 = arith.cmpi ne, %convert_element_type3A_291, %cond3A_292 : i32
      scf.if %cond3A_293 {
        %add3A_316 = arith.constant 2 : i32
        %add3A_317 = arith.addi %add3A_265, %add3A_316 : i32
        %rem3A_318 = arith.constant 8 : i32
        %rem3A_319 = arith.remsi %add3A_317, %rem3A_318 : i32
        %dma_wait3A_320 = arith.constant 0 : i32
        %dma_wait3A_321 = arith.constant 0 : i32
        %dma_wait3A_322 = tpu.memref_slice %arg7[%rem3A_319, %dma_wait3A_320, %dma_wait3A_321] : memref<8x2x36xi32, #tpu.memory_space<vmem>> -> memref<1x2x36xi32, #tpu.memory_space<vmem>>
        %dma_wait3A_323 = tpu.memref_squeeze %dma_wait3A_322 : memref<1x2x36xi32, #tpu.memory_space<vmem>> -> memref<2x36xi32, #tpu.memory_space<vmem>>
        %dma_wait3A_324 = arith.constant 0 : i32
        %dma_wait3A_325 = arith.constant 0 : i32
        %dma_wait3A_326 = tpu.memref_slice %arg4[%add3A, %add3A_317, %dma_wait3A_324, %dma_wait3A_325] : memref<32x288x2x36xi32, #tpu.memory_space<hbm>> -> memref<1x1x2x36xi32, #tpu.memory_space<hbm>>
        %dma_wait3A_327 = tpu.memref_squeeze %dma_wait3A_326 : memref<1x1x2x36xi32, #tpu.memory_space<hbm>> -> memref<2x36xi32, #tpu.memory_space<hbm>>
        %dma_wait3A_328 = arith.constant 0 : i32
        %dma_wait3A_329 = arith.constant 0 : i32
        %dma_wait3A_330 = tpu.memref_slice %arg7[%rem3A_319, %dma_wait3A_328, %dma_wait3A_329] : memref<8x2x36xi32, #tpu.memory_space<vmem>> -> memref<1x2x36xi32, #tpu.memory_space<vmem>>
        %dma_wait3A_331 = tpu.memref_squeeze %dma_wait3A_330 : memref<1x2x36xi32, #tpu.memory_space<vmem>> -> memref<2x36xi32, #tpu.memory_space<vmem>>
        %dma_wait3A_332 = arith.constant 0 : i32
        %dma_wait3A_333 = arith.constant 0 : i32
        %dma_wait3A_334 = tpu.memref_slice %arg4[%add3A, %add3A_317, %dma_wait3A_332, %dma_wait3A_333] : memref<32x288x2x36xi32, #tpu.memory_space<hbm>> -> memref<1x1x2x36xi32, #tpu.memory_space<hbm>>
        %dma_wait3A_335 = tpu.memref_squeeze %dma_wait3A_334 : memref<1x1x2x36xi32, #tpu.memory_space<hbm>> -> memref<2x36xi32, #tpu.memory_space<hbm>>
        tpu.wait_dma2 semaphore(%arg26 : memref<!tpu.dma_semaphore, #tpu.memory_space<semaphore_mem>>) src(%dma_wait3A_335 : memref<2x36xi32, #tpu.memory_space<hbm>>) dst(%dma_wait3A_331 : memref<2x36xi32, #tpu.memory_space<vmem>>)
        %add3A_336 = arith.constant 2 : i32
        %add3A_337 = arith.addi %add3A_265, %add3A_336 : i32
        %rem3A_338 = arith.constant 8 : i32
        %rem3A_339 = arith.remsi %add3A_337, %rem3A_338 : i32
        %dma_start3A_340 = arith.constant 0 : i32
        %dma_start3A_341 = arith.constant 0 : i32
        %dma_start3A_342 = tpu.memref_slice %arg7[%rem3A_339, %dma_start3A_340, %dma_start3A_341] : memref<8x2x36xi32, #tpu.memory_space<vmem>> -> memref<1x1x36xi32, #tpu.memory_space<vmem>>
        %dma_start3A_343 = tpu.memref_squeeze %dma_start3A_342 : memref<1x1x36xi32, #tpu.memory_space<vmem>> -> memref<36xi32, #tpu.memory_space<vmem>>
        %dma_start3A_344 = arith.constant 0 : i32
        %dma_start3A_345 = arith.constant 0 : i32
        %dma_start3A_346 = tpu.memref_slice %arg3[%dma_start3A_344, %dma_start3A_345] : memref<10112x144xf32, #tpu.memory_space<hbm>> -> memref<10112x144xf32, #tpu.memory_space<hbm>>
        tpu.enqueue_indirect_dma source(%dma_start3A_346 : memref<10112x144xf32, #tpu.memory_space<hbm>>) target(%arg9 : memref<36x144xf32, #tpu.memory_space<vmem>>) offsets(%dma_start3A_343 : memref<36xi32, #tpu.memory_space<vmem>>) semaphore(%arg18 : memref<!tpu.dma_semaphore, #tpu.memory_space<semaphore_mem>>)
        %dma_start3A_347 = arith.constant 1 : i32
        %dma_start3A_348 = arith.constant 0 : i32
        %dma_start3A_349 = tpu.memref_slice %arg7[%rem3A_339, %dma_start3A_347, %dma_start3A_348] : memref<8x2x36xi32, #tpu.memory_space<vmem>> -> memref<1x1x36xi32, #tpu.memory_space<vmem>>
        %dma_start3A_350 = tpu.memref_squeeze %dma_start3A_349 : memref<1x1x36xi32, #tpu.memory_space<vmem>> -> memref<36xi32, #tpu.memory_space<vmem>>
        %dma_start3A_351 = arith.constant 0 : i32
        %dma_start3A_352 = arith.constant 0 : i32
        %dma_start3A_353 = tpu.memref_slice %arg2[%dma_start3A_351, %dma_start3A_352] : memref<10112x128xf32, #tpu.memory_space<hbm>> -> memref<10112x128xf32, #tpu.memory_space<hbm>>
        tpu.enqueue_indirect_dma source(%dma_start3A_353 : memref<10112x128xf32, #tpu.memory_space<hbm>>) target(%arg13 : memref<36x128xf32, #tpu.memory_space<vmem>>) offsets(%dma_start3A_350 : memref<36xi32, #tpu.memory_space<vmem>>) semaphore(%arg18 : memref<!tpu.dma_semaphore, #tpu.memory_space<semaphore_mem>>)
      } else {
      }
      %add3A_294 = arith.constant 4 : i32
      %add3A_295 = arith.addi %add3A_265, %add3A_294 : i32
      %lt3A_296 = arith.constant 288 : i32
      %lt3A_297 = arith.cmpi slt, %add3A_295, %lt3A_296 : i32
      %convert_element_type3A_298 = arith.extui %lt3A_297 : i1 to i32
      %cond3A_299 = arith.constant 0 : i32
      %cond3A_300 = arith.cmpi ne, %convert_element_type3A_298, %cond3A_299 : i32
      scf.if %cond3A_300 {
        %add3A_316 = arith.constant 4 : i32
        %add3A_317 = arith.addi %add3A_265, %add3A_316 : i32
        %rem3A_318 = arith.constant 8 : i32
        %rem3A_319 = arith.remsi %add3A_317, %rem3A_318 : i32
        %dma_start3A_320 = arith.constant 0 : i32
        %dma_start3A_321 = arith.constant 0 : i32
        %dma_start3A_322 = tpu.memref_slice %arg7[%rem3A_319, %dma_start3A_320, %dma_start3A_321] : memref<8x2x36xi32, #tpu.memory_space<vmem>> -> memref<1x2x36xi32, #tpu.memory_space<vmem>>
        %dma_start3A_323 = tpu.memref_squeeze %dma_start3A_322 : memref<1x2x36xi32, #tpu.memory_space<vmem>> -> memref<2x36xi32, #tpu.memory_space<vmem>>
        %dma_start3A_324 = arith.constant 0 : i32
        %dma_start3A_325 = arith.constant 0 : i32
        %dma_start3A_326 = tpu.memref_slice %arg4[%add3A, %add3A_317, %dma_start3A_324, %dma_start3A_325] : memref<32x288x2x36xi32, #tpu.memory_space<hbm>> -> memref<1x1x2x36xi32, #tpu.memory_space<hbm>>
        %dma_start3A_327 = tpu.memref_squeeze %dma_start3A_326 : memref<1x1x2x36xi32, #tpu.memory_space<hbm>> -> memref<2x36xi32, #tpu.memory_space<hbm>>
        %dma_start3A_328 = arith.constant 0 : i32
        %dma_start3A_329 = arith.constant 0 : i32
        %dma_start3A_330 = tpu.memref_slice %arg7[%rem3A_319, %dma_start3A_328, %dma_start3A_329] : memref<8x2x36xi32, #tpu.memory_space<vmem>> -> memref<1x2x36xi32, #tpu.memory_space<vmem>>
        %dma_start3A_331 = tpu.memref_squeeze %dma_start3A_330 : memref<1x2x36xi32, #tpu.memory_space<vmem>> -> memref<2x36xi32, #tpu.memory_space<vmem>>
        %dma_start3A_332 = arith.constant 0 : i32
        %dma_start3A_333 = arith.constant 0 : i32
        %dma_start3A_334 = tpu.memref_slice %arg4[%add3A, %add3A_317, %dma_start3A_332, %dma_start3A_333] : memref<32x288x2x36xi32, #tpu.memory_space<hbm>> -> memref<1x1x2x36xi32, #tpu.memory_space<hbm>>
        %dma_start3A_335 = tpu.memref_squeeze %dma_start3A_334 : memref<1x1x2x36xi32, #tpu.memory_space<hbm>> -> memref<2x36xi32, #tpu.memory_space<hbm>>
        tpu.enqueue_dma source(%dma_start3A_335 : memref<2x36xi32, #tpu.memory_space<hbm>>) target(%dma_start3A_331 : memref<2x36xi32, #tpu.memory_space<vmem>>) target_semaphore(%arg28 : memref<!tpu.dma_semaphore, #tpu.memory_space<semaphore_mem>>)
      } else {
      }
      %scan3A_301 = arith.constant 0 : i32
      %scan3A_302 = arith.constant 0 : i32
      %scan3A_303 = arith.constant 36 : i32
      %scan3A_304 = arith.addi %scan3A_302, %scan3A_303 : i32
      %scan3A_305 = arith.constant 2 : i32
      scf.for %scan3A_316 = %scan3A_302 to %scan3A_304 step %scan3A_305  : i32 {
        %get3A = arith.index_cast %scan3A_316 : i32 to index
        %get3A_317 = arith.constant 0 : index
        %get3A_318 = tpu.vector_load %arg11[%get3A, %get3A_317] {strides = array<i32>} : memref<36x144xf32, #tpu.memory_space<vmem>>, vector<16xf32>,
        %get3A_319 = arith.index_cast %scan3A_316 : i32 to index
        %get3A_320 = arith.constant 16 : index
        %get3A_321 = tpu.vector_load %arg11[%get3A_319, %get3A_320] {strides = array<i32>} : memref<36x144xf32, #tpu.memory_space<vmem>>, vector<16xf32>,
        %get3A_322 = arith.index_cast %scan3A_316 : i32 to index
        %get3A_323 = arith.constant 32 : index
        %get3A_324 = tpu.vector_load %arg11[%get3A_322, %get3A_323] {strides = array<i32>} : memref<36x144xf32, #tpu.memory_space<vmem>>, vector<16xf32>,
        %get3A_325 = arith.index_cast %scan3A_316 : i32 to index
        %get3A_326 = arith.constant 48 : index
        %get3A_327 = tpu.vector_load %arg11[%get3A_325, %get3A_326] {strides = array<i32>} : memref<36x144xf32, #tpu.memory_space<vmem>>, vector<16xf32>,
        %get3A_328 = arith.index_cast %scan3A_316 : i32 to index
        %get3A_329 = arith.constant 64 : index
        %get3A_330 = tpu.vector_load %arg11[%get3A_328, %get3A_329] {strides = array<i32>} : memref<36x144xf32, #tpu.memory_space<vmem>>, vector<16xf32>,
        %get3A_331 = arith.index_cast %scan3A_316 : i32 to index
        %get3A_332 = arith.constant 80 : index
        %get3A_333 = tpu.vector_load %arg11[%get3A_331, %get3A_332] {strides = array<i32>} : memref<36x144xf32, #tpu.memory_space<vmem>>, vector<16xf32>,
        %get3A_334 = arith.index_cast %scan3A_316 : i32 to index
        %get3A_335 = arith.constant 96 : index
        %get3A_336 = tpu.vector_load %arg11[%get3A_334, %get3A_335] {strides = array<i32>} : memref<36x144xf32, #tpu.memory_space<vmem>>, vector<16xf32>,
        %get3A_337 = arith.index_cast %scan3A_316 : i32 to index
        %get3A_338 = arith.constant 112 : index
        %get3A_339 = tpu.vector_load %arg11[%get3A_337, %get3A_338] {strides = array<i32>} : memref<36x144xf32, #tpu.memory_space<vmem>>, vector<16xf32>,
        %get3A_340 = arith.index_cast %scan3A_316 : i32 to index
        %get3A_341 = arith.constant 128 : index
        %get3A_342 = tpu.vector_load %arg11[%get3A_340, %get3A_341] {strides = array<i32>} : memref<36x144xf32, #tpu.memory_space<vmem>>, vector<16xf32>,
        %get3A_343 = arith.index_cast %scan3A_316 : i32 to index
        %get3A_344 = arith.constant 0 : index
        %get3A_345 = tpu.vector_load %arg15[%get3A_343, %get3A_344] {strides = array<i32>} : memref<36x128xf32, #tpu.memory_space<vmem>>, vector<16xf32>,
        %mul3A_346 = arith.mulf %get3A_318, %get3A_345 : vector<16xf32>
        %get3A_347 = arith.index_cast %scan3A_316 : i32 to index
        %get3A_348 = arith.constant 16 : index
        %get3A_349 = tpu.vector_load %arg15[%get3A_347, %get3A_348] {strides = array<i32>} : memref<36x128xf32, #tpu.memory_space<vmem>>, vector<16xf32>,
        %mul3A_350 = arith.mulf %get3A_321, %get3A_349 : vector<16xf32>
        %add3A_351 = arith.addf %mul3A_346, %mul3A_350 : vector<16xf32>
        %get3A_352 = arith.index_cast %scan3A_316 : i32 to index
        %get3A_353 = arith.constant 32 : index
        %get3A_354 = tpu.vector_load %arg15[%get3A_352, %get3A_353] {strides = array<i32>} : memref<36x128xf32, #tpu.memory_space<vmem>>, vector<16xf32>,
        %mul3A_355 = arith.mulf %get3A_324, %get3A_354 : vector<16xf32>
        %add3A_356 = arith.addf %add3A_351, %mul3A_355 : vector<16xf32>
        %get3A_357 = arith.index_cast %scan3A_316 : i32 to index
        %get3A_358 = arith.constant 48 : index
        %get3A_359 = tpu.vector_load %arg15[%get3A_357, %get3A_358] {strides = array<i32>} : memref<36x128xf32, #tpu.memory_space<vmem>>, vector<16xf32>,
        %mul3A_360 = arith.mulf %get3A_327, %get3A_359 : vector<16xf32>
        %add3A_361 = arith.addf %add3A_356, %mul3A_360 : vector<16xf32>
        %get3A_362 = arith.index_cast %scan3A_316 : i32 to index
        %get3A_363 = arith.constant 64 : index
        %get3A_364 = tpu.vector_load %arg15[%get3A_362, %get3A_363] {strides = array<i32>} : memref<36x128xf32, #tpu.memory_space<vmem>>, vector<16xf32>,
        %mul3A_365 = arith.mulf %get3A_330, %get3A_364 : vector<16xf32>
        %add3A_366 = arith.addf %add3A_361, %mul3A_365 : vector<16xf32>
        %get3A_367 = arith.index_cast %scan3A_316 : i32 to index
        %get3A_368 = arith.constant 80 : index
        %get3A_369 = tpu.vector_load %arg15[%get3A_367, %get3A_368] {strides = array<i32>} : memref<36x128xf32, #tpu.memory_space<vmem>>, vector<16xf32>,
        %mul3A_370 = arith.mulf %get3A_333, %get3A_369 : vector<16xf32>
        %add3A_371 = arith.addf %add3A_366, %mul3A_370 : vector<16xf32>
        %get3A_372 = arith.index_cast %scan3A_316 : i32 to index
        %get3A_373 = arith.constant 96 : index
        %get3A_374 = tpu.vector_load %arg15[%get3A_372, %get3A_373] {strides = array<i32>} : memref<36x128xf32, #tpu.memory_space<vmem>>, vector<16xf32>,
        %mul3A_375 = arith.mulf %get3A_336, %get3A_374 : vector<16xf32>
        %add3A_376 = arith.addf %add3A_371, %mul3A_375 : vector<16xf32>
        %get3A_377 = arith.index_cast %scan3A_316 : i32 to index
        %get3A_378 = arith.constant 112 : index
        %get3A_379 = tpu.vector_load %arg15[%get3A_377, %get3A_378] {strides = array<i32>} : memref<36x128xf32, #tpu.memory_space<vmem>>, vector<16xf32>,
        %mul3A_380 = arith.mulf %get3A_339, %get3A_379 : vector<16xf32>
        %add3A_381 = arith.addf %add3A_376, %mul3A_380 : vector<16xf32>
        %reduce_sum3A = arith.constant true
        %reduce_sum3A_382 = vector.broadcast %reduce_sum3A : i1 to vector<16xi1>
        %reduce_sum3A_383 = tpu.scan <sum>, %add3A_381 masked %reduce_sum3A_382 : vector<16xf32>, vector<16xi1> -> vector<16xf32>
        %reduce_sum3A_384 = vector.extract %reduce_sum3A_383[15] : f32 from vector<16xf32>
        %slice3A = vector.extract_strided_slice %get3A_342 {offsets = [0], sizes = [1], strides = [1]} : vector<16xf32> to vector<1xf32>
        %squeeze3A = vector.extract %slice3A[0] : f32 from vector<1xf32>
        %mul3A_385 = arith.mulf %reduce_sum3A_384, %squeeze3A : f32
        %lt3A_386 = arith.constant 1.000000e-01 : f32
        %lt3A_387 = arith.cmpf olt, %mul3A_385, %lt3A_386 : f32
        %jit3A = arith.constant 9.99999997E-7 : f32
        %select_n3A = arith.select %lt3A_387, %jit3A, %mul3A_385 : f32
        %mul3A_388 = vector.broadcast %select_n3A : f32 to vector<16xf32>
        %mul3A_389 = arith.mulf %get3A_318, %mul3A_388 : vector<16xf32>
        %swap3A = arith.index_cast %scan3A_316 : i32 to index
        %swap3A_390 = arith.constant 0 : index
        %swap3A_391 = tpu.vector_load %arg11[%swap3A, %swap3A_390] {strides = array<i32>} : memref<36x144xf32, #tpu.memory_space<vmem>>, vector<16xf32>,
        tpu.vector_store %arg11[%swap3A, %swap3A_390], %mul3A_389 {strides = array<i32>} : memref<36x144xf32, #tpu.memory_space<vmem>>, vector<16xf32>,
        %mul3A_392 = vector.broadcast %select_n3A : f32 to vector<16xf32>
        %mul3A_393 = arith.mulf %get3A_321, %mul3A_392 : vector<16xf32>
        %swap3A_394 = arith.index_cast %scan3A_316 : i32 to index
        %swap3A_395 = arith.constant 16 : index
        %swap3A_396 = tpu.vector_load %arg11[%swap3A_394, %swap3A_395] {strides = array<i32>} : memref<36x144xf32, #tpu.memory_space<vmem>>, vector<16xf32>,
        tpu.vector_store %arg11[%swap3A_394, %swap3A_395], %mul3A_393 {strides = array<i32>} : memref<36x144xf32, #tpu.memory_space<vmem>>, vector<16xf32>,
        %mul3A_397 = vector.broadcast %select_n3A : f32 to vector<16xf32>
        %mul3A_398 = arith.mulf %get3A_324, %mul3A_397 : vector<16xf32>
        %swap3A_399 = arith.index_cast %scan3A_316 : i32 to index
        %swap3A_400 = arith.constant 32 : index
        %swap3A_401 = tpu.vector_load %arg11[%swap3A_399, %swap3A_400] {strides = array<i32>} : memref<36x144xf32, #tpu.memory_space<vmem>>, vector<16xf32>,
        tpu.vector_store %arg11[%swap3A_399, %swap3A_400], %mul3A_398 {strides = array<i32>} : memref<36x144xf32, #tpu.memory_space<vmem>>, vector<16xf32>,
        %mul3A_402 = vector.broadcast %select_n3A : f32 to vector<16xf32>
        %mul3A_403 = arith.mulf %get3A_327, %mul3A_402 : vector<16xf32>
        %swap3A_404 = arith.index_cast %scan3A_316 : i32 to index
        %swap3A_405 = arith.constant 48 : index
        %swap3A_406 = tpu.vector_load %arg11[%swap3A_404, %swap3A_405] {strides = array<i32>} : memref<36x144xf32, #tpu.memory_space<vmem>>, vector<16xf32>,
        tpu.vector_store %arg11[%swap3A_404, %swap3A_405], %mul3A_403 {strides = array<i32>} : memref<36x144xf32, #tpu.memory_space<vmem>>, vector<16xf32>,
        %mul3A_407 = vector.broadcast %select_n3A : f32 to vector<16xf32>
        %mul3A_408 = arith.mulf %get3A_330, %mul3A_407 : vector<16xf32>
        %swap3A_409 = arith.index_cast %scan3A_316 : i32 to index
        %swap3A_410 = arith.constant 64 : index
        %swap3A_411 = tpu.vector_load %arg11[%swap3A_409, %swap3A_410] {strides = array<i32>} : memref<36x144xf32, #tpu.memory_space<vmem>>, vector<16xf32>,
        tpu.vector_store %arg11[%swap3A_409, %swap3A_410], %mul3A_408 {strides = array<i32>} : memref<36x144xf32, #tpu.memory_space<vmem>>, vector<16xf32>,
        %mul3A_412 = vector.broadcast %select_n3A : f32 to vector<16xf32>
        %mul3A_413 = arith.mulf %get3A_333, %mul3A_412 : vector<16xf32>
        %swap3A_414 = arith.index_cast %scan3A_316 : i32 to index
        %swap3A_415 = arith.constant 80 : index
        %swap3A_416 = tpu.vector_load %arg11[%swap3A_414, %swap3A_415] {strides = array<i32>} : memref<36x144xf32, #tpu.memory_space<vmem>>, vector<16xf32>,
        tpu.vector_store %arg11[%swap3A_414, %swap3A_415], %mul3A_413 {strides = array<i32>} : memref<36x144xf32, #tpu.memory_space<vmem>>, vector<16xf32>,
        %mul3A_417 = vector.broadcast %select_n3A : f32 to vector<16xf32>
        %mul3A_418 = arith.mulf %get3A_336, %mul3A_417 : vector<16xf32>
        %swap3A_419 = arith.index_cast %scan3A_316 : i32 to index
        %swap3A_420 = arith.constant 96 : index
        %swap3A_421 = tpu.vector_load %arg11[%swap3A_419, %swap3A_420] {strides = array<i32>} : memref<36x144xf32, #tpu.memory_space<vmem>>, vector<16xf32>,
        tpu.vector_store %arg11[%swap3A_419, %swap3A_420], %mul3A_418 {strides = array<i32>} : memref<36x144xf32, #tpu.memory_space<vmem>>, vector<16xf32>,
        %mul3A_422 = vector.broadcast %select_n3A : f32 to vector<16xf32>
        %mul3A_423 = arith.mulf %get3A_339, %mul3A_422 : vector<16xf32>
        %swap3A_424 = arith.index_cast %scan3A_316 : i32 to index
        %swap3A_425 = arith.constant 112 : index
        %swap3A_426 = tpu.vector_load %arg11[%swap3A_424, %swap3A_425] {strides = array<i32>} : memref<36x144xf32, #tpu.memory_space<vmem>>, vector<16xf32>,
        tpu.vector_store %arg11[%swap3A_424, %swap3A_425], %mul3A_423 {strides = array<i32>} : memref<36x144xf32, #tpu.memory_space<vmem>>, vector<16xf32>,
        %mul3A_427 = vector.broadcast %select_n3A : f32 to vector<16xf32>
        %mul3A_428 = arith.mulf %get3A_342, %mul3A_427 : vector<16xf32>
        %swap3A_429 = arith.index_cast %scan3A_316 : i32 to index
        %swap3A_430 = arith.constant 128 : index
        %swap3A_431 = tpu.vector_load %arg11[%swap3A_429, %swap3A_430] {strides = array<i32>} : memref<36x144xf32, #tpu.memory_space<vmem>>, vector<16xf32>,
        tpu.vector_store %arg11[%swap3A_429, %swap3A_430], %mul3A_428 {strides = array<i32>} : memref<36x144xf32, #tpu.memory_space<vmem>>, vector<16xf32>,
        %scan3A_432 = arith.constant 1 : i32
        %scan3A_433 = arith.addi %scan3A_316, %scan3A_432 : i32
        %get3A_434 = arith.index_cast %scan3A_433 : i32 to index
        %get3A_435 = arith.constant 0 : index
        %get3A_436 = tpu.vector_load %arg11[%get3A_434, %get3A_435] {strides = array<i32>} : memref<36x144xf32, #tpu.memory_space<vmem>>, vector<16xf32>,
        %get3A_437 = arith.index_cast %scan3A_433 : i32 to index
        %get3A_438 = arith.constant 16 : index
        %get3A_439 = tpu.vector_load %arg11[%get3A_437, %get3A_438] {strides = array<i32>} : memref<36x144xf32, #tpu.memory_space<vmem>>, vector<16xf32>,
        %get3A_440 = arith.index_cast %scan3A_433 : i32 to index
        %get3A_441 = arith.constant 32 : index
        %get3A_442 = tpu.vector_load %arg11[%get3A_440, %get3A_441] {strides = array<i32>} : memref<36x144xf32, #tpu.memory_space<vmem>>, vector<16xf32>,
        %get3A_443 = arith.index_cast %scan3A_433 : i32 to index
        %get3A_444 = arith.constant 48 : index
        %get3A_445 = tpu.vector_load %arg11[%get3A_443, %get3A_444] {strides = array<i32>} : memref<36x144xf32, #tpu.memory_space<vmem>>, vector<16xf32>,
        %get3A_446 = arith.index_cast %scan3A_433 : i32 to index
        %get3A_447 = arith.constant 64 : index
        %get3A_448 = tpu.vector_load %arg11[%get3A_446, %get3A_447] {strides = array<i32>} : memref<36x144xf32, #tpu.memory_space<vmem>>, vector<16xf32>,
        %get3A_449 = arith.index_cast %scan3A_433 : i32 to index
        %get3A_450 = arith.constant 80 : index
        %get3A_451 = tpu.vector_load %arg11[%get3A_449, %get3A_450] {strides = array<i32>} : memref<36x144xf32, #tpu.memory_space<vmem>>, vector<16xf32>,
        %get3A_452 = arith.index_cast %scan3A_433 : i32 to index
        %get3A_453 = arith.constant 96 : index
        %get3A_454 = tpu.vector_load %arg11[%get3A_452, %get3A_453] {strides = array<i32>} : memref<36x144xf32, #tpu.memory_space<vmem>>, vector<16xf32>,
        %get3A_455 = arith.index_cast %scan3A_433 : i32 to index
        %get3A_456 = arith.constant 112 : index
        %get3A_457 = tpu.vector_load %arg11[%get3A_455, %get3A_456] {strides = array<i32>} : memref<36x144xf32, #tpu.memory_space<vmem>>, vector<16xf32>,
        %get3A_458 = arith.index_cast %scan3A_433 : i32 to index
        %get3A_459 = arith.constant 128 : index
        %get3A_460 = tpu.vector_load %arg11[%get3A_458, %get3A_459] {strides = array<i32>} : memref<36x144xf32, #tpu.memory_space<vmem>>, vector<16xf32>,
        %get3A_461 = arith.index_cast %scan3A_433 : i32 to index
        %get3A_462 = arith.constant 0 : index
        %get3A_463 = tpu.vector_load %arg15[%get3A_461, %get3A_462] {strides = array<i32>} : memref<36x128xf32, #tpu.memory_space<vmem>>, vector<16xf32>,
        %mul3A_464 = arith.mulf %get3A_436, %get3A_463 : vector<16xf32>
        %get3A_465 = arith.index_cast %scan3A_433 : i32 to index
        %get3A_466 = arith.constant 16 : index
        %get3A_467 = tpu.vector_load %arg15[%get3A_465, %get3A_466] {strides = array<i32>} : memref<36x128xf32, #tpu.memory_space<vmem>>, vector<16xf32>,
        %mul3A_468 = arith.mulf %get3A_439, %get3A_467 : vector<16xf32>
        %add3A_469 = arith.addf %mul3A_464, %mul3A_468 : vector<16xf32>
        %get3A_470 = arith.index_cast %scan3A_433 : i32 to index
        %get3A_471 = arith.constant 32 : index
        %get3A_472 = tpu.vector_load %arg15[%get3A_470, %get3A_471] {strides = array<i32>} : memref<36x128xf32, #tpu.memory_space<vmem>>, vector<16xf32>,
        %mul3A_473 = arith.mulf %get3A_442, %get3A_472 : vector<16xf32>
        %add3A_474 = arith.addf %add3A_469, %mul3A_473 : vector<16xf32>
        %get3A_475 = arith.index_cast %scan3A_433 : i32 to index
        %get3A_476 = arith.constant 48 : index
        %get3A_477 = tpu.vector_load %arg15[%get3A_475, %get3A_476] {strides = array<i32>} : memref<36x128xf32, #tpu.memory_space<vmem>>, vector<16xf32>,
        %mul3A_478 = arith.mulf %get3A_445, %get3A_477 : vector<16xf32>
        %add3A_479 = arith.addf %add3A_474, %mul3A_478 : vector<16xf32>
        %get3A_480 = arith.index_cast %scan3A_433 : i32 to index
        %get3A_481 = arith.constant 64 : index
        %get3A_482 = tpu.vector_load %arg15[%get3A_480, %get3A_481] {strides = array<i32>} : memref<36x128xf32, #tpu.memory_space<vmem>>, vector<16xf32>,
        %mul3A_483 = arith.mulf %get3A_448, %get3A_482 : vector<16xf32>
        %add3A_484 = arith.addf %add3A_479, %mul3A_483 : vector<16xf32>
        %get3A_485 = arith.index_cast %scan3A_433 : i32 to index
        %get3A_486 = arith.constant 80 : index
        %get3A_487 = tpu.vector_load %arg15[%get3A_485, %get3A_486] {strides = array<i32>} : memref<36x128xf32, #tpu.memory_space<vmem>>, vector<16xf32>,
        %mul3A_488 = arith.mulf %get3A_451, %get3A_487 : vector<16xf32>
        %add3A_489 = arith.addf %add3A_484, %mul3A_488 : vector<16xf32>
        %get3A_490 = arith.index_cast %scan3A_433 : i32 to index
        %get3A_491 = arith.constant 96 : index
        %get3A_492 = tpu.vector_load %arg15[%get3A_490, %get3A_491] {strides = array<i32>} : memref<36x128xf32, #tpu.memory_space<vmem>>, vector<16xf32>,
        %mul3A_493 = arith.mulf %get3A_454, %get3A_492 : vector<16xf32>
        %add3A_494 = arith.addf %add3A_489, %mul3A_493 : vector<16xf32>
        %get3A_495 = arith.index_cast %scan3A_433 : i32 to index
        %get3A_496 = arith.constant 112 : index
        %get3A_497 = tpu.vector_load %arg15[%get3A_495, %get3A_496] {strides = array<i32>} : memref<36x128xf32, #tpu.memory_space<vmem>>, vector<16xf32>,
        %mul3A_498 = arith.mulf %get3A_457, %get3A_497 : vector<16xf32>
        %add3A_499 = arith.addf %add3A_494, %mul3A_498 : vector<16xf32>
        %reduce_sum3A_500 = arith.constant true
        %reduce_sum3A_501 = vector.broadcast %reduce_sum3A_500 : i1 to vector<16xi1>
        %reduce_sum3A_502 = tpu.scan <sum>, %add3A_499 masked %reduce_sum3A_501 : vector<16xf32>, vector<16xi1> -> vector<16xf32>
        %reduce_sum3A_503 = vector.extract %reduce_sum3A_502[15] : f32 from vector<16xf32>
        %slice3A_504 = vector.extract_strided_slice %get3A_460 {offsets = [0], sizes = [1], strides = [1]} : vector<16xf32> to vector<1xf32>
        %squeeze3A_505 = vector.extract %slice3A_504[0] : f32 from vector<1xf32>
        %mul3A_506 = arith.mulf %reduce_sum3A_503, %squeeze3A_505 : f32
        %lt3A_507 = arith.constant 1.000000e-01 : f32
        %lt3A_508 = arith.cmpf olt, %mul3A_506, %lt3A_507 : f32
        %jit3A_509 = arith.constant 9.99999997E-7 : f32
        %select_n3A_510 = arith.select %lt3A_508, %jit3A_509, %mul3A_506 : f32
        %mul3A_511 = vector.broadcast %select_n3A_510 : f32 to vector<16xf32>
        %mul3A_512 = arith.mulf %get3A_436, %mul3A_511 : vector<16xf32>
        %swap3A_513 = arith.index_cast %scan3A_433 : i32 to index
        %swap3A_514 = arith.constant 0 : index
        %swap3A_515 = tpu.vector_load %arg11[%swap3A_513, %swap3A_514] {strides = array<i32>} : memref<36x144xf32, #tpu.memory_space<vmem>>, vector<16xf32>,
        tpu.vector_store %arg11[%swap3A_513, %swap3A_514], %mul3A_512 {strides = array<i32>} : memref<36x144xf32, #tpu.memory_space<vmem>>, vector<16xf32>,
        %mul3A_516 = vector.broadcast %select_n3A_510 : f32 to vector<16xf32>
        %mul3A_517 = arith.mulf %get3A_439, %mul3A_516 : vector<16xf32>
        %swap3A_518 = arith.index_cast %scan3A_433 : i32 to index
        %swap3A_519 = arith.constant 16 : index
        %swap3A_520 = tpu.vector_load %arg11[%swap3A_518, %swap3A_519] {strides = array<i32>} : memref<36x144xf32, #tpu.memory_space<vmem>>, vector<16xf32>,
        tpu.vector_store %arg11[%swap3A_518, %swap3A_519], %mul3A_517 {strides = array<i32>} : memref<36x144xf32, #tpu.memory_space<vmem>>, vector<16xf32>,
        %mul3A_521 = vector.broadcast %select_n3A_510 : f32 to vector<16xf32>
        %mul3A_522 = arith.mulf %get3A_442, %mul3A_521 : vector<16xf32>
        %swap3A_523 = arith.index_cast %scan3A_433 : i32 to index
        %swap3A_524 = arith.constant 32 : index
        %swap3A_525 = tpu.vector_load %arg11[%swap3A_523, %swap3A_524] {strides = array<i32>} : memref<36x144xf32, #tpu.memory_space<vmem>>, vector<16xf32>,
        tpu.vector_store %arg11[%swap3A_523, %swap3A_524], %mul3A_522 {strides = array<i32>} : memref<36x144xf32, #tpu.memory_space<vmem>>, vector<16xf32>,
        %mul3A_526 = vector.broadcast %select_n3A_510 : f32 to vector<16xf32>
        %mul3A_527 = arith.mulf %get3A_445, %mul3A_526 : vector<16xf32>
        %swap3A_528 = arith.index_cast %scan3A_433 : i32 to index
        %swap3A_529 = arith.constant 48 : index
        %swap3A_530 = tpu.vector_load %arg11[%swap3A_528, %swap3A_529] {strides = array<i32>} : memref<36x144xf32, #tpu.memory_space<vmem>>, vector<16xf32>,
        tpu.vector_store %arg11[%swap3A_528, %swap3A_529], %mul3A_527 {strides = array<i32>} : memref<36x144xf32, #tpu.memory_space<vmem>>, vector<16xf32>,
        %mul3A_531 = vector.broadcast %select_n3A_510 : f32 to vector<16xf32>
        %mul3A_532 = arith.mulf %get3A_448, %mul3A_531 : vector<16xf32>
        %swap3A_533 = arith.index_cast %scan3A_433 : i32 to index
        %swap3A_534 = arith.constant 64 : index
        %swap3A_535 = tpu.vector_load %arg11[%swap3A_533, %swap3A_534] {strides = array<i32>} : memref<36x144xf32, #tpu.memory_space<vmem>>, vector<16xf32>,
        tpu.vector_store %arg11[%swap3A_533, %swap3A_534], %mul3A_532 {strides = array<i32>} : memref<36x144xf32, #tpu.memory_space<vmem>>, vector<16xf32>,
        %mul3A_536 = vector.broadcast %select_n3A_510 : f32 to vector<16xf32>
        %mul3A_537 = arith.mulf %get3A_451, %mul3A_536 : vector<16xf32>
        %swap3A_538 = arith.index_cast %scan3A_433 : i32 to index
        %swap3A_539 = arith.constant 80 : index
        %swap3A_540 = tpu.vector_load %arg11[%swap3A_538, %swap3A_539] {strides = array<i32>} : memref<36x144xf32, #tpu.memory_space<vmem>>, vector<16xf32>,
        tpu.vector_store %arg11[%swap3A_538, %swap3A_539], %mul3A_537 {strides = array<i32>} : memref<36x144xf32, #tpu.memory_space<vmem>>, vector<16xf32>,
        %mul3A_541 = vector.broadcast %select_n3A_510 : f32 to vector<16xf32>
        %mul3A_542 = arith.mulf %get3A_454, %mul3A_541 : vector<16xf32>
        %swap3A_543 = arith.index_cast %scan3A_433 : i32 to index
        %swap3A_544 = arith.constant 96 : index
        %swap3A_545 = tpu.vector_load %arg11[%swap3A_543, %swap3A_544] {strides = array<i32>} : memref<36x144xf32, #tpu.memory_space<vmem>>, vector<16xf32>,
        tpu.vector_store %arg11[%swap3A_543, %swap3A_544], %mul3A_542 {strides = array<i32>} : memref<36x144xf32, #tpu.memory_space<vmem>>, vector<16xf32>,
        %mul3A_546 = vector.broadcast %select_n3A_510 : f32 to vector<16xf32>
        %mul3A_547 = arith.mulf %get3A_457, %mul3A_546 : vector<16xf32>
        %swap3A_548 = arith.index_cast %scan3A_433 : i32 to index
        %swap3A_549 = arith.constant 112 : index
        %swap3A_550 = tpu.vector_load %arg11[%swap3A_548, %swap3A_549] {strides = array<i32>} : memref<36x144xf32, #tpu.memory_space<vmem>>, vector<16xf32>,
        tpu.vector_store %arg11[%swap3A_548, %swap3A_549], %mul3A_547 {strides = array<i32>} : memref<36x144xf32, #tpu.memory_space<vmem>>, vector<16xf32>,
        %mul3A_551 = vector.broadcast %select_n3A_510 : f32 to vector<16xf32>
        %mul3A_552 = arith.mulf %get3A_460, %mul3A_551 : vector<16xf32>
        %swap3A_553 = arith.index_cast %scan3A_433 : i32 to index
        %swap3A_554 = arith.constant 128 : index
        %swap3A_555 = tpu.vector_load %arg11[%swap3A_553, %swap3A_554] {strides = array<i32>} : memref<36x144xf32, #tpu.memory_space<vmem>>, vector<16xf32>,
        tpu.vector_store %arg11[%swap3A_553, %swap3A_554], %mul3A_552 {strides = array<i32>} : memref<36x144xf32, #tpu.memory_space<vmem>>, vector<16xf32>,
      }
      %scan3A_306 = arith.constant 36 : i32
      %rem3A_307 = arith.constant 8 : i32
      %rem3A_308 = arith.remsi %add3A_265, %rem3A_307 : i32
      %dma_start3A_309 = arith.constant 1 : i32
      %dma_start3A_310 = arith.constant 0 : i32
      %dma_start3A_311 = tpu.memref_slice %arg7[%rem3A_308, %dma_start3A_309, %dma_start3A_310] : memref<8x2x36xi32, #tpu.memory_space<vmem>> -> memref<1x1x36xi32, #tpu.memory_space<vmem>>
      %dma_start3A_312 = tpu.memref_squeeze %dma_start3A_311 : memref<1x1x36xi32, #tpu.memory_space<vmem>> -> memref<36xi32, #tpu.memory_space<vmem>>
      %dma_start3A_313 = arith.constant 0 : i32
      %dma_start3A_314 = arith.constant 0 : i32
      %dma_start3A_315 = tpu.memref_slice %arg16[%dma_start3A_313, %dma_start3A_314] : memref<10112x144xf32, #tpu.memory_space<vmem_shared>> -> memref<10112x144xf32, #tpu.memory_space<vmem_shared>>
      tpu.enqueue_indirect_dma source(%arg11 : memref<36x144xf32, #tpu.memory_space<vmem>>) target(%dma_start3A_315 : memref<10112x144xf32, #tpu.memory_space<vmem_shared>>) offsets(%dma_start3A_312 : memref<36xi32, #tpu.memory_space<vmem>>) semaphore(%arg24 : memref<!tpu.dma_semaphore, #tpu.memory_space<semaphore_mem>>) {add = true}
    }
    %scan3A_82 = arith.constant 72 : i32
    %rem3A_83 = arith.constant 286 : i32
    %rem3A_84 = arith.constant 8 : i32
    %rem3A_85 = arith.remsi %rem3A_83, %rem3A_84 : i32
    %dma_wait3A = arith.constant 1 : i32
    %dma_wait3A_86 = arith.constant 0 : i32
    %dma_wait3A_87 = tpu.memref_slice %arg7[%rem3A_85, %dma_wait3A, %dma_wait3A_86] : memref<8x2x36xi32, #tpu.memory_space<vmem>> -> memref<1x1x36xi32, #tpu.memory_space<vmem>>
    %dma_wait3A_88 = tpu.memref_squeeze %dma_wait3A_87 : memref<1x1x36xi32, #tpu.memory_space<vmem>> -> memref<36xi32, #tpu.memory_space<vmem>>
    %dma_wait3A_89 = arith.constant 0 : i32
    %dma_wait3A_90 = arith.constant 0 : i32
    %dma_wait3A_91 = tpu.memref_slice %arg16[%dma_wait3A_89, %dma_wait3A_90] : memref<10112x144xf32, #tpu.memory_space<vmem_shared>> -> memref<10112x144xf32, #tpu.memory_space<vmem_shared>>
    tpu.wait_indirect_dma semaphore(%arg23 : memref<!tpu.dma_semaphore, #tpu.memory_space<semaphore_mem>>) src(%arg10 : memref<36x144xf32, #tpu.memory_space<vmem>>) dst(%dma_wait3A_91 : memref<10112x144xf32, #tpu.memory_space<vmem_shared>>)
    %rem3A_92 = arith.constant 287 : i32
    %rem3A_93 = arith.constant 8 : i32
    %rem3A_94 = arith.remsi %rem3A_92, %rem3A_93 : i32
    %dma_wait3A_95 = arith.constant 1 : i32
    %dma_wait3A_96 = arith.constant 0 : i32
    %dma_wait3A_97 = tpu.memref_slice %arg7[%rem3A_94, %dma_wait3A_95, %dma_wait3A_96] : memref<8x2x36xi32, #tpu.memory_space<vmem>> -> memref<1x1x36xi32, #tpu.memory_space<vmem>>
    %dma_wait3A_98 = tpu.memref_squeeze %dma_wait3A_97 : memref<1x1x36xi32, #tpu.memory_space<vmem>> -> memref<36xi32, #tpu.memory_space<vmem>>
    %dma_wait3A_99 = arith.constant 0 : i32
    %dma_wait3A_100 = arith.constant 0 : i32
    %dma_wait3A_101 = tpu.memref_slice %arg16[%dma_wait3A_99, %dma_wait3A_100] : memref<10112x144xf32, #tpu.memory_space<vmem_shared>> -> memref<10112x144xf32, #tpu.memory_space<vmem_shared>>
    tpu.wait_indirect_dma semaphore(%arg24 : memref<!tpu.dma_semaphore, #tpu.memory_space<semaphore_mem>>) src(%arg11 : memref<36x144xf32, #tpu.memory_space<vmem>>) dst(%dma_wait3A_101 : memref<10112x144xf32, #tpu.memory_space<vmem_shared>>)
    %barrier3A_102 = arith.constant 0 : index
    tpu.barrier barrier_id(%barrier3A_102)
    "tpu.region"() ({
      %run_scoped3A_103 = tpu.sem_alloc : memref<!tpu.dma_semaphore, #tpu.memory_space<semaphore_mem>>
      %dma_start3A_104 = arith.constant 0 : i32
      %dma_start3A_105 = tpu.memref_slice %arg6[%arg0, %mul3A_2, %dma_start3A_104] : memref<2x10112x144xf32, #tpu.memory_space<hbm>> -> memref<1x632x144xf32, #tpu.memory_space<hbm>>
      %dma_start3A_106 = tpu.memref_squeeze %dma_start3A_105 : memref<1x632x144xf32, #tpu.memory_space<hbm>> -> memref<632x144xf32, #tpu.memory_space<hbm>>
      %dma_start3A_107 = arith.constant 0 : i32
      %dma_start3A_108 = tpu.memref_slice %arg16[%mul3A_2, %dma_start3A_107] : memref<10112x144xf32, #tpu.memory_space<vmem_shared>> -> memref<632x144xf32, #tpu.memory_space<vmem_shared>>
      tpu.enqueue_dma source(%dma_start3A_108 : memref<632x144xf32, #tpu.memory_space<vmem_shared>>) target(%dma_start3A_106 : memref<632x144xf32, #tpu.memory_space<hbm>>) target_semaphore(%run_scoped3A_103 : memref<!tpu.dma_semaphore, #tpu.memory_space<semaphore_mem>>)
      %dma_wait3A_109 = arith.constant 0 : i32
      %dma_wait3A_110 = tpu.memref_slice %arg6[%arg0, %mul3A_2, %dma_wait3A_109] : memref<2x10112x144xf32, #tpu.memory_space<hbm>> -> memref<1x632x144xf32, #tpu.memory_space<hbm>>
      %dma_wait3A_111 = tpu.memref_squeeze %dma_wait3A_110 : memref<1x632x144xf32, #tpu.memory_space<hbm>> -> memref<632x144xf32, #tpu.memory_space<hbm>>
      %dma_wait3A_112 = arith.constant 0 : i32
      %dma_wait3A_113 = tpu.memref_slice %arg16[%mul3A_2, %dma_wait3A_112] : memref<10112x144xf32, #tpu.memory_space<vmem_shared>> -> memref<632x144xf32, #tpu.memory_space<vmem_shared>>
      tpu.wait_dma2 semaphore(%run_scoped3A_103 : memref<!tpu.dma_semaphore, #tpu.memory_space<semaphore_mem>>) src(%dma_wait3A_113 : memref<632x144xf32, #tpu.memory_space<vmem_shared>>) dst(%dma_wait3A_111 : memref<632x144xf32, #tpu.memory_space<hbm>>)
      tpu.yield
    }) : () -> ()
    return
  }
}

#map = affine_map<(d0, d1) -> (0, 0)>
#map1 = affine_map<(d0, d1) -> (0, 0, 0, 0)>
#map2 = affine_map<(d0, d1) -> (0, 0, 0)>
module attributes {stable_mosaic.version = 14 : i64} {
  func.func @_sc_body(%arg0: i32, %arg1: i32, %arg2: memref<10112x128xf32, #tpu.memory_space<hbm>>, %arg3: memref<10112x144xf32, #tpu.memory_space<hbm>>, %arg4: memref<32x288x2x36xi32, #tpu.memory_space<hbm>>, %arg5: memref<632x144xf32, #tpu.memory_space<hbm>>, %arg6: memref<2x10112x144xf32, #tpu.memory_space<hbm>>, %arg7: memref<8x2x36xi32, #tpu.memory_space<vmem>>, %arg8: memref<36x144xf32, #tpu.memory_space<vmem>>, %arg9: memref<36x144xf32, #tpu.memory_space<vmem>>, %arg10: memref<36x144xf32, #tpu.memory_space<vmem>>, %arg11: memref<36x144xf32, #tpu.memory_space<vmem>>, %arg12: memref<36x128xf32, #tpu.memory_space<vmem>>, %arg13: memref<36x128xf32, #tpu.memory_space<vmem>>, %arg14: memref<36x128xf32, #tpu.memory_space<vmem>>, %arg15: memref<36x128xf32, #tpu.memory_space<vmem>>, %arg16: memref<10112x144xf32, #tpu.memory_space<vmem_shared>>, %arg17: memref<!tpu.dma_semaphore, #tpu.memory_space<semaphore_mem>>, %arg18: memref<!tpu.dma_semaphore, #tpu.memory_space<semaphore_mem>>, %arg19: memref<!tpu.dma_semaphore, #tpu.memory_space<semaphore_mem>>, %arg20: memref<!tpu.dma_semaphore, #tpu.memory_space<semaphore_mem>>, %arg21: memref<!tpu.dma_semaphore, #tpu.memory_space<semaphore_mem>>, %arg22: memref<!tpu.dma_semaphore, #tpu.memory_space<semaphore_mem>>, %arg23: memref<!tpu.dma_semaphore, #tpu.memory_space<semaphore_mem>>, %arg24: memref<!tpu.dma_semaphore, #tpu.memory_space<semaphore_mem>>, %arg25: memref<!tpu.dma_semaphore, #tpu.memory_space<semaphore_mem>>, %arg26: memref<!tpu.dma_semaphore, #tpu.memory_space<semaphore_mem>>, %arg27: memref<!tpu.dma_semaphore, #tpu.memory_space<semaphore_mem>>, %arg28: memref<!tpu.dma_semaphore, #tpu.memory_space<semaphore_mem>>) attributes {dimension_semantics = [#tpu.dimension_semantics<core_parallel>, #tpu.dimension_semantics<subcore_parallel>], iteration_bounds = array<i64: 2, 16>, scalar_prefetch = 0 : i64, scratch_operands = 22 : i64, tpu.core_type = #tpu.core_type<sc_vector_subcore>, window_params = [{transform_indices = #map}, {transform_indices = #map}, {transform_indices = #map1}, {transform_indices = #map}, {transform_indices = #map2}]} {
    %mul3A = arith.constant 16 : i32
    %mul3A_0 = arith.muli %arg0, %mul3A : i32
    %add3A = arith.addi %mul3A_0, %arg1 : i32
    %mul3A_1 = arith.constant 632 : i32
    %mul3A_2 = arith.muli %arg1, %mul3A_1 : i32
    "tpu.region"() ({
      %run_scoped3A_103 = tpu.sem_alloc : memref<!tpu.dma_semaphore, #tpu.memory_space<semaphore_mem>>
      %dma_start3A_104 = arith.constant 0 : i32
      %dma_start3A_105 = tpu.memref_slice %arg16[%mul3A_2, %dma_start3A_104] : memref<10112x144xf32, #tpu.memory_space<vmem_shared>> -> memref<632x144xf32, #tpu.memory_space<vmem_shared>>
      tpu.enqueue_dma source(%arg5 : memref<632x144xf32, #tpu.memory_space<hbm>>) target(%dma_start3A_105 : memref<632x144xf32, #tpu.memory_space<vmem_shared>>) target_semaphore(%run_scoped3A_103 : memref<!tpu.dma_semaphore, #tpu.memory_space<semaphore_mem>>)
      %dma_wait3A_106 = arith.constant 0 : i32
      %dma_wait3A_107 = tpu.memref_slice %arg16[%mul3A_2, %dma_wait3A_106] : memref<10112x144xf32, #tpu.memory_space<vmem_shared>> -> memref<632x144xf32, #tpu.memory_space<vmem_shared>>
      tpu.wait_dma2 semaphore(%run_scoped3A_103 : memref<!tpu.dma_semaphore, #tpu.memory_space<semaphore_mem>>) src(%arg5 : memref<632x144xf32, #tpu.memory_space<hbm>>) dst(%dma_wait3A_107 : memref<632x144xf32, #tpu.memory_space<vmem_shared>>)
      tpu.yield
    }) : () -> ()
    %barrier3A = arith.constant 0 : index
    tpu.barrier barrier_id(%barrier3A)
    %run_scoped3A = arith.constant 0 : i32
    %run_scoped3A_3 = arith.constant 0 : i32
    "tpu.region"() ({
      %run_scoped3A_103 = tpu.sem_alloc : memref<!tpu.dma_semaphore, #tpu.memory_space<semaphore_mem>>
      %dma_start3A_104 = arith.constant 0 : i32
      %dma_start3A_105 = arith.constant 0 : i32
      %dma_start3A_106 = tpu.memref_slice %arg7[%run_scoped3A_3, %dma_start3A_104, %dma_start3A_105] : memref<8x2x36xi32, #tpu.memory_space<vmem>> -> memref<1x2x36xi32, #tpu.memory_space<vmem>>
      %dma_start3A_107 = tpu.memref_squeeze %dma_start3A_106 : memref<1x2x36xi32, #tpu.memory_space<vmem>> -> memref<2x36xi32, #tpu.memory_space<vmem>>
      %dma_start3A_108 = arith.constant 0 : i32
      %dma_start3A_109 = arith.constant 0 : i32
      %dma_start3A_110 = tpu.memref_slice %arg4[%add3A, %run_scoped3A, %dma_start3A_108, %dma_start3A_109] : memref<32x288x2x36xi32, #tpu.memory_space<hbm>> -> memref<1x1x2x36xi32, #tpu.memory_space<hbm>>
      %dma_start3A_111 = tpu.memref_squeeze %dma_start3A_110 : memref<1x1x2x36xi32, #tpu.memory_space<hbm>> -> memref<2x36xi32, #tpu.memory_space<hbm>>
      %dma_start3A_112 = arith.constant 0 : i32
      %dma_start3A_113 = arith.constant 0 : i32
      %dma_start3A_114 = tpu.memref_slice %arg7[%run_scoped3A_3, %dma_start3A_112, %dma_start3A_113] : memref<8x2x36xi32, #tpu.memory_space<vmem>> -> memref<1x2x36xi32, #tpu.memory_space<vmem>>
      %dma_start3A_115 = tpu.memref_squeeze %dma_start3A_114 : memref<1x2x36xi32, #tpu.memory_space<vmem>> -> memref<2x36xi32, #tpu.memory_space<vmem>>
      %dma_start3A_116 = arith.constant 0 : i32
      %dma_start3A_117 = arith.constant 0 : i32
      %dma_start3A_118 = tpu.memref_slice %arg4[%add3A, %run_scoped3A, %dma_start3A_116, %dma_start3A_117] : memref<32x288x2x36xi32, #tpu.memory_space<hbm>> -> memref<1x1x2x36xi32, #tpu.memory_space<hbm>>
      %dma_start3A_119 = tpu.memref_squeeze %dma_start3A_118 : memref<1x1x2x36xi32, #tpu.memory_space<hbm>> -> memref<2x36xi32, #tpu.memory_space<hbm>>
      tpu.enqueue_dma source(%dma_start3A_119 : memref<2x36xi32, #tpu.memory_space<hbm>>) target(%dma_start3A_115 : memref<2x36xi32, #tpu.memory_space<vmem>>) target_semaphore(%run_scoped3A_103 : memref<!tpu.dma_semaphore, #tpu.memory_space<semaphore_mem>>)
      %dma_wait3A_120 = arith.constant 0 : i32
      %dma_wait3A_121 = arith.constant 0 : i32
      %dma_wait3A_122 = tpu.memref_slice %arg7[%run_scoped3A_3, %dma_wait3A_120, %dma_wait3A_121] : memref<8x2x36xi32, #tpu.memory_space<vmem>> -> memref<1x2x36xi32, #tpu.memory_space<vmem>>
      %dma_wait3A_123 = tpu.memref_squeeze %dma_wait3A_122 : memref<1x2x36xi32, #tpu.memory_space<vmem>> -> memref<2x36xi32, #tpu.memory_space<vmem>>
      %dma_wait3A_124 = arith.constant 0 : i32
      %dma_wait3A_125 = arith.constant 0 : i32
      %dma_wait3A_126 = tpu.memref_slice %arg4[%add3A, %run_scoped3A, %dma_wait3A_124, %dma_wait3A_125] : memref<32x288x2x36xi32, #tpu.memory_space<hbm>> -> memref<1x1x2x36xi32, #tpu.memory_space<hbm>>
      %dma_wait3A_127 = tpu.memref_squeeze %dma_wait3A_126 : memref<1x1x2x36xi32, #tpu.memory_space<hbm>> -> memref<2x36xi32, #tpu.memory_space<hbm>>
      %dma_wait3A_128 = arith.constant 0 : i32
      %dma_wait3A_129 = arith.constant 0 : i32
      %dma_wait3A_130 = tpu.memref_slice %arg7[%run_scoped3A_3, %dma_wait3A_128, %dma_wait3A_129] : memref<8x2x36xi32, #tpu.memory_space<vmem>> -> memref<1x2x36xi32, #tpu.memory_space<vmem>>
      %dma_wait3A_131 = tpu.memref_squeeze %dma_wait3A_130 : memref<1x2x36xi32, #tpu.memory_space<vmem>> -> memref<2x36xi32, #tpu.memory_space<vmem>>
      %dma_wait3A_132 = arith.constant 0 : i32
      %dma_wait3A_133 = arith.constant 0 : i32
      %dma_wait3A_134 = tpu.memref_slice %arg4[%add3A, %run_scoped3A, %dma_wait3A_132, %dma_wait3A_133] : memref<32x288x2x36xi32, #tpu.memory_space<hbm>> -> memref<1x1x2x36xi32, #tpu.memory_space<hbm>>
      %dma_wait3A_135 = tpu.memref_squeeze %dma_wait3A_134 : memref<1x1x2x36xi32, #tpu.memory_space<hbm>> -> memref<2x36xi32, #tpu.memory_space<hbm>>
      tpu.wait_dma2 semaphore(%run_scoped3A_103 : memref<!tpu.dma_semaphore, #tpu.memory_space<semaphore_mem>>) src(%dma_wait3A_135 : memref<2x36xi32, #tpu.memory_space<hbm>>) dst(%dma_wait3A_131 : memref<2x36xi32, #tpu.memory_space<vmem>>)
      tpu.yield
    }) : () -> ()
    %run_scoped3A_4 = arith.constant 1 : i32
    %run_scoped3A_5 = arith.constant 1 : i32
    "tpu.region"() ({
      %run_scoped3A_103 = tpu.sem_alloc : memref<!tpu.dma_semaphore, #tpu.memory_space<semaphore_mem>>
      %dma_start3A_104 = arith.constant 0 : i32
      %dma_start3A_105 = arith.constant 0 : i32
      %dma_start3A_106 = tpu.memref_slice %arg7[%run_scoped3A_5, %dma_start3A_104, %dma_start3A_105] : memref<8x2x36xi32, #tpu.memory_space<vmem>> -> memref<1x2x36xi32, #tpu.memory_space<vmem>>
      %dma_start3A_107 = tpu.memref_squeeze %dma_start3A_106 : memref<1x2x36xi32, #tpu.memory_space<vmem>> -> memref<2x36xi32, #tpu.memory_space<vmem>>
      %dma_start3A_108 = arith.constant 0 : i32
      %dma_start3A_109 = arith.constant 0 : i32
      %dma_start3A_110 = tpu.memref_slice %arg4[%add3A, %run_scoped3A_4, %dma_start3A_108, %dma_start3A_109] : memref<32x288x2x36xi32, #tpu.memory_space<hbm>> -> memref<1x1x2x36xi32, #tpu.memory_space<hbm>>
      %dma_start3A_111 = tpu.memref_squeeze %dma_start3A_110 : memref<1x1x2x36xi32, #tpu.memory_space<hbm>> -> memref<2x36xi32, #tpu.memory_space<hbm>>
      %dma_start3A_112 = arith.constant 0 : i32
      %dma_start3A_113 = arith.constant 0 : i32
      %dma_start3A_114 = tpu.memref_slice %arg7[%run_scoped3A_5, %dma_start3A_112, %dma_start3A_113] : memref<8x2x36xi32, #tpu.memory_space<vmem>> -> memref<1x2x36xi32, #tpu.memory_space<vmem>>
      %dma_start3A_115 = tpu.memref_squeeze %dma_start3A_114 : memref<1x2x36xi32, #tpu.memory_space<vmem>> -> memref<2x36xi32, #tpu.memory_space<vmem>>
      %dma_start3A_116 = arith.constant 0 : i32
      %dma_start3A_117 = arith.constant 0 : i32
      %dma_start3A_118 = tpu.memref_slice %arg4[%add3A, %run_scoped3A_4, %dma_start3A_116, %dma_start3A_117] : memref<32x288x2x36xi32, #tpu.memory_space<hbm>> -> memref<1x1x2x36xi32, #tpu.memory_space<hbm>>
      %dma_start3A_119 = tpu.memref_squeeze %dma_start3A_118 : memref<1x1x2x36xi32, #tpu.memory_space<hbm>> -> memref<2x36xi32, #tpu.memory_space<hbm>>
      tpu.enqueue_dma source(%dma_start3A_119 : memref<2x36xi32, #tpu.memory_space<hbm>>) target(%dma_start3A_115 : memref<2x36xi32, #tpu.memory_space<vmem>>) target_semaphore(%run_scoped3A_103 : memref<!tpu.dma_semaphore, #tpu.memory_space<semaphore_mem>>)
      %dma_wait3A_120 = arith.constant 0 : i32
      %dma_wait3A_121 = arith.constant 0 : i32
      %dma_wait3A_122 = tpu.memref_slice %arg7[%run_scoped3A_5, %dma_wait3A_120, %dma_wait3A_121] : memref<8x2x36xi32, #tpu.memory_space<vmem>> -> memref<1x2x36xi32, #tpu.memory_space<vmem>>
      %dma_wait3A_123 = tpu.memref_squeeze %dma_wait3A_122 : memref<1x2x36xi32, #tpu.memory_space<vmem>> -> memref<2x36xi32, #tpu.memory_space<vmem>>
      %dma_wait3A_124 = arith.constant 0 : i32
      %dma_wait3A_125 = arith.constant 0 : i32
      %dma_wait3A_126 = tpu.memref_slice %arg4[%add3A, %run_scoped3A_4, %dma_wait3A_124, %dma_wait3A_125] : memref<32x288x2x36xi32, #tpu.memory_space<hbm>> -> memref<1x1x2x36xi32, #tpu.memory_space<hbm>>
      %dma_wait3A_127 = tpu.memref_squeeze %dma_wait3A_126 : memref<1x1x2x36xi32, #tpu.memory_space<hbm>> -> memref<2x36xi32, #tpu.memory_space<hbm>>
      %dma_wait3A_128 = arith.constant 0 : i32
      %dma_wait3A_129 = arith.constant 0 : i32
      %dma_wait3A_130 = tpu.memref_slice %arg7[%run_scoped3A_5, %dma_wait3A_128, %dma_wait3A_129] : memref<8x2x36xi32, #tpu.memory_space<vmem>> -> memref<1x2x36xi32, #tpu.memory_space<vmem>>
      %dma_wait3A_131 = tpu.memref_squeeze %dma_wait3A_130 : memref<1x2x36xi32, #tpu.memory_space<vmem>> -> memref<2x36xi32, #tpu.memory_space<vmem>>
      %dma_wait3A_132 = arith.constant 0 : i32
      %dma_wait3A_133 = arith.constant 0 : i32
      %dma_wait3A_134 = tpu.memref_slice %arg4[%add3A, %run_scoped3A_4, %dma_wait3A_132, %dma_wait3A_133] : memref<32x288x2x36xi32, #tpu.memory_space<hbm>> -> memref<1x1x2x36xi32, #tpu.memory_space<hbm>>
      %dma_wait3A_135 = tpu.memref_squeeze %dma_wait3A_134 : memref<1x1x2x36xi32, #tpu.memory_space<hbm>> -> memref<2x36xi32, #tpu.memory_space<hbm>>
      tpu.wait_dma2 semaphore(%run_scoped3A_103 : memref<!tpu.dma_semaphore, #tpu.memory_space<semaphore_mem>>) src(%dma_wait3A_135 : memref<2x36xi32, #tpu.memory_space<hbm>>) dst(%dma_wait3A_131 : memref<2x36xi32, #tpu.memory_space<vmem>>)
      tpu.yield
    }) : () -> ()
    %rem3A = arith.constant 2 : i32
    %rem3A_6 = arith.constant 8 : i32
    %rem3A_7 = arith.remsi %rem3A, %rem3A_6 : i32
    %dma_start3A = arith.constant 2 : i32
    %dma_start3A_8 = arith.constant 0 : i32
    %dma_start3A_9 = arith.constant 0 : i32
    %dma_start3A_10 = tpu.memref_slice %arg7[%rem3A_7, %dma_start3A_8, %dma_start3A_9] : memref<8x2x36xi32, #tpu.memory_space<vmem>> -> memref<1x2x36xi32, #tpu.memory_space<vmem>>
    %dma_start3A_11 = tpu.memref_squeeze %dma_start3A_10 : memref<1x2x36xi32, #tpu.memory_space<vmem>> -> memref<2x36xi32, #tpu.memory_space<vmem>>
    %dma_start3A_12 = arith.constant 0 : i32
    %dma_start3A_13 = arith.constant 0 : i32
    %dma_start3A_14 = tpu.memref_slice %arg4[%add3A, %dma_start3A, %dma_start3A_12, %dma_start3A_13] : memref<32x288x2x36xi32, #tpu.memory_space<hbm>> -> memref<1x1x2x36xi32, #tpu.memory_space<hbm>>
    %dma_start3A_15 = tpu.memref_squeeze %dma_start3A_14 : memref<1x1x2x36xi32, #tpu.memory_space<hbm>> -> memref<2x36xi32, #tpu.memory_space<hbm>>
    %dma_start3A_16 = arith.constant 0 : i32
    %dma_start3A_17 = arith.constant 0 : i32
    %dma_start3A_18 = tpu.memref_slice %arg7[%rem3A_7, %dma_start3A_16, %dma_start3A_17] : memref<8x2x36xi32, #tpu.memory_space<vmem>> -> memref<1x2x36xi32, #tpu.memory_space<vmem>>
    %dma_start3A_19 = tpu.memref_squeeze %dma_start3A_18 : memref<1x2x36xi32, #tpu.memory_space<vmem>> -> memref<2x36xi32, #tpu.memory_space<vmem>>
    %dma_start3A_20 = arith.constant 0 : i32
    %dma_start3A_21 = arith.constant 0 : i32
    %dma_start3A_22 = tpu.memref_slice %arg4[%add3A, %dma_start3A, %dma_start3A_20, %dma_start3A_21] : memref<32x288x2x36xi32, #tpu.memory_space<hbm>> -> memref<1x1x2x36xi32, #tpu.memory_space<hbm>>
    %dma_start3A_23 = tpu.memref_squeeze %dma_start3A_22 : memref<1x1x2x36xi32, #tpu.memory_space<hbm>> -> memref<2x36xi32, #tpu.memory_space<hbm>>
    tpu.enqueue_dma source(%dma_start3A_23 : memref<2x36xi32, #tpu.memory_space<hbm>>) target(%dma_start3A_19 : memref<2x36xi32, #tpu.memory_space<vmem>>) target_semaphore(%arg27 : memref<!tpu.dma_semaphore, #tpu.memory_space<semaphore_mem>>)
    %rem3A_24 = arith.constant 3 : i32
    %rem3A_25 = arith.constant 8 : i32
    %rem3A_26 = arith.remsi %rem3A_24, %rem3A_25 : i32
    %dma_start3A_27 = arith.constant 3 : i32
    %dma_start3A_28 = arith.constant 0 : i32
    %dma_start3A_29 = arith.constant 0 : i32
    %dma_start3A_30 = tpu.memref_slice %arg7[%rem3A_26, %dma_start3A_28, %dma_start3A_29] : memref<8x2x36xi32, #tpu.memory_space<vmem>> -> memref<1x2x36xi32, #tpu.memory_space<vmem>>
    %dma_start3A_31 = tpu.memref_squeeze %dma_start3A_30 : memref<1x2x36xi32, #tpu.memory_space<vmem>> -> memref<2x36xi32, #tpu.memory_space<vmem>>
    %dma_start3A_32 = arith.constant 0 : i32
    %dma_start3A_33 = arith.constant 0 : i32
    %dma_start3A_34 = tpu.memref_slice %arg4[%add3A, %dma_start3A_27, %dma_start3A_32, %dma_start3A_33] : memref<32x288x2x36xi32, #tpu.memory_space<hbm>> -> memref<1x1x2x36xi32, #tpu.memory_space<hbm>>
    %dma_start3A_35 = tpu.memref_squeeze %dma_start3A_34 : memref<1x1x2x36xi32, #tpu.memory_space<hbm>> -> memref<2x36xi32, #tpu.memory_space<hbm>>
    %dma_start3A_36 = arith.constant 0 : i32
    %dma_start3A_37 = arith.constant 0 : i32
    %dma_start3A_38 = tpu.memref_slice %arg7[%rem3A_26, %dma_start3A_36, %dma_start3A_37] : memref<8x2x36xi32, #tpu.memory_space<vmem>> -> memref<1x2x36xi32, #tpu.memory_space<vmem>>
    %dma_start3A_39 = tpu.memref_squeeze %dma_start3A_38 : memref<1x2x36xi32, #tpu.memory_space<vmem>> -> memref<2x36xi32, #tpu.memory_space<vmem>>
    %dma_start3A_40 = arith.constant 0 : i32
    %dma_start3A_41 = arith.constant 0 : i32
    %dma_start3A_42 = tpu.memref_slice %arg4[%add3A, %dma_start3A_27, %dma_start3A_40, %dma_start3A_41] : memref<32x288x2x36xi32, #tpu.memory_space<hbm>> -> memref<1x1x2x36xi32, #tpu.memory_space<hbm>>
    %dma_start3A_43 = tpu.memref_squeeze %dma_start3A_42 : memref<1x1x2x36xi32, #tpu.memory_space<hbm>> -> memref<2x36xi32, #tpu.memory_space<hbm>>
    tpu.enqueue_dma source(%dma_start3A_43 : memref<2x36xi32, #tpu.memory_space<hbm>>) target(%dma_start3A_39 : memref<2x36xi32, #tpu.memory_space<vmem>>) target_semaphore(%arg28 : memref<!tpu.dma_semaphore, #tpu.memory_space<semaphore_mem>>)
    %rem3A_44 = arith.constant 0 : i32
    %rem3A_45 = arith.constant 8 : i32
    %rem3A_46 = arith.remsi %rem3A_44, %rem3A_45 : i32
    %dma_start3A_47 = arith.constant 0 : i32
    %dma_start3A_48 = arith.constant 0 : i32
    %dma_start3A_49 = tpu.memref_slice %arg7[%rem3A_46, %dma_start3A_47, %dma_start3A_48] : memref<8x2x36xi32, #tpu.memory_space<vmem>> -> memref<1x1x36xi32, #tpu.memory_space<vmem>>
    %dma_start3A_50 = tpu.memref_squeeze %dma_start3A_49 : memref<1x1x36xi32, #tpu.memory_space<vmem>> -> memref<36xi32, #tpu.memory_space<vmem>>
    %dma_start3A_51 = arith.constant 0 : i32
    %dma_start3A_52 = arith.constant 0 : i32
    %dma_start3A_53 = tpu.memref_slice %arg3[%dma_start3A_51, %dma_start3A_52] : memref<10112x144xf32, #tpu.memory_space<hbm>> -> memref<10112x144xf32, #tpu.memory_space<hbm>>
    tpu.enqueue_indirect_dma source(%dma_start3A_53 : memref<10112x144xf32, #tpu.memory_space<hbm>>) target(%arg8 : memref<36x144xf32, #tpu.memory_space<vmem>>) offsets(%dma_start3A_50 : memref<36xi32, #tpu.memory_space<vmem>>) semaphore(%arg17 : memref<!tpu.dma_semaphore, #tpu.memory_space<semaphore_mem>>)
    %dma_start3A_54 = arith.constant 1 : i32
    %dma_start3A_55 = arith.constant 0 : i32
    %dma_start3A_56 = tpu.memref_slice %arg7[%rem3A_46, %dma_start3A_54, %dma_start3A_55] : memref<8x2x36xi32, #tpu.memory_space<vmem>> -> memref<1x1x36xi32, #tpu.memory_space<vmem>>
    %dma_start3A_57 = tpu.memref_squeeze %dma_start3A_56 : memref<1x1x36xi32, #tpu.memory_space<vmem>> -> memref<36xi32, #tpu.memory_space<vmem>>
    %dma_start3A_58 = arith.constant 0 : i32
    %dma_start3A_59 = arith.constant 0 : i32
    %dma_start3A_60 = tpu.memref_slice %arg2[%dma_start3A_58, %dma_start3A_59] : memref<10112x128xf32, #tpu.memory_space<hbm>> -> memref<10112x128xf32, #tpu.memory_space<hbm>>
    tpu.enqueue_indirect_dma source(%dma_start3A_60 : memref<10112x128xf32, #tpu.memory_space<hbm>>) target(%arg12 : memref<36x128xf32, #tpu.memory_space<vmem>>) offsets(%dma_start3A_57 : memref<36xi32, #tpu.memory_space<vmem>>) semaphore(%arg17 : memref<!tpu.dma_semaphore, #tpu.memory_space<semaphore_mem>>)
    %rem3A_61 = arith.constant 1 : i32
    %rem3A_62 = arith.constant 8 : i32
    %rem3A_63 = arith.remsi %rem3A_61, %rem3A_62 : i32
    %dma_start3A_64 = arith.constant 0 : i32
    %dma_start3A_65 = arith.constant 0 : i32
    %dma_start3A_66 = tpu.memref_slice %arg7[%rem3A_63, %dma_start3A_64, %dma_start3A_65] : memref<8x2x36xi32, #tpu.memory_space<vmem>> -> memref<1x1x36xi32, #tpu.memory_space<vmem>>
    %dma_start3A_67 = tpu.memref_squeeze %dma_start3A_66 : memref<1x1x36xi32, #tpu.memory_space<vmem>> -> memref<36xi32, #tpu.memory_space<vmem>>
    %dma_start3A_68 = arith.constant 0 : i32
    %dma_start3A_69 = arith.constant 0 : i32
    %dma_start3A_70 = tpu.memref_slice %arg3[%dma_start3A_68, %dma_start3A_69] : memref<10112x144xf32, #tpu.memory_space<hbm>> -> memref<10112x144xf32, #tpu.memory_space<hbm>>
    tpu.enqueue_indirect_dma source(%dma_start3A_70 : memref<10112x144xf32, #tpu.memory_space<hbm>>) target(%arg9 : memref<36x144xf32, #tpu.memory_space<vmem>>) offsets(%dma_start3A_67 : memref<36xi32, #tpu.memory_space<vmem>>) semaphore(%arg18 : memref<!tpu.dma_semaphore, #tpu.memory_space<semaphore_mem>>)
    %dma_start3A_71 = arith.constant 1 : i32
    %dma_start3A_72 = arith.constant 0 : i32
    %dma_start3A_73 = tpu.memref_slice %arg7[%rem3A_63, %dma_start3A_71, %dma_start3A_72] : memref<8x2x36xi32, #tpu.memory_space<vmem>> -> memref<1x1x36xi32, #tpu.memory_space<vmem>>
    %dma_start3A_74 = tpu.memref_squeeze %dma_start3A_73 : memref<1x1x36xi32, #tpu.memory_space<vmem>> -> memref<36xi32, #tpu.memory_space<vmem>>
    %dma_start3A_75 = arith.constant 0 : i32
    %dma_start3A_76 = arith.constant 0 : i32
    %dma_start3A_77 = tpu.memref_slice %arg2[%dma_start3A_75, %dma_start3A_76] : memref<10112x128xf32, #tpu.memory_space<hbm>> -> memref<10112x128xf32, #tpu.memory_space<hbm>>
    tpu.enqueue_indirect_dma source(%dma_start3A_77 : memref<10112x128xf32, #tpu.memory_space<hbm>>) target(%arg13 : memref<36x128xf32, #tpu.memory_space<vmem>>) offsets(%dma_start3A_74 : memref<36xi32, #tpu.memory_space<vmem>>) semaphore(%arg18 : memref<!tpu.dma_semaphore, #tpu.memory_space<semaphore_mem>>)
    %scan3A = arith.constant 0 : i32
    %scan3A_78 = arith.constant 0 : i32
    %scan3A_79 = arith.constant 72 : i32
    %scan3A_80 = arith.addi %scan3A_78, %scan3A_79 : i32
    %scan3A_81 = arith.constant 1 : i32
    scf.for %scan3A_103 = %scan3A_78 to %scan3A_80 step %scan3A_81  : i32 {
      %mul3A_104 = arith.constant 4 : i32
      %mul3A_105 = arith.muli %mul3A_104, %scan3A_103 : i32
      %add3A_106 = arith.constant 0 : i32
      %add3A_107 = arith.addi %mul3A_105, %add3A_106 : i32
      %rem3A_108 = arith.constant 8 : i32
      %rem3A_109 = arith.remsi %add3A_107, %rem3A_108 : i32
      %dma_wait3A_110 = arith.constant 0 : i32
      %dma_wait3A_111 = arith.constant 0 : i32
      %dma_wait3A_112 = tpu.memref_slice %arg7[%rem3A_109, %dma_wait3A_110, %dma_wait3A_111] : memref<8x2x36xi32, #tpu.memory_space<vmem>> -> memref<1x1x36xi32, #tpu.memory_space<vmem>>
      %dma_wait3A_113 = tpu.memref_squeeze %dma_wait3A_112 : memref<1x1x36xi32, #tpu.memory_space<vmem>> -> memref<36xi32, #tpu.memory_space<vmem>>
      %dma_wait3A_114 = arith.constant 0 : i32
      %dma_wait3A_115 = arith.constant 0 : i32
      %dma_wait3A_116 = tpu.memref_slice %arg3[%dma_wait3A_114, %dma_wait3A_115] : memref<10112x144xf32, #tpu.memory_space<hbm>> -> memref<10112x144xf32, #tpu.memory_space<hbm>>
      tpu.wait_indirect_dma semaphore(%arg17 : memref<!tpu.dma_semaphore, #tpu.memory_space<semaphore_mem>>) src(%dma_wait3A_116 : memref<10112x144xf32, #tpu.memory_space<hbm>>) dst(%arg8 : memref<36x144xf32, #tpu.memory_space<vmem>>)
      %dma_wait3A_117 = arith.constant 1 : i32
      %dma_wait3A_118 = arith.constant 0 : i32
      %dma_wait3A_119 = tpu.memref_slice %arg7[%rem3A_109, %dma_wait3A_117, %dma_wait3A_118] : memref<8x2x36xi32, #tpu.memory_space<vmem>> -> memref<1x1x36xi32, #tpu.memory_space<vmem>>
      %dma_wait3A_120 = tpu.memref_squeeze %dma_wait3A_119 : memref<1x1x36xi32, #tpu.memory_space<vmem>> -> memref<36xi32, #tpu.memory_space<vmem>>
      %dma_wait3A_121 = arith.constant 0 : i32
      %dma_wait3A_122 = arith.constant 0 : i32
      %dma_wait3A_123 = tpu.memref_slice %arg2[%dma_wait3A_121, %dma_wait3A_122] : memref<10112x128xf32, #tpu.memory_space<hbm>> -> memref<10112x128xf32, #tpu.memory_space<hbm>>
      tpu.wait_indirect_dma semaphore(%arg17 : memref<!tpu.dma_semaphore, #tpu.memory_space<semaphore_mem>>) src(%dma_wait3A_123 : memref<10112x128xf32, #tpu.memory_space<hbm>>) dst(%arg12 : memref<36x128xf32, #tpu.memory_space<vmem>>)
      %ge3A = arith.constant 2 : i32
      %ge3A_124 = arith.cmpi sge, %add3A_107, %ge3A : i32
      %convert_element_type3A = arith.extui %ge3A_124 : i1 to i32
      %cond3A = arith.constant 0 : i32
      %cond3A_125 = arith.cmpi ne, %convert_element_type3A, %cond3A : i32
      scf.if %cond3A_125 {
        %sub3A = arith.constant 2 : i32
        %sub3A_316 = arith.subi %add3A_107, %sub3A : i32
        %rem3A_317 = arith.constant 8 : i32
        %rem3A_318 = arith.remsi %sub3A_316, %rem3A_317 : i32
        %dma_wait3A_319 = arith.constant 1 : i32
        %dma_wait3A_320 = arith.constant 0 : i32
        %dma_wait3A_321 = tpu.memref_slice %arg7[%rem3A_318, %dma_wait3A_319, %dma_wait3A_320] : memref<8x2x36xi32, #tpu.memory_space<vmem>> -> memref<1x1x36xi32, #tpu.memory_space<vmem>>
        %dma_wait3A_322 = tpu.memref_squeeze %dma_wait3A_321 : memref<1x1x36xi32, #tpu.memory_space<vmem>> -> memref<36xi32, #tpu.memory_space<vmem>>
        %dma_wait3A_323 = arith.constant 0 : i32
        %dma_wait3A_324 = arith.constant 0 : i32
        %dma_wait3A_325 = tpu.memref_slice %arg16[%dma_wait3A_323, %dma_wait3A_324] : memref<10112x144xf32, #tpu.memory_space<vmem_shared>> -> memref<10112x144xf32, #tpu.memory_space<vmem_shared>>
        tpu.wait_indirect_dma semaphore(%arg23 : memref<!tpu.dma_semaphore, #tpu.memory_space<semaphore_mem>>) src(%arg10 : memref<36x144xf32, #tpu.memory_space<vmem>>) dst(%dma_wait3A_325 : memref<10112x144xf32, #tpu.memory_space<vmem_shared>>)
      } else {
      }
      %add3A_126 = arith.constant 2 : i32
      %add3A_127 = arith.addi %add3A_107, %add3A_126 : i32
      %lt3A = arith.constant 288 : i32
      %lt3A_128 = arith.cmpi slt, %add3A_127, %lt3A : i32
      %convert_element_type3A_129 = arith.extui %lt3A_128 : i1 to i32
      %cond3A_130 = arith.constant 0 : i32
      %cond3A_131 = arith.cmpi ne, %convert_element_type3A_129, %cond3A_130 : i32
      scf.if %cond3A_131 {
        %add3A_316 = arith.constant 2 : i32
        %add3A_317 = arith.addi %add3A_107, %add3A_316 : i32
        %rem3A_318 = arith.constant 8 : i32
        %rem3A_319 = arith.remsi %add3A_317, %rem3A_318 : i32
        %dma_wait3A_320 = arith.constant 0 : i32
        %dma_wait3A_321 = arith.constant 0 : i32
        %dma_wait3A_322 = tpu.memref_slice %arg7[%rem3A_319, %dma_wait3A_320, %dma_wait3A_321] : memref<8x2x36xi32, #tpu.memory_space<vmem>> -> memref<1x2x36xi32, #tpu.memory_space<vmem>>
        %dma_wait3A_323 = tpu.memref_squeeze %dma_wait3A_322 : memref<1x2x36xi32, #tpu.memory_space<vmem>> -> memref<2x36xi32, #tpu.memory_space<vmem>>
        %dma_wait3A_324 = arith.constant 0 : i32
        %dma_wait3A_325 = arith.constant 0 : i32
        %dma_wait3A_326 = tpu.memref_slice %arg4[%add3A, %add3A_317, %dma_wait3A_324, %dma_wait3A_325] : memref<32x288x2x36xi32, #tpu.memory_space<hbm>> -> memref<1x1x2x36xi32, #tpu.memory_space<hbm>>
        %dma_wait3A_327 = tpu.memref_squeeze %dma_wait3A_326 : memref<1x1x2x36xi32, #tpu.memory_space<hbm>> -> memref<2x36xi32, #tpu.memory_space<hbm>>
        %dma_wait3A_328 = arith.constant 0 : i32
        %dma_wait3A_329 = arith.constant 0 : i32
        %dma_wait3A_330 = tpu.memref_slice %arg7[%rem3A_319, %dma_wait3A_328, %dma_wait3A_329] : memref<8x2x36xi32, #tpu.memory_space<vmem>> -> memref<1x2x36xi32, #tpu.memory_space<vmem>>
        %dma_wait3A_331 = tpu.memref_squeeze %dma_wait3A_330 : memref<1x2x36xi32, #tpu.memory_space<vmem>> -> memref<2x36xi32, #tpu.memory_space<vmem>>
        %dma_wait3A_332 = arith.constant 0 : i32
        %dma_wait3A_333 = arith.constant 0 : i32
        %dma_wait3A_334 = tpu.memref_slice %arg4[%add3A, %add3A_317, %dma_wait3A_332, %dma_wait3A_333] : memref<32x288x2x36xi32, #tpu.memory_space<hbm>> -> memref<1x1x2x36xi32, #tpu.memory_space<hbm>>
        %dma_wait3A_335 = tpu.memref_squeeze %dma_wait3A_334 : memref<1x1x2x36xi32, #tpu.memory_space<hbm>> -> memref<2x36xi32, #tpu.memory_space<hbm>>
        tpu.wait_dma2 semaphore(%arg27 : memref<!tpu.dma_semaphore, #tpu.memory_space<semaphore_mem>>) src(%dma_wait3A_335 : memref<2x36xi32, #tpu.memory_space<hbm>>) dst(%dma_wait3A_331 : memref<2x36xi32, #tpu.memory_space<vmem>>)
        %add3A_336 = arith.constant 2 : i32
        %add3A_337 = arith.addi %add3A_107, %add3A_336 : i32
        %rem3A_338 = arith.constant 8 : i32
        %rem3A_339 = arith.remsi %add3A_337, %rem3A_338 : i32
        %dma_start3A_340 = arith.constant 0 : i32
        %dma_start3A_341 = arith.constant 0 : i32
        %dma_start3A_342 = tpu.memref_slice %arg7[%rem3A_339, %dma_start3A_340, %dma_start3A_341] : memref<8x2x36xi32, #tpu.memory_space<vmem>> -> memref<1x1x36xi32, #tpu.memory_space<vmem>>
        %dma_start3A_343 = tpu.memref_squeeze %dma_start3A_342 : memref<1x1x36xi32, #tpu.memory_space<vmem>> -> memref<36xi32, #tpu.memory_space<vmem>>
        %dma_start3A_344 = arith.constant 0 : i32
        %dma_start3A_345 = arith.constant 0 : i32
        %dma_start3A_346 = tpu.memref_slice %arg3[%dma_start3A_344, %dma_start3A_345] : memref<10112x144xf32, #tpu.memory_space<hbm>> -> memref<10112x144xf32, #tpu.memory_space<hbm>>
        tpu.enqueue_indirect_dma source(%dma_start3A_346 : memref<10112x144xf32, #tpu.memory_space<hbm>>) target(%arg10 : memref<36x144xf32, #tpu.memory_space<vmem>>) offsets(%dma_start3A_343 : memref<36xi32, #tpu.memory_space<vmem>>) semaphore(%arg19 : memref<!tpu.dma_semaphore, #tpu.memory_space<semaphore_mem>>)
        %dma_start3A_347 = arith.constant 1 : i32
        %dma_start3A_348 = arith.constant 0 : i32
        %dma_start3A_349 = tpu.memref_slice %arg7[%rem3A_339, %dma_start3A_347, %dma_start3A_348] : memref<8x2x36xi32, #tpu.memory_space<vmem>> -> memref<1x1x36xi32, #tpu.memory_space<vmem>>
        %dma_start3A_350 = tpu.memref_squeeze %dma_start3A_349 : memref<1x1x36xi32, #tpu.memory_space<vmem>> -> memref<36xi32, #tpu.memory_space<vmem>>
        %dma_start3A_351 = arith.constant 0 : i32
        %dma_start3A_352 = arith.constant 0 : i32
        %dma_start3A_353 = tpu.memref_slice %arg2[%dma_start3A_351, %dma_start3A_352] : memref<10112x128xf32, #tpu.memory_space<hbm>> -> memref<10112x128xf32, #tpu.memory_space<hbm>>
        tpu.enqueue_indirect_dma source(%dma_start3A_353 : memref<10112x128xf32, #tpu.memory_space<hbm>>) target(%arg14 : memref<36x128xf32, #tpu.memory_space<vmem>>) offsets(%dma_start3A_350 : memref<36xi32, #tpu.memory_space<vmem>>) semaphore(%arg19 : memref<!tpu.dma_semaphore, #tpu.memory_space<semaphore_mem>>)
      } else {
      }
      %add3A_132 = arith.constant 4 : i32
      %add3A_133 = arith.addi %add3A_107, %add3A_132 : i32
      %lt3A_134 = arith.constant 288 : i32
      %lt3A_135 = arith.cmpi slt, %add3A_133, %lt3A_134 : i32
      %convert_element_type3A_136 = arith.extui %lt3A_135 : i1 to i32
      %cond3A_137 = arith.constant 0 : i32
      %cond3A_138 = arith.cmpi ne, %convert_element_type3A_136, %cond3A_137 : i32
      scf.if %cond3A_138 {
        %add3A_316 = arith.constant 4 : i32
        %add3A_317 = arith.addi %add3A_107, %add3A_316 : i32
        %rem3A_318 = arith.constant 8 : i32
        %rem3A_319 = arith.remsi %add3A_317, %rem3A_318 : i32
        %dma_start3A_320 = arith.constant 0 : i32
        %dma_start3A_321 = arith.constant 0 : i32
        %dma_start3A_322 = tpu.memref_slice %arg7[%rem3A_319, %dma_start3A_320, %dma_start3A_321] : memref<8x2x36xi32, #tpu.memory_space<vmem>> -> memref<1x2x36xi32, #tpu.memory_space<vmem>>
        %dma_start3A_323 = tpu.memref_squeeze %dma_start3A_322 : memref<1x2x36xi32, #tpu.memory_space<vmem>> -> memref<2x36xi32, #tpu.memory_space<vmem>>
        %dma_start3A_324 = arith.constant 0 : i32
        %dma_start3A_325 = arith.constant 0 : i32
        %dma_start3A_326 = tpu.memref_slice %arg4[%add3A, %add3A_317, %dma_start3A_324, %dma_start3A_325] : memref<32x288x2x36xi32, #tpu.memory_space<hbm>> -> memref<1x1x2x36xi32, #tpu.memory_space<hbm>>
        %dma_start3A_327 = tpu.memref_squeeze %dma_start3A_326 : memref<1x1x2x36xi32, #tpu.memory_space<hbm>> -> memref<2x36xi32, #tpu.memory_space<hbm>>
        %dma_start3A_328 = arith.constant 0 : i32
        %dma_start3A_329 = arith.constant 0 : i32
        %dma_start3A_330 = tpu.memref_slice %arg7[%rem3A_319, %dma_start3A_328, %dma_start3A_329] : memref<8x2x36xi32, #tpu.memory_space<vmem>> -> memref<1x2x36xi32, #tpu.memory_space<vmem>>
        %dma_start3A_331 = tpu.memref_squeeze %dma_start3A_330 : memref<1x2x36xi32, #tpu.memory_space<vmem>> -> memref<2x36xi32, #tpu.memory_space<vmem>>
        %dma_start3A_332 = arith.constant 0 : i32
        %dma_start3A_333 = arith.constant 0 : i32
        %dma_start3A_334 = tpu.memref_slice %arg4[%add3A, %add3A_317, %dma_start3A_332, %dma_start3A_333] : memref<32x288x2x36xi32, #tpu.memory_space<hbm>> -> memref<1x1x2x36xi32, #tpu.memory_space<hbm>>
        %dma_start3A_335 = tpu.memref_squeeze %dma_start3A_334 : memref<1x1x2x36xi32, #tpu.memory_space<hbm>> -> memref<2x36xi32, #tpu.memory_space<hbm>>
        tpu.enqueue_dma source(%dma_start3A_335 : memref<2x36xi32, #tpu.memory_space<hbm>>) target(%dma_start3A_331 : memref<2x36xi32, #tpu.memory_space<vmem>>) target_semaphore(%arg25 : memref<!tpu.dma_semaphore, #tpu.memory_space<semaphore_mem>>)
      } else {
      }
      %scan3A_139 = arith.constant 0 : i32
      %scan3A_140 = arith.constant 0 : i32
      %scan3A_141 = arith.constant 36 : i32
      %scan3A_142 = arith.addi %scan3A_140, %scan3A_141 : i32
      %scan3A_143 = arith.constant 2 : i32
      scf.for %scan3A_316 = %scan3A_140 to %scan3A_142 step %scan3A_143  : i32 {
        %get3A = arith.index_cast %scan3A_316 : i32 to index
        %get3A_317 = arith.constant 0 : index
        %get3A_318 = tpu.vector_load %arg8[%get3A, %get3A_317] {strides = array<i32>} : memref<36x144xf32, #tpu.memory_space<vmem>>, vector<16xf32>,
        %get3A_319 = arith.index_cast %scan3A_316 : i32 to index
        %get3A_320 = arith.constant 16 : index
        %get3A_321 = tpu.vector_load %arg8[%get3A_319, %get3A_320] {strides = array<i32>} : memref<36x144xf32, #tpu.memory_space<vmem>>, vector<16xf32>,
        %get3A_322 = arith.index_cast %scan3A_316 : i32 to index
        %get3A_323 = arith.constant 32 : index
        %get3A_324 = tpu.vector_load %arg8[%get3A_322, %get3A_323] {strides = array<i32>} : memref<36x144xf32, #tpu.memory_space<vmem>>, vector<16xf32>,
        %get3A_325 = arith.index_cast %scan3A_316 : i32 to index
        %get3A_326 = arith.constant 48 : index
        %get3A_327 = tpu.vector_load %arg8[%get3A_325, %get3A_326] {strides = array<i32>} : memref<36x144xf32, #tpu.memory_space<vmem>>, vector<16xf32>,
        %get3A_328 = arith.index_cast %scan3A_316 : i32 to index
        %get3A_329 = arith.constant 64 : index
        %get3A_330 = tpu.vector_load %arg8[%get3A_328, %get3A_329] {strides = array<i32>} : memref<36x144xf32, #tpu.memory_space<vmem>>, vector<16xf32>,
        %get3A_331 = arith.index_cast %scan3A_316 : i32 to index
        %get3A_332 = arith.constant 80 : index
        %get3A_333 = tpu.vector_load %arg8[%get3A_331, %get3A_332] {strides = array<i32>} : memref<36x144xf32, #tpu.memory_space<vmem>>, vector<16xf32>,
        %get3A_334 = arith.index_cast %scan3A_316 : i32 to index
        %get3A_335 = arith.constant 96 : index
        %get3A_336 = tpu.vector_load %arg8[%get3A_334, %get3A_335] {strides = array<i32>} : memref<36x144xf32, #tpu.memory_space<vmem>>, vector<16xf32>,
        %get3A_337 = arith.index_cast %scan3A_316 : i32 to index
        %get3A_338 = arith.constant 112 : index
        %get3A_339 = tpu.vector_load %arg8[%get3A_337, %get3A_338] {strides = array<i32>} : memref<36x144xf32, #tpu.memory_space<vmem>>, vector<16xf32>,
        %get3A_340 = arith.index_cast %scan3A_316 : i32 to index
        %get3A_341 = arith.constant 128 : index
        %get3A_342 = tpu.vector_load %arg8[%get3A_340, %get3A_341] {strides = array<i32>} : memref<36x144xf32, #tpu.memory_space<vmem>>, vector<16xf32>,
        %get3A_343 = arith.index_cast %scan3A_316 : i32 to index
        %get3A_344 = arith.constant 0 : index
        %get3A_345 = tpu.vector_load %arg12[%get3A_343, %get3A_344] {strides = array<i32>} : memref<36x128xf32, #tpu.memory_space<vmem>>, vector<16xf32>,
        %mul3A_346 = arith.mulf %get3A_318, %get3A_345 : vector<16xf32>
        %get3A_347 = arith.index_cast %scan3A_316 : i32 to index
        %get3A_348 = arith.constant 16 : index
        %get3A_349 = tpu.vector_load %arg12[%get3A_347, %get3A_348] {strides = array<i32>} : memref<36x128xf32, #tpu.memory_space<vmem>>, vector<16xf32>,
        %mul3A_350 = arith.mulf %get3A_321, %get3A_349 : vector<16xf32>
        %add3A_351 = arith.addf %mul3A_346, %mul3A_350 : vector<16xf32>
        %get3A_352 = arith.index_cast %scan3A_316 : i32 to index
        %get3A_353 = arith.constant 32 : index
        %get3A_354 = tpu.vector_load %arg12[%get3A_352, %get3A_353] {strides = array<i32>} : memref<36x128xf32, #tpu.memory_space<vmem>>, vector<16xf32>,
        %mul3A_355 = arith.mulf %get3A_324, %get3A_354 : vector<16xf32>
        %add3A_356 = arith.addf %add3A_351, %mul3A_355 : vector<16xf32>
        %get3A_357 = arith.index_cast %scan3A_316 : i32 to index
        %get3A_358 = arith.constant 48 : index
        %get3A_359 = tpu.vector_load %arg12[%get3A_357, %get3A_358] {strides = array<i32>} : memref<36x128xf32, #tpu.memory_space<vmem>>, vector<16xf32>,
        %mul3A_360 = arith.mulf %get3A_327, %get3A_359 : vector<16xf32>
        %add3A_361 = arith.addf %add3A_356, %mul3A_360 : vector<16xf32>
        %get3A_362 = arith.index_cast %scan3A_316 : i32 to index
        %get3A_363 = arith.constant 64 : index
        %get3A_364 = tpu.vector_load %arg12[%get3A_362, %get3A_363] {strides = array<i32>} : memref<36x128xf32, #tpu.memory_space<vmem>>, vector<16xf32>,
        %mul3A_365 = arith.mulf %get3A_330, %get3A_364 : vector<16xf32>
        %add3A_366 = arith.addf %add3A_361, %mul3A_365 : vector<16xf32>
        %get3A_367 = arith.index_cast %scan3A_316 : i32 to index
        %get3A_368 = arith.constant 80 : index
        %get3A_369 = tpu.vector_load %arg12[%get3A_367, %get3A_368] {strides = array<i32>} : memref<36x128xf32, #tpu.memory_space<vmem>>, vector<16xf32>,
        %mul3A_370 = arith.mulf %get3A_333, %get3A_369 : vector<16xf32>
        %add3A_371 = arith.addf %add3A_366, %mul3A_370 : vector<16xf32>
        %get3A_372 = arith.index_cast %scan3A_316 : i32 to index
        %get3A_373 = arith.constant 96 : index
        %get3A_374 = tpu.vector_load %arg12[%get3A_372, %get3A_373] {strides = array<i32>} : memref<36x128xf32, #tpu.memory_space<vmem>>, vector<16xf32>,
        %mul3A_375 = arith.mulf %get3A_336, %get3A_374 : vector<16xf32>
        %add3A_376 = arith.addf %add3A_371, %mul3A_375 : vector<16xf32>
        %get3A_377 = arith.index_cast %scan3A_316 : i32 to index
        %get3A_378 = arith.constant 112 : index
        %get3A_379 = tpu.vector_load %arg12[%get3A_377, %get3A_378] {strides = array<i32>} : memref<36x128xf32, #tpu.memory_space<vmem>>, vector<16xf32>,
        %mul3A_380 = arith.mulf %get3A_339, %get3A_379 : vector<16xf32>
        %add3A_381 = arith.addf %add3A_376, %mul3A_380 : vector<16xf32>
        %reduce_sum3A = arith.constant true
        %reduce_sum3A_382 = vector.broadcast %reduce_sum3A : i1 to vector<16xi1>
        %reduce_sum3A_383 = tpu.scan <sum>, %add3A_381 masked %reduce_sum3A_382 : vector<16xf32>, vector<16xi1> -> vector<16xf32>
        %reduce_sum3A_384 = vector.extract %reduce_sum3A_383[15] : f32 from vector<16xf32>
        %slice3A = vector.extract_strided_slice %get3A_342 {offsets = [0], sizes = [1], strides = [1]} : vector<16xf32> to vector<1xf32>
        %squeeze3A = vector.extract %slice3A[0] : f32 from vector<1xf32>
        %mul3A_385 = arith.mulf %reduce_sum3A_384, %squeeze3A : f32
        %lt3A_386 = arith.constant 1.000000e-01 : f32
        %lt3A_387 = arith.cmpf olt, %mul3A_385, %lt3A_386 : f32
        %jit3A = arith.constant 9.99999997E-7 : f32
        %select_n3A = arith.select %lt3A_387, %jit3A, %mul3A_385 : f32
        %mul3A_388 = vector.broadcast %select_n3A : f32 to vector<16xf32>
        %mul3A_389 = arith.mulf %get3A_318, %mul3A_388 : vector<16xf32>
        %swap3A = arith.index_cast %scan3A_316 : i32 to index
        %swap3A_390 = arith.constant 0 : index
        %swap3A_391 = tpu.vector_load %arg8[%swap3A, %swap3A_390] {strides = array<i32>} : memref<36x144xf32, #tpu.memory_space<vmem>>, vector<16xf32>,
        tpu.vector_store %arg8[%swap3A, %swap3A_390], %mul3A_389 {strides = array<i32>} : memref<36x144xf32, #tpu.memory_space<vmem>>, vector<16xf32>,
        %mul3A_392 = vector.broadcast %select_n3A : f32 to vector<16xf32>
        %mul3A_393 = arith.mulf %get3A_321, %mul3A_392 : vector<16xf32>
        %swap3A_394 = arith.index_cast %scan3A_316 : i32 to index
        %swap3A_395 = arith.constant 16 : index
        %swap3A_396 = tpu.vector_load %arg8[%swap3A_394, %swap3A_395] {strides = array<i32>} : memref<36x144xf32, #tpu.memory_space<vmem>>, vector<16xf32>,
        tpu.vector_store %arg8[%swap3A_394, %swap3A_395], %mul3A_393 {strides = array<i32>} : memref<36x144xf32, #tpu.memory_space<vmem>>, vector<16xf32>,
        %mul3A_397 = vector.broadcast %select_n3A : f32 to vector<16xf32>
        %mul3A_398 = arith.mulf %get3A_324, %mul3A_397 : vector<16xf32>
        %swap3A_399 = arith.index_cast %scan3A_316 : i32 to index
        %swap3A_400 = arith.constant 32 : index
        %swap3A_401 = tpu.vector_load %arg8[%swap3A_399, %swap3A_400] {strides = array<i32>} : memref<36x144xf32, #tpu.memory_space<vmem>>, vector<16xf32>,
        tpu.vector_store %arg8[%swap3A_399, %swap3A_400], %mul3A_398 {strides = array<i32>} : memref<36x144xf32, #tpu.memory_space<vmem>>, vector<16xf32>,
        %mul3A_402 = vector.broadcast %select_n3A : f32 to vector<16xf32>
        %mul3A_403 = arith.mulf %get3A_327, %mul3A_402 : vector<16xf32>
        %swap3A_404 = arith.index_cast %scan3A_316 : i32 to index
        %swap3A_405 = arith.constant 48 : index
        %swap3A_406 = tpu.vector_load %arg8[%swap3A_404, %swap3A_405] {strides = array<i32>} : memref<36x144xf32, #tpu.memory_space<vmem>>, vector<16xf32>,
        tpu.vector_store %arg8[%swap3A_404, %swap3A_405], %mul3A_403 {strides = array<i32>} : memref<36x144xf32, #tpu.memory_space<vmem>>, vector<16xf32>,
        %mul3A_407 = vector.broadcast %select_n3A : f32 to vector<16xf32>
        %mul3A_408 = arith.mulf %get3A_330, %mul3A_407 : vector<16xf32>
        %swap3A_409 = arith.index_cast %scan3A_316 : i32 to index
        %swap3A_410 = arith.constant 64 : index
        %swap3A_411 = tpu.vector_load %arg8[%swap3A_409, %swap3A_410] {strides = array<i32>} : memref<36x144xf32, #tpu.memory_space<vmem>>, vector<16xf32>,
        tpu.vector_store %arg8[%swap3A_409, %swap3A_410], %mul3A_408 {strides = array<i32>} : memref<36x144xf32, #tpu.memory_space<vmem>>, vector<16xf32>,
        %mul3A_412 = vector.broadcast %select_n3A : f32 to vector<16xf32>
        %mul3A_413 = arith.mulf %get3A_333, %mul3A_412 : vector<16xf32>
        %swap3A_414 = arith.index_cast %scan3A_316 : i32 to index
        %swap3A_415 = arith.constant 80 : index
        %swap3A_416 = tpu.vector_load %arg8[%swap3A_414, %swap3A_415] {strides = array<i32>} : memref<36x144xf32, #tpu.memory_space<vmem>>, vector<16xf32>,
        tpu.vector_store %arg8[%swap3A_414, %swap3A_415], %mul3A_413 {strides = array<i32>} : memref<36x144xf32, #tpu.memory_space<vmem>>, vector<16xf32>,
        %mul3A_417 = vector.broadcast %select_n3A : f32 to vector<16xf32>
        %mul3A_418 = arith.mulf %get3A_336, %mul3A_417 : vector<16xf32>
        %swap3A_419 = arith.index_cast %scan3A_316 : i32 to index
        %swap3A_420 = arith.constant 96 : index
        %swap3A_421 = tpu.vector_load %arg8[%swap3A_419, %swap3A_420] {strides = array<i32>} : memref<36x144xf32, #tpu.memory_space<vmem>>, vector<16xf32>,
        tpu.vector_store %arg8[%swap3A_419, %swap3A_420], %mul3A_418 {strides = array<i32>} : memref<36x144xf32, #tpu.memory_space<vmem>>, vector<16xf32>,
        %mul3A_422 = vector.broadcast %select_n3A : f32 to vector<16xf32>
        %mul3A_423 = arith.mulf %get3A_339, %mul3A_422 : vector<16xf32>
        %swap3A_424 = arith.index_cast %scan3A_316 : i32 to index
        %swap3A_425 = arith.constant 112 : index
        %swap3A_426 = tpu.vector_load %arg8[%swap3A_424, %swap3A_425] {strides = array<i32>} : memref<36x144xf32, #tpu.memory_space<vmem>>, vector<16xf32>,
        tpu.vector_store %arg8[%swap3A_424, %swap3A_425], %mul3A_423 {strides = array<i32>} : memref<36x144xf32, #tpu.memory_space<vmem>>, vector<16xf32>,
        %mul3A_427 = vector.broadcast %select_n3A : f32 to vector<16xf32>
        %mul3A_428 = arith.mulf %get3A_342, %mul3A_427 : vector<16xf32>
        %swap3A_429 = arith.index_cast %scan3A_316 : i32 to index
        %swap3A_430 = arith.constant 128 : index
        %swap3A_431 = tpu.vector_load %arg8[%swap3A_429, %swap3A_430] {strides = array<i32>} : memref<36x144xf32, #tpu.memory_space<vmem>>, vector<16xf32>,
        tpu.vector_store %arg8[%swap3A_429, %swap3A_430], %mul3A_428 {strides = array<i32>} : memref<36x144xf32, #tpu.memory_space<vmem>>, vector<16xf32>,
        %scan3A_432 = arith.constant 1 : i32
        %scan3A_433 = arith.addi %scan3A_316, %scan3A_432 : i32
        %get3A_434 = arith.index_cast %scan3A_433 : i32 to index
        %get3A_435 = arith.constant 0 : index
        %get3A_436 = tpu.vector_load %arg8[%get3A_434, %get3A_435] {strides = array<i32>} : memref<36x144xf32, #tpu.memory_space<vmem>>, vector<16xf32>,
        %get3A_437 = arith.index_cast %scan3A_433 : i32 to index
        %get3A_438 = arith.constant 16 : index
        %get3A_439 = tpu.vector_load %arg8[%get3A_437, %get3A_438] {strides = array<i32>} : memref<36x144xf32, #tpu.memory_space<vmem>>, vector<16xf32>,
        %get3A_440 = arith.index_cast %scan3A_433 : i32 to index
        %get3A_441 = arith.constant 32 : index
        %get3A_442 = tpu.vector_load %arg8[%get3A_440, %get3A_441] {strides = array<i32>} : memref<36x144xf32, #tpu.memory_space<vmem>>, vector<16xf32>,
        %get3A_443 = arith.index_cast %scan3A_433 : i32 to index
        %get3A_444 = arith.constant 48 : index
        %get3A_445 = tpu.vector_load %arg8[%get3A_443, %get3A_444] {strides = array<i32>} : memref<36x144xf32, #tpu.memory_space<vmem>>, vector<16xf32>,
        %get3A_446 = arith.index_cast %scan3A_433 : i32 to index
        %get3A_447 = arith.constant 64 : index
        %get3A_448 = tpu.vector_load %arg8[%get3A_446, %get3A_447] {strides = array<i32>} : memref<36x144xf32, #tpu.memory_space<vmem>>, vector<16xf32>,
        %get3A_449 = arith.index_cast %scan3A_433 : i32 to index
        %get3A_450 = arith.constant 80 : index
        %get3A_451 = tpu.vector_load %arg8[%get3A_449, %get3A_450] {strides = array<i32>} : memref<36x144xf32, #tpu.memory_space<vmem>>, vector<16xf32>,
        %get3A_452 = arith.index_cast %scan3A_433 : i32 to index
        %get3A_453 = arith.constant 96 : index
        %get3A_454 = tpu.vector_load %arg8[%get3A_452, %get3A_453] {strides = array<i32>} : memref<36x144xf32, #tpu.memory_space<vmem>>, vector<16xf32>,
        %get3A_455 = arith.index_cast %scan3A_433 : i32 to index
        %get3A_456 = arith.constant 112 : index
        %get3A_457 = tpu.vector_load %arg8[%get3A_455, %get3A_456] {strides = array<i32>} : memref<36x144xf32, #tpu.memory_space<vmem>>, vector<16xf32>,
        %get3A_458 = arith.index_cast %scan3A_433 : i32 to index
        %get3A_459 = arith.constant 128 : index
        %get3A_460 = tpu.vector_load %arg8[%get3A_458, %get3A_459] {strides = array<i32>} : memref<36x144xf32, #tpu.memory_space<vmem>>, vector<16xf32>,
        %get3A_461 = arith.index_cast %scan3A_433 : i32 to index
        %get3A_462 = arith.constant 0 : index
        %get3A_463 = tpu.vector_load %arg12[%get3A_461, %get3A_462] {strides = array<i32>} : memref<36x128xf32, #tpu.memory_space<vmem>>, vector<16xf32>,
        %mul3A_464 = arith.mulf %get3A_436, %get3A_463 : vector<16xf32>
        %get3A_465 = arith.index_cast %scan3A_433 : i32 to index
        %get3A_466 = arith.constant 16 : index
        %get3A_467 = tpu.vector_load %arg12[%get3A_465, %get3A_466] {strides = array<i32>} : memref<36x128xf32, #tpu.memory_space<vmem>>, vector<16xf32>,
        %mul3A_468 = arith.mulf %get3A_439, %get3A_467 : vector<16xf32>
        %add3A_469 = arith.addf %mul3A_464, %mul3A_468 : vector<16xf32>
        %get3A_470 = arith.index_cast %scan3A_433 : i32 to index
        %get3A_471 = arith.constant 32 : index
        %get3A_472 = tpu.vector_load %arg12[%get3A_470, %get3A_471] {strides = array<i32>} : memref<36x128xf32, #tpu.memory_space<vmem>>, vector<16xf32>,
        %mul3A_473 = arith.mulf %get3A_442, %get3A_472 : vector<16xf32>
        %add3A_474 = arith.addf %add3A_469, %mul3A_473 : vector<16xf32>
        %get3A_475 = arith.index_cast %scan3A_433 : i32 to index
        %get3A_476 = arith.constant 48 : index
        %get3A_477 = tpu.vector_load %arg12[%get3A_475, %get3A_476] {strides = array<i32>} : memref<36x128xf32, #tpu.memory_space<vmem>>, vector<16xf32>,
        %mul3A_478 = arith.mulf %get3A_445, %get3A_477 : vector<16xf32>
        %add3A_479 = arith.addf %add3A_474, %mul3A_478 : vector<16xf32>
        %get3A_480 = arith.index_cast %scan3A_433 : i32 to index
        %get3A_481 = arith.constant 64 : index
        %get3A_482 = tpu.vector_load %arg12[%get3A_480, %get3A_481] {strides = array<i32>} : memref<36x128xf32, #tpu.memory_space<vmem>>, vector<16xf32>,
        %mul3A_483 = arith.mulf %get3A_448, %get3A_482 : vector<16xf32>
        %add3A_484 = arith.addf %add3A_479, %mul3A_483 : vector<16xf32>
        %get3A_485 = arith.index_cast %scan3A_433 : i32 to index
        %get3A_486 = arith.constant 80 : index
        %get3A_487 = tpu.vector_load %arg12[%get3A_485, %get3A_486] {strides = array<i32>} : memref<36x128xf32, #tpu.memory_space<vmem>>, vector<16xf32>,
        %mul3A_488 = arith.mulf %get3A_451, %get3A_487 : vector<16xf32>
        %add3A_489 = arith.addf %add3A_484, %mul3A_488 : vector<16xf32>
        %get3A_490 = arith.index_cast %scan3A_433 : i32 to index
        %get3A_491 = arith.constant 96 : index
        %get3A_492 = tpu.vector_load %arg12[%get3A_490, %get3A_491] {strides = array<i32>} : memref<36x128xf32, #tpu.memory_space<vmem>>, vector<16xf32>,
        %mul3A_493 = arith.mulf %get3A_454, %get3A_492 : vector<16xf32>
        %add3A_494 = arith.addf %add3A_489, %mul3A_493 : vector<16xf32>
        %get3A_495 = arith.index_cast %scan3A_433 : i32 to index
        %get3A_496 = arith.constant 112 : index
        %get3A_497 = tpu.vector_load %arg12[%get3A_495, %get3A_496] {strides = array<i32>} : memref<36x128xf32, #tpu.memory_space<vmem>>, vector<16xf32>,
        %mul3A_498 = arith.mulf %get3A_457, %get3A_497 : vector<16xf32>
        %add3A_499 = arith.addf %add3A_494, %mul3A_498 : vector<16xf32>
        %reduce_sum3A_500 = arith.constant true
        %reduce_sum3A_501 = vector.broadcast %reduce_sum3A_500 : i1 to vector<16xi1>
        %reduce_sum3A_502 = tpu.scan <sum>, %add3A_499 masked %reduce_sum3A_501 : vector<16xf32>, vector<16xi1> -> vector<16xf32>
        %reduce_sum3A_503 = vector.extract %reduce_sum3A_502[15] : f32 from vector<16xf32>
        %slice3A_504 = vector.extract_strided_slice %get3A_460 {offsets = [0], sizes = [1], strides = [1]} : vector<16xf32> to vector<1xf32>
        %squeeze3A_505 = vector.extract %slice3A_504[0] : f32 from vector<1xf32>
        %mul3A_506 = arith.mulf %reduce_sum3A_503, %squeeze3A_505 : f32
        %lt3A_507 = arith.constant 1.000000e-01 : f32
        %lt3A_508 = arith.cmpf olt, %mul3A_506, %lt3A_507 : f32
        %jit3A_509 = arith.constant 9.99999997E-7 : f32
        %select_n3A_510 = arith.select %lt3A_508, %jit3A_509, %mul3A_506 : f32
        %mul3A_511 = vector.broadcast %select_n3A_510 : f32 to vector<16xf32>
        %mul3A_512 = arith.mulf %get3A_436, %mul3A_511 : vector<16xf32>
        %swap3A_513 = arith.index_cast %scan3A_433 : i32 to index
        %swap3A_514 = arith.constant 0 : index
        %swap3A_515 = tpu.vector_load %arg8[%swap3A_513, %swap3A_514] {strides = array<i32>} : memref<36x144xf32, #tpu.memory_space<vmem>>, vector<16xf32>,
        tpu.vector_store %arg8[%swap3A_513, %swap3A_514], %mul3A_512 {strides = array<i32>} : memref<36x144xf32, #tpu.memory_space<vmem>>, vector<16xf32>,
        %mul3A_516 = vector.broadcast %select_n3A_510 : f32 to vector<16xf32>
        %mul3A_517 = arith.mulf %get3A_439, %mul3A_516 : vector<16xf32>
        %swap3A_518 = arith.index_cast %scan3A_433 : i32 to index
        %swap3A_519 = arith.constant 16 : index
        %swap3A_520 = tpu.vector_load %arg8[%swap3A_518, %swap3A_519] {strides = array<i32>} : memref<36x144xf32, #tpu.memory_space<vmem>>, vector<16xf32>,
        tpu.vector_store %arg8[%swap3A_518, %swap3A_519], %mul3A_517 {strides = array<i32>} : memref<36x144xf32, #tpu.memory_space<vmem>>, vector<16xf32>,
        %mul3A_521 = vector.broadcast %select_n3A_510 : f32 to vector<16xf32>
        %mul3A_522 = arith.mulf %get3A_442, %mul3A_521 : vector<16xf32>
        %swap3A_523 = arith.index_cast %scan3A_433 : i32 to index
        %swap3A_524 = arith.constant 32 : index
        %swap3A_525 = tpu.vector_load %arg8[%swap3A_523, %swap3A_524] {strides = array<i32>} : memref<36x144xf32, #tpu.memory_space<vmem>>, vector<16xf32>,
        tpu.vector_store %arg8[%swap3A_523, %swap3A_524], %mul3A_522 {strides = array<i32>} : memref<36x144xf32, #tpu.memory_space<vmem>>, vector<16xf32>,
        %mul3A_526 = vector.broadcast %select_n3A_510 : f32 to vector<16xf32>
        %mul3A_527 = arith.mulf %get3A_445, %mul3A_526 : vector<16xf32>
        %swap3A_528 = arith.index_cast %scan3A_433 : i32 to index
        %swap3A_529 = arith.constant 48 : index
        %swap3A_530 = tpu.vector_load %arg8[%swap3A_528, %swap3A_529] {strides = array<i32>} : memref<36x144xf32, #tpu.memory_space<vmem>>, vector<16xf32>,
        tpu.vector_store %arg8[%swap3A_528, %swap3A_529], %mul3A_527 {strides = array<i32>} : memref<36x144xf32, #tpu.memory_space<vmem>>, vector<16xf32>,
        %mul3A_531 = vector.broadcast %select_n3A_510 : f32 to vector<16xf32>
        %mul3A_532 = arith.mulf %get3A_448, %mul3A_531 : vector<16xf32>
        %swap3A_533 = arith.index_cast %scan3A_433 : i32 to index
        %swap3A_534 = arith.constant 64 : index
        %swap3A_535 = tpu.vector_load %arg8[%swap3A_533, %swap3A_534] {strides = array<i32>} : memref<36x144xf32, #tpu.memory_space<vmem>>, vector<16xf32>,
        tpu.vector_store %arg8[%swap3A_533, %swap3A_534], %mul3A_532 {strides = array<i32>} : memref<36x144xf32, #tpu.memory_space<vmem>>, vector<16xf32>,
        %mul3A_536 = vector.broadcast %select_n3A_510 : f32 to vector<16xf32>
        %mul3A_537 = arith.mulf %get3A_451, %mul3A_536 : vector<16xf32>
        %swap3A_538 = arith.index_cast %scan3A_433 : i32 to index
        %swap3A_539 = arith.constant 80 : index
        %swap3A_540 = tpu.vector_load %arg8[%swap3A_538, %swap3A_539] {strides = array<i32>} : memref<36x144xf32, #tpu.memory_space<vmem>>, vector<16xf32>,
        tpu.vector_store %arg8[%swap3A_538, %swap3A_539], %mul3A_537 {strides = array<i32>} : memref<36x144xf32, #tpu.memory_space<vmem>>, vector<16xf32>,
        %mul3A_541 = vector.broadcast %select_n3A_510 : f32 to vector<16xf32>
        %mul3A_542 = arith.mulf %get3A_454, %mul3A_541 : vector<16xf32>
        %swap3A_543 = arith.index_cast %scan3A_433 : i32 to index
        %swap3A_544 = arith.constant 96 : index
        %swap3A_545 = tpu.vector_load %arg8[%swap3A_543, %swap3A_544] {strides = array<i32>} : memref<36x144xf32, #tpu.memory_space<vmem>>, vector<16xf32>,
        tpu.vector_store %arg8[%swap3A_543, %swap3A_544], %mul3A_542 {strides = array<i32>} : memref<36x144xf32, #tpu.memory_space<vmem>>, vector<16xf32>,
        %mul3A_546 = vector.broadcast %select_n3A_510 : f32 to vector<16xf32>
        %mul3A_547 = arith.mulf %get3A_457, %mul3A_546 : vector<16xf32>
        %swap3A_548 = arith.index_cast %scan3A_433 : i32 to index
        %swap3A_549 = arith.constant 112 : index
        %swap3A_550 = tpu.vector_load %arg8[%swap3A_548, %swap3A_549] {strides = array<i32>} : memref<36x144xf32, #tpu.memory_space<vmem>>, vector<16xf32>,
        tpu.vector_store %arg8[%swap3A_548, %swap3A_549], %mul3A_547 {strides = array<i32>} : memref<36x144xf32, #tpu.memory_space<vmem>>, vector<16xf32>,
        %mul3A_551 = vector.broadcast %select_n3A_510 : f32 to vector<16xf32>
        %mul3A_552 = arith.mulf %get3A_460, %mul3A_551 : vector<16xf32>
        %swap3A_553 = arith.index_cast %scan3A_433 : i32 to index
        %swap3A_554 = arith.constant 128 : index
        %swap3A_555 = tpu.vector_load %arg8[%swap3A_553, %swap3A_554] {strides = array<i32>} : memref<36x144xf32, #tpu.memory_space<vmem>>, vector<16xf32>,
        tpu.vector_store %arg8[%swap3A_553, %swap3A_554], %mul3A_552 {strides = array<i32>} : memref<36x144xf32, #tpu.memory_space<vmem>>, vector<16xf32>,
      }
      %scan3A_144 = arith.constant 36 : i32
      %rem3A_145 = arith.constant 8 : i32
      %rem3A_146 = arith.remsi %add3A_107, %rem3A_145 : i32
      %dma_start3A_147 = arith.constant 1 : i32
      %dma_start3A_148 = arith.constant 0 : i32
      %dma_start3A_149 = tpu.memref_slice %arg7[%rem3A_146, %dma_start3A_147, %dma_start3A_148] : memref<8x2x36xi32, #tpu.memory_space<vmem>> -> memref<1x1x36xi32, #tpu.memory_space<vmem>>
      %dma_start3A_150 = tpu.memref_squeeze %dma_start3A_149 : memref<1x1x36xi32, #tpu.memory_space<vmem>> -> memref<36xi32, #tpu.memory_space<vmem>>
      %dma_start3A_151 = arith.constant 0 : i32
      %dma_start3A_152 = arith.constant 0 : i32
      %dma_start3A_153 = tpu.memref_slice %arg16[%dma_start3A_151, %dma_start3A_152] : memref<10112x144xf32, #tpu.memory_space<vmem_shared>> -> memref<10112x144xf32, #tpu.memory_space<vmem_shared>>
      tpu.enqueue_indirect_dma source(%arg8 : memref<36x144xf32, #tpu.memory_space<vmem>>) target(%dma_start3A_153 : memref<10112x144xf32, #tpu.memory_space<vmem_shared>>) offsets(%dma_start3A_150 : memref<36xi32, #tpu.memory_space<vmem>>) semaphore(%arg21 : memref<!tpu.dma_semaphore, #tpu.memory_space<semaphore_mem>>) {add = true}
      %mul3A_154 = arith.constant 4 : i32
      %mul3A_155 = arith.muli %mul3A_154, %scan3A_103 : i32
      %add3A_156 = arith.constant 1 : i32
      %add3A_157 = arith.addi %mul3A_155, %add3A_156 : i32
      %rem3A_158 = arith.constant 8 : i32
      %rem3A_159 = arith.remsi %add3A_157, %rem3A_158 : i32
      %dma_wait3A_160 = arith.constant 0 : i32
      %dma_wait3A_161 = arith.constant 0 : i32
      %dma_wait3A_162 = tpu.memref_slice %arg7[%rem3A_159, %dma_wait3A_160, %dma_wait3A_161] : memref<8x2x36xi32, #tpu.memory_space<vmem>> -> memref<1x1x36xi32, #tpu.memory_space<vmem>>
      %dma_wait3A_163 = tpu.memref_squeeze %dma_wait3A_162 : memref<1x1x36xi32, #tpu.memory_space<vmem>> -> memref<36xi32, #tpu.memory_space<vmem>>
      %dma_wait3A_164 = arith.constant 0 : i32
      %dma_wait3A_165 = arith.constant 0 : i32
      %dma_wait3A_166 = tpu.memref_slice %arg3[%dma_wait3A_164, %dma_wait3A_165] : memref<10112x144xf32, #tpu.memory_space<hbm>> -> memref<10112x144xf32, #tpu.memory_space<hbm>>
      tpu.wait_indirect_dma semaphore(%arg18 : memref<!tpu.dma_semaphore, #tpu.memory_space<semaphore_mem>>) src(%dma_wait3A_166 : memref<10112x144xf32, #tpu.memory_space<hbm>>) dst(%arg9 : memref<36x144xf32, #tpu.memory_space<vmem>>)
      %dma_wait3A_167 = arith.constant 1 : i32
      %dma_wait3A_168 = arith.constant 0 : i32
      %dma_wait3A_169 = tpu.memref_slice %arg7[%rem3A_159, %dma_wait3A_167, %dma_wait3A_168] : memref<8x2x36xi32, #tpu.memory_space<vmem>> -> memref<1x1x36xi32, #tpu.memory_space<vmem>>
      %dma_wait3A_170 = tpu.memref_squeeze %dma_wait3A_169 : memref<1x1x36xi32, #tpu.memory_space<vmem>> -> memref<36xi32, #tpu.memory_space<vmem>>
      %dma_wait3A_171 = arith.constant 0 : i32
      %dma_wait3A_172 = arith.constant 0 : i32
      %dma_wait3A_173 = tpu.memref_slice %arg2[%dma_wait3A_171, %dma_wait3A_172] : memref<10112x128xf32, #tpu.memory_space<hbm>> -> memref<10112x128xf32, #tpu.memory_space<hbm>>
      tpu.wait_indirect_dma semaphore(%arg18 : memref<!tpu.dma_semaphore, #tpu.memory_space<semaphore_mem>>) src(%dma_wait3A_173 : memref<10112x128xf32, #tpu.memory_space<hbm>>) dst(%arg13 : memref<36x128xf32, #tpu.memory_space<vmem>>)
      %ge3A_174 = arith.constant 2 : i32
      %ge3A_175 = arith.cmpi sge, %add3A_157, %ge3A_174 : i32
      %convert_element_type3A_176 = arith.extui %ge3A_175 : i1 to i32
      %cond3A_177 = arith.constant 0 : i32
      %cond3A_178 = arith.cmpi ne, %convert_element_type3A_176, %cond3A_177 : i32
      scf.if %cond3A_178 {
        %sub3A = arith.constant 2 : i32
        %sub3A_316 = arith.subi %add3A_157, %sub3A : i32
        %rem3A_317 = arith.constant 8 : i32
        %rem3A_318 = arith.remsi %sub3A_316, %rem3A_317 : i32
        %dma_wait3A_319 = arith.constant 1 : i32
        %dma_wait3A_320 = arith.constant 0 : i32
        %dma_wait3A_321 = tpu.memref_slice %arg7[%rem3A_318, %dma_wait3A_319, %dma_wait3A_320] : memref<8x2x36xi32, #tpu.memory_space<vmem>> -> memref<1x1x36xi32, #tpu.memory_space<vmem>>
        %dma_wait3A_322 = tpu.memref_squeeze %dma_wait3A_321 : memref<1x1x36xi32, #tpu.memory_space<vmem>> -> memref<36xi32, #tpu.memory_space<vmem>>
        %dma_wait3A_323 = arith.constant 0 : i32
        %dma_wait3A_324 = arith.constant 0 : i32
        %dma_wait3A_325 = tpu.memref_slice %arg16[%dma_wait3A_323, %dma_wait3A_324] : memref<10112x144xf32, #tpu.memory_space<vmem_shared>> -> memref<10112x144xf32, #tpu.memory_space<vmem_shared>>
        tpu.wait_indirect_dma semaphore(%arg24 : memref<!tpu.dma_semaphore, #tpu.memory_space<semaphore_mem>>) src(%arg11 : memref<36x144xf32, #tpu.memory_space<vmem>>) dst(%dma_wait3A_325 : memref<10112x144xf32, #tpu.memory_space<vmem_shared>>)
      } else {
      }
      %add3A_179 = arith.constant 2 : i32
      %add3A_180 = arith.addi %add3A_157, %add3A_179 : i32
      %lt3A_181 = arith.constant 288 : i32
      %lt3A_182 = arith.cmpi slt, %add3A_180, %lt3A_181 : i32
      %convert_element_type3A_183 = arith.extui %lt3A_182 : i1 to i32
      %cond3A_184 = arith.constant 0 : i32
      %cond3A_185 = arith.cmpi ne, %convert_element_type3A_183, %cond3A_184 : i32
      scf.if %cond3A_185 {
        %add3A_316 = arith.constant 2 : i32
        %add3A_317 = arith.addi %add3A_157, %add3A_316 : i32
        %rem3A_318 = arith.constant 8 : i32
        %rem3A_319 = arith.remsi %add3A_317, %rem3A_318 : i32
        %dma_wait3A_320 = arith.constant 0 : i32
        %dma_wait3A_321 = arith.constant 0 : i32
        %dma_wait3A_322 = tpu.memref_slice %arg7[%rem3A_319, %dma_wait3A_320, %dma_wait3A_321] : memref<8x2x36xi32, #tpu.memory_space<vmem>> -> memref<1x2x36xi32, #tpu.memory_space<vmem>>
        %dma_wait3A_323 = tpu.memref_squeeze %dma_wait3A_322 : memref<1x2x36xi32, #tpu.memory_space<vmem>> -> memref<2x36xi32, #tpu.memory_space<vmem>>
        %dma_wait3A_324 = arith.constant 0 : i32
        %dma_wait3A_325 = arith.constant 0 : i32
        %dma_wait3A_326 = tpu.memref_slice %arg4[%add3A, %add3A_317, %dma_wait3A_324, %dma_wait3A_325] : memref<32x288x2x36xi32, #tpu.memory_space<hbm>> -> memref<1x1x2x36xi32, #tpu.memory_space<hbm>>
        %dma_wait3A_327 = tpu.memref_squeeze %dma_wait3A_326 : memref<1x1x2x36xi32, #tpu.memory_space<hbm>> -> memref<2x36xi32, #tpu.memory_space<hbm>>
        %dma_wait3A_328 = arith.constant 0 : i32
        %dma_wait3A_329 = arith.constant 0 : i32
        %dma_wait3A_330 = tpu.memref_slice %arg7[%rem3A_319, %dma_wait3A_328, %dma_wait3A_329] : memref<8x2x36xi32, #tpu.memory_space<vmem>> -> memref<1x2x36xi32, #tpu.memory_space<vmem>>
        %dma_wait3A_331 = tpu.memref_squeeze %dma_wait3A_330 : memref<1x2x36xi32, #tpu.memory_space<vmem>> -> memref<2x36xi32, #tpu.memory_space<vmem>>
        %dma_wait3A_332 = arith.constant 0 : i32
        %dma_wait3A_333 = arith.constant 0 : i32
        %dma_wait3A_334 = tpu.memref_slice %arg4[%add3A, %add3A_317, %dma_wait3A_332, %dma_wait3A_333] : memref<32x288x2x36xi32, #tpu.memory_space<hbm>> -> memref<1x1x2x36xi32, #tpu.memory_space<hbm>>
        %dma_wait3A_335 = tpu.memref_squeeze %dma_wait3A_334 : memref<1x1x2x36xi32, #tpu.memory_space<hbm>> -> memref<2x36xi32, #tpu.memory_space<hbm>>
        tpu.wait_dma2 semaphore(%arg28 : memref<!tpu.dma_semaphore, #tpu.memory_space<semaphore_mem>>) src(%dma_wait3A_335 : memref<2x36xi32, #tpu.memory_space<hbm>>) dst(%dma_wait3A_331 : memref<2x36xi32, #tpu.memory_space<vmem>>)
        %add3A_336 = arith.constant 2 : i32
        %add3A_337 = arith.addi %add3A_157, %add3A_336 : i32
        %rem3A_338 = arith.constant 8 : i32
        %rem3A_339 = arith.remsi %add3A_337, %rem3A_338 : i32
        %dma_start3A_340 = arith.constant 0 : i32
        %dma_start3A_341 = arith.constant 0 : i32
        %dma_start3A_342 = tpu.memref_slice %arg7[%rem3A_339, %dma_start3A_340, %dma_start3A_341] : memref<8x2x36xi32, #tpu.memory_space<vmem>> -> memref<1x1x36xi32, #tpu.memory_space<vmem>>
        %dma_start3A_343 = tpu.memref_squeeze %dma_start3A_342 : memref<1x1x36xi32, #tpu.memory_space<vmem>> -> memref<36xi32, #tpu.memory_space<vmem>>
        %dma_start3A_344 = arith.constant 0 : i32
        %dma_start3A_345 = arith.constant 0 : i32
        %dma_start3A_346 = tpu.memref_slice %arg3[%dma_start3A_344, %dma_start3A_345] : memref<10112x144xf32, #tpu.memory_space<hbm>> -> memref<10112x144xf32, #tpu.memory_space<hbm>>
        tpu.enqueue_indirect_dma source(%dma_start3A_346 : memref<10112x144xf32, #tpu.memory_space<hbm>>) target(%arg11 : memref<36x144xf32, #tpu.memory_space<vmem>>) offsets(%dma_start3A_343 : memref<36xi32, #tpu.memory_space<vmem>>) semaphore(%arg20 : memref<!tpu.dma_semaphore, #tpu.memory_space<semaphore_mem>>)
        %dma_start3A_347 = arith.constant 1 : i32
        %dma_start3A_348 = arith.constant 0 : i32
        %dma_start3A_349 = tpu.memref_slice %arg7[%rem3A_339, %dma_start3A_347, %dma_start3A_348] : memref<8x2x36xi32, #tpu.memory_space<vmem>> -> memref<1x1x36xi32, #tpu.memory_space<vmem>>
        %dma_start3A_350 = tpu.memref_squeeze %dma_start3A_349 : memref<1x1x36xi32, #tpu.memory_space<vmem>> -> memref<36xi32, #tpu.memory_space<vmem>>
        %dma_start3A_351 = arith.constant 0 : i32
        %dma_start3A_352 = arith.constant 0 : i32
        %dma_start3A_353 = tpu.memref_slice %arg2[%dma_start3A_351, %dma_start3A_352] : memref<10112x128xf32, #tpu.memory_space<hbm>> -> memref<10112x128xf32, #tpu.memory_space<hbm>>
        tpu.enqueue_indirect_dma source(%dma_start3A_353 : memref<10112x128xf32, #tpu.memory_space<hbm>>) target(%arg15 : memref<36x128xf32, #tpu.memory_space<vmem>>) offsets(%dma_start3A_350 : memref<36xi32, #tpu.memory_space<vmem>>) semaphore(%arg20 : memref<!tpu.dma_semaphore, #tpu.memory_space<semaphore_mem>>)
      } else {
      }
      %add3A_186 = arith.constant 4 : i32
      %add3A_187 = arith.addi %add3A_157, %add3A_186 : i32
      %lt3A_188 = arith.constant 288 : i32
      %lt3A_189 = arith.cmpi slt, %add3A_187, %lt3A_188 : i32
      %convert_element_type3A_190 = arith.extui %lt3A_189 : i1 to i32
      %cond3A_191 = arith.constant 0 : i32
      %cond3A_192 = arith.cmpi ne, %convert_element_type3A_190, %cond3A_191 : i32
      scf.if %cond3A_192 {
        %add3A_316 = arith.constant 4 : i32
        %add3A_317 = arith.addi %add3A_157, %add3A_316 : i32
        %rem3A_318 = arith.constant 8 : i32
        %rem3A_319 = arith.remsi %add3A_317, %rem3A_318 : i32
        %dma_start3A_320 = arith.constant 0 : i32
        %dma_start3A_321 = arith.constant 0 : i32
        %dma_start3A_322 = tpu.memref_slice %arg7[%rem3A_319, %dma_start3A_320, %dma_start3A_321] : memref<8x2x36xi32, #tpu.memory_space<vmem>> -> memref<1x2x36xi32, #tpu.memory_space<vmem>>
        %dma_start3A_323 = tpu.memref_squeeze %dma_start3A_322 : memref<1x2x36xi32, #tpu.memory_space<vmem>> -> memref<2x36xi32, #tpu.memory_space<vmem>>
        %dma_start3A_324 = arith.constant 0 : i32
        %dma_start3A_325 = arith.constant 0 : i32
        %dma_start3A_326 = tpu.memref_slice %arg4[%add3A, %add3A_317, %dma_start3A_324, %dma_start3A_325] : memref<32x288x2x36xi32, #tpu.memory_space<hbm>> -> memref<1x1x2x36xi32, #tpu.memory_space<hbm>>
        %dma_start3A_327 = tpu.memref_squeeze %dma_start3A_326 : memref<1x1x2x36xi32, #tpu.memory_space<hbm>> -> memref<2x36xi32, #tpu.memory_space<hbm>>
        %dma_start3A_328 = arith.constant 0 : i32
        %dma_start3A_329 = arith.constant 0 : i32
        %dma_start3A_330 = tpu.memref_slice %arg7[%rem3A_319, %dma_start3A_328, %dma_start3A_329] : memref<8x2x36xi32, #tpu.memory_space<vmem>> -> memref<1x2x36xi32, #tpu.memory_space<vmem>>
        %dma_start3A_331 = tpu.memref_squeeze %dma_start3A_330 : memref<1x2x36xi32, #tpu.memory_space<vmem>> -> memref<2x36xi32, #tpu.memory_space<vmem>>
        %dma_start3A_332 = arith.constant 0 : i32
        %dma_start3A_333 = arith.constant 0 : i32
        %dma_start3A_334 = tpu.memref_slice %arg4[%add3A, %add3A_317, %dma_start3A_332, %dma_start3A_333] : memref<32x288x2x36xi32, #tpu.memory_space<hbm>> -> memref<1x1x2x36xi32, #tpu.memory_space<hbm>>
        %dma_start3A_335 = tpu.memref_squeeze %dma_start3A_334 : memref<1x1x2x36xi32, #tpu.memory_space<hbm>> -> memref<2x36xi32, #tpu.memory_space<hbm>>
        tpu.enqueue_dma source(%dma_start3A_335 : memref<2x36xi32, #tpu.memory_space<hbm>>) target(%dma_start3A_331 : memref<2x36xi32, #tpu.memory_space<vmem>>) target_semaphore(%arg26 : memref<!tpu.dma_semaphore, #tpu.memory_space<semaphore_mem>>)
      } else {
      }
      %scan3A_193 = arith.constant 0 : i32
      %scan3A_194 = arith.constant 0 : i32
      %scan3A_195 = arith.constant 36 : i32
      %scan3A_196 = arith.addi %scan3A_194, %scan3A_195 : i32
      %scan3A_197 = arith.constant 2 : i32
      scf.for %scan3A_316 = %scan3A_194 to %scan3A_196 step %scan3A_197  : i32 {
        %get3A = arith.index_cast %scan3A_316 : i32 to index
        %get3A_317 = arith.constant 0 : index
        %get3A_318 = tpu.vector_load %arg9[%get3A, %get3A_317] {strides = array<i32>} : memref<36x144xf32, #tpu.memory_space<vmem>>, vector<16xf32>,
        %get3A_319 = arith.index_cast %scan3A_316 : i32 to index
        %get3A_320 = arith.constant 16 : index
        %get3A_321 = tpu.vector_load %arg9[%get3A_319, %get3A_320] {strides = array<i32>} : memref<36x144xf32, #tpu.memory_space<vmem>>, vector<16xf32>,
        %get3A_322 = arith.index_cast %scan3A_316 : i32 to index
        %get3A_323 = arith.constant 32 : index
        %get3A_324 = tpu.vector_load %arg9[%get3A_322, %get3A_323] {strides = array<i32>} : memref<36x144xf32, #tpu.memory_space<vmem>>, vector<16xf32>,
        %get3A_325 = arith.index_cast %scan3A_316 : i32 to index
        %get3A_326 = arith.constant 48 : index
        %get3A_327 = tpu.vector_load %arg9[%get3A_325, %get3A_326] {strides = array<i32>} : memref<36x144xf32, #tpu.memory_space<vmem>>, vector<16xf32>,
        %get3A_328 = arith.index_cast %scan3A_316 : i32 to index
        %get3A_329 = arith.constant 64 : index
        %get3A_330 = tpu.vector_load %arg9[%get3A_328, %get3A_329] {strides = array<i32>} : memref<36x144xf32, #tpu.memory_space<vmem>>, vector<16xf32>,
        %get3A_331 = arith.index_cast %scan3A_316 : i32 to index
        %get3A_332 = arith.constant 80 : index
        %get3A_333 = tpu.vector_load %arg9[%get3A_331, %get3A_332] {strides = array<i32>} : memref<36x144xf32, #tpu.memory_space<vmem>>, vector<16xf32>,
        %get3A_334 = arith.index_cast %scan3A_316 : i32 to index
        %get3A_335 = arith.constant 96 : index
        %get3A_336 = tpu.vector_load %arg9[%get3A_334, %get3A_335] {strides = array<i32>} : memref<36x144xf32, #tpu.memory_space<vmem>>, vector<16xf32>,
        %get3A_337 = arith.index_cast %scan3A_316 : i32 to index
        %get3A_338 = arith.constant 112 : index
        %get3A_339 = tpu.vector_load %arg9[%get3A_337, %get3A_338] {strides = array<i32>} : memref<36x144xf32, #tpu.memory_space<vmem>>, vector<16xf32>,
        %get3A_340 = arith.index_cast %scan3A_316 : i32 to index
        %get3A_341 = arith.constant 128 : index
        %get3A_342 = tpu.vector_load %arg9[%get3A_340, %get3A_341] {strides = array<i32>} : memref<36x144xf32, #tpu.memory_space<vmem>>, vector<16xf32>,
        %get3A_343 = arith.index_cast %scan3A_316 : i32 to index
        %get3A_344 = arith.constant 0 : index
        %get3A_345 = tpu.vector_load %arg13[%get3A_343, %get3A_344] {strides = array<i32>} : memref<36x128xf32, #tpu.memory_space<vmem>>, vector<16xf32>,
        %mul3A_346 = arith.mulf %get3A_318, %get3A_345 : vector<16xf32>
        %get3A_347 = arith.index_cast %scan3A_316 : i32 to index
        %get3A_348 = arith.constant 16 : index
        %get3A_349 = tpu.vector_load %arg13[%get3A_347, %get3A_348] {strides = array<i32>} : memref<36x128xf32, #tpu.memory_space<vmem>>, vector<16xf32>,
        %mul3A_350 = arith.mulf %get3A_321, %get3A_349 : vector<16xf32>
        %add3A_351 = arith.addf %mul3A_346, %mul3A_350 : vector<16xf32>
        %get3A_352 = arith.index_cast %scan3A_316 : i32 to index
        %get3A_353 = arith.constant 32 : index
        %get3A_354 = tpu.vector_load %arg13[%get3A_352, %get3A_353] {strides = array<i32>} : memref<36x128xf32, #tpu.memory_space<vmem>>, vector<16xf32>,
        %mul3A_355 = arith.mulf %get3A_324, %get3A_354 : vector<16xf32>
        %add3A_356 = arith.addf %add3A_351, %mul3A_355 : vector<16xf32>
        %get3A_357 = arith.index_cast %scan3A_316 : i32 to index
        %get3A_358 = arith.constant 48 : index
        %get3A_359 = tpu.vector_load %arg13[%get3A_357, %get3A_358] {strides = array<i32>} : memref<36x128xf32, #tpu.memory_space<vmem>>, vector<16xf32>,
        %mul3A_360 = arith.mulf %get3A_327, %get3A_359 : vector<16xf32>
        %add3A_361 = arith.addf %add3A_356, %mul3A_360 : vector<16xf32>
        %get3A_362 = arith.index_cast %scan3A_316 : i32 to index
        %get3A_363 = arith.constant 64 : index
        %get3A_364 = tpu.vector_load %arg13[%get3A_362, %get3A_363] {strides = array<i32>} : memref<36x128xf32, #tpu.memory_space<vmem>>, vector<16xf32>,
        %mul3A_365 = arith.mulf %get3A_330, %get3A_364 : vector<16xf32>
        %add3A_366 = arith.addf %add3A_361, %mul3A_365 : vector<16xf32>
        %get3A_367 = arith.index_cast %scan3A_316 : i32 to index
        %get3A_368 = arith.constant 80 : index
        %get3A_369 = tpu.vector_load %arg13[%get3A_367, %get3A_368] {strides = array<i32>} : memref<36x128xf32, #tpu.memory_space<vmem>>, vector<16xf32>,
        %mul3A_370 = arith.mulf %get3A_333, %get3A_369 : vector<16xf32>
        %add3A_371 = arith.addf %add3A_366, %mul3A_370 : vector<16xf32>
        %get3A_372 = arith.index_cast %scan3A_316 : i32 to index
        %get3A_373 = arith.constant 96 : index
        %get3A_374 = tpu.vector_load %arg13[%get3A_372, %get3A_373] {strides = array<i32>} : memref<36x128xf32, #tpu.memory_space<vmem>>, vector<16xf32>,
        %mul3A_375 = arith.mulf %get3A_336, %get3A_374 : vector<16xf32>
        %add3A_376 = arith.addf %add3A_371, %mul3A_375 : vector<16xf32>
        %get3A_377 = arith.index_cast %scan3A_316 : i32 to index
        %get3A_378 = arith.constant 112 : index
        %get3A_379 = tpu.vector_load %arg13[%get3A_377, %get3A_378] {strides = array<i32>} : memref<36x128xf32, #tpu.memory_space<vmem>>, vector<16xf32>,
        %mul3A_380 = arith.mulf %get3A_339, %get3A_379 : vector<16xf32>
        %add3A_381 = arith.addf %add3A_376, %mul3A_380 : vector<16xf32>
        %reduce_sum3A = arith.constant true
        %reduce_sum3A_382 = vector.broadcast %reduce_sum3A : i1 to vector<16xi1>
        %reduce_sum3A_383 = tpu.scan <sum>, %add3A_381 masked %reduce_sum3A_382 : vector<16xf32>, vector<16xi1> -> vector<16xf32>
        %reduce_sum3A_384 = vector.extract %reduce_sum3A_383[15] : f32 from vector<16xf32>
        %slice3A = vector.extract_strided_slice %get3A_342 {offsets = [0], sizes = [1], strides = [1]} : vector<16xf32> to vector<1xf32>
        %squeeze3A = vector.extract %slice3A[0] : f32 from vector<1xf32>
        %mul3A_385 = arith.mulf %reduce_sum3A_384, %squeeze3A : f32
        %lt3A_386 = arith.constant 1.000000e-01 : f32
        %lt3A_387 = arith.cmpf olt, %mul3A_385, %lt3A_386 : f32
        %jit3A = arith.constant 9.99999997E-7 : f32
        %select_n3A = arith.select %lt3A_387, %jit3A, %mul3A_385 : f32
        %mul3A_388 = vector.broadcast %select_n3A : f32 to vector<16xf32>
        %mul3A_389 = arith.mulf %get3A_318, %mul3A_388 : vector<16xf32>
        %swap3A = arith.index_cast %scan3A_316 : i32 to index
        %swap3A_390 = arith.constant 0 : index
        %swap3A_391 = tpu.vector_load %arg9[%swap3A, %swap3A_390] {strides = array<i32>} : memref<36x144xf32, #tpu.memory_space<vmem>>, vector<16xf32>,
        tpu.vector_store %arg9[%swap3A, %swap3A_390], %mul3A_389 {strides = array<i32>} : memref<36x144xf32, #tpu.memory_space<vmem>>, vector<16xf32>,
        %mul3A_392 = vector.broadcast %select_n3A : f32 to vector<16xf32>
        %mul3A_393 = arith.mulf %get3A_321, %mul3A_392 : vector<16xf32>
        %swap3A_394 = arith.index_cast %scan3A_316 : i32 to index
        %swap3A_395 = arith.constant 16 : index
        %swap3A_396 = tpu.vector_load %arg9[%swap3A_394, %swap3A_395] {strides = array<i32>} : memref<36x144xf32, #tpu.memory_space<vmem>>, vector<16xf32>,
        tpu.vector_store %arg9[%swap3A_394, %swap3A_395], %mul3A_393 {strides = array<i32>} : memref<36x144xf32, #tpu.memory_space<vmem>>, vector<16xf32>,
        %mul3A_397 = vector.broadcast %select_n3A : f32 to vector<16xf32>
        %mul3A_398 = arith.mulf %get3A_324, %mul3A_397 : vector<16xf32>
        %swap3A_399 = arith.index_cast %scan3A_316 : i32 to index
        %swap3A_400 = arith.constant 32 : index
        %swap3A_401 = tpu.vector_load %arg9[%swap3A_399, %swap3A_400] {strides = array<i32>} : memref<36x144xf32, #tpu.memory_space<vmem>>, vector<16xf32>,
        tpu.vector_store %arg9[%swap3A_399, %swap3A_400], %mul3A_398 {strides = array<i32>} : memref<36x144xf32, #tpu.memory_space<vmem>>, vector<16xf32>,
        %mul3A_402 = vector.broadcast %select_n3A : f32 to vector<16xf32>
        %mul3A_403 = arith.mulf %get3A_327, %mul3A_402 : vector<16xf32>
        %swap3A_404 = arith.index_cast %scan3A_316 : i32 to index
        %swap3A_405 = arith.constant 48 : index
        %swap3A_406 = tpu.vector_load %arg9[%swap3A_404, %swap3A_405] {strides = array<i32>} : memref<36x144xf32, #tpu.memory_space<vmem>>, vector<16xf32>,
        tpu.vector_store %arg9[%swap3A_404, %swap3A_405], %mul3A_403 {strides = array<i32>} : memref<36x144xf32, #tpu.memory_space<vmem>>, vector<16xf32>,
        %mul3A_407 = vector.broadcast %select_n3A : f32 to vector<16xf32>
        %mul3A_408 = arith.mulf %get3A_330, %mul3A_407 : vector<16xf32>
        %swap3A_409 = arith.index_cast %scan3A_316 : i32 to index
        %swap3A_410 = arith.constant 64 : index
        %swap3A_411 = tpu.vector_load %arg9[%swap3A_409, %swap3A_410] {strides = array<i32>} : memref<36x144xf32, #tpu.memory_space<vmem>>, vector<16xf32>,
        tpu.vector_store %arg9[%swap3A_409, %swap3A_410], %mul3A_408 {strides = array<i32>} : memref<36x144xf32, #tpu.memory_space<vmem>>, vector<16xf32>,
        %mul3A_412 = vector.broadcast %select_n3A : f32 to vector<16xf32>
        %mul3A_413 = arith.mulf %get3A_333, %mul3A_412 : vector<16xf32>
        %swap3A_414 = arith.index_cast %scan3A_316 : i32 to index
        %swap3A_415 = arith.constant 80 : index
        %swap3A_416 = tpu.vector_load %arg9[%swap3A_414, %swap3A_415] {strides = array<i32>} : memref<36x144xf32, #tpu.memory_space<vmem>>, vector<16xf32>,
        tpu.vector_store %arg9[%swap3A_414, %swap3A_415], %mul3A_413 {strides = array<i32>} : memref<36x144xf32, #tpu.memory_space<vmem>>, vector<16xf32>,
        %mul3A_417 = vector.broadcast %select_n3A : f32 to vector<16xf32>
        %mul3A_418 = arith.mulf %get3A_336, %mul3A_417 : vector<16xf32>
        %swap3A_419 = arith.index_cast %scan3A_316 : i32 to index
        %swap3A_420 = arith.constant 96 : index
        %swap3A_421 = tpu.vector_load %arg9[%swap3A_419, %swap3A_420] {strides = array<i32>} : memref<36x144xf32, #tpu.memory_space<vmem>>, vector<16xf32>,
        tpu.vector_store %arg9[%swap3A_419, %swap3A_420], %mul3A_418 {strides = array<i32>} : memref<36x144xf32, #tpu.memory_space<vmem>>, vector<16xf32>,
        %mul3A_422 = vector.broadcast %select_n3A : f32 to vector<16xf32>
        %mul3A_423 = arith.mulf %get3A_339, %mul3A_422 : vector<16xf32>
        %swap3A_424 = arith.index_cast %scan3A_316 : i32 to index
        %swap3A_425 = arith.constant 112 : index
        %swap3A_426 = tpu.vector_load %arg9[%swap3A_424, %swap3A_425] {strides = array<i32>} : memref<36x144xf32, #tpu.memory_space<vmem>>, vector<16xf32>,
        tpu.vector_store %arg9[%swap3A_424, %swap3A_425], %mul3A_423 {strides = array<i32>} : memref<36x144xf32, #tpu.memory_space<vmem>>, vector<16xf32>,
        %mul3A_427 = vector.broadcast %select_n3A : f32 to vector<16xf32>
        %mul3A_428 = arith.mulf %get3A_342, %mul3A_427 : vector<16xf32>
        %swap3A_429 = arith.index_cast %scan3A_316 : i32 to index
        %swap3A_430 = arith.constant 128 : index
        %swap3A_431 = tpu.vector_load %arg9[%swap3A_429, %swap3A_430] {strides = array<i32>} : memref<36x144xf32, #tpu.memory_space<vmem>>, vector<16xf32>,
        tpu.vector_store %arg9[%swap3A_429, %swap3A_430], %mul3A_428 {strides = array<i32>} : memref<36x144xf32, #tpu.memory_space<vmem>>, vector<16xf32>,
        %scan3A_432 = arith.constant 1 : i32
        %scan3A_433 = arith.addi %scan3A_316, %scan3A_432 : i32
        %get3A_434 = arith.index_cast %scan3A_433 : i32 to index
        %get3A_435 = arith.constant 0 : index
        %get3A_436 = tpu.vector_load %arg9[%get3A_434, %get3A_435] {strides = array<i32>} : memref<36x144xf32, #tpu.memory_space<vmem>>, vector<16xf32>,
        %get3A_437 = arith.index_cast %scan3A_433 : i32 to index
        %get3A_438 = arith.constant 16 : index
        %get3A_439 = tpu.vector_load %arg9[%get3A_437, %get3A_438] {strides = array<i32>} : memref<36x144xf32, #tpu.memory_space<vmem>>, vector<16xf32>,
        %get3A_440 = arith.index_cast %scan3A_433 : i32 to index
        %get3A_441 = arith.constant 32 : index
        %get3A_442 = tpu.vector_load %arg9[%get3A_440, %get3A_441] {strides = array<i32>} : memref<36x144xf32, #tpu.memory_space<vmem>>, vector<16xf32>,
        %get3A_443 = arith.index_cast %scan3A_433 : i32 to index
        %get3A_444 = arith.constant 48 : index
        %get3A_445 = tpu.vector_load %arg9[%get3A_443, %get3A_444] {strides = array<i32>} : memref<36x144xf32, #tpu.memory_space<vmem>>, vector<16xf32>,
        %get3A_446 = arith.index_cast %scan3A_433 : i32 to index
        %get3A_447 = arith.constant 64 : index
        %get3A_448 = tpu.vector_load %arg9[%get3A_446, %get3A_447] {strides = array<i32>} : memref<36x144xf32, #tpu.memory_space<vmem>>, vector<16xf32>,
        %get3A_449 = arith.index_cast %scan3A_433 : i32 to index
        %get3A_450 = arith.constant 80 : index
        %get3A_451 = tpu.vector_load %arg9[%get3A_449, %get3A_450] {strides = array<i32>} : memref<36x144xf32, #tpu.memory_space<vmem>>, vector<16xf32>,
        %get3A_452 = arith.index_cast %scan3A_433 : i32 to index
        %get3A_453 = arith.constant 96 : index
        %get3A_454 = tpu.vector_load %arg9[%get3A_452, %get3A_453] {strides = array<i32>} : memref<36x144xf32, #tpu.memory_space<vmem>>, vector<16xf32>,
        %get3A_455 = arith.index_cast %scan3A_433 : i32 to index
        %get3A_456 = arith.constant 112 : index
        %get3A_457 = tpu.vector_load %arg9[%get3A_455, %get3A_456] {strides = array<i32>} : memref<36x144xf32, #tpu.memory_space<vmem>>, vector<16xf32>,
        %get3A_458 = arith.index_cast %scan3A_433 : i32 to index
        %get3A_459 = arith.constant 128 : index
        %get3A_460 = tpu.vector_load %arg9[%get3A_458, %get3A_459] {strides = array<i32>} : memref<36x144xf32, #tpu.memory_space<vmem>>, vector<16xf32>,
        %get3A_461 = arith.index_cast %scan3A_433 : i32 to index
        %get3A_462 = arith.constant 0 : index
        %get3A_463 = tpu.vector_load %arg13[%get3A_461, %get3A_462] {strides = array<i32>} : memref<36x128xf32, #tpu.memory_space<vmem>>, vector<16xf32>,
        %mul3A_464 = arith.mulf %get3A_436, %get3A_463 : vector<16xf32>
        %get3A_465 = arith.index_cast %scan3A_433 : i32 to index
        %get3A_466 = arith.constant 16 : index
        %get3A_467 = tpu.vector_load %arg13[%get3A_465, %get3A_466] {strides = array<i32>} : memref<36x128xf32, #tpu.memory_space<vmem>>, vector<16xf32>,
        %mul3A_468 = arith.mulf %get3A_439, %get3A_467 : vector<16xf32>
        %add3A_469 = arith.addf %mul3A_464, %mul3A_468 : vector<16xf32>
        %get3A_470 = arith.index_cast %scan3A_433 : i32 to index
        %get3A_471 = arith.constant 32 : index
        %get3A_472 = tpu.vector_load %arg13[%get3A_470, %get3A_471] {strides = array<i32>} : memref<36x128xf32, #tpu.memory_space<vmem>>, vector<16xf32>,
        %mul3A_473 = arith.mulf %get3A_442, %get3A_472 : vector<16xf32>
        %add3A_474 = arith.addf %add3A_469, %mul3A_473 : vector<16xf32>
        %get3A_475 = arith.index_cast %scan3A_433 : i32 to index
        %get3A_476 = arith.constant 48 : index
        %get3A_477 = tpu.vector_load %arg13[%get3A_475, %get3A_476] {strides = array<i32>} : memref<36x128xf32, #tpu.memory_space<vmem>>, vector<16xf32>,
        %mul3A_478 = arith.mulf %get3A_445, %get3A_477 : vector<16xf32>
        %add3A_479 = arith.addf %add3A_474, %mul3A_478 : vector<16xf32>
        %get3A_480 = arith.index_cast %scan3A_433 : i32 to index
        %get3A_481 = arith.constant 64 : index
        %get3A_482 = tpu.vector_load %arg13[%get3A_480, %get3A_481] {strides = array<i32>} : memref<36x128xf32, #tpu.memory_space<vmem>>, vector<16xf32>,
        %mul3A_483 = arith.mulf %get3A_448, %get3A_482 : vector<16xf32>
        %add3A_484 = arith.addf %add3A_479, %mul3A_483 : vector<16xf32>
        %get3A_485 = arith.index_cast %scan3A_433 : i32 to index
        %get3A_486 = arith.constant 80 : index
        %get3A_487 = tpu.vector_load %arg13[%get3A_485, %get3A_486] {strides = array<i32>} : memref<36x128xf32, #tpu.memory_space<vmem>>, vector<16xf32>,
        %mul3A_488 = arith.mulf %get3A_451, %get3A_487 : vector<16xf32>
        %add3A_489 = arith.addf %add3A_484, %mul3A_488 : vector<16xf32>
        %get3A_490 = arith.index_cast %scan3A_433 : i32 to index
        %get3A_491 = arith.constant 96 : index
        %get3A_492 = tpu.vector_load %arg13[%get3A_490, %get3A_491] {strides = array<i32>} : memref<36x128xf32, #tpu.memory_space<vmem>>, vector<16xf32>,
        %mul3A_493 = arith.mulf %get3A_454, %get3A_492 : vector<16xf32>
        %add3A_494 = arith.addf %add3A_489, %mul3A_493 : vector<16xf32>
        %get3A_495 = arith.index_cast %scan3A_433 : i32 to index
        %get3A_496 = arith.constant 112 : index
        %get3A_497 = tpu.vector_load %arg13[%get3A_495, %get3A_496] {strides = array<i32>} : memref<36x128xf32, #tpu.memory_space<vmem>>, vector<16xf32>,
        %mul3A_498 = arith.mulf %get3A_457, %get3A_497 : vector<16xf32>
        %add3A_499 = arith.addf %add3A_494, %mul3A_498 : vector<16xf32>
        %reduce_sum3A_500 = arith.constant true
        %reduce_sum3A_501 = vector.broadcast %reduce_sum3A_500 : i1 to vector<16xi1>
        %reduce_sum3A_502 = tpu.scan <sum>, %add3A_499 masked %reduce_sum3A_501 : vector<16xf32>, vector<16xi1> -> vector<16xf32>
        %reduce_sum3A_503 = vector.extract %reduce_sum3A_502[15] : f32 from vector<16xf32>
        %slice3A_504 = vector.extract_strided_slice %get3A_460 {offsets = [0], sizes = [1], strides = [1]} : vector<16xf32> to vector<1xf32>
        %squeeze3A_505 = vector.extract %slice3A_504[0] : f32 from vector<1xf32>
        %mul3A_506 = arith.mulf %reduce_sum3A_503, %squeeze3A_505 : f32
        %lt3A_507 = arith.constant 1.000000e-01 : f32
        %lt3A_508 = arith.cmpf olt, %mul3A_506, %lt3A_507 : f32
        %jit3A_509 = arith.constant 9.99999997E-7 : f32
        %select_n3A_510 = arith.select %lt3A_508, %jit3A_509, %mul3A_506 : f32
        %mul3A_511 = vector.broadcast %select_n3A_510 : f32 to vector<16xf32>
        %mul3A_512 = arith.mulf %get3A_436, %mul3A_511 : vector<16xf32>
        %swap3A_513 = arith.index_cast %scan3A_433 : i32 to index
        %swap3A_514 = arith.constant 0 : index
        %swap3A_515 = tpu.vector_load %arg9[%swap3A_513, %swap3A_514] {strides = array<i32>} : memref<36x144xf32, #tpu.memory_space<vmem>>, vector<16xf32>,
        tpu.vector_store %arg9[%swap3A_513, %swap3A_514], %mul3A_512 {strides = array<i32>} : memref<36x144xf32, #tpu.memory_space<vmem>>, vector<16xf32>,
        %mul3A_516 = vector.broadcast %select_n3A_510 : f32 to vector<16xf32>
        %mul3A_517 = arith.mulf %get3A_439, %mul3A_516 : vector<16xf32>
        %swap3A_518 = arith.index_cast %scan3A_433 : i32 to index
        %swap3A_519 = arith.constant 16 : index
        %swap3A_520 = tpu.vector_load %arg9[%swap3A_518, %swap3A_519] {strides = array<i32>} : memref<36x144xf32, #tpu.memory_space<vmem>>, vector<16xf32>,
        tpu.vector_store %arg9[%swap3A_518, %swap3A_519], %mul3A_517 {strides = array<i32>} : memref<36x144xf32, #tpu.memory_space<vmem>>, vector<16xf32>,
        %mul3A_521 = vector.broadcast %select_n3A_510 : f32 to vector<16xf32>
        %mul3A_522 = arith.mulf %get3A_442, %mul3A_521 : vector<16xf32>
        %swap3A_523 = arith.index_cast %scan3A_433 : i32 to index
        %swap3A_524 = arith.constant 32 : index
        %swap3A_525 = tpu.vector_load %arg9[%swap3A_523, %swap3A_524] {strides = array<i32>} : memref<36x144xf32, #tpu.memory_space<vmem>>, vector<16xf32>,
        tpu.vector_store %arg9[%swap3A_523, %swap3A_524], %mul3A_522 {strides = array<i32>} : memref<36x144xf32, #tpu.memory_space<vmem>>, vector<16xf32>,
        %mul3A_526 = vector.broadcast %select_n3A_510 : f32 to vector<16xf32>
        %mul3A_527 = arith.mulf %get3A_445, %mul3A_526 : vector<16xf32>
        %swap3A_528 = arith.index_cast %scan3A_433 : i32 to index
        %swap3A_529 = arith.constant 48 : index
        %swap3A_530 = tpu.vector_load %arg9[%swap3A_528, %swap3A_529] {strides = array<i32>} : memref<36x144xf32, #tpu.memory_space<vmem>>, vector<16xf32>,
        tpu.vector_store %arg9[%swap3A_528, %swap3A_529], %mul3A_527 {strides = array<i32>} : memref<36x144xf32, #tpu.memory_space<vmem>>, vector<16xf32>,
        %mul3A_531 = vector.broadcast %select_n3A_510 : f32 to vector<16xf32>
        %mul3A_532 = arith.mulf %get3A_448, %mul3A_531 : vector<16xf32>
        %swap3A_533 = arith.index_cast %scan3A_433 : i32 to index
        %swap3A_534 = arith.constant 64 : index
        %swap3A_535 = tpu.vector_load %arg9[%swap3A_533, %swap3A_534] {strides = array<i32>} : memref<36x144xf32, #tpu.memory_space<vmem>>, vector<16xf32>,
        tpu.vector_store %arg9[%swap3A_533, %swap3A_534], %mul3A_532 {strides = array<i32>} : memref<36x144xf32, #tpu.memory_space<vmem>>, vector<16xf32>,
        %mul3A_536 = vector.broadcast %select_n3A_510 : f32 to vector<16xf32>
        %mul3A_537 = arith.mulf %get3A_451, %mul3A_536 : vector<16xf32>
        %swap3A_538 = arith.index_cast %scan3A_433 : i32 to index
        %swap3A_539 = arith.constant 80 : index
        %swap3A_540 = tpu.vector_load %arg9[%swap3A_538, %swap3A_539] {strides = array<i32>} : memref<36x144xf32, #tpu.memory_space<vmem>>, vector<16xf32>,
        tpu.vector_store %arg9[%swap3A_538, %swap3A_539], %mul3A_537 {strides = array<i32>} : memref<36x144xf32, #tpu.memory_space<vmem>>, vector<16xf32>,
        %mul3A_541 = vector.broadcast %select_n3A_510 : f32 to vector<16xf32>
        %mul3A_542 = arith.mulf %get3A_454, %mul3A_541 : vector<16xf32>
        %swap3A_543 = arith.index_cast %scan3A_433 : i32 to index
        %swap3A_544 = arith.constant 96 : index
        %swap3A_545 = tpu.vector_load %arg9[%swap3A_543, %swap3A_544] {strides = array<i32>} : memref<36x144xf32, #tpu.memory_space<vmem>>, vector<16xf32>,
        tpu.vector_store %arg9[%swap3A_543, %swap3A_544], %mul3A_542 {strides = array<i32>} : memref<36x144xf32, #tpu.memory_space<vmem>>, vector<16xf32>,
        %mul3A_546 = vector.broadcast %select_n3A_510 : f32 to vector<16xf32>
        %mul3A_547 = arith.mulf %get3A_457, %mul3A_546 : vector<16xf32>
        %swap3A_548 = arith.index_cast %scan3A_433 : i32 to index
        %swap3A_549 = arith.constant 112 : index
        %swap3A_550 = tpu.vector_load %arg9[%swap3A_548, %swap3A_549] {strides = array<i32>} : memref<36x144xf32, #tpu.memory_space<vmem>>, vector<16xf32>,
        tpu.vector_store %arg9[%swap3A_548, %swap3A_549], %mul3A_547 {strides = array<i32>} : memref<36x144xf32, #tpu.memory_space<vmem>>, vector<16xf32>,
        %mul3A_551 = vector.broadcast %select_n3A_510 : f32 to vector<16xf32>
        %mul3A_552 = arith.mulf %get3A_460, %mul3A_551 : vector<16xf32>
        %swap3A_553 = arith.index_cast %scan3A_433 : i32 to index
        %swap3A_554 = arith.constant 128 : index
        %swap3A_555 = tpu.vector_load %arg9[%swap3A_553, %swap3A_554] {strides = array<i32>} : memref<36x144xf32, #tpu.memory_space<vmem>>, vector<16xf32>,
        tpu.vector_store %arg9[%swap3A_553, %swap3A_554], %mul3A_552 {strides = array<i32>} : memref<36x144xf32, #tpu.memory_space<vmem>>, vector<16xf32>,
      }
      %scan3A_198 = arith.constant 36 : i32
      %rem3A_199 = arith.constant 8 : i32
      %rem3A_200 = arith.remsi %add3A_157, %rem3A_199 : i32
      %dma_start3A_201 = arith.constant 1 : i32
      %dma_start3A_202 = arith.constant 0 : i32
      %dma_start3A_203 = tpu.memref_slice %arg7[%rem3A_200, %dma_start3A_201, %dma_start3A_202] : memref<8x2x36xi32, #tpu.memory_space<vmem>> -> memref<1x1x36xi32, #tpu.memory_space<vmem>>
      %dma_start3A_204 = tpu.memref_squeeze %dma_start3A_203 : memref<1x1x36xi32, #tpu.memory_space<vmem>> -> memref<36xi32, #tpu.memory_space<vmem>>
      %dma_start3A_205 = arith.constant 0 : i32
      %dma_start3A_206 = arith.constant 0 : i32
      %dma_start3A_207 = tpu.memref_slice %arg16[%dma_start3A_205, %dma_start3A_206] : memref<10112x144xf32, #tpu.memory_space<vmem_shared>> -> memref<10112x144xf32, #tpu.memory_space<vmem_shared>>
      tpu.enqueue_indirect_dma source(%arg9 : memref<36x144xf32, #tpu.memory_space<vmem>>) target(%dma_start3A_207 : memref<10112x144xf32, #tpu.memory_space<vmem_shared>>) offsets(%dma_start3A_204 : memref<36xi32, #tpu.memory_space<vmem>>) semaphore(%arg22 : memref<!tpu.dma_semaphore, #tpu.memory_space<semaphore_mem>>) {add = true}
      %mul3A_208 = arith.constant 4 : i32
      %mul3A_209 = arith.muli %mul3A_208, %scan3A_103 : i32
      %add3A_210 = arith.constant 2 : i32
      %add3A_211 = arith.addi %mul3A_209, %add3A_210 : i32
      %rem3A_212 = arith.constant 8 : i32
      %rem3A_213 = arith.remsi %add3A_211, %rem3A_212 : i32
      %dma_wait3A_214 = arith.constant 0 : i32
      %dma_wait3A_215 = arith.constant 0 : i32
      %dma_wait3A_216 = tpu.memref_slice %arg7[%rem3A_213, %dma_wait3A_214, %dma_wait3A_215] : memref<8x2x36xi32, #tpu.memory_space<vmem>> -> memref<1x1x36xi32, #tpu.memory_space<vmem>>
      %dma_wait3A_217 = tpu.memref_squeeze %dma_wait3A_216 : memref<1x1x36xi32, #tpu.memory_space<vmem>> -> memref<36xi32, #tpu.memory_space<vmem>>
      %dma_wait3A_218 = arith.constant 0 : i32
      %dma_wait3A_219 = arith.constant 0 : i32
      %dma_wait3A_220 = tpu.memref_slice %arg3[%dma_wait3A_218, %dma_wait3A_219] : memref<10112x144xf32, #tpu.memory_space<hbm>> -> memref<10112x144xf32, #tpu.memory_space<hbm>>
      tpu.wait_indirect_dma semaphore(%arg19 : memref<!tpu.dma_semaphore, #tpu.memory_space<semaphore_mem>>) src(%dma_wait3A_220 : memref<10112x144xf32, #tpu.memory_space<hbm>>) dst(%arg10 : memref<36x144xf32, #tpu.memory_space<vmem>>)
      %dma_wait3A_221 = arith.constant 1 : i32
      %dma_wait3A_222 = arith.constant 0 : i32
      %dma_wait3A_223 = tpu.memref_slice %arg7[%rem3A_213, %dma_wait3A_221, %dma_wait3A_222] : memref<8x2x36xi32, #tpu.memory_space<vmem>> -> memref<1x1x36xi32, #tpu.memory_space<vmem>>
      %dma_wait3A_224 = tpu.memref_squeeze %dma_wait3A_223 : memref<1x1x36xi32, #tpu.memory_space<vmem>> -> memref<36xi32, #tpu.memory_space<vmem>>
      %dma_wait3A_225 = arith.constant 0 : i32
      %dma_wait3A_226 = arith.constant 0 : i32
      %dma_wait3A_227 = tpu.memref_slice %arg2[%dma_wait3A_225, %dma_wait3A_226] : memref<10112x128xf32, #tpu.memory_space<hbm>> -> memref<10112x128xf32, #tpu.memory_space<hbm>>
      tpu.wait_indirect_dma semaphore(%arg19 : memref<!tpu.dma_semaphore, #tpu.memory_space<semaphore_mem>>) src(%dma_wait3A_227 : memref<10112x128xf32, #tpu.memory_space<hbm>>) dst(%arg14 : memref<36x128xf32, #tpu.memory_space<vmem>>)
      %ge3A_228 = arith.constant 2 : i32
      %ge3A_229 = arith.cmpi sge, %add3A_211, %ge3A_228 : i32
      %convert_element_type3A_230 = arith.extui %ge3A_229 : i1 to i32
      %cond3A_231 = arith.constant 0 : i32
      %cond3A_232 = arith.cmpi ne, %convert_element_type3A_230, %cond3A_231 : i32
      scf.if %cond3A_232 {
        %sub3A = arith.constant 2 : i32
        %sub3A_316 = arith.subi %add3A_211, %sub3A : i32
        %rem3A_317 = arith.constant 8 : i32
        %rem3A_318 = arith.remsi %sub3A_316, %rem3A_317 : i32
        %dma_wait3A_319 = arith.constant 1 : i32
        %dma_wait3A_320 = arith.constant 0 : i32
        %dma_wait3A_321 = tpu.memref_slice %arg7[%rem3A_318, %dma_wait3A_319, %dma_wait3A_320] : memref<8x2x36xi32, #tpu.memory_space<vmem>> -> memref<1x1x36xi32, #tpu.memory_space<vmem>>
        %dma_wait3A_322 = tpu.memref_squeeze %dma_wait3A_321 : memref<1x1x36xi32, #tpu.memory_space<vmem>> -> memref<36xi32, #tpu.memory_space<vmem>>
        %dma_wait3A_323 = arith.constant 0 : i32
        %dma_wait3A_324 = arith.constant 0 : i32
        %dma_wait3A_325 = tpu.memref_slice %arg16[%dma_wait3A_323, %dma_wait3A_324] : memref<10112x144xf32, #tpu.memory_space<vmem_shared>> -> memref<10112x144xf32, #tpu.memory_space<vmem_shared>>
        tpu.wait_indirect_dma semaphore(%arg21 : memref<!tpu.dma_semaphore, #tpu.memory_space<semaphore_mem>>) src(%arg8 : memref<36x144xf32, #tpu.memory_space<vmem>>) dst(%dma_wait3A_325 : memref<10112x144xf32, #tpu.memory_space<vmem_shared>>)
      } else {
      }
      %add3A_233 = arith.constant 2 : i32
      %add3A_234 = arith.addi %add3A_211, %add3A_233 : i32
      %lt3A_235 = arith.constant 288 : i32
      %lt3A_236 = arith.cmpi slt, %add3A_234, %lt3A_235 : i32
      %convert_element_type3A_237 = arith.extui %lt3A_236 : i1 to i32
      %cond3A_238 = arith.constant 0 : i32
      %cond3A_239 = arith.cmpi ne, %convert_element_type3A_237, %cond3A_238 : i32
      scf.if %cond3A_239 {
        %add3A_316 = arith.constant 2 : i32
        %add3A_317 = arith.addi %add3A_211, %add3A_316 : i32
        %rem3A_318 = arith.constant 8 : i32
        %rem3A_319 = arith.remsi %add3A_317, %rem3A_318 : i32
        %dma_wait3A_320 = arith.constant 0 : i32
        %dma_wait3A_321 = arith.constant 0 : i32
        %dma_wait3A_322 = tpu.memref_slice %arg7[%rem3A_319, %dma_wait3A_320, %dma_wait3A_321] : memref<8x2x36xi32, #tpu.memory_space<vmem>> -> memref<1x2x36xi32, #tpu.memory_space<vmem>>
        %dma_wait3A_323 = tpu.memref_squeeze %dma_wait3A_322 : memref<1x2x36xi32, #tpu.memory_space<vmem>> -> memref<2x36xi32, #tpu.memory_space<vmem>>
        %dma_wait3A_324 = arith.constant 0 : i32
        %dma_wait3A_325 = arith.constant 0 : i32
        %dma_wait3A_326 = tpu.memref_slice %arg4[%add3A, %add3A_317, %dma_wait3A_324, %dma_wait3A_325] : memref<32x288x2x36xi32, #tpu.memory_space<hbm>> -> memref<1x1x2x36xi32, #tpu.memory_space<hbm>>
        %dma_wait3A_327 = tpu.memref_squeeze %dma_wait3A_326 : memref<1x1x2x36xi32, #tpu.memory_space<hbm>> -> memref<2x36xi32, #tpu.memory_space<hbm>>
        %dma_wait3A_328 = arith.constant 0 : i32
        %dma_wait3A_329 = arith.constant 0 : i32
        %dma_wait3A_330 = tpu.memref_slice %arg7[%rem3A_319, %dma_wait3A_328, %dma_wait3A_329] : memref<8x2x36xi32, #tpu.memory_space<vmem>> -> memref<1x2x36xi32, #tpu.memory_space<vmem>>
        %dma_wait3A_331 = tpu.memref_squeeze %dma_wait3A_330 : memref<1x2x36xi32, #tpu.memory_space<vmem>> -> memref<2x36xi32, #tpu.memory_space<vmem>>
        %dma_wait3A_332 = arith.constant 0 : i32
        %dma_wait3A_333 = arith.constant 0 : i32
        %dma_wait3A_334 = tpu.memref_slice %arg4[%add3A, %add3A_317, %dma_wait3A_332, %dma_wait3A_333] : memref<32x288x2x36xi32, #tpu.memory_space<hbm>> -> memref<1x1x2x36xi32, #tpu.memory_space<hbm>>
        %dma_wait3A_335 = tpu.memref_squeeze %dma_wait3A_334 : memref<1x1x2x36xi32, #tpu.memory_space<hbm>> -> memref<2x36xi32, #tpu.memory_space<hbm>>
        tpu.wait_dma2 semaphore(%arg25 : memref<!tpu.dma_semaphore, #tpu.memory_space<semaphore_mem>>) src(%dma_wait3A_335 : memref<2x36xi32, #tpu.memory_space<hbm>>) dst(%dma_wait3A_331 : memref<2x36xi32, #tpu.memory_space<vmem>>)
        %add3A_336 = arith.constant 2 : i32
        %add3A_337 = arith.addi %add3A_211, %add3A_336 : i32
        %rem3A_338 = arith.constant 8 : i32
        %rem3A_339 = arith.remsi %add3A_337, %rem3A_338 : i32
        %dma_start3A_340 = arith.constant 0 : i32
        %dma_start3A_341 = arith.constant 0 : i32
        %dma_start3A_342 = tpu.memref_slice %arg7[%rem3A_339, %dma_start3A_340, %dma_start3A_341] : memref<8x2x36xi32, #tpu.memory_space<vmem>> -> memref<1x1x36xi32, #tpu.memory_space<vmem>>
        %dma_start3A_343 = tpu.memref_squeeze %dma_start3A_342 : memref<1x1x36xi32, #tpu.memory_space<vmem>> -> memref<36xi32, #tpu.memory_space<vmem>>
        %dma_start3A_344 = arith.constant 0 : i32
        %dma_start3A_345 = arith.constant 0 : i32
        %dma_start3A_346 = tpu.memref_slice %arg3[%dma_start3A_344, %dma_start3A_345] : memref<10112x144xf32, #tpu.memory_space<hbm>> -> memref<10112x144xf32, #tpu.memory_space<hbm>>
        tpu.enqueue_indirect_dma source(%dma_start3A_346 : memref<10112x144xf32, #tpu.memory_space<hbm>>) target(%arg8 : memref<36x144xf32, #tpu.memory_space<vmem>>) offsets(%dma_start3A_343 : memref<36xi32, #tpu.memory_space<vmem>>) semaphore(%arg17 : memref<!tpu.dma_semaphore, #tpu.memory_space<semaphore_mem>>)
        %dma_start3A_347 = arith.constant 1 : i32
        %dma_start3A_348 = arith.constant 0 : i32
        %dma_start3A_349 = tpu.memref_slice %arg7[%rem3A_339, %dma_start3A_347, %dma_start3A_348] : memref<8x2x36xi32, #tpu.memory_space<vmem>> -> memref<1x1x36xi32, #tpu.memory_space<vmem>>
        %dma_start3A_350 = tpu.memref_squeeze %dma_start3A_349 : memref<1x1x36xi32, #tpu.memory_space<vmem>> -> memref<36xi32, #tpu.memory_space<vmem>>
        %dma_start3A_351 = arith.constant 0 : i32
        %dma_start3A_352 = arith.constant 0 : i32
        %dma_start3A_353 = tpu.memref_slice %arg2[%dma_start3A_351, %dma_start3A_352] : memref<10112x128xf32, #tpu.memory_space<hbm>> -> memref<10112x128xf32, #tpu.memory_space<hbm>>
        tpu.enqueue_indirect_dma source(%dma_start3A_353 : memref<10112x128xf32, #tpu.memory_space<hbm>>) target(%arg12 : memref<36x128xf32, #tpu.memory_space<vmem>>) offsets(%dma_start3A_350 : memref<36xi32, #tpu.memory_space<vmem>>) semaphore(%arg17 : memref<!tpu.dma_semaphore, #tpu.memory_space<semaphore_mem>>)
      } else {
      }
      %add3A_240 = arith.constant 4 : i32
      %add3A_241 = arith.addi %add3A_211, %add3A_240 : i32
      %lt3A_242 = arith.constant 288 : i32
      %lt3A_243 = arith.cmpi slt, %add3A_241, %lt3A_242 : i32
      %convert_element_type3A_244 = arith.extui %lt3A_243 : i1 to i32
      %cond3A_245 = arith.constant 0 : i32
      %cond3A_246 = arith.cmpi ne, %convert_element_type3A_244, %cond3A_245 : i32
      scf.if %cond3A_246 {
        %add3A_316 = arith.constant 4 : i32
        %add3A_317 = arith.addi %add3A_211, %add3A_316 : i32
        %rem3A_318 = arith.constant 8 : i32
        %rem3A_319 = arith.remsi %add3A_317, %rem3A_318 : i32
        %dma_start3A_320 = arith.constant 0 : i32
        %dma_start3A_321 = arith.constant 0 : i32
        %dma_start3A_322 = tpu.memref_slice %arg7[%rem3A_319, %dma_start3A_320, %dma_start3A_321] : memref<8x2x36xi32, #tpu.memory_space<vmem>> -> memref<1x2x36xi32, #tpu.memory_space<vmem>>
        %dma_start3A_323 = tpu.memref_squeeze %dma_start3A_322 : memref<1x2x36xi32, #tpu.memory_space<vmem>> -> memref<2x36xi32, #tpu.memory_space<vmem>>
        %dma_start3A_324 = arith.constant 0 : i32
        %dma_start3A_325 = arith.constant 0 : i32
        %dma_start3A_326 = tpu.memref_slice %arg4[%add3A, %add3A_317, %dma_start3A_324, %dma_start3A_325] : memref<32x288x2x36xi32, #tpu.memory_space<hbm>> -> memref<1x1x2x36xi32, #tpu.memory_space<hbm>>
        %dma_start3A_327 = tpu.memref_squeeze %dma_start3A_326 : memref<1x1x2x36xi32, #tpu.memory_space<hbm>> -> memref<2x36xi32, #tpu.memory_space<hbm>>
        %dma_start3A_328 = arith.constant 0 : i32
        %dma_start3A_329 = arith.constant 0 : i32
        %dma_start3A_330 = tpu.memref_slice %arg7[%rem3A_319, %dma_start3A_328, %dma_start3A_329] : memref<8x2x36xi32, #tpu.memory_space<vmem>> -> memref<1x2x36xi32, #tpu.memory_space<vmem>>
        %dma_start3A_331 = tpu.memref_squeeze %dma_start3A_330 : memref<1x2x36xi32, #tpu.memory_space<vmem>> -> memref<2x36xi32, #tpu.memory_space<vmem>>
        %dma_start3A_332 = arith.constant 0 : i32
        %dma_start3A_333 = arith.constant 0 : i32
        %dma_start3A_334 = tpu.memref_slice %arg4[%add3A, %add3A_317, %dma_start3A_332, %dma_start3A_333] : memref<32x288x2x36xi32, #tpu.memory_space<hbm>> -> memref<1x1x2x36xi32, #tpu.memory_space<hbm>>
        %dma_start3A_335 = tpu.memref_squeeze %dma_start3A_334 : memref<1x1x2x36xi32, #tpu.memory_space<hbm>> -> memref<2x36xi32, #tpu.memory_space<hbm>>
        tpu.enqueue_dma source(%dma_start3A_335 : memref<2x36xi32, #tpu.memory_space<hbm>>) target(%dma_start3A_331 : memref<2x36xi32, #tpu.memory_space<vmem>>) target_semaphore(%arg27 : memref<!tpu.dma_semaphore, #tpu.memory_space<semaphore_mem>>)
      } else {
      }
      %scan3A_247 = arith.constant 0 : i32
      %scan3A_248 = arith.constant 0 : i32
      %scan3A_249 = arith.constant 36 : i32
      %scan3A_250 = arith.addi %scan3A_248, %scan3A_249 : i32
      %scan3A_251 = arith.constant 2 : i32
      scf.for %scan3A_316 = %scan3A_248 to %scan3A_250 step %scan3A_251  : i32 {
        %get3A = arith.index_cast %scan3A_316 : i32 to index
        %get3A_317 = arith.constant 0 : index
        %get3A_318 = tpu.vector_load %arg10[%get3A, %get3A_317] {strides = array<i32>} : memref<36x144xf32, #tpu.memory_space<vmem>>, vector<16xf32>,
        %get3A_319 = arith.index_cast %scan3A_316 : i32 to index
        %get3A_320 = arith.constant 16 : index
        %get3A_321 = tpu.vector_load %arg10[%get3A_319, %get3A_320] {strides = array<i32>} : memref<36x144xf32, #tpu.memory_space<vmem>>, vector<16xf32>,
        %get3A_322 = arith.index_cast %scan3A_316 : i32 to index
        %get3A_323 = arith.constant 32 : index
        %get3A_324 = tpu.vector_load %arg10[%get3A_322, %get3A_323] {strides = array<i32>} : memref<36x144xf32, #tpu.memory_space<vmem>>, vector<16xf32>,
        %get3A_325 = arith.index_cast %scan3A_316 : i32 to index
        %get3A_326 = arith.constant 48 : index
        %get3A_327 = tpu.vector_load %arg10[%get3A_325, %get3A_326] {strides = array<i32>} : memref<36x144xf32, #tpu.memory_space<vmem>>, vector<16xf32>,
        %get3A_328 = arith.index_cast %scan3A_316 : i32 to index
        %get3A_329 = arith.constant 64 : index
        %get3A_330 = tpu.vector_load %arg10[%get3A_328, %get3A_329] {strides = array<i32>} : memref<36x144xf32, #tpu.memory_space<vmem>>, vector<16xf32>,
        %get3A_331 = arith.index_cast %scan3A_316 : i32 to index
        %get3A_332 = arith.constant 80 : index
        %get3A_333 = tpu.vector_load %arg10[%get3A_331, %get3A_332] {strides = array<i32>} : memref<36x144xf32, #tpu.memory_space<vmem>>, vector<16xf32>,
        %get3A_334 = arith.index_cast %scan3A_316 : i32 to index
        %get3A_335 = arith.constant 96 : index
        %get3A_336 = tpu.vector_load %arg10[%get3A_334, %get3A_335] {strides = array<i32>} : memref<36x144xf32, #tpu.memory_space<vmem>>, vector<16xf32>,
        %get3A_337 = arith.index_cast %scan3A_316 : i32 to index
        %get3A_338 = arith.constant 112 : index
        %get3A_339 = tpu.vector_load %arg10[%get3A_337, %get3A_338] {strides = array<i32>} : memref<36x144xf32, #tpu.memory_space<vmem>>, vector<16xf32>,
        %get3A_340 = arith.index_cast %scan3A_316 : i32 to index
        %get3A_341 = arith.constant 128 : index
        %get3A_342 = tpu.vector_load %arg10[%get3A_340, %get3A_341] {strides = array<i32>} : memref<36x144xf32, #tpu.memory_space<vmem>>, vector<16xf32>,
        %get3A_343 = arith.index_cast %scan3A_316 : i32 to index
        %get3A_344 = arith.constant 0 : index
        %get3A_345 = tpu.vector_load %arg14[%get3A_343, %get3A_344] {strides = array<i32>} : memref<36x128xf32, #tpu.memory_space<vmem>>, vector<16xf32>,
        %mul3A_346 = arith.mulf %get3A_318, %get3A_345 : vector<16xf32>
        %get3A_347 = arith.index_cast %scan3A_316 : i32 to index
        %get3A_348 = arith.constant 16 : index
        %get3A_349 = tpu.vector_load %arg14[%get3A_347, %get3A_348] {strides = array<i32>} : memref<36x128xf32, #tpu.memory_space<vmem>>, vector<16xf32>,
        %mul3A_350 = arith.mulf %get3A_321, %get3A_349 : vector<16xf32>
        %add3A_351 = arith.addf %mul3A_346, %mul3A_350 : vector<16xf32>
        %get3A_352 = arith.index_cast %scan3A_316 : i32 to index
        %get3A_353 = arith.constant 32 : index
        %get3A_354 = tpu.vector_load %arg14[%get3A_352, %get3A_353] {strides = array<i32>} : memref<36x128xf32, #tpu.memory_space<vmem>>, vector<16xf32>,
        %mul3A_355 = arith.mulf %get3A_324, %get3A_354 : vector<16xf32>
        %add3A_356 = arith.addf %add3A_351, %mul3A_355 : vector<16xf32>
        %get3A_357 = arith.index_cast %scan3A_316 : i32 to index
        %get3A_358 = arith.constant 48 : index
        %get3A_359 = tpu.vector_load %arg14[%get3A_357, %get3A_358] {strides = array<i32>} : memref<36x128xf32, #tpu.memory_space<vmem>>, vector<16xf32>,
        %mul3A_360 = arith.mulf %get3A_327, %get3A_359 : vector<16xf32>
        %add3A_361 = arith.addf %add3A_356, %mul3A_360 : vector<16xf32>
        %get3A_362 = arith.index_cast %scan3A_316 : i32 to index
        %get3A_363 = arith.constant 64 : index
        %get3A_364 = tpu.vector_load %arg14[%get3A_362, %get3A_363] {strides = array<i32>} : memref<36x128xf32, #tpu.memory_space<vmem>>, vector<16xf32>,
        %mul3A_365 = arith.mulf %get3A_330, %get3A_364 : vector<16xf32>
        %add3A_366 = arith.addf %add3A_361, %mul3A_365 : vector<16xf32>
        %get3A_367 = arith.index_cast %scan3A_316 : i32 to index
        %get3A_368 = arith.constant 80 : index
        %get3A_369 = tpu.vector_load %arg14[%get3A_367, %get3A_368] {strides = array<i32>} : memref<36x128xf32, #tpu.memory_space<vmem>>, vector<16xf32>,
        %mul3A_370 = arith.mulf %get3A_333, %get3A_369 : vector<16xf32>
        %add3A_371 = arith.addf %add3A_366, %mul3A_370 : vector<16xf32>
        %get3A_372 = arith.index_cast %scan3A_316 : i32 to index
        %get3A_373 = arith.constant 96 : index
        %get3A_374 = tpu.vector_load %arg14[%get3A_372, %get3A_373] {strides = array<i32>} : memref<36x128xf32, #tpu.memory_space<vmem>>, vector<16xf32>,
        %mul3A_375 = arith.mulf %get3A_336, %get3A_374 : vector<16xf32>
        %add3A_376 = arith.addf %add3A_371, %mul3A_375 : vector<16xf32>
        %get3A_377 = arith.index_cast %scan3A_316 : i32 to index
        %get3A_378 = arith.constant 112 : index
        %get3A_379 = tpu.vector_load %arg14[%get3A_377, %get3A_378] {strides = array<i32>} : memref<36x128xf32, #tpu.memory_space<vmem>>, vector<16xf32>,
        %mul3A_380 = arith.mulf %get3A_339, %get3A_379 : vector<16xf32>
        %add3A_381 = arith.addf %add3A_376, %mul3A_380 : vector<16xf32>
        %reduce_sum3A = arith.constant true
        %reduce_sum3A_382 = vector.broadcast %reduce_sum3A : i1 to vector<16xi1>
        %reduce_sum3A_383 = tpu.scan <sum>, %add3A_381 masked %reduce_sum3A_382 : vector<16xf32>, vector<16xi1> -> vector<16xf32>
        %reduce_sum3A_384 = vector.extract %reduce_sum3A_383[15] : f32 from vector<16xf32>
        %slice3A = vector.extract_strided_slice %get3A_342 {offsets = [0], sizes = [1], strides = [1]} : vector<16xf32> to vector<1xf32>
        %squeeze3A = vector.extract %slice3A[0] : f32 from vector<1xf32>
        %mul3A_385 = arith.mulf %reduce_sum3A_384, %squeeze3A : f32
        %lt3A_386 = arith.constant 1.000000e-01 : f32
        %lt3A_387 = arith.cmpf olt, %mul3A_385, %lt3A_386 : f32
        %jit3A = arith.constant 9.99999997E-7 : f32
        %select_n3A = arith.select %lt3A_387, %jit3A, %mul3A_385 : f32
        %mul3A_388 = vector.broadcast %select_n3A : f32 to vector<16xf32>
        %mul3A_389 = arith.mulf %get3A_318, %mul3A_388 : vector<16xf32>
        %swap3A = arith.index_cast %scan3A_316 : i32 to index
        %swap3A_390 = arith.constant 0 : index
        %swap3A_391 = tpu.vector_load %arg10[%swap3A, %swap3A_390] {strides = array<i32>} : memref<36x144xf32, #tpu.memory_space<vmem>>, vector<16xf32>,
        tpu.vector_store %arg10[%swap3A, %swap3A_390], %mul3A_389 {strides = array<i32>} : memref<36x144xf32, #tpu.memory_space<vmem>>, vector<16xf32>,
        %mul3A_392 = vector.broadcast %select_n3A : f32 to vector<16xf32>
        %mul3A_393 = arith.mulf %get3A_321, %mul3A_392 : vector<16xf32>
        %swap3A_394 = arith.index_cast %scan3A_316 : i32 to index
        %swap3A_395 = arith.constant 16 : index
        %swap3A_396 = tpu.vector_load %arg10[%swap3A_394, %swap3A_395] {strides = array<i32>} : memref<36x144xf32, #tpu.memory_space<vmem>>, vector<16xf32>,
        tpu.vector_store %arg10[%swap3A_394, %swap3A_395], %mul3A_393 {strides = array<i32>} : memref<36x144xf32, #tpu.memory_space<vmem>>, vector<16xf32>,
        %mul3A_397 = vector.broadcast %select_n3A : f32 to vector<16xf32>
        %mul3A_398 = arith.mulf %get3A_324, %mul3A_397 : vector<16xf32>
        %swap3A_399 = arith.index_cast %scan3A_316 : i32 to index
        %swap3A_400 = arith.constant 32 : index
        %swap3A_401 = tpu.vector_load %arg10[%swap3A_399, %swap3A_400] {strides = array<i32>} : memref<36x144xf32, #tpu.memory_space<vmem>>, vector<16xf32>,
        tpu.vector_store %arg10[%swap3A_399, %swap3A_400], %mul3A_398 {strides = array<i32>} : memref<36x144xf32, #tpu.memory_space<vmem>>, vector<16xf32>,
        %mul3A_402 = vector.broadcast %select_n3A : f32 to vector<16xf32>
        %mul3A_403 = arith.mulf %get3A_327, %mul3A_402 : vector<16xf32>
        %swap3A_404 = arith.index_cast %scan3A_316 : i32 to index
        %swap3A_405 = arith.constant 48 : index
        %swap3A_406 = tpu.vector_load %arg10[%swap3A_404, %swap3A_405] {strides = array<i32>} : memref<36x144xf32, #tpu.memory_space<vmem>>, vector<16xf32>,
        tpu.vector_store %arg10[%swap3A_404, %swap3A_405], %mul3A_403 {strides = array<i32>} : memref<36x144xf32, #tpu.memory_space<vmem>>, vector<16xf32>,
        %mul3A_407 = vector.broadcast %select_n3A : f32 to vector<16xf32>
        %mul3A_408 = arith.mulf %get3A_330, %mul3A_407 : vector<16xf32>
        %swap3A_409 = arith.index_cast %scan3A_316 : i32 to index
        %swap3A_410 = arith.constant 64 : index
        %swap3A_411 = tpu.vector_load %arg10[%swap3A_409, %swap3A_410] {strides = array<i32>} : memref<36x144xf32, #tpu.memory_space<vmem>>, vector<16xf32>,
        tpu.vector_store %arg10[%swap3A_409, %swap3A_410], %mul3A_408 {strides = array<i32>} : memref<36x144xf32, #tpu.memory_space<vmem>>, vector<16xf32>,
        %mul3A_412 = vector.broadcast %select_n3A : f32 to vector<16xf32>
        %mul3A_413 = arith.mulf %get3A_333, %mul3A_412 : vector<16xf32>
        %swap3A_414 = arith.index_cast %scan3A_316 : i32 to index
        %swap3A_415 = arith.constant 80 : index
        %swap3A_416 = tpu.vector_load %arg10[%swap3A_414, %swap3A_415] {strides = array<i32>} : memref<36x144xf32, #tpu.memory_space<vmem>>, vector<16xf32>,
        tpu.vector_store %arg10[%swap3A_414, %swap3A_415], %mul3A_413 {strides = array<i32>} : memref<36x144xf32, #tpu.memory_space<vmem>>, vector<16xf32>,
        %mul3A_417 = vector.broadcast %select_n3A : f32 to vector<16xf32>
        %mul3A_418 = arith.mulf %get3A_336, %mul3A_417 : vector<16xf32>
        %swap3A_419 = arith.index_cast %scan3A_316 : i32 to index
        %swap3A_420 = arith.constant 96 : index
        %swap3A_421 = tpu.vector_load %arg10[%swap3A_419, %swap3A_420] {strides = array<i32>} : memref<36x144xf32, #tpu.memory_space<vmem>>, vector<16xf32>,
        tpu.vector_store %arg10[%swap3A_419, %swap3A_420], %mul3A_418 {strides = array<i32>} : memref<36x144xf32, #tpu.memory_space<vmem>>, vector<16xf32>,
        %mul3A_422 = vector.broadcast %select_n3A : f32 to vector<16xf32>
        %mul3A_423 = arith.mulf %get3A_339, %mul3A_422 : vector<16xf32>
        %swap3A_424 = arith.index_cast %scan3A_316 : i32 to index
        %swap3A_425 = arith.constant 112 : index
        %swap3A_426 = tpu.vector_load %arg10[%swap3A_424, %swap3A_425] {strides = array<i32>} : memref<36x144xf32, #tpu.memory_space<vmem>>, vector<16xf32>,
        tpu.vector_store %arg10[%swap3A_424, %swap3A_425], %mul3A_423 {strides = array<i32>} : memref<36x144xf32, #tpu.memory_space<vmem>>, vector<16xf32>,
        %mul3A_427 = vector.broadcast %select_n3A : f32 to vector<16xf32>
        %mul3A_428 = arith.mulf %get3A_342, %mul3A_427 : vector<16xf32>
        %swap3A_429 = arith.index_cast %scan3A_316 : i32 to index
        %swap3A_430 = arith.constant 128 : index
        %swap3A_431 = tpu.vector_load %arg10[%swap3A_429, %swap3A_430] {strides = array<i32>} : memref<36x144xf32, #tpu.memory_space<vmem>>, vector<16xf32>,
        tpu.vector_store %arg10[%swap3A_429, %swap3A_430], %mul3A_428 {strides = array<i32>} : memref<36x144xf32, #tpu.memory_space<vmem>>, vector<16xf32>,
        %scan3A_432 = arith.constant 1 : i32
        %scan3A_433 = arith.addi %scan3A_316, %scan3A_432 : i32
        %get3A_434 = arith.index_cast %scan3A_433 : i32 to index
        %get3A_435 = arith.constant 0 : index
        %get3A_436 = tpu.vector_load %arg10[%get3A_434, %get3A_435] {strides = array<i32>} : memref<36x144xf32, #tpu.memory_space<vmem>>, vector<16xf32>,
        %get3A_437 = arith.index_cast %scan3A_433 : i32 to index
        %get3A_438 = arith.constant 16 : index
        %get3A_439 = tpu.vector_load %arg10[%get3A_437, %get3A_438] {strides = array<i32>} : memref<36x144xf32, #tpu.memory_space<vmem>>, vector<16xf32>,
        %get3A_440 = arith.index_cast %scan3A_433 : i32 to index
        %get3A_441 = arith.constant 32 : index
        %get3A_442 = tpu.vector_load %arg10[%get3A_440, %get3A_441] {strides = array<i32>} : memref<36x144xf32, #tpu.memory_space<vmem>>, vector<16xf32>,
        %get3A_443 = arith.index_cast %scan3A_433 : i32 to index
        %get3A_444 = arith.constant 48 : index
        %get3A_445 = tpu.vector_load %arg10[%get3A_443, %get3A_444] {strides = array<i32>} : memref<36x144xf32, #tpu.memory_space<vmem>>, vector<16xf32>,
        %get3A_446 = arith.index_cast %scan3A_433 : i32 to index
        %get3A_447 = arith.constant 64 : index
        %get3A_448 = tpu.vector_load %arg10[%get3A_446, %get3A_447] {strides = array<i32>} : memref<36x144xf32, #tpu.memory_space<vmem>>, vector<16xf32>,
        %get3A_449 = arith.index_cast %scan3A_433 : i32 to index
        %get3A_450 = arith.constant 80 : index
        %get3A_451 = tpu.vector_load %arg10[%get3A_449, %get3A_450] {strides = array<i32>} : memref<36x144xf32, #tpu.memory_space<vmem>>, vector<16xf32>,
        %get3A_452 = arith.index_cast %scan3A_433 : i32 to index
        %get3A_453 = arith.constant 96 : index
        %get3A_454 = tpu.vector_load %arg10[%get3A_452, %get3A_453] {strides = array<i32>} : memref<36x144xf32, #tpu.memory_space<vmem>>, vector<16xf32>,
        %get3A_455 = arith.index_cast %scan3A_433 : i32 to index
        %get3A_456 = arith.constant 112 : index
        %get3A_457 = tpu.vector_load %arg10[%get3A_455, %get3A_456] {strides = array<i32>} : memref<36x144xf32, #tpu.memory_space<vmem>>, vector<16xf32>,
        %get3A_458 = arith.index_cast %scan3A_433 : i32 to index
        %get3A_459 = arith.constant 128 : index
        %get3A_460 = tpu.vector_load %arg10[%get3A_458, %get3A_459] {strides = array<i32>} : memref<36x144xf32, #tpu.memory_space<vmem>>, vector<16xf32>,
        %get3A_461 = arith.index_cast %scan3A_433 : i32 to index
        %get3A_462 = arith.constant 0 : index
        %get3A_463 = tpu.vector_load %arg14[%get3A_461, %get3A_462] {strides = array<i32>} : memref<36x128xf32, #tpu.memory_space<vmem>>, vector<16xf32>,
        %mul3A_464 = arith.mulf %get3A_436, %get3A_463 : vector<16xf32>
        %get3A_465 = arith.index_cast %scan3A_433 : i32 to index
        %get3A_466 = arith.constant 16 : index
        %get3A_467 = tpu.vector_load %arg14[%get3A_465, %get3A_466] {strides = array<i32>} : memref<36x128xf32, #tpu.memory_space<vmem>>, vector<16xf32>,
        %mul3A_468 = arith.mulf %get3A_439, %get3A_467 : vector<16xf32>
        %add3A_469 = arith.addf %mul3A_464, %mul3A_468 : vector<16xf32>
        %get3A_470 = arith.index_cast %scan3A_433 : i32 to index
        %get3A_471 = arith.constant 32 : index
        %get3A_472 = tpu.vector_load %arg14[%get3A_470, %get3A_471] {strides = array<i32>} : memref<36x128xf32, #tpu.memory_space<vmem>>, vector<16xf32>,
        %mul3A_473 = arith.mulf %get3A_442, %get3A_472 : vector<16xf32>
        %add3A_474 = arith.addf %add3A_469, %mul3A_473 : vector<16xf32>
        %get3A_475 = arith.index_cast %scan3A_433 : i32 to index
        %get3A_476 = arith.constant 48 : index
        %get3A_477 = tpu.vector_load %arg14[%get3A_475, %get3A_476] {strides = array<i32>} : memref<36x128xf32, #tpu.memory_space<vmem>>, vector<16xf32>,
        %mul3A_478 = arith.mulf %get3A_445, %get3A_477 : vector<16xf32>
        %add3A_479 = arith.addf %add3A_474, %mul3A_478 : vector<16xf32>
        %get3A_480 = arith.index_cast %scan3A_433 : i32 to index
        %get3A_481 = arith.constant 64 : index
        %get3A_482 = tpu.vector_load %arg14[%get3A_480, %get3A_481] {strides = array<i32>} : memref<36x128xf32, #tpu.memory_space<vmem>>, vector<16xf32>,
        %mul3A_483 = arith.mulf %get3A_448, %get3A_482 : vector<16xf32>
        %add3A_484 = arith.addf %add3A_479, %mul3A_483 : vector<16xf32>
        %get3A_485 = arith.index_cast %scan3A_433 : i32 to index
        %get3A_486 = arith.constant 80 : index
        %get3A_487 = tpu.vector_load %arg14[%get3A_485, %get3A_486] {strides = array<i32>} : memref<36x128xf32, #tpu.memory_space<vmem>>, vector<16xf32>,
        %mul3A_488 = arith.mulf %get3A_451, %get3A_487 : vector<16xf32>
        %add3A_489 = arith.addf %add3A_484, %mul3A_488 : vector<16xf32>
        %get3A_490 = arith.index_cast %scan3A_433 : i32 to index
        %get3A_491 = arith.constant 96 : index
        %get3A_492 = tpu.vector_load %arg14[%get3A_490, %get3A_491] {strides = array<i32>} : memref<36x128xf32, #tpu.memory_space<vmem>>, vector<16xf32>,
        %mul3A_493 = arith.mulf %get3A_454, %get3A_492 : vector<16xf32>
        %add3A_494 = arith.addf %add3A_489, %mul3A_493 : vector<16xf32>
        %get3A_495 = arith.index_cast %scan3A_433 : i32 to index
        %get3A_496 = arith.constant 112 : index
        %get3A_497 = tpu.vector_load %arg14[%get3A_495, %get3A_496] {strides = array<i32>} : memref<36x128xf32, #tpu.memory_space<vmem>>, vector<16xf32>,
        %mul3A_498 = arith.mulf %get3A_457, %get3A_497 : vector<16xf32>
        %add3A_499 = arith.addf %add3A_494, %mul3A_498 : vector<16xf32>
        %reduce_sum3A_500 = arith.constant true
        %reduce_sum3A_501 = vector.broadcast %reduce_sum3A_500 : i1 to vector<16xi1>
        %reduce_sum3A_502 = tpu.scan <sum>, %add3A_499 masked %reduce_sum3A_501 : vector<16xf32>, vector<16xi1> -> vector<16xf32>
        %reduce_sum3A_503 = vector.extract %reduce_sum3A_502[15] : f32 from vector<16xf32>
        %slice3A_504 = vector.extract_strided_slice %get3A_460 {offsets = [0], sizes = [1], strides = [1]} : vector<16xf32> to vector<1xf32>
        %squeeze3A_505 = vector.extract %slice3A_504[0] : f32 from vector<1xf32>
        %mul3A_506 = arith.mulf %reduce_sum3A_503, %squeeze3A_505 : f32
        %lt3A_507 = arith.constant 1.000000e-01 : f32
        %lt3A_508 = arith.cmpf olt, %mul3A_506, %lt3A_507 : f32
        %jit3A_509 = arith.constant 9.99999997E-7 : f32
        %select_n3A_510 = arith.select %lt3A_508, %jit3A_509, %mul3A_506 : f32
        %mul3A_511 = vector.broadcast %select_n3A_510 : f32 to vector<16xf32>
        %mul3A_512 = arith.mulf %get3A_436, %mul3A_511 : vector<16xf32>
        %swap3A_513 = arith.index_cast %scan3A_433 : i32 to index
        %swap3A_514 = arith.constant 0 : index
        %swap3A_515 = tpu.vector_load %arg10[%swap3A_513, %swap3A_514] {strides = array<i32>} : memref<36x144xf32, #tpu.memory_space<vmem>>, vector<16xf32>,
        tpu.vector_store %arg10[%swap3A_513, %swap3A_514], %mul3A_512 {strides = array<i32>} : memref<36x144xf32, #tpu.memory_space<vmem>>, vector<16xf32>,
        %mul3A_516 = vector.broadcast %select_n3A_510 : f32 to vector<16xf32>
        %mul3A_517 = arith.mulf %get3A_439, %mul3A_516 : vector<16xf32>
        %swap3A_518 = arith.index_cast %scan3A_433 : i32 to index
        %swap3A_519 = arith.constant 16 : index
        %swap3A_520 = tpu.vector_load %arg10[%swap3A_518, %swap3A_519] {strides = array<i32>} : memref<36x144xf32, #tpu.memory_space<vmem>>, vector<16xf32>,
        tpu.vector_store %arg10[%swap3A_518, %swap3A_519], %mul3A_517 {strides = array<i32>} : memref<36x144xf32, #tpu.memory_space<vmem>>, vector<16xf32>,
        %mul3A_521 = vector.broadcast %select_n3A_510 : f32 to vector<16xf32>
        %mul3A_522 = arith.mulf %get3A_442, %mul3A_521 : vector<16xf32>
        %swap3A_523 = arith.index_cast %scan3A_433 : i32 to index
        %swap3A_524 = arith.constant 32 : index
        %swap3A_525 = tpu.vector_load %arg10[%swap3A_523, %swap3A_524] {strides = array<i32>} : memref<36x144xf32, #tpu.memory_space<vmem>>, vector<16xf32>,
        tpu.vector_store %arg10[%swap3A_523, %swap3A_524], %mul3A_522 {strides = array<i32>} : memref<36x144xf32, #tpu.memory_space<vmem>>, vector<16xf32>,
        %mul3A_526 = vector.broadcast %select_n3A_510 : f32 to vector<16xf32>
        %mul3A_527 = arith.mulf %get3A_445, %mul3A_526 : vector<16xf32>
        %swap3A_528 = arith.index_cast %scan3A_433 : i32 to index
        %swap3A_529 = arith.constant 48 : index
        %swap3A_530 = tpu.vector_load %arg10[%swap3A_528, %swap3A_529] {strides = array<i32>} : memref<36x144xf32, #tpu.memory_space<vmem>>, vector<16xf32>,
        tpu.vector_store %arg10[%swap3A_528, %swap3A_529], %mul3A_527 {strides = array<i32>} : memref<36x144xf32, #tpu.memory_space<vmem>>, vector<16xf32>,
        %mul3A_531 = vector.broadcast %select_n3A_510 : f32 to vector<16xf32>
        %mul3A_532 = arith.mulf %get3A_448, %mul3A_531 : vector<16xf32>
        %swap3A_533 = arith.index_cast %scan3A_433 : i32 to index
        %swap3A_534 = arith.constant 64 : index
        %swap3A_535 = tpu.vector_load %arg10[%swap3A_533, %swap3A_534] {strides = array<i32>} : memref<36x144xf32, #tpu.memory_space<vmem>>, vector<16xf32>,
        tpu.vector_store %arg10[%swap3A_533, %swap3A_534], %mul3A_532 {strides = array<i32>} : memref<36x144xf32, #tpu.memory_space<vmem>>, vector<16xf32>,
        %mul3A_536 = vector.broadcast %select_n3A_510 : f32 to vector<16xf32>
        %mul3A_537 = arith.mulf %get3A_451, %mul3A_536 : vector<16xf32>
        %swap3A_538 = arith.index_cast %scan3A_433 : i32 to index
        %swap3A_539 = arith.constant 80 : index
        %swap3A_540 = tpu.vector_load %arg10[%swap3A_538, %swap3A_539] {strides = array<i32>} : memref<36x144xf32, #tpu.memory_space<vmem>>, vector<16xf32>,
        tpu.vector_store %arg10[%swap3A_538, %swap3A_539], %mul3A_537 {strides = array<i32>} : memref<36x144xf32, #tpu.memory_space<vmem>>, vector<16xf32>,
        %mul3A_541 = vector.broadcast %select_n3A_510 : f32 to vector<16xf32>
        %mul3A_542 = arith.mulf %get3A_454, %mul3A_541 : vector<16xf32>
        %swap3A_543 = arith.index_cast %scan3A_433 : i32 to index
        %swap3A_544 = arith.constant 96 : index
        %swap3A_545 = tpu.vector_load %arg10[%swap3A_543, %swap3A_544] {strides = array<i32>} : memref<36x144xf32, #tpu.memory_space<vmem>>, vector<16xf32>,
        tpu.vector_store %arg10[%swap3A_543, %swap3A_544], %mul3A_542 {strides = array<i32>} : memref<36x144xf32, #tpu.memory_space<vmem>>, vector<16xf32>,
        %mul3A_546 = vector.broadcast %select_n3A_510 : f32 to vector<16xf32>
        %mul3A_547 = arith.mulf %get3A_457, %mul3A_546 : vector<16xf32>
        %swap3A_548 = arith.index_cast %scan3A_433 : i32 to index
        %swap3A_549 = arith.constant 112 : index
        %swap3A_550 = tpu.vector_load %arg10[%swap3A_548, %swap3A_549] {strides = array<i32>} : memref<36x144xf32, #tpu.memory_space<vmem>>, vector<16xf32>,
        tpu.vector_store %arg10[%swap3A_548, %swap3A_549], %mul3A_547 {strides = array<i32>} : memref<36x144xf32, #tpu.memory_space<vmem>>, vector<16xf32>,
        %mul3A_551 = vector.broadcast %select_n3A_510 : f32 to vector<16xf32>
        %mul3A_552 = arith.mulf %get3A_460, %mul3A_551 : vector<16xf32>
        %swap3A_553 = arith.index_cast %scan3A_433 : i32 to index
        %swap3A_554 = arith.constant 128 : index
        %swap3A_555 = tpu.vector_load %arg10[%swap3A_553, %swap3A_554] {strides = array<i32>} : memref<36x144xf32, #tpu.memory_space<vmem>>, vector<16xf32>,
        tpu.vector_store %arg10[%swap3A_553, %swap3A_554], %mul3A_552 {strides = array<i32>} : memref<36x144xf32, #tpu.memory_space<vmem>>, vector<16xf32>,
      }
      %scan3A_252 = arith.constant 36 : i32
      %rem3A_253 = arith.constant 8 : i32
      %rem3A_254 = arith.remsi %add3A_211, %rem3A_253 : i32
      %dma_start3A_255 = arith.constant 1 : i32
      %dma_start3A_256 = arith.constant 0 : i32
      %dma_start3A_257 = tpu.memref_slice %arg7[%rem3A_254, %dma_start3A_255, %dma_start3A_256] : memref<8x2x36xi32, #tpu.memory_space<vmem>> -> memref<1x1x36xi32, #tpu.memory_space<vmem>>
      %dma_start3A_258 = tpu.memref_squeeze %dma_start3A_257 : memref<1x1x36xi32, #tpu.memory_space<vmem>> -> memref<36xi32, #tpu.memory_space<vmem>>
      %dma_start3A_259 = arith.constant 0 : i32
      %dma_start3A_260 = arith.constant 0 : i32
      %dma_start3A_261 = tpu.memref_slice %arg16[%dma_start3A_259, %dma_start3A_260] : memref<10112x144xf32, #tpu.memory_space<vmem_shared>> -> memref<10112x144xf32, #tpu.memory_space<vmem_shared>>
      tpu.enqueue_indirect_dma source(%arg10 : memref<36x144xf32, #tpu.memory_space<vmem>>) target(%dma_start3A_261 : memref<10112x144xf32, #tpu.memory_space<vmem_shared>>) offsets(%dma_start3A_258 : memref<36xi32, #tpu.memory_space<vmem>>) semaphore(%arg23 : memref<!tpu.dma_semaphore, #tpu.memory_space<semaphore_mem>>) {add = true}
      %mul3A_262 = arith.constant 4 : i32
      %mul3A_263 = arith.muli %mul3A_262, %scan3A_103 : i32
      %add3A_264 = arith.constant 3 : i32
      %add3A_265 = arith.addi %mul3A_263, %add3A_264 : i32
      %rem3A_266 = arith.constant 8 : i32
      %rem3A_267 = arith.remsi %add3A_265, %rem3A_266 : i32
      %dma_wait3A_268 = arith.constant 0 : i32
      %dma_wait3A_269 = arith.constant 0 : i32
      %dma_wait3A_270 = tpu.memref_slice %arg7[%rem3A_267, %dma_wait3A_268, %dma_wait3A_269] : memref<8x2x36xi32, #tpu.memory_space<vmem>> -> memref<1x1x36xi32, #tpu.memory_space<vmem>>
      %dma_wait3A_271 = tpu.memref_squeeze %dma_wait3A_270 : memref<1x1x36xi32, #tpu.memory_space<vmem>> -> memref<36xi32, #tpu.memory_space<vmem>>
      %dma_wait3A_272 = arith.constant 0 : i32
      %dma_wait3A_273 = arith.constant 0 : i32
      %dma_wait3A_274 = tpu.memref_slice %arg3[%dma_wait3A_272, %dma_wait3A_273] : memref<10112x144xf32, #tpu.memory_space<hbm>> -> memref<10112x144xf32, #tpu.memory_space<hbm>>
      tpu.wait_indirect_dma semaphore(%arg20 : memref<!tpu.dma_semaphore, #tpu.memory_space<semaphore_mem>>) src(%dma_wait3A_274 : memref<10112x144xf32, #tpu.memory_space<hbm>>) dst(%arg11 : memref<36x144xf32, #tpu.memory_space<vmem>>)
      %dma_wait3A_275 = arith.constant 1 : i32
      %dma_wait3A_276 = arith.constant 0 : i32
      %dma_wait3A_277 = tpu.memref_slice %arg7[%rem3A_267, %dma_wait3A_275, %dma_wait3A_276] : memref<8x2x36xi32, #tpu.memory_space<vmem>> -> memref<1x1x36xi32, #tpu.memory_space<vmem>>
      %dma_wait3A_278 = tpu.memref_squeeze %dma_wait3A_277 : memref<1x1x36xi32, #tpu.memory_space<vmem>> -> memref<36xi32, #tpu.memory_space<vmem>>
      %dma_wait3A_279 = arith.constant 0 : i32
      %dma_wait3A_280 = arith.constant 0 : i32
      %dma_wait3A_281 = tpu.memref_slice %arg2[%dma_wait3A_279, %dma_wait3A_280] : memref<10112x128xf32, #tpu.memory_space<hbm>> -> memref<10112x128xf32, #tpu.memory_space<hbm>>
      tpu.wait_indirect_dma semaphore(%arg20 : memref<!tpu.dma_semaphore, #tpu.memory_space<semaphore_mem>>) src(%dma_wait3A_281 : memref<10112x128xf32, #tpu.memory_space<hbm>>) dst(%arg15 : memref<36x128xf32, #tpu.memory_space<vmem>>)
      %ge3A_282 = arith.constant 2 : i32
      %ge3A_283 = arith.cmpi sge, %add3A_265, %ge3A_282 : i32
      %convert_element_type3A_284 = arith.extui %ge3A_283 : i1 to i32
      %cond3A_285 = arith.constant 0 : i32
      %cond3A_286 = arith.cmpi ne, %convert_element_type3A_284, %cond3A_285 : i32
      scf.if %cond3A_286 {
        %sub3A = arith.constant 2 : i32
        %sub3A_316 = arith.subi %add3A_265, %sub3A : i32
        %rem3A_317 = arith.constant 8 : i32
        %rem3A_318 = arith.remsi %sub3A_316, %rem3A_317 : i32
        %dma_wait3A_319 = arith.constant 1 : i32
        %dma_wait3A_320 = arith.constant 0 : i32
        %dma_wait3A_321 = tpu.memref_slice %arg7[%rem3A_318, %dma_wait3A_319, %dma_wait3A_320] : memref<8x2x36xi32, #tpu.memory_space<vmem>> -> memref<1x1x36xi32, #tpu.memory_space<vmem>>
        %dma_wait3A_322 = tpu.memref_squeeze %dma_wait3A_321 : memref<1x1x36xi32, #tpu.memory_space<vmem>> -> memref<36xi32, #tpu.memory_space<vmem>>
        %dma_wait3A_323 = arith.constant 0 : i32
        %dma_wait3A_324 = arith.constant 0 : i32
        %dma_wait3A_325 = tpu.memref_slice %arg16[%dma_wait3A_323, %dma_wait3A_324] : memref<10112x144xf32, #tpu.memory_space<vmem_shared>> -> memref<10112x144xf32, #tpu.memory_space<vmem_shared>>
        tpu.wait_indirect_dma semaphore(%arg22 : memref<!tpu.dma_semaphore, #tpu.memory_space<semaphore_mem>>) src(%arg9 : memref<36x144xf32, #tpu.memory_space<vmem>>) dst(%dma_wait3A_325 : memref<10112x144xf32, #tpu.memory_space<vmem_shared>>)
      } else {
      }
      %add3A_287 = arith.constant 2 : i32
      %add3A_288 = arith.addi %add3A_265, %add3A_287 : i32
      %lt3A_289 = arith.constant 288 : i32
      %lt3A_290 = arith.cmpi slt, %add3A_288, %lt3A_289 : i32
      %convert_element_type3A_291 = arith.extui %lt3A_290 : i1 to i32
      %cond3A_292 = arith.constant 0 : i32
      %cond3A_293 = arith.cmpi ne, %convert_element_type3A_291, %cond3A_292 : i32
      scf.if %cond3A_293 {
        %add3A_316 = arith.constant 2 : i32
        %add3A_317 = arith.addi %add3A_265, %add3A_316 : i32
        %rem3A_318 = arith.constant 8 : i32
        %rem3A_319 = arith.remsi %add3A_317, %rem3A_318 : i32
        %dma_wait3A_320 = arith.constant 0 : i32
        %dma_wait3A_321 = arith.constant 0 : i32
        %dma_wait3A_322 = tpu.memref_slice %arg7[%rem3A_319, %dma_wait3A_320, %dma_wait3A_321] : memref<8x2x36xi32, #tpu.memory_space<vmem>> -> memref<1x2x36xi32, #tpu.memory_space<vmem>>
        %dma_wait3A_323 = tpu.memref_squeeze %dma_wait3A_322 : memref<1x2x36xi32, #tpu.memory_space<vmem>> -> memref<2x36xi32, #tpu.memory_space<vmem>>
        %dma_wait3A_324 = arith.constant 0 : i32
        %dma_wait3A_325 = arith.constant 0 : i32
        %dma_wait3A_326 = tpu.memref_slice %arg4[%add3A, %add3A_317, %dma_wait3A_324, %dma_wait3A_325] : memref<32x288x2x36xi32, #tpu.memory_space<hbm>> -> memref<1x1x2x36xi32, #tpu.memory_space<hbm>>
        %dma_wait3A_327 = tpu.memref_squeeze %dma_wait3A_326 : memref<1x1x2x36xi32, #tpu.memory_space<hbm>> -> memref<2x36xi32, #tpu.memory_space<hbm>>
        %dma_wait3A_328 = arith.constant 0 : i32
        %dma_wait3A_329 = arith.constant 0 : i32
        %dma_wait3A_330 = tpu.memref_slice %arg7[%rem3A_319, %dma_wait3A_328, %dma_wait3A_329] : memref<8x2x36xi32, #tpu.memory_space<vmem>> -> memref<1x2x36xi32, #tpu.memory_space<vmem>>
        %dma_wait3A_331 = tpu.memref_squeeze %dma_wait3A_330 : memref<1x2x36xi32, #tpu.memory_space<vmem>> -> memref<2x36xi32, #tpu.memory_space<vmem>>
        %dma_wait3A_332 = arith.constant 0 : i32
        %dma_wait3A_333 = arith.constant 0 : i32
        %dma_wait3A_334 = tpu.memref_slice %arg4[%add3A, %add3A_317, %dma_wait3A_332, %dma_wait3A_333] : memref<32x288x2x36xi32, #tpu.memory_space<hbm>> -> memref<1x1x2x36xi32, #tpu.memory_space<hbm>>
        %dma_wait3A_335 = tpu.memref_squeeze %dma_wait3A_334 : memref<1x1x2x36xi32, #tpu.memory_space<hbm>> -> memref<2x36xi32, #tpu.memory_space<hbm>>
        tpu.wait_dma2 semaphore(%arg26 : memref<!tpu.dma_semaphore, #tpu.memory_space<semaphore_mem>>) src(%dma_wait3A_335 : memref<2x36xi32, #tpu.memory_space<hbm>>) dst(%dma_wait3A_331 : memref<2x36xi32, #tpu.memory_space<vmem>>)
        %add3A_336 = arith.constant 2 : i32
        %add3A_337 = arith.addi %add3A_265, %add3A_336 : i32
        %rem3A_338 = arith.constant 8 : i32
        %rem3A_339 = arith.remsi %add3A_337, %rem3A_338 : i32
        %dma_start3A_340 = arith.constant 0 : i32
        %dma_start3A_341 = arith.constant 0 : i32
        %dma_start3A_342 = tpu.memref_slice %arg7[%rem3A_339, %dma_start3A_340, %dma_start3A_341] : memref<8x2x36xi32, #tpu.memory_space<vmem>> -> memref<1x1x36xi32, #tpu.memory_space<vmem>>
        %dma_start3A_343 = tpu.memref_squeeze %dma_start3A_342 : memref<1x1x36xi32, #tpu.memory_space<vmem>> -> memref<36xi32, #tpu.memory_space<vmem>>
        %dma_start3A_344 = arith.constant 0 : i32
        %dma_start3A_345 = arith.constant 0 : i32
        %dma_start3A_346 = tpu.memref_slice %arg3[%dma_start3A_344, %dma_start3A_345] : memref<10112x144xf32, #tpu.memory_space<hbm>> -> memref<10112x144xf32, #tpu.memory_space<hbm>>
        tpu.enqueue_indirect_dma source(%dma_start3A_346 : memref<10112x144xf32, #tpu.memory_space<hbm>>) target(%arg9 : memref<36x144xf32, #tpu.memory_space<vmem>>) offsets(%dma_start3A_343 : memref<36xi32, #tpu.memory_space<vmem>>) semaphore(%arg18 : memref<!tpu.dma_semaphore, #tpu.memory_space<semaphore_mem>>)
        %dma_start3A_347 = arith.constant 1 : i32
        %dma_start3A_348 = arith.constant 0 : i32
        %dma_start3A_349 = tpu.memref_slice %arg7[%rem3A_339, %dma_start3A_347, %dma_start3A_348] : memref<8x2x36xi32, #tpu.memory_space<vmem>> -> memref<1x1x36xi32, #tpu.memory_space<vmem>>
        %dma_start3A_350 = tpu.memref_squeeze %dma_start3A_349 : memref<1x1x36xi32, #tpu.memory_space<vmem>> -> memref<36xi32, #tpu.memory_space<vmem>>
        %dma_start3A_351 = arith.constant 0 : i32
        %dma_start3A_352 = arith.constant 0 : i32
        %dma_start3A_353 = tpu.memref_slice %arg2[%dma_start3A_351, %dma_start3A_352] : memref<10112x128xf32, #tpu.memory_space<hbm>> -> memref<10112x128xf32, #tpu.memory_space<hbm>>
        tpu.enqueue_indirect_dma source(%dma_start3A_353 : memref<10112x128xf32, #tpu.memory_space<hbm>>) target(%arg13 : memref<36x128xf32, #tpu.memory_space<vmem>>) offsets(%dma_start3A_350 : memref<36xi32, #tpu.memory_space<vmem>>) semaphore(%arg18 : memref<!tpu.dma_semaphore, #tpu.memory_space<semaphore_mem>>)
      } else {
      }
      %add3A_294 = arith.constant 4 : i32
      %add3A_295 = arith.addi %add3A_265, %add3A_294 : i32
      %lt3A_296 = arith.constant 288 : i32
      %lt3A_297 = arith.cmpi slt, %add3A_295, %lt3A_296 : i32
      %convert_element_type3A_298 = arith.extui %lt3A_297 : i1 to i32
      %cond3A_299 = arith.constant 0 : i32
      %cond3A_300 = arith.cmpi ne, %convert_element_type3A_298, %cond3A_299 : i32
      scf.if %cond3A_300 {
        %add3A_316 = arith.constant 4 : i32
        %add3A_317 = arith.addi %add3A_265, %add3A_316 : i32
        %rem3A_318 = arith.constant 8 : i32
        %rem3A_319 = arith.remsi %add3A_317, %rem3A_318 : i32
        %dma_start3A_320 = arith.constant 0 : i32
        %dma_start3A_321 = arith.constant 0 : i32
        %dma_start3A_322 = tpu.memref_slice %arg7[%rem3A_319, %dma_start3A_320, %dma_start3A_321] : memref<8x2x36xi32, #tpu.memory_space<vmem>> -> memref<1x2x36xi32, #tpu.memory_space<vmem>>
        %dma_start3A_323 = tpu.memref_squeeze %dma_start3A_322 : memref<1x2x36xi32, #tpu.memory_space<vmem>> -> memref<2x36xi32, #tpu.memory_space<vmem>>
        %dma_start3A_324 = arith.constant 0 : i32
        %dma_start3A_325 = arith.constant 0 : i32
        %dma_start3A_326 = tpu.memref_slice %arg4[%add3A, %add3A_317, %dma_start3A_324, %dma_start3A_325] : memref<32x288x2x36xi32, #tpu.memory_space<hbm>> -> memref<1x1x2x36xi32, #tpu.memory_space<hbm>>
        %dma_start3A_327 = tpu.memref_squeeze %dma_start3A_326 : memref<1x1x2x36xi32, #tpu.memory_space<hbm>> -> memref<2x36xi32, #tpu.memory_space<hbm>>
        %dma_start3A_328 = arith.constant 0 : i32
        %dma_start3A_329 = arith.constant 0 : i32
        %dma_start3A_330 = tpu.memref_slice %arg7[%rem3A_319, %dma_start3A_328, %dma_start3A_329] : memref<8x2x36xi32, #tpu.memory_space<vmem>> -> memref<1x2x36xi32, #tpu.memory_space<vmem>>
        %dma_start3A_331 = tpu.memref_squeeze %dma_start3A_330 : memref<1x2x36xi32, #tpu.memory_space<vmem>> -> memref<2x36xi32, #tpu.memory_space<vmem>>
        %dma_start3A_332 = arith.constant 0 : i32
        %dma_start3A_333 = arith.constant 0 : i32
        %dma_start3A_334 = tpu.memref_slice %arg4[%add3A, %add3A_317, %dma_start3A_332, %dma_start3A_333] : memref<32x288x2x36xi32, #tpu.memory_space<hbm>> -> memref<1x1x2x36xi32, #tpu.memory_space<hbm>>
        %dma_start3A_335 = tpu.memref_squeeze %dma_start3A_334 : memref<1x1x2x36xi32, #tpu.memory_space<hbm>> -> memref<2x36xi32, #tpu.memory_space<hbm>>
        tpu.enqueue_dma source(%dma_start3A_335 : memref<2x36xi32, #tpu.memory_space<hbm>>) target(%dma_start3A_331 : memref<2x36xi32, #tpu.memory_space<vmem>>) target_semaphore(%arg28 : memref<!tpu.dma_semaphore, #tpu.memory_space<semaphore_mem>>)
      } else {
      }
      %scan3A_301 = arith.constant 0 : i32
      %scan3A_302 = arith.constant 0 : i32
      %scan3A_303 = arith.constant 36 : i32
      %scan3A_304 = arith.addi %scan3A_302, %scan3A_303 : i32
      %scan3A_305 = arith.constant 2 : i32
      scf.for %scan3A_316 = %scan3A_302 to %scan3A_304 step %scan3A_305  : i32 {
        %get3A = arith.index_cast %scan3A_316 : i32 to index
        %get3A_317 = arith.constant 0 : index
        %get3A_318 = tpu.vector_load %arg11[%get3A, %get3A_317] {strides = array<i32>} : memref<36x144xf32, #tpu.memory_space<vmem>>, vector<16xf32>,
        %get3A_319 = arith.index_cast %scan3A_316 : i32 to index
        %get3A_320 = arith.constant 16 : index
        %get3A_321 = tpu.vector_load %arg11[%get3A_319, %get3A_320] {strides = array<i32>} : memref<36x144xf32, #tpu.memory_space<vmem>>, vector<16xf32>,
        %get3A_322 = arith.index_cast %scan3A_316 : i32 to index
        %get3A_323 = arith.constant 32 : index
        %get3A_324 = tpu.vector_load %arg11[%get3A_322, %get3A_323] {strides = array<i32>} : memref<36x144xf32, #tpu.memory_space<vmem>>, vector<16xf32>,
        %get3A_325 = arith.index_cast %scan3A_316 : i32 to index
        %get3A_326 = arith.constant 48 : index
        %get3A_327 = tpu.vector_load %arg11[%get3A_325, %get3A_326] {strides = array<i32>} : memref<36x144xf32, #tpu.memory_space<vmem>>, vector<16xf32>,
        %get3A_328 = arith.index_cast %scan3A_316 : i32 to index
        %get3A_329 = arith.constant 64 : index
        %get3A_330 = tpu.vector_load %arg11[%get3A_328, %get3A_329] {strides = array<i32>} : memref<36x144xf32, #tpu.memory_space<vmem>>, vector<16xf32>,
        %get3A_331 = arith.index_cast %scan3A_316 : i32 to index
        %get3A_332 = arith.constant 80 : index
        %get3A_333 = tpu.vector_load %arg11[%get3A_331, %get3A_332] {strides = array<i32>} : memref<36x144xf32, #tpu.memory_space<vmem>>, vector<16xf32>,
        %get3A_334 = arith.index_cast %scan3A_316 : i32 to index
        %get3A_335 = arith.constant 96 : index
        %get3A_336 = tpu.vector_load %arg11[%get3A_334, %get3A_335] {strides = array<i32>} : memref<36x144xf32, #tpu.memory_space<vmem>>, vector<16xf32>,
        %get3A_337 = arith.index_cast %scan3A_316 : i32 to index
        %get3A_338 = arith.constant 112 : index
        %get3A_339 = tpu.vector_load %arg11[%get3A_337, %get3A_338] {strides = array<i32>} : memref<36x144xf32, #tpu.memory_space<vmem>>, vector<16xf32>,
        %get3A_340 = arith.index_cast %scan3A_316 : i32 to index
        %get3A_341 = arith.constant 128 : index
        %get3A_342 = tpu.vector_load %arg11[%get3A_340, %get3A_341] {strides = array<i32>} : memref<36x144xf32, #tpu.memory_space<vmem>>, vector<16xf32>,
        %get3A_343 = arith.index_cast %scan3A_316 : i32 to index
        %get3A_344 = arith.constant 0 : index
        %get3A_345 = tpu.vector_load %arg15[%get3A_343, %get3A_344] {strides = array<i32>} : memref<36x128xf32, #tpu.memory_space<vmem>>, vector<16xf32>,
        %mul3A_346 = arith.mulf %get3A_318, %get3A_345 : vector<16xf32>
        %get3A_347 = arith.index_cast %scan3A_316 : i32 to index
        %get3A_348 = arith.constant 16 : index
        %get3A_349 = tpu.vector_load %arg15[%get3A_347, %get3A_348] {strides = array<i32>} : memref<36x128xf32, #tpu.memory_space<vmem>>, vector<16xf32>,
        %mul3A_350 = arith.mulf %get3A_321, %get3A_349 : vector<16xf32>
        %add3A_351 = arith.addf %mul3A_346, %mul3A_350 : vector<16xf32>
        %get3A_352 = arith.index_cast %scan3A_316 : i32 to index
        %get3A_353 = arith.constant 32 : index
        %get3A_354 = tpu.vector_load %arg15[%get3A_352, %get3A_353] {strides = array<i32>} : memref<36x128xf32, #tpu.memory_space<vmem>>, vector<16xf32>,
        %mul3A_355 = arith.mulf %get3A_324, %get3A_354 : vector<16xf32>
        %add3A_356 = arith.addf %add3A_351, %mul3A_355 : vector<16xf32>
        %get3A_357 = arith.index_cast %scan3A_316 : i32 to index
        %get3A_358 = arith.constant 48 : index
        %get3A_359 = tpu.vector_load %arg15[%get3A_357, %get3A_358] {strides = array<i32>} : memref<36x128xf32, #tpu.memory_space<vmem>>, vector<16xf32>,
        %mul3A_360 = arith.mulf %get3A_327, %get3A_359 : vector<16xf32>
        %add3A_361 = arith.addf %add3A_356, %mul3A_360 : vector<16xf32>
        %get3A_362 = arith.index_cast %scan3A_316 : i32 to index
        %get3A_363 = arith.constant 64 : index
        %get3A_364 = tpu.vector_load %arg15[%get3A_362, %get3A_363] {strides = array<i32>} : memref<36x128xf32, #tpu.memory_space<vmem>>, vector<16xf32>,
        %mul3A_365 = arith.mulf %get3A_330, %get3A_364 : vector<16xf32>
        %add3A_366 = arith.addf %add3A_361, %mul3A_365 : vector<16xf32>
        %get3A_367 = arith.index_cast %scan3A_316 : i32 to index
        %get3A_368 = arith.constant 80 : index
        %get3A_369 = tpu.vector_load %arg15[%get3A_367, %get3A_368] {strides = array<i32>} : memref<36x128xf32, #tpu.memory_space<vmem>>, vector<16xf32>,
        %mul3A_370 = arith.mulf %get3A_333, %get3A_369 : vector<16xf32>
        %add3A_371 = arith.addf %add3A_366, %mul3A_370 : vector<16xf32>
        %get3A_372 = arith.index_cast %scan3A_316 : i32 to index
        %get3A_373 = arith.constant 96 : index
        %get3A_374 = tpu.vector_load %arg15[%get3A_372, %get3A_373] {strides = array<i32>} : memref<36x128xf32, #tpu.memory_space<vmem>>, vector<16xf32>,
        %mul3A_375 = arith.mulf %get3A_336, %get3A_374 : vector<16xf32>
        %add3A_376 = arith.addf %add3A_371, %mul3A_375 : vector<16xf32>
        %get3A_377 = arith.index_cast %scan3A_316 : i32 to index
        %get3A_378 = arith.constant 112 : index
        %get3A_379 = tpu.vector_load %arg15[%get3A_377, %get3A_378] {strides = array<i32>} : memref<36x128xf32, #tpu.memory_space<vmem>>, vector<16xf32>,
        %mul3A_380 = arith.mulf %get3A_339, %get3A_379 : vector<16xf32>
        %add3A_381 = arith.addf %add3A_376, %mul3A_380 : vector<16xf32>
        %reduce_sum3A = arith.constant true
        %reduce_sum3A_382 = vector.broadcast %reduce_sum3A : i1 to vector<16xi1>
        %reduce_sum3A_383 = tpu.scan <sum>, %add3A_381 masked %reduce_sum3A_382 : vector<16xf32>, vector<16xi1> -> vector<16xf32>
        %reduce_sum3A_384 = vector.extract %reduce_sum3A_383[15] : f32 from vector<16xf32>
        %slice3A = vector.extract_strided_slice %get3A_342 {offsets = [0], sizes = [1], strides = [1]} : vector<16xf32> to vector<1xf32>
        %squeeze3A = vector.extract %slice3A[0] : f32 from vector<1xf32>
        %mul3A_385 = arith.mulf %reduce_sum3A_384, %squeeze3A : f32
        %lt3A_386 = arith.constant 1.000000e-01 : f32
        %lt3A_387 = arith.cmpf olt, %mul3A_385, %lt3A_386 : f32
        %jit3A = arith.constant 9.99999997E-7 : f32
        %select_n3A = arith.select %lt3A_387, %jit3A, %mul3A_385 : f32
        %mul3A_388 = vector.broadcast %select_n3A : f32 to vector<16xf32>
        %mul3A_389 = arith.mulf %get3A_318, %mul3A_388 : vector<16xf32>
        %swap3A = arith.index_cast %scan3A_316 : i32 to index
        %swap3A_390 = arith.constant 0 : index
        %swap3A_391 = tpu.vector_load %arg11[%swap3A, %swap3A_390] {strides = array<i32>} : memref<36x144xf32, #tpu.memory_space<vmem>>, vector<16xf32>,
        tpu.vector_store %arg11[%swap3A, %swap3A_390], %mul3A_389 {strides = array<i32>} : memref<36x144xf32, #tpu.memory_space<vmem>>, vector<16xf32>,
        %mul3A_392 = vector.broadcast %select_n3A : f32 to vector<16xf32>
        %mul3A_393 = arith.mulf %get3A_321, %mul3A_392 : vector<16xf32>
        %swap3A_394 = arith.index_cast %scan3A_316 : i32 to index
        %swap3A_395 = arith.constant 16 : index
        %swap3A_396 = tpu.vector_load %arg11[%swap3A_394, %swap3A_395] {strides = array<i32>} : memref<36x144xf32, #tpu.memory_space<vmem>>, vector<16xf32>,
        tpu.vector_store %arg11[%swap3A_394, %swap3A_395], %mul3A_393 {strides = array<i32>} : memref<36x144xf32, #tpu.memory_space<vmem>>, vector<16xf32>,
        %mul3A_397 = vector.broadcast %select_n3A : f32 to vector<16xf32>
        %mul3A_398 = arith.mulf %get3A_324, %mul3A_397 : vector<16xf32>
        %swap3A_399 = arith.index_cast %scan3A_316 : i32 to index
        %swap3A_400 = arith.constant 32 : index
        %swap3A_401 = tpu.vector_load %arg11[%swap3A_399, %swap3A_400] {strides = array<i32>} : memref<36x144xf32, #tpu.memory_space<vmem>>, vector<16xf32>,
        tpu.vector_store %arg11[%swap3A_399, %swap3A_400], %mul3A_398 {strides = array<i32>} : memref<36x144xf32, #tpu.memory_space<vmem>>, vector<16xf32>,
        %mul3A_402 = vector.broadcast %select_n3A : f32 to vector<16xf32>
        %mul3A_403 = arith.mulf %get3A_327, %mul3A_402 : vector<16xf32>
        %swap3A_404 = arith.index_cast %scan3A_316 : i32 to index
        %swap3A_405 = arith.constant 48 : index
        %swap3A_406 = tpu.vector_load %arg11[%swap3A_404, %swap3A_405] {strides = array<i32>} : memref<36x144xf32, #tpu.memory_space<vmem>>, vector<16xf32>,
        tpu.vector_store %arg11[%swap3A_404, %swap3A_405], %mul3A_403 {strides = array<i32>} : memref<36x144xf32, #tpu.memory_space<vmem>>, vector<16xf32>,
        %mul3A_407 = vector.broadcast %select_n3A : f32 to vector<16xf32>
        %mul3A_408 = arith.mulf %get3A_330, %mul3A_407 : vector<16xf32>
        %swap3A_409 = arith.index_cast %scan3A_316 : i32 to index
        %swap3A_410 = arith.constant 64 : index
        %swap3A_411 = tpu.vector_load %arg11[%swap3A_409, %swap3A_410] {strides = array<i32>} : memref<36x144xf32, #tpu.memory_space<vmem>>, vector<16xf32>,
        tpu.vector_store %arg11[%swap3A_409, %swap3A_410], %mul3A_408 {strides = array<i32>} : memref<36x144xf32, #tpu.memory_space<vmem>>, vector<16xf32>,
        %mul3A_412 = vector.broadcast %select_n3A : f32 to vector<16xf32>
        %mul3A_413 = arith.mulf %get3A_333, %mul3A_412 : vector<16xf32>
        %swap3A_414 = arith.index_cast %scan3A_316 : i32 to index
        %swap3A_415 = arith.constant 80 : index
        %swap3A_416 = tpu.vector_load %arg11[%swap3A_414, %swap3A_415] {strides = array<i32>} : memref<36x144xf32, #tpu.memory_space<vmem>>, vector<16xf32>,
        tpu.vector_store %arg11[%swap3A_414, %swap3A_415], %mul3A_413 {strides = array<i32>} : memref<36x144xf32, #tpu.memory_space<vmem>>, vector<16xf32>,
        %mul3A_417 = vector.broadcast %select_n3A : f32 to vector<16xf32>
        %mul3A_418 = arith.mulf %get3A_336, %mul3A_417 : vector<16xf32>
        %swap3A_419 = arith.index_cast %scan3A_316 : i32 to index
        %swap3A_420 = arith.constant 96 : index
        %swap3A_421 = tpu.vector_load %arg11[%swap3A_419, %swap3A_420] {strides = array<i32>} : memref<36x144xf32, #tpu.memory_space<vmem>>, vector<16xf32>,
        tpu.vector_store %arg11[%swap3A_419, %swap3A_420], %mul3A_418 {strides = array<i32>} : memref<36x144xf32, #tpu.memory_space<vmem>>, vector<16xf32>,
        %mul3A_422 = vector.broadcast %select_n3A : f32 to vector<16xf32>
        %mul3A_423 = arith.mulf %get3A_339, %mul3A_422 : vector<16xf32>
        %swap3A_424 = arith.index_cast %scan3A_316 : i32 to index
        %swap3A_425 = arith.constant 112 : index
        %swap3A_426 = tpu.vector_load %arg11[%swap3A_424, %swap3A_425] {strides = array<i32>} : memref<36x144xf32, #tpu.memory_space<vmem>>, vector<16xf32>,
        tpu.vector_store %arg11[%swap3A_424, %swap3A_425], %mul3A_423 {strides = array<i32>} : memref<36x144xf32, #tpu.memory_space<vmem>>, vector<16xf32>,
        %mul3A_427 = vector.broadcast %select_n3A : f32 to vector<16xf32>
        %mul3A_428 = arith.mulf %get3A_342, %mul3A_427 : vector<16xf32>
        %swap3A_429 = arith.index_cast %scan3A_316 : i32 to index
        %swap3A_430 = arith.constant 128 : index
        %swap3A_431 = tpu.vector_load %arg11[%swap3A_429, %swap3A_430] {strides = array<i32>} : memref<36x144xf32, #tpu.memory_space<vmem>>, vector<16xf32>,
        tpu.vector_store %arg11[%swap3A_429, %swap3A_430], %mul3A_428 {strides = array<i32>} : memref<36x144xf32, #tpu.memory_space<vmem>>, vector<16xf32>,
        %scan3A_432 = arith.constant 1 : i32
        %scan3A_433 = arith.addi %scan3A_316, %scan3A_432 : i32
        %get3A_434 = arith.index_cast %scan3A_433 : i32 to index
        %get3A_435 = arith.constant 0 : index
        %get3A_436 = tpu.vector_load %arg11[%get3A_434, %get3A_435] {strides = array<i32>} : memref<36x144xf32, #tpu.memory_space<vmem>>, vector<16xf32>,
        %get3A_437 = arith.index_cast %scan3A_433 : i32 to index
        %get3A_438 = arith.constant 16 : index
        %get3A_439 = tpu.vector_load %arg11[%get3A_437, %get3A_438] {strides = array<i32>} : memref<36x144xf32, #tpu.memory_space<vmem>>, vector<16xf32>,
        %get3A_440 = arith.index_cast %scan3A_433 : i32 to index
        %get3A_441 = arith.constant 32 : index
        %get3A_442 = tpu.vector_load %arg11[%get3A_440, %get3A_441] {strides = array<i32>} : memref<36x144xf32, #tpu.memory_space<vmem>>, vector<16xf32>,
        %get3A_443 = arith.index_cast %scan3A_433 : i32 to index
        %get3A_444 = arith.constant 48 : index
        %get3A_445 = tpu.vector_load %arg11[%get3A_443, %get3A_444] {strides = array<i32>} : memref<36x144xf32, #tpu.memory_space<vmem>>, vector<16xf32>,
        %get3A_446 = arith.index_cast %scan3A_433 : i32 to index
        %get3A_447 = arith.constant 64 : index
        %get3A_448 = tpu.vector_load %arg11[%get3A_446, %get3A_447] {strides = array<i32>} : memref<36x144xf32, #tpu.memory_space<vmem>>, vector<16xf32>,
        %get3A_449 = arith.index_cast %scan3A_433 : i32 to index
        %get3A_450 = arith.constant 80 : index
        %get3A_451 = tpu.vector_load %arg11[%get3A_449, %get3A_450] {strides = array<i32>} : memref<36x144xf32, #tpu.memory_space<vmem>>, vector<16xf32>,
        %get3A_452 = arith.index_cast %scan3A_433 : i32 to index
        %get3A_453 = arith.constant 96 : index
        %get3A_454 = tpu.vector_load %arg11[%get3A_452, %get3A_453] {strides = array<i32>} : memref<36x144xf32, #tpu.memory_space<vmem>>, vector<16xf32>,
        %get3A_455 = arith.index_cast %scan3A_433 : i32 to index
        %get3A_456 = arith.constant 112 : index
        %get3A_457 = tpu.vector_load %arg11[%get3A_455, %get3A_456] {strides = array<i32>} : memref<36x144xf32, #tpu.memory_space<vmem>>, vector<16xf32>,
        %get3A_458 = arith.index_cast %scan3A_433 : i32 to index
        %get3A_459 = arith.constant 128 : index
        %get3A_460 = tpu.vector_load %arg11[%get3A_458, %get3A_459] {strides = array<i32>} : memref<36x144xf32, #tpu.memory_space<vmem>>, vector<16xf32>,
        %get3A_461 = arith.index_cast %scan3A_433 : i32 to index
        %get3A_462 = arith.constant 0 : index
        %get3A_463 = tpu.vector_load %arg15[%get3A_461, %get3A_462] {strides = array<i32>} : memref<36x128xf32, #tpu.memory_space<vmem>>, vector<16xf32>,
        %mul3A_464 = arith.mulf %get3A_436, %get3A_463 : vector<16xf32>
        %get3A_465 = arith.index_cast %scan3A_433 : i32 to index
        %get3A_466 = arith.constant 16 : index
        %get3A_467 = tpu.vector_load %arg15[%get3A_465, %get3A_466] {strides = array<i32>} : memref<36x128xf32, #tpu.memory_space<vmem>>, vector<16xf32>,
        %mul3A_468 = arith.mulf %get3A_439, %get3A_467 : vector<16xf32>
        %add3A_469 = arith.addf %mul3A_464, %mul3A_468 : vector<16xf32>
        %get3A_470 = arith.index_cast %scan3A_433 : i32 to index
        %get3A_471 = arith.constant 32 : index
        %get3A_472 = tpu.vector_load %arg15[%get3A_470, %get3A_471] {strides = array<i32>} : memref<36x128xf32, #tpu.memory_space<vmem>>, vector<16xf32>,
        %mul3A_473 = arith.mulf %get3A_442, %get3A_472 : vector<16xf32>
        %add3A_474 = arith.addf %add3A_469, %mul3A_473 : vector<16xf32>
        %get3A_475 = arith.index_cast %scan3A_433 : i32 to index
        %get3A_476 = arith.constant 48 : index
        %get3A_477 = tpu.vector_load %arg15[%get3A_475, %get3A_476] {strides = array<i32>} : memref<36x128xf32, #tpu.memory_space<vmem>>, vector<16xf32>,
        %mul3A_478 = arith.mulf %get3A_445, %get3A_477 : vector<16xf32>
        %add3A_479 = arith.addf %add3A_474, %mul3A_478 : vector<16xf32>
        %get3A_480 = arith.index_cast %scan3A_433 : i32 to index
        %get3A_481 = arith.constant 64 : index
        %get3A_482 = tpu.vector_load %arg15[%get3A_480, %get3A_481] {strides = array<i32>} : memref<36x128xf32, #tpu.memory_space<vmem>>, vector<16xf32>,
        %mul3A_483 = arith.mulf %get3A_448, %get3A_482 : vector<16xf32>
        %add3A_484 = arith.addf %add3A_479, %mul3A_483 : vector<16xf32>
        %get3A_485 = arith.index_cast %scan3A_433 : i32 to index
        %get3A_486 = arith.constant 80 : index
        %get3A_487 = tpu.vector_load %arg15[%get3A_485, %get3A_486] {strides = array<i32>} : memref<36x128xf32, #tpu.memory_space<vmem>>, vector<16xf32>,
        %mul3A_488 = arith.mulf %get3A_451, %get3A_487 : vector<16xf32>
        %add3A_489 = arith.addf %add3A_484, %mul3A_488 : vector<16xf32>
        %get3A_490 = arith.index_cast %scan3A_433 : i32 to index
        %get3A_491 = arith.constant 96 : index
        %get3A_492 = tpu.vector_load %arg15[%get3A_490, %get3A_491] {strides = array<i32>} : memref<36x128xf32, #tpu.memory_space<vmem>>, vector<16xf32>,
        %mul3A_493 = arith.mulf %get3A_454, %get3A_492 : vector<16xf32>
        %add3A_494 = arith.addf %add3A_489, %mul3A_493 : vector<16xf32>
        %get3A_495 = arith.index_cast %scan3A_433 : i32 to index
        %get3A_496 = arith.constant 112 : index
        %get3A_497 = tpu.vector_load %arg15[%get3A_495, %get3A_496] {strides = array<i32>} : memref<36x128xf32, #tpu.memory_space<vmem>>, vector<16xf32>,
        %mul3A_498 = arith.mulf %get3A_457, %get3A_497 : vector<16xf32>
        %add3A_499 = arith.addf %add3A_494, %mul3A_498 : vector<16xf32>
        %reduce_sum3A_500 = arith.constant true
        %reduce_sum3A_501 = vector.broadcast %reduce_sum3A_500 : i1 to vector<16xi1>
        %reduce_sum3A_502 = tpu.scan <sum>, %add3A_499 masked %reduce_sum3A_501 : vector<16xf32>, vector<16xi1> -> vector<16xf32>
        %reduce_sum3A_503 = vector.extract %reduce_sum3A_502[15] : f32 from vector<16xf32>
        %slice3A_504 = vector.extract_strided_slice %get3A_460 {offsets = [0], sizes = [1], strides = [1]} : vector<16xf32> to vector<1xf32>
        %squeeze3A_505 = vector.extract %slice3A_504[0] : f32 from vector<1xf32>
        %mul3A_506 = arith.mulf %reduce_sum3A_503, %squeeze3A_505 : f32
        %lt3A_507 = arith.constant 1.000000e-01 : f32
        %lt3A_508 = arith.cmpf olt, %mul3A_506, %lt3A_507 : f32
        %jit3A_509 = arith.constant 9.99999997E-7 : f32
        %select_n3A_510 = arith.select %lt3A_508, %jit3A_509, %mul3A_506 : f32
        %mul3A_511 = vector.broadcast %select_n3A_510 : f32 to vector<16xf32>
        %mul3A_512 = arith.mulf %get3A_436, %mul3A_511 : vector<16xf32>
        %swap3A_513 = arith.index_cast %scan3A_433 : i32 to index
        %swap3A_514 = arith.constant 0 : index
        %swap3A_515 = tpu.vector_load %arg11[%swap3A_513, %swap3A_514] {strides = array<i32>} : memref<36x144xf32, #tpu.memory_space<vmem>>, vector<16xf32>,
        tpu.vector_store %arg11[%swap3A_513, %swap3A_514], %mul3A_512 {strides = array<i32>} : memref<36x144xf32, #tpu.memory_space<vmem>>, vector<16xf32>,
        %mul3A_516 = vector.broadcast %select_n3A_510 : f32 to vector<16xf32>
        %mul3A_517 = arith.mulf %get3A_439, %mul3A_516 : vector<16xf32>
        %swap3A_518 = arith.index_cast %scan3A_433 : i32 to index
        %swap3A_519 = arith.constant 16 : index
        %swap3A_520 = tpu.vector_load %arg11[%swap3A_518, %swap3A_519] {strides = array<i32>} : memref<36x144xf32, #tpu.memory_space<vmem>>, vector<16xf32>,
        tpu.vector_store %arg11[%swap3A_518, %swap3A_519], %mul3A_517 {strides = array<i32>} : memref<36x144xf32, #tpu.memory_space<vmem>>, vector<16xf32>,
        %mul3A_521 = vector.broadcast %select_n3A_510 : f32 to vector<16xf32>
        %mul3A_522 = arith.mulf %get3A_442, %mul3A_521 : vector<16xf32>
        %swap3A_523 = arith.index_cast %scan3A_433 : i32 to index
        %swap3A_524 = arith.constant 32 : index
        %swap3A_525 = tpu.vector_load %arg11[%swap3A_523, %swap3A_524] {strides = array<i32>} : memref<36x144xf32, #tpu.memory_space<vmem>>, vector<16xf32>,
        tpu.vector_store %arg11[%swap3A_523, %swap3A_524], %mul3A_522 {strides = array<i32>} : memref<36x144xf32, #tpu.memory_space<vmem>>, vector<16xf32>,
        %mul3A_526 = vector.broadcast %select_n3A_510 : f32 to vector<16xf32>
        %mul3A_527 = arith.mulf %get3A_445, %mul3A_526 : vector<16xf32>
        %swap3A_528 = arith.index_cast %scan3A_433 : i32 to index
        %swap3A_529 = arith.constant 48 : index
        %swap3A_530 = tpu.vector_load %arg11[%swap3A_528, %swap3A_529] {strides = array<i32>} : memref<36x144xf32, #tpu.memory_space<vmem>>, vector<16xf32>,
        tpu.vector_store %arg11[%swap3A_528, %swap3A_529], %mul3A_527 {strides = array<i32>} : memref<36x144xf32, #tpu.memory_space<vmem>>, vector<16xf32>,
        %mul3A_531 = vector.broadcast %select_n3A_510 : f32 to vector<16xf32>
        %mul3A_532 = arith.mulf %get3A_448, %mul3A_531 : vector<16xf32>
        %swap3A_533 = arith.index_cast %scan3A_433 : i32 to index
        %swap3A_534 = arith.constant 64 : index
        %swap3A_535 = tpu.vector_load %arg11[%swap3A_533, %swap3A_534] {strides = array<i32>} : memref<36x144xf32, #tpu.memory_space<vmem>>, vector<16xf32>,
        tpu.vector_store %arg11[%swap3A_533, %swap3A_534], %mul3A_532 {strides = array<i32>} : memref<36x144xf32, #tpu.memory_space<vmem>>, vector<16xf32>,
        %mul3A_536 = vector.broadcast %select_n3A_510 : f32 to vector<16xf32>
        %mul3A_537 = arith.mulf %get3A_451, %mul3A_536 : vector<16xf32>
        %swap3A_538 = arith.index_cast %scan3A_433 : i32 to index
        %swap3A_539 = arith.constant 80 : index
        %swap3A_540 = tpu.vector_load %arg11[%swap3A_538, %swap3A_539] {strides = array<i32>} : memref<36x144xf32, #tpu.memory_space<vmem>>, vector<16xf32>,
        tpu.vector_store %arg11[%swap3A_538, %swap3A_539], %mul3A_537 {strides = array<i32>} : memref<36x144xf32, #tpu.memory_space<vmem>>, vector<16xf32>,
        %mul3A_541 = vector.broadcast %select_n3A_510 : f32 to vector<16xf32>
        %mul3A_542 = arith.mulf %get3A_454, %mul3A_541 : vector<16xf32>
        %swap3A_543 = arith.index_cast %scan3A_433 : i32 to index
        %swap3A_544 = arith.constant 96 : index
        %swap3A_545 = tpu.vector_load %arg11[%swap3A_543, %swap3A_544] {strides = array<i32>} : memref<36x144xf32, #tpu.memory_space<vmem>>, vector<16xf32>,
        tpu.vector_store %arg11[%swap3A_543, %swap3A_544], %mul3A_542 {strides = array<i32>} : memref<36x144xf32, #tpu.memory_space<vmem>>, vector<16xf32>,
        %mul3A_546 = vector.broadcast %select_n3A_510 : f32 to vector<16xf32>
        %mul3A_547 = arith.mulf %get3A_457, %mul3A_546 : vector<16xf32>
        %swap3A_548 = arith.index_cast %scan3A_433 : i32 to index
        %swap3A_549 = arith.constant 112 : index
        %swap3A_550 = tpu.vector_load %arg11[%swap3A_548, %swap3A_549] {strides = array<i32>} : memref<36x144xf32, #tpu.memory_space<vmem>>, vector<16xf32>,
        tpu.vector_store %arg11[%swap3A_548, %swap3A_549], %mul3A_547 {strides = array<i32>} : memref<36x144xf32, #tpu.memory_space<vmem>>, vector<16xf32>,
        %mul3A_551 = vector.broadcast %select_n3A_510 : f32 to vector<16xf32>
        %mul3A_552 = arith.mulf %get3A_460, %mul3A_551 : vector<16xf32>
        %swap3A_553 = arith.index_cast %scan3A_433 : i32 to index
        %swap3A_554 = arith.constant 128 : index
        %swap3A_555 = tpu.vector_load %arg11[%swap3A_553, %swap3A_554] {strides = array<i32>} : memref<36x144xf32, #tpu.memory_space<vmem>>, vector<16xf32>,
        tpu.vector_store %arg11[%swap3A_553, %swap3A_554], %mul3A_552 {strides = array<i32>} : memref<36x144xf32, #tpu.memory_space<vmem>>, vector<16xf32>,
      }
      %scan3A_306 = arith.constant 36 : i32
      %rem3A_307 = arith.constant 8 : i32
      %rem3A_308 = arith.remsi %add3A_265, %rem3A_307 : i32
      %dma_start3A_309 = arith.constant 1 : i32
      %dma_start3A_310 = arith.constant 0 : i32
      %dma_start3A_311 = tpu.memref_slice %arg7[%rem3A_308, %dma_start3A_309, %dma_start3A_310] : memref<8x2x36xi32, #tpu.memory_space<vmem>> -> memref<1x1x36xi32, #tpu.memory_space<vmem>>
      %dma_start3A_312 = tpu.memref_squeeze %dma_start3A_311 : memref<1x1x36xi32, #tpu.memory_space<vmem>> -> memref<36xi32, #tpu.memory_space<vmem>>
      %dma_start3A_313 = arith.constant 0 : i32
      %dma_start3A_314 = arith.constant 0 : i32
      %dma_start3A_315 = tpu.memref_slice %arg16[%dma_start3A_313, %dma_start3A_314] : memref<10112x144xf32, #tpu.memory_space<vmem_shared>> -> memref<10112x144xf32, #tpu.memory_space<vmem_shared>>
      tpu.enqueue_indirect_dma source(%arg11 : memref<36x144xf32, #tpu.memory_space<vmem>>) target(%dma_start3A_315 : memref<10112x144xf32, #tpu.memory_space<vmem_shared>>) offsets(%dma_start3A_312 : memref<36xi32, #tpu.memory_space<vmem>>) semaphore(%arg24 : memref<!tpu.dma_semaphore, #tpu.memory_space<semaphore_mem>>) {add = true}
    }
    %scan3A_82 = arith.constant 72 : i32
    %rem3A_83 = arith.constant 286 : i32
    %rem3A_84 = arith.constant 8 : i32
    %rem3A_85 = arith.remsi %rem3A_83, %rem3A_84 : i32
    %dma_wait3A = arith.constant 1 : i32
    %dma_wait3A_86 = arith.constant 0 : i32
    %dma_wait3A_87 = tpu.memref_slice %arg7[%rem3A_85, %dma_wait3A, %dma_wait3A_86] : memref<8x2x36xi32, #tpu.memory_space<vmem>> -> memref<1x1x36xi32, #tpu.memory_space<vmem>>
    %dma_wait3A_88 = tpu.memref_squeeze %dma_wait3A_87 : memref<1x1x36xi32, #tpu.memory_space<vmem>> -> memref<36xi32, #tpu.memory_space<vmem>>
    %dma_wait3A_89 = arith.constant 0 : i32
    %dma_wait3A_90 = arith.constant 0 : i32
    %dma_wait3A_91 = tpu.memref_slice %arg16[%dma_wait3A_89, %dma_wait3A_90] : memref<10112x144xf32, #tpu.memory_space<vmem_shared>> -> memref<10112x144xf32, #tpu.memory_space<vmem_shared>>
    tpu.wait_indirect_dma semaphore(%arg23 : memref<!tpu.dma_semaphore, #tpu.memory_space<semaphore_mem>>) src(%arg10 : memref<36x144xf32, #tpu.memory_space<vmem>>) dst(%dma_wait3A_91 : memref<10112x144xf32, #tpu.memory_space<vmem_shared>>)
    %rem3A_92 = arith.constant 287 : i32
    %rem3A_93 = arith.constant 8 : i32
    %rem3A_94 = arith.remsi %rem3A_92, %rem3A_93 : i32
    %dma_wait3A_95 = arith.constant 1 : i32
    %dma_wait3A_96 = arith.constant 0 : i32
    %dma_wait3A_97 = tpu.memref_slice %arg7[%rem3A_94, %dma_wait3A_95, %dma_wait3A_96] : memref<8x2x36xi32, #tpu.memory_space<vmem>> -> memref<1x1x36xi32, #tpu.memory_space<vmem>>
    %dma_wait3A_98 = tpu.memref_squeeze %dma_wait3A_97 : memref<1x1x36xi32, #tpu.memory_space<vmem>> -> memref<36xi32, #tpu.memory_space<vmem>>
    %dma_wait3A_99 = arith.constant 0 : i32
    %dma_wait3A_100 = arith.constant 0 : i32
    %dma_wait3A_101 = tpu.memref_slice %arg16[%dma_wait3A_99, %dma_wait3A_100] : memref<10112x144xf32, #tpu.memory_space<vmem_shared>> -> memref<10112x144xf32, #tpu.memory_space<vmem_shared>>
    tpu.wait_indirect_dma semaphore(%arg24 : memref<!tpu.dma_semaphore, #tpu.memory_space<semaphore_mem>>) src(%arg11 : memref<36x144xf32, #tpu.memory_space<vmem>>) dst(%dma_wait3A_101 : memref<10112x144xf32, #tpu.memory_space<vmem_shared>>)
    %barrier3A_102 = arith.constant 0 : index
    tpu.barrier barrier_id(%barrier3A_102)
    "tpu.region"() ({
      %run_scoped3A_103 = tpu.sem_alloc : memref<!tpu.dma_semaphore, #tpu.memory_space<semaphore_mem>>
      %dma_start3A_104 = arith.constant 0 : i32
      %dma_start3A_105 = tpu.memref_slice %arg6[%arg0, %mul3A_2, %dma_start3A_104] : memref<2x10112x144xf32, #tpu.memory_space<hbm>> -> memref<1x632x144xf32, #tpu.memory_space<hbm>>
      %dma_start3A_106 = tpu.memref_squeeze %dma_start3A_105 : memref<1x632x144xf32, #tpu.memory_space<hbm>> -> memref<632x144xf32, #tpu.memory_space<hbm>>
      %dma_start3A_107 = arith.constant 0 : i32
      %dma_start3A_108 = tpu.memref_slice %arg16[%mul3A_2, %dma_start3A_107] : memref<10112x144xf32, #tpu.memory_space<vmem_shared>> -> memref<632x144xf32, #tpu.memory_space<vmem_shared>>
      tpu.enqueue_dma source(%dma_start3A_108 : memref<632x144xf32, #tpu.memory_space<vmem_shared>>) target(%dma_start3A_106 : memref<632x144xf32, #tpu.memory_space<hbm>>) target_semaphore(%run_scoped3A_103 : memref<!tpu.dma_semaphore, #tpu.memory_space<semaphore_mem>>)
      %dma_wait3A_109 = arith.constant 0 : i32
      %dma_wait3A_110 = tpu.memref_slice %arg6[%arg0, %mul3A_2, %dma_wait3A_109] : memref<2x10112x144xf32, #tpu.memory_space<hbm>> -> memref<1x632x144xf32, #tpu.memory_space<hbm>>
      %dma_wait3A_111 = tpu.memref_squeeze %dma_wait3A_110 : memref<1x632x144xf32, #tpu.memory_space<hbm>> -> memref<632x144xf32, #tpu.memory_space<hbm>>
      %dma_wait3A_112 = arith.constant 0 : i32
      %dma_wait3A_113 = tpu.memref_slice %arg16[%mul3A_2, %dma_wait3A_112] : memref<10112x144xf32, #tpu.memory_space<vmem_shared>> -> memref<632x144xf32, #tpu.memory_space<vmem_shared>>
      tpu.wait_dma2 semaphore(%run_scoped3A_103 : memref<!tpu.dma_semaphore, #tpu.memory_space<semaphore_mem>>) src(%dma_wait3A_113 : memref<632x144xf32, #tpu.memory_space<vmem_shared>>) dst(%dma_wait3A_111 : memref<632x144xf32, #tpu.memory_space<hbm>>)
      tpu.yield
    }) : () -> ()
    return
  }
}

module attributes {stable_mosaic.version = 14 : i64} {
  func.func @_pre_body(%arg0: i32, %arg1: memref<632x128xf32, #tpu.memory_space<vmem>>, %arg2: memref<128x128xf32, #tpu.memory_space<vmem>>, %arg3: memref<632x128xf32, #tpu.memory_space<vmem>>, %arg4: memref<632x144xf32, #tpu.memory_space<vmem>>) attributes {dimension_semantics = [#tpu.dimension_semantics<arbitrary>], iteration_bounds = array<i64: 16>, scalar_prefetch = 0 : i64, scratch_operands = 0 : i64, tpu.core_type = #tpu.core_type<tc>, window_params = [{transform_indices = @transform_0, window_bounds = array<i64: 632, 128>}, {pipeline_mode = #tpu.pipeline_mode<synchronous>, transform_indices = @transform_1, window_bounds = array<i64: 128, 128>}, {transform_indices = @transform_2, window_bounds = array<i64: 632, 128>}, {transform_indices = @transform_3, window_bounds = array<i64: 632, 144>}]} {
    %get3A = arith.constant 0 : index
    %get3A_0 = arith.constant 0 : index
    %get3A_1 = vector.load %arg1[%get3A, %get3A_0] : memref<632x128xf32, #tpu.memory_space<vmem>>, vector<632x128xf32>
    %mul3A = arith.mulf %get3A_1, %get3A_1 : vector<632x128xf32>
    %reduce_sum3A = arith.constant dense<0.000000e+00> : vector<632xf32>
    %reduce_sum3A_2 = vector.multi_reduction <add>, %mul3A, %reduce_sum3A [1] : vector<632x128xf32> to vector<632xf32>
    %broadcast_in_dim3A = vector.shape_cast %reduce_sum3A_2 : vector<632xf32> to vector<632x1xf32>
    %sqrt3A = math.sqrt %broadcast_in_dim3A : vector<632x1xf32>
    %max3A = arith.constant 9.99999993E-9 : f32
    %max3A_3 = vector.broadcast %max3A : f32 to vector<632x1xf32>
    %max3A_4 = arith.maximumf %sqrt3A, %max3A_3 : vector<632x1xf32>
    %div3A = vector.broadcast %max3A_4 : vector<632x1xf32> to vector<632x128xf32>
    %div3A_5 = arith.divf %get3A_1, %div3A : vector<632x128xf32>
    %swap3A = arith.constant 0 : index
    %swap3A_6 = arith.constant 0 : index
    %swap3A_7 = vector.load %arg3[%swap3A, %swap3A_6] : memref<632x128xf32, #tpu.memory_space<vmem>>, vector<632x128xf32>
    tpu.vector_store %arg3[%swap3A, %swap3A_6], %div3A_5 {strides = array<i32>} : memref<632x128xf32, #tpu.memory_space<vmem>>, vector<632x128xf32>,
    %get3A_8 = arith.constant 0 : index
    %get3A_9 = arith.constant 0 : index
    %get3A_10 = vector.load %arg2[%get3A_8, %get3A_9] : memref<128x128xf32, #tpu.memory_space<vmem>>, vector<128x128xf32>
    %dot_general3A = arith.constant dense<0.000000e+00> : vector<632x128xf32>
    %dot_general3A_11 = tpu.matmul %get3A_1, %get3A_10, %dot_general3A {dimension_numbers = #tpu.dot_dimension_numbers<[1], [0], [0], [1], [0, 0, 1, 1], [], []>, transpose_lhs_hint = false} : vector<632x128xf32>, vector<128x128xf32>, vector<632x128xf32> -> vector<632x128xf32>
    %mul3A_12 = arith.mulf %dot_general3A_11, %dot_general3A_11 : vector<632x128xf32>
    %reduce_sum3A_13 = arith.constant dense<0.000000e+00> : vector<632xf32>
    %reduce_sum3A_14 = vector.multi_reduction <add>, %mul3A_12, %reduce_sum3A_13 [1] : vector<632x128xf32> to vector<632xf32>
    %broadcast_in_dim3A_15 = vector.shape_cast %reduce_sum3A_14 : vector<632xf32> to vector<632x1xf32>
    %sqrt3A_16 = math.sqrt %broadcast_in_dim3A_15 : vector<632x1xf32>
    %max3A_17 = arith.constant 9.99999993E-9 : f32
    %max3A_18 = vector.broadcast %max3A_17 : f32 to vector<632x1xf32>
    %max3A_19 = arith.maximumf %sqrt3A_16, %max3A_18 : vector<632x1xf32>
    %div3A_20 = arith.constant 1.000000e+00 : f32
    %div3A_21 = vector.broadcast %div3A_20 : f32 to vector<632x1xf32>
    %div3A_22 = arith.divf %div3A_21, %max3A_19 : vector<632x1xf32>
    %swap3A_23 = arith.constant 0 : index
    %swap3A_24 = arith.constant 0 : index
    %swap3A_25 = vector.load %arg4[%swap3A_23, %swap3A_24] : memref<632x144xf32, #tpu.memory_space<vmem>>, vector<632x128xf32>
    tpu.vector_store %arg4[%swap3A_23, %swap3A_24], %dot_general3A_11 {strides = array<i32>} : memref<632x144xf32, #tpu.memory_space<vmem>>, vector<632x128xf32>,
    %broadcast_in_dim3A_26 = arith.constant 1.000000e+00 : f32
    %broadcast_in_dim3A_27 = vector.broadcast %broadcast_in_dim3A_26 : f32 to vector<632x1xf32>
    %broadcast_in_dim3A_28 = arith.constant 0.000000e+00 : f32
    %broadcast_in_dim3A_29 = vector.broadcast %broadcast_in_dim3A_28 : f32 to vector<632x14xf32>
    %concatenate3A = tpu.concatenate %div3A_22, %broadcast_in_dim3A_27, %broadcast_in_dim3A_29 in 1 : vector<632x1xf32>, vector<632x1xf32>, vector<632x14xf32> -> vector<632x16xf32>
    %swap3A_30 = arith.constant 0 : index
    %swap3A_31 = arith.constant 128 : index
    %swap3A_32 = vector.load %arg4[%swap3A_30, %swap3A_31] : memref<632x144xf32, #tpu.memory_space<vmem>>, vector<632x16xf32>
    tpu.vector_store %arg4[%swap3A_30, %swap3A_31], %concatenate3A {strides = array<i32>} : memref<632x144xf32, #tpu.memory_space<vmem>>, vector<632x16xf32>,
    return
  }
  func.func @transform_0(%arg0: i32) -> (i32, i32) {
    %c0_i32 = arith.constant 0 : i32
    %c0_i32_0 = arith.constant 0 : i32
    return %arg0, %c0_i32 : i32, i32
  }
  func.func @transform_1(%arg0: i32) -> (i32, i32) {
    %c0_i32 = arith.constant 0 : i32
    %c0_i32_0 = arith.constant 0 : i32
    %c0_i32_1 = arith.constant 0 : i32
    return %c0_i32, %c0_i32_0 : i32, i32
  }
  func.func @transform_2(%arg0: i32) -> (i32, i32) {
    %c0_i32 = arith.constant 0 : i32
    %c0_i32_0 = arith.constant 0 : i32
    return %arg0, %c0_i32 : i32, i32
  }
  func.func @transform_3(%arg0: i32) -> (i32, i32) {
    %c0_i32 = arith.constant 0 : i32
    %c0_i32_0 = arith.constant 0 : i32
    return %arg0, %c0_i32 : i32, i32
  }
}

module attributes {stable_mosaic.version = 14 : i64} {
  func.func @_mid_body(%arg0: i32, %arg1: memref<2x632x144xf32, #tpu.memory_space<vmem>>, %arg2: memref<1x128xf32, #tpu.memory_space<vmem>>, %arg3: memref<1x128xf32, #tpu.memory_space<vmem>>, %arg4: memref<1x128xf32, #tpu.memory_space<vmem>>, %arg5: memref<128x128xf32, #tpu.memory_space<vmem>>, %arg6: memref<632x128xf32, #tpu.memory_space<vmem>>, %arg7: memref<632x144xf32, #tpu.memory_space<vmem>>) attributes {dimension_semantics = [#tpu.dimension_semantics<arbitrary>], iteration_bounds = array<i64: 16>, scalar_prefetch = 0 : i64, scratch_operands = 0 : i64, tpu.core_type = #tpu.core_type<tc>, window_params = [{transform_indices = @transform_0, window_bounds = array<i64: 2, 632, 144>}, {pipeline_mode = #tpu.pipeline_mode<synchronous>, transform_indices = @transform_1, window_bounds = array<i64: 1, 128>}, {pipeline_mode = #tpu.pipeline_mode<synchronous>, transform_indices = @transform_2, window_bounds = array<i64: 1, 128>}, {pipeline_mode = #tpu.pipeline_mode<synchronous>, transform_indices = @transform_3, window_bounds = array<i64: 1, 128>}, {pipeline_mode = #tpu.pipeline_mode<synchronous>, transform_indices = @transform_4, window_bounds = array<i64: 128, 128>}, {transform_indices = @transform_5, window_bounds = array<i64: 632, 128>}, {transform_indices = @transform_6, window_bounds = array<i64: 632, 144>}]} {
    %get3A = arith.constant 0 : index
    %get3A_0 = arith.constant 0 : index
    %get3A_1 = arith.constant 0 : index
    %get3A_2 = vector.load %arg1[%get3A, %get3A_0, %get3A_1] : memref<2x632x144xf32, #tpu.memory_space<vmem>>, vector<1x632x128xf32>
    %get3A_3 = vector.shape_cast %get3A_2 : vector<1x632x128xf32> to vector<632x128xf32>
    %get3A_4 = arith.constant 1 : index
    %get3A_5 = arith.constant 0 : index
    %get3A_6 = arith.constant 0 : index
    %get3A_7 = vector.load %arg1[%get3A_4, %get3A_5, %get3A_6] : memref<2x632x144xf32, #tpu.memory_space<vmem>>, vector<1x632x128xf32>
    %get3A_8 = vector.shape_cast %get3A_7 : vector<1x632x128xf32> to vector<632x128xf32>
    %add3A = arith.addf %get3A_3, %get3A_8 : vector<632x128xf32>
    %get3A_9 = arith.constant 0 : index
    %get3A_10 = arith.constant 0 : index
    %get3A_11 = arith.constant 129 : index
    %get3A_12 = vector.load %arg1[%get3A_9, %get3A_10, %get3A_11] : memref<2x632x144xf32, #tpu.memory_space<vmem>>, vector<1x632x1xf32>
    %get3A_13 = vector.shape_cast %get3A_12 : vector<1x632x1xf32> to vector<632x1xf32>
    %get3A_14 = arith.constant 1 : index
    %get3A_15 = arith.constant 0 : index
    %get3A_16 = arith.constant 129 : index
    %get3A_17 = vector.load %arg1[%get3A_14, %get3A_15, %get3A_16] : memref<2x632x144xf32, #tpu.memory_space<vmem>>, vector<1x632x1xf32>
    %get3A_18 = vector.shape_cast %get3A_17 : vector<1x632x1xf32> to vector<632x1xf32>
    %add3A_19 = arith.addf %get3A_13, %get3A_18 : vector<632x1xf32>
    %add3A_20 = arith.constant 1.000000e-16 : f32
    %add3A_21 = vector.broadcast %add3A_20 : f32 to vector<632x1xf32>
    %add3A_22 = arith.addf %add3A_19, %add3A_21 : vector<632x1xf32>
    %div3A = vector.broadcast %add3A_22 : vector<632x1xf32> to vector<632x128xf32>
    %div3A_23 = arith.divf %add3A, %div3A : vector<632x128xf32>
    %get3A_24 = arith.constant 0 : index
    %get3A_25 = arith.constant 0 : index
    %get3A_26 = vector.load %arg2[%get3A_24, %get3A_25] : memref<1x128xf32, #tpu.memory_space<vmem>>, vector<1x128xf32>
    %add3A_27 = vector.broadcast %get3A_26 : vector<1x128xf32> to vector<632x128xf32>
    %add3A_28 = arith.addf %div3A_23, %add3A_27 : vector<632x128xf32>
    %reduce_sum3A = arith.constant dense<0.000000e+00> : vector<632xf32>
    %reduce_sum3A_29 = vector.multi_reduction <add>, %add3A_28, %reduce_sum3A [1] : vector<632x128xf32> to vector<632xf32>
    %broadcast_in_dim3A = vector.shape_cast %reduce_sum3A_29 : vector<632xf32> to vector<632x1xf32>
    %div3A_30 = arith.constant 1.280000e+02 : f32
    %div3A_31 = vector.broadcast %div3A_30 : f32 to vector<632x1xf32>
    %div3A_32 = arith.divf %broadcast_in_dim3A, %div3A_31 : vector<632x1xf32>
    %sub3A = vector.broadcast %div3A_32 : vector<632x1xf32> to vector<632x128xf32>
    %sub3A_33 = arith.subf %add3A_28, %sub3A : vector<632x128xf32>
    %integer_pow3A = arith.mulf %sub3A_33, %sub3A_33 : vector<632x128xf32>
    %reduce_sum3A_34 = arith.constant dense<0.000000e+00> : vector<632xf32>
    %reduce_sum3A_35 = vector.multi_reduction <add>, %integer_pow3A, %reduce_sum3A_34 [1] : vector<632x128xf32> to vector<632xf32>
    %broadcast_in_dim3A_36 = vector.shape_cast %reduce_sum3A_35 : vector<632xf32> to vector<632x1xf32>
    %div3A_37 = arith.constant 1.280000e+02 : f32
    %div3A_38 = vector.broadcast %div3A_37 : f32 to vector<632x1xf32>
    %div3A_39 = arith.divf %broadcast_in_dim3A_36, %div3A_38 : vector<632x1xf32>
    %sub3A_40 = vector.broadcast %div3A_32 : vector<632x1xf32> to vector<632x128xf32>
    %sub3A_41 = arith.subf %add3A_28, %sub3A_40 : vector<632x128xf32>
    %add3A_42 = arith.constant 9.99999974E-6 : f32
    %add3A_43 = vector.broadcast %add3A_42 : f32 to vector<632x1xf32>
    %add3A_44 = arith.addf %div3A_39, %add3A_43 : vector<632x1xf32>
    %sqrt3A = math.sqrt %add3A_44 : vector<632x1xf32>
    %div3A_45 = vector.broadcast %sqrt3A : vector<632x1xf32> to vector<632x128xf32>
    %div3A_46 = arith.divf %sub3A_41, %div3A_45 : vector<632x128xf32>
    %get3A_47 = arith.constant 0 : index
    %get3A_48 = arith.constant 0 : index
    %get3A_49 = vector.load %arg3[%get3A_47, %get3A_48] : memref<1x128xf32, #tpu.memory_space<vmem>>, vector<1x128xf32>
    %mul3A = vector.broadcast %get3A_49 : vector<1x128xf32> to vector<632x128xf32>
    %mul3A_50 = arith.mulf %div3A_46, %mul3A : vector<632x128xf32>
    %get3A_51 = arith.constant 0 : index
    %get3A_52 = arith.constant 0 : index
    %get3A_53 = vector.load %arg4[%get3A_51, %get3A_52] : memref<1x128xf32, #tpu.memory_space<vmem>>, vector<1x128xf32>
    %add3A_54 = vector.broadcast %get3A_53 : vector<1x128xf32> to vector<632x128xf32>
    %add3A_55 = arith.addf %mul3A_50, %add3A_54 : vector<632x128xf32>
    %max3A = arith.constant 0.000000e+00 : f32
    %max3A_56 = vector.broadcast %max3A : f32 to vector<632x128xf32>
    %max3A_57 = arith.maximumf %add3A_55, %max3A_56 : vector<632x128xf32>
    %mul3A_58 = arith.mulf %max3A_57, %max3A_57 : vector<632x128xf32>
    %reduce_sum3A_59 = arith.constant dense<0.000000e+00> : vector<632xf32>
    %reduce_sum3A_60 = vector.multi_reduction <add>, %mul3A_58, %reduce_sum3A_59 [1] : vector<632x128xf32> to vector<632xf32>
    %broadcast_in_dim3A_61 = vector.shape_cast %reduce_sum3A_60 : vector<632xf32> to vector<632x1xf32>
    %sqrt3A_62 = math.sqrt %broadcast_in_dim3A_61 : vector<632x1xf32>
    %max3A_63 = arith.constant 9.99999993E-9 : f32
    %max3A_64 = vector.broadcast %max3A_63 : f32 to vector<632x1xf32>
    %max3A_65 = arith.maximumf %sqrt3A_62, %max3A_64 : vector<632x1xf32>
    %div3A_66 = vector.broadcast %max3A_65 : vector<632x1xf32> to vector<632x128xf32>
    %div3A_67 = arith.divf %max3A_57, %div3A_66 : vector<632x128xf32>
    %swap3A = arith.constant 0 : index
    %swap3A_68 = arith.constant 0 : index
    %swap3A_69 = vector.load %arg6[%swap3A, %swap3A_68] : memref<632x128xf32, #tpu.memory_space<vmem>>, vector<632x128xf32>
    tpu.vector_store %arg6[%swap3A, %swap3A_68], %div3A_67 {strides = array<i32>} : memref<632x128xf32, #tpu.memory_space<vmem>>, vector<632x128xf32>,
    %get3A_70 = arith.constant 0 : index
    %get3A_71 = arith.constant 0 : index
    %get3A_72 = vector.load %arg5[%get3A_70, %get3A_71] : memref<128x128xf32, #tpu.memory_space<vmem>>, vector<128x128xf32>
    %dot_general3A = arith.constant dense<0.000000e+00> : vector<632x128xf32>
    %dot_general3A_73 = tpu.matmul %max3A_57, %get3A_72, %dot_general3A {dimension_numbers = #tpu.dot_dimension_numbers<[1], [0], [0], [1], [0, 0, 1, 1], [], []>, transpose_lhs_hint = false} : vector<632x128xf32>, vector<128x128xf32>, vector<632x128xf32> -> vector<632x128xf32>
    %mul3A_74 = arith.mulf %dot_general3A_73, %dot_general3A_73 : vector<632x128xf32>
    %reduce_sum3A_75 = arith.constant dense<0.000000e+00> : vector<632xf32>
    %reduce_sum3A_76 = vector.multi_reduction <add>, %mul3A_74, %reduce_sum3A_75 [1] : vector<632x128xf32> to vector<632xf32>
    %broadcast_in_dim3A_77 = vector.shape_cast %reduce_sum3A_76 : vector<632xf32> to vector<632x1xf32>
    %sqrt3A_78 = math.sqrt %broadcast_in_dim3A_77 : vector<632x1xf32>
    %max3A_79 = arith.constant 9.99999993E-9 : f32
    %max3A_80 = vector.broadcast %max3A_79 : f32 to vector<632x1xf32>
    %max3A_81 = arith.maximumf %sqrt3A_78, %max3A_80 : vector<632x1xf32>
    %div3A_82 = arith.constant 1.000000e+00 : f32
    %div3A_83 = vector.broadcast %div3A_82 : f32 to vector<632x1xf32>
    %div3A_84 = arith.divf %div3A_83, %max3A_81 : vector<632x1xf32>
    %swap3A_85 = arith.constant 0 : index
    %swap3A_86 = arith.constant 0 : index
    %swap3A_87 = vector.load %arg7[%swap3A_85, %swap3A_86] : memref<632x144xf32, #tpu.memory_space<vmem>>, vector<632x128xf32>
    tpu.vector_store %arg7[%swap3A_85, %swap3A_86], %dot_general3A_73 {strides = array<i32>} : memref<632x144xf32, #tpu.memory_space<vmem>>, vector<632x128xf32>,
    %broadcast_in_dim3A_88 = arith.constant 1.000000e+00 : f32
    %broadcast_in_dim3A_89 = vector.broadcast %broadcast_in_dim3A_88 : f32 to vector<632x1xf32>
    %broadcast_in_dim3A_90 = arith.constant 0.000000e+00 : f32
    %broadcast_in_dim3A_91 = vector.broadcast %broadcast_in_dim3A_90 : f32 to vector<632x14xf32>
    %concatenate3A = tpu.concatenate %div3A_84, %broadcast_in_dim3A_89, %broadcast_in_dim3A_91 in 1 : vector<632x1xf32>, vector<632x1xf32>, vector<632x14xf32> -> vector<632x16xf32>
    %swap3A_92 = arith.constant 0 : index
    %swap3A_93 = arith.constant 128 : index
    %swap3A_94 = vector.load %arg7[%swap3A_92, %swap3A_93] : memref<632x144xf32, #tpu.memory_space<vmem>>, vector<632x16xf32>
    tpu.vector_store %arg7[%swap3A_92, %swap3A_93], %concatenate3A {strides = array<i32>} : memref<632x144xf32, #tpu.memory_space<vmem>>, vector<632x16xf32>,
    return
  }
  func.func @transform_0(%arg0: i32) -> (i32, i32, i32) {
    %c0_i32 = arith.constant 0 : i32
    %c0_i32_0 = arith.constant 0 : i32
    %c0_i32_1 = arith.constant 0 : i32
    return %c0_i32, %arg0, %c0_i32_0 : i32, i32, i32
  }
  func.func @transform_1(%arg0: i32) -> (i32, i32) {
    %c0_i32 = arith.constant 0 : i32
    %c0_i32_0 = arith.constant 0 : i32
    %c0_i32_1 = arith.constant 0 : i32
    return %c0_i32, %c0_i32_0 : i32, i32
  }
  func.func @transform_2(%arg0: i32) -> (i32, i32) {
    %c0_i32 = arith.constant 0 : i32
    %c0_i32_0 = arith.constant 0 : i32
    %c0_i32_1 = arith.constant 0 : i32
    return %c0_i32, %c0_i32_0 : i32, i32
  }
  func.func @transform_3(%arg0: i32) -> (i32, i32) {
    %c0_i32 = arith.constant 0 : i32
    %c0_i32_0 = arith.constant 0 : i32
    %c0_i32_1 = arith.constant 0 : i32
    return %c0_i32, %c0_i32_0 : i32, i32
  }
  func.func @transform_4(%arg0: i32) -> (i32, i32) {
    %c0_i32 = arith.constant 0 : i32
    %c0_i32_0 = arith.constant 0 : i32
    %c0_i32_1 = arith.constant 0 : i32
    return %c0_i32, %c0_i32_0 : i32, i32
  }
  func.func @transform_5(%arg0: i32) -> (i32, i32) {
    %c0_i32 = arith.constant 0 : i32
    %c0_i32_0 = arith.constant 0 : i32
    return %arg0, %c0_i32 : i32, i32
  }
  func.func @transform_6(%arg0: i32) -> (i32, i32) {
    %c0_i32 = arith.constant 0 : i32
    %c0_i32_0 = arith.constant 0 : i32
    return %arg0, %c0_i32 : i32, i32
  }
}

module attributes {stable_mosaic.version = 14 : i64} {
  func.func @_final_body(%arg0: i32, %arg1: memref<2x632x144xf32, #tpu.memory_space<vmem>>, %arg2: memref<1x128xf32, #tpu.memory_space<vmem>>, %arg3: memref<632x128xf32, #tpu.memory_space<vmem>>) attributes {dimension_semantics = [#tpu.dimension_semantics<arbitrary>], iteration_bounds = array<i64: 16>, scalar_prefetch = 0 : i64, scratch_operands = 0 : i64, tpu.core_type = #tpu.core_type<tc>, window_params = [{transform_indices = @transform_0, window_bounds = array<i64: 2, 632, 144>}, {pipeline_mode = #tpu.pipeline_mode<synchronous>, transform_indices = @transform_1, window_bounds = array<i64: 1, 128>}, {transform_indices = @transform_2, window_bounds = array<i64: 632, 128>}]} {
    %get3A = arith.constant 0 : index
    %get3A_0 = arith.constant 0 : index
    %get3A_1 = arith.constant 0 : index
    %get3A_2 = vector.load %arg1[%get3A, %get3A_0, %get3A_1] : memref<2x632x144xf32, #tpu.memory_space<vmem>>, vector<1x632x128xf32>
    %get3A_3 = vector.shape_cast %get3A_2 : vector<1x632x128xf32> to vector<632x128xf32>
    %get3A_4 = arith.constant 1 : index
    %get3A_5 = arith.constant 0 : index
    %get3A_6 = arith.constant 0 : index
    %get3A_7 = vector.load %arg1[%get3A_4, %get3A_5, %get3A_6] : memref<2x632x144xf32, #tpu.memory_space<vmem>>, vector<1x632x128xf32>
    %get3A_8 = vector.shape_cast %get3A_7 : vector<1x632x128xf32> to vector<632x128xf32>
    %add3A = arith.addf %get3A_3, %get3A_8 : vector<632x128xf32>
    %get3A_9 = arith.constant 0 : index
    %get3A_10 = arith.constant 0 : index
    %get3A_11 = arith.constant 129 : index
    %get3A_12 = vector.load %arg1[%get3A_9, %get3A_10, %get3A_11] : memref<2x632x144xf32, #tpu.memory_space<vmem>>, vector<1x632x1xf32>
    %get3A_13 = vector.shape_cast %get3A_12 : vector<1x632x1xf32> to vector<632x1xf32>
    %get3A_14 = arith.constant 1 : index
    %get3A_15 = arith.constant 0 : index
    %get3A_16 = arith.constant 129 : index
    %get3A_17 = vector.load %arg1[%get3A_14, %get3A_15, %get3A_16] : memref<2x632x144xf32, #tpu.memory_space<vmem>>, vector<1x632x1xf32>
    %get3A_18 = vector.shape_cast %get3A_17 : vector<1x632x1xf32> to vector<632x1xf32>
    %add3A_19 = arith.addf %get3A_13, %get3A_18 : vector<632x1xf32>
    %add3A_20 = arith.constant 1.000000e-16 : f32
    %add3A_21 = vector.broadcast %add3A_20 : f32 to vector<632x1xf32>
    %add3A_22 = arith.addf %add3A_19, %add3A_21 : vector<632x1xf32>
    %div3A = vector.broadcast %add3A_22 : vector<632x1xf32> to vector<632x128xf32>
    %div3A_23 = arith.divf %add3A, %div3A : vector<632x128xf32>
    %get3A_24 = arith.constant 0 : index
    %get3A_25 = arith.constant 0 : index
    %get3A_26 = vector.load %arg2[%get3A_24, %get3A_25] : memref<1x128xf32, #tpu.memory_space<vmem>>, vector<1x128xf32>
    %add3A_27 = vector.broadcast %get3A_26 : vector<1x128xf32> to vector<632x128xf32>
    %add3A_28 = arith.addf %div3A_23, %add3A_27 : vector<632x128xf32>
    %reduce_max3A = arith.constant dense<0xFF800000> : vector<632xf32>
    %reduce_max3A_29 = vector.multi_reduction <maximumf>, %add3A_28, %reduce_max3A [1] : vector<632x128xf32> to vector<632xf32>
    %broadcast_in_dim3A = vector.shape_cast %reduce_max3A_29 : vector<632xf32> to vector<632x1xf32>
    %sub3A = vector.broadcast %broadcast_in_dim3A : vector<632x1xf32> to vector<632x128xf32>
    %sub3A_30 = arith.subf %add3A_28, %sub3A : vector<632x128xf32>
    %exp3A = math.exp %sub3A_30 : vector<632x128xf32>
    %reduce_sum3A = arith.constant dense<0.000000e+00> : vector<632xf32>
    %reduce_sum3A_31 = vector.multi_reduction <add>, %exp3A, %reduce_sum3A [1] : vector<632x128xf32> to vector<632xf32>
    %broadcast_in_dim3A_32 = vector.shape_cast %reduce_sum3A_31 : vector<632xf32> to vector<632x1xf32>
    %log3A = math.log %broadcast_in_dim3A_32 : vector<632x1xf32>
    %sub3A_33 = vector.broadcast %log3A : vector<632x1xf32> to vector<632x128xf32>
    %sub3A_34 = arith.subf %sub3A_30, %sub3A_33 : vector<632x128xf32>
    %swap3A = arith.constant 0 : index
    %swap3A_35 = arith.constant 0 : index
    %swap3A_36 = vector.load %arg3[%swap3A, %swap3A_35] : memref<632x128xf32, #tpu.memory_space<vmem>>, vector<632x128xf32>
    tpu.vector_store %arg3[%swap3A, %swap3A_35], %sub3A_34 {strides = array<i32>} : memref<632x128xf32, #tpu.memory_space<vmem>>, vector<632x128xf32>,
    return
  }
  func.func @transform_0(%arg0: i32) -> (i32, i32, i32) {
    %c0_i32 = arith.constant 0 : i32
    %c0_i32_0 = arith.constant 0 : i32
    %c0_i32_1 = arith.constant 0 : i32
    return %c0_i32, %arg0, %c0_i32_0 : i32, i32, i32
  }
  func.func @transform_1(%arg0: i32) -> (i32, i32) {
    %c0_i32 = arith.constant 0 : i32
    %c0_i32_0 = arith.constant 0 : i32
    %c0_i32_1 = arith.constant 0 : i32
    return %c0_i32, %c0_i32_0 : i32, i32
  }
  func.func @transform_2(%arg0: i32) -> (i32, i32) {
    %c0_i32 = arith.constant 0 : i32
    %c0_i32_0 = arith.constant 0 : i32
    return %arg0, %c0_i32 : i32, i32
  }
}

</mosaic_0001>

<sc_bundles>
// kernel: kernel.10.cloned.1.call-start
scs
__scs_entry_jumppad:
0x0: {  	(pc) =	sbr.rel $0x88, $3  }
0x1: {  	(tag) =	ssettag $0x0;
	lr =	simm.s32 $0x1  }
0x2: {  	[smem:$0x3F99] =	sst lr;
	_ =	strace $0xD0000000  }
0x3: {  	_ = 	snop  }
0x4: {  	_ = 	snop  }
0x5: {  	_ = 	snop  }
0x6: {  	_ = 	snop  }
0x7: {  	_ = 	snop  }
__scs_overlays_trampoline_lowered:
0x8: {  	[smem:$0x3FA8] =	sst s0  }
0x9: {  	[smem:$0x3FA9] =	sst s1  }
0xa: {  	[smem:$0x3FAA] =	sst s2  }
0xb: {  	[smem:$0x3FAB] =	sst s3  }
0xc: {  	[smem:$0x3FAC] =	sst s4  }
0xd: {  	[smem:$0x3FAD] =	sst s5  }
0xe: {  	[smem:$0x3FAE] =	sst s6  }
0xf: {  	[smem:$0x3FAF] =	sst s7  }
0x10: {  	[smem:$0x3FB0] =	sst s8  }
0x11: {  	[smem:$0x3FB1] =	sst s9;
	s0 =	simm.s32 @!p0 $0x0  }
0x12: {  	s1 =	sld [smem:$0x3F97];
	s0 =	simm.s32 @p0 $0x1  }
0x13: {  	[smem:$0x3FB2] =	sst s0;
	s0 =	simm.s32 @!p1 $0x0  }
0x14: {  	s2 =	sld [smem:$0x3F96];
	s0 =	simm.s32 @p1 $0x1  }
0x15: {  	[smem:$0x3FB3] =	sst s0;
	s0 =	simm.s32 @!p2 $0x0  }
0x16: {  	s3 =	sld [smem:$0x3FDB];
	s0 =	simm.s32 @p2 $0x1  }
0x17: {  	s4 =	simm.s32 $0x1BF5;
	[smem:$0x3FB5] =	sst s0  }
0x18: {  	s0 =	sld [smem:$0x3F98];
	_ =	swait.ge [sflag:s4], $0x0  }
0x19: {  	s7 =	sld [smem:$0x3F99]  }
0x1a: {  	s8 =	sadd.s32 $0xFFFFE003, lr  }
0x1b: {  	s9 =	sadd.s32 $0xFFFFFEF7, lr;
	s5 =	simm.s32 $0xFFFFFFFF;
	p2 =	slt.u32 s8, $0xFFFFF086  }
0x1c: {  	p1 =	slt.u32 s9, $0xF7A;
	s5 =	simm.s32 @!p2 $0x0  }
0x1d: {  	s5 =	simm.s32 @p1 $0x1;
	p0 =	seq.s32 s7, s2  }
0x1e: {  	s7 =	smul.u32 @!p0 $0xF7A, s2;
	p2 =	seq.s32 @!p0 s5, $0x0  }
0x1f: {  	s9 =	smul.u32 $0xF7A, s1;
	s8 =	simm.s32 @!p0 $0x1BF5;
	p2 =	por !p2, p0  }
0x20: {  	[sflag:s8] =	ssyncset.s32 @!p0 $0xFFFFF086;
	s6 =	sadd.s32 @!p0 s3, s7;
	s7 =	simm.s32 @!p0 $0x108  }
0x21: {  	s3 =	sadd.s32 s3, s9;
	s6 =	sadd.s32 @!p0 $0x88, s6;
	s7 =	simm.s32 @p2 $0x1082  }
0x22: {  	[simem:s7], [sflag:s8] =	dma.local @!p0 [hbm:s6], $0xF7A  }
0x23: {  	s9 =	sor.u32 $0xD0000000, s2;
	s6 =	simm.s32 $0x108;
	_ =	swait.ge @!p0 [sflag:s8], $0x0  }
0x24: {  	s3 =	sadd.s32 $0x88, s3;
	s6 =	simm.s32 @!p1 $0x1082;
	[sflag:s4] =	ssyncset.s32 $0xFFFFF086  }
0x25: {  	[simem:s6], [sflag:s4] =	dma.local [hbm:s3], $0xF7A  }
0x26: {  	[smem:$0x3F99] =	sst s1;
	(tag) =	ssettag s2;
	_ =	strace s9  }
0x27: {  	s1 =	sld [smem:$0x3FA9]  }
0x28: {  	s2 =	sld [smem:$0x3FAA]  }
0x29: {  	s4 =	sld [smem:$0x3FAC]  }
0x2a: {  	p0 =	seq.s32 s5, $0x0;
	s5 =	sld [smem:$0x3FAD]  }
0x2b: {  	s6 =	sld [smem:$0x3FAE]  }
0x2c: {  	s7 =	sld [smem:$0x3FAF]  }
0x2d: {  	s3 =	simm.s32 $0x108;
	s8 =	sld [smem:$0x3FB0]  }
0x2e: {  	s3 =	simm.s32 @!p0 $0x1082;
	s9 =	sld [smem:$0x3FB1]  }
0x2f: {  	lr =	sadd.s32 s0, s3;
	s0 =	sld [smem:$0x3FA8]  }
0x30: {  	s3 =	sld [smem:$0x3FAB]  }
0x31: {  	[smem:$0x3FB4] =	sst s10  }
0x32: {  	s10 =	sld [smem:$0x3FB2];
	_ =	sdelay $0x3  }
0x33: {  	p0 =	seq.s32 s10, $0x1;
	s10 =	sld [smem:$0x3FB4];
	_ =	sdelay $0x3  }
0x34: {  	[smem:$0x3FB4] =	sst s10  }
0x35: {  	s10 =	sld [smem:$0x3FB3];
	_ =	sdelay $0x3  }
0x36: {  	p1 =	seq.s32 s10, $0x1;
	s10 =	sld [smem:$0x3FB4];
	_ =	sdelay $0x3  }
0x37: {  	[smem:$0x3FB4] =	sst s10  }
0x38: {  	s10 =	sld [smem:$0x3FB5]  }
0x39: {  	_ = 	snop;
	(pc) =	sbr.ind lr, $3  }
0x3a: {  	_ = 	snop  }
0x3b: {  	_ = 	snop  }
0x3c: {  	p2 =	seq.s32 s10, $0x1;
	s10 =	sld [smem:$0x3FB4]  }
0x3d: {  	_ =	shalt  }
0x3e: {  	_ =	shalt  }
0x3f: {  	_ =	shalt  }
0x40: {  	_ =	shalt  }
0x41: {  	_ =	shalt  }
0x42: {  	_ =	shalt  }
0x43: {  	_ =	shalt  }
0x44: {  	_ =	shalt  }
0x45: {  	_ =	shalt  }
0x46: {  	_ =	shalt  }
0x47: {  	_ =	shalt  }
0x48: {  	_ =	shalt  }
0x49: {  	_ =	shalt  }
0x4a: {  	_ =	shalt  }
0x4b: {  	_ =	shalt  }
0x4c: {  	_ =	shalt  }
0x4d: {  	_ =	shalt  }
0x4e: {  	_ =	shalt  }
0x4f: {  	_ =	shalt  }
0x50: {  	_ =	shalt  }
0x51: {  	_ =	shalt  }
0x52: {  	_ =	shalt  }
0x53: {  	_ =	shalt  }
0x54: {  	_ =	shalt  }
0x55: {  	_ =	shalt  }
0x56: {  	_ =	shalt  }
0x57: {  	_ =	shalt  }
0x58: {  	_ =	shalt  }
0x59: {  	_ =	shalt  }
0x5a: {  	_ =	shalt  }
0x5b: {  	_ =	shalt  }
0x5c: {  	_ =	shalt  }
0x5d: {  	_ =	shalt  }
0x5e: {  	_ =	shalt  }
0x5f: {  	_ =	shalt  }
0x60: {  	_ =	shalt  }
0x61: {  	_ =	shalt  }
0x62: {  	_ =	shalt  }
0x63: {  	_ =	shalt  }
0x64: {  	_ =	shalt  }
0x65: {  	_ =	shalt  }
0x66: {  	_ =	shalt  }
0x67: {  	_ =	shalt  }
0x68: {  	_ =	shalt  }
0x69: {  	_ =	shalt  }
0x6a: {  	_ =	shalt  }
0x6b: {  	_ =	shalt  }
0x6c: {  	_ =	shalt  }
0x6d: {  	_ =	shalt  }
0x6e: {  	_ =	shalt  }
0x6f: {  	_ =	shalt  }
0x70: {  	_ =	shalt  }
0x71: {  	_ =	shalt  }
0x72: {  	_ =	shalt  }
0x73: {  	_ =	shalt  }
0x74: {  	_ =	shalt  }
0x75: {  	_ =	shalt  }
0x76: {  	_ =	shalt  }
0x77: {  	_ =	shalt  }
0x78: {  	_ =	shalt  }
0x79: {  	_ =	shalt  }
0x7a: {  	_ =	shalt  }
0x7b: {  	_ =	shalt  }
0x7c: {  	_ =	shalt  }
0x7d: {  	_ =	shalt  }
0x7e: {  	_ =	shalt  }
0x7f: {  	_ =	shalt  }
0x80: {  	_ =	shalt  }
0x81: {  	_ =	shalt  }
0x82: {  	_ =	shalt  }
0x83: {  	_ =	shalt  }
0x84: {  	_ =	shalt  }
0x85: {  	_ =	shalt  }
0x86: {  	_ =	shalt  }
0x87: {  	_ =	shalt  }
.Lfunc_end0:
.L_simem_size_0:
called_computation.1_lowered:
.L_overlay_start_0:
0x88: {  	s2 =	sld [smem:$0x3FD9]  }
0x89: {  	s3 =	sld [smem:$0x3FFE];
	_ =	sdelay $0x1  }
0x8a: {  	s1 =	srdreg.scid  }
0x8b: {  	s0 =	sand.u32 $0x1, s1  }
0x8c: {  	s17 =	sshll.u32 s0, $0xA;
	s2 =	sadd.s32 s3, s2  }
0x8d: {  	s2 =	sadd.s32 s2, s17  }
0x8e: {  	[smem:$0x3FC0] =	sst s2  }
0x8f: {  	_ = 	snop  }
0x90: {  	s2 =	sld [smem:$0x3FD0];
	(tm) =	ssettm $0x1  }
0x91: {  	s18 =	sld [smem:$0x3FFB];
	_ =	sdelay $0x3  }
0x92: {  	_ =	strace s18  }
0x93: {  	s3 =	sld [smem:$0x3FFC];
	_ =	sdelay $0x3  }
0x94: {  	_ =	strace s3  }
0x95: {  	s3 =	sld [smem:$0x3FFD];
	_ =	sdelay $0x3  }
0x96: {  	_ =	strace s3  }
0x97: {  	_ =	strace $0x8FFFFFFF  }
0x98: {  	s19 =	sld [smem:$0x3FDB];
	_ =	sdelay $0x1  }
0x99: {  	s4 =	simm.s32 $_scs_section_size  }
0x9a: {  	s5 =	simm.s32 $_size__tile_overlayer_lowered;
	s6 =	simm.s32 $_tile_overlayer_lowered  }
0x9b: {  	s22 =	simm.s32 $0x1BFF;
	s21 =	sshll.u32 s6, $0x1;
	s3 =	sadd.s32 s4, s19  }
0x9c: {  	s7 =	simm.s32 $0x0;
	s20 =	sshll.u32 s5, $0x1;
	s5 =	sadd.s32 s21, s3  }
0x9d: {  	[timem:s7], [sflag:s22] =	dma.local [hbm:s5], s20  }
0x9e: {  	_ =	swait.ge [sflag:s22], s20  }
0x9f: {  	s4 =	ssub.s32 $0x0, s20;
	[sflag:s22] =	ssyncset.done $0x0  }
0xa0: {  	[sflag:s22] =	ssyncadd.s32 s4;
	_ =	sdelay $0x1  }
0xa1: {  	s23 =	simm.s32 $0x1B8B  }
0xa2: {  	_ =	swait.ge [sflag:s23], $0x1  }
0xa3: {  	[sflag:s23] =	ssyncset.done $0x0  }
0xa4: {  	s25 =	simm.s32 $0x1B8E;
	s24 =	sld [smem:$0x3FFE];
	[sflag:s23] =	ssyncadd.s32 $0xFFFFFFFF  }
0xa5: {  	s26 =	simm.s32 $execute0_lowered;
	[smem:$0x3FD2] =	sst s25  }
0xa6: {  	s5 =	sshll.u32 s26, $0x1;
	_ =	strace $0x80000049;
	[dreg:$0x1] =	wrdreg $0xFFFFFFFF  }
0xa7: {  	s28 =	simm.s32 $_size_execute0_lowered;
	s3 =	sadd.s32 s3, s5;
	[dreg:$0x0] =	wrdreg $0x0  }
0xa8: {  	s5 =	sshll.u32 s28, $0x1;
	[dreg:$0x2] =	wrdreg s3  }
0xa9: {  	[dreg:$0x3] =	wrdreg s5  }
0xaa: {  	[dreg:$0x4] =	wrdreg $0xC0  }
0xab: {  	_ =	task [dreg:s7], $0x5FFFF  }
0xac: {  	[dreg:$0x1] =	wrdreg $0xFFFFFFFF  }
0xad: {  	[dreg:$0x0] =	wrdreg $0x60  }
0xae: {  	[dreg:$0x2] =	wrdreg s24  }
0xaf: {  	[dreg:$0x3] =	wrdreg s2  }
0xb0: {  	[dreg:$0x4] =	wrdreg $0x9B800  }
0xb1: {  	[dreg:$0x5] =	wrdreg $0x9  }
0xb2: {  	_ =	task.clear_ibuf [dreg:s7], $0x6FFFF;
	_ =	strace $0x90000049  }
0xb3: {  	s29 =	simm.s32 $0x9;
	_ =	strace $0x8000004B  }
0xb4: {  	_ =	swait.ge [sflag:s29], $0x1  }
0xb5: {  	[sflag:s29] =	ssyncadd.s32 $0xFFFFFFFF  }
0xb6: {  	_ =	strace $0x9000004B  }
0xb7: {  	_ =	sfence  }
0xb8: {  	s30 =	sld [smem:$0x0];
	_ =	sdelay $0x2  }
0xb9: {  	s31 =	sshll.u32 s1, $0xD;
	s1 =	sshrl.u32 s1, $0x2  }
0xba: {  	s3 =	sand.u32 $0x4000, s31;
	s1 =	sadd.s32 s1, s30  }
0xbb: {  	s0 =	sor.u32 s3, s0;
	s1 =	sshll.u32 s1, $0x11  }
0xbc: {  	s0 =	sor.u32 s1, s0  }
0xbd: {  	s0 =	sadd.s32 $0x8F2B, s0  }
0xbe: {  	[sflag:s0] =	ssyncadd.remote.s32 $0x1  }
0xbf: {  	_ =	sfence.sel $0xFFFF  }
0xc0: {  	[dreg:$0x0] =	wrdreg $0xFFFFFFFF;
	(pc) =	sbr.abs _section_cstart, $3  }
0xc1: {  	[dreg:$0x1] =	wrdreg $0xFFFFFFFF  }
0xc2: {  	_ =	task.clear_ibuf [dreg:s7], $0x2FFFF;
	_ =	strace $0x9FFFFFFF  }
0xc3: {  	(tm) =	ssettm $0x7FFFFFFF  }
tec
execute0_lowered:
.L_overlay_start_1:
0x0: {  	(tag) =	ssettag $0x1  }
0x1: {  	s0 =	rddreg [dreg:$0x0]  }
0x2: {  	s1 =	rddreg [dreg:$0x1]  }
0x3: {  	s3 =	rddreg [dreg:$0x2];
	s4 =	simm.s32 $0x0  }
0x4: {  	s2 =	srdreg.scid;
	s10 =	stileid.u32;
	s29 =	simm.s32 $0x1  }
0x5: {  	s30 =	simm.s32 $0xB;
	s31 =	simm.s32 $0x2B00;
	s28 =	simm.s32 $0x4  }
0x6: {  	[smem:$0x7FF] =	sst s4;
	s2 =	sand.u32 $0x1, s2;
	s18 =	smul.u32 $0x16380, s10  }
0x7: {  	s5 =	sadd.s32 $0x1E00, s0;
	s6 =	sadd.s32 $0x29600, s0;
	s19 =	sadd.s32 $0x55E00, s0  }
0x8: {  	s23 =	sshll.u32 s10, $0x6;
	_ =	strace $0x8000004A;
	s7 =	smul.u32 $0x163800, s2  }
0x9: {  	s8 =	sshll.u32 s2, $0x4;
	s2 =	ssub.s32 $0x2, s2;
	[dreg:$0x4] =	wrdreg s19  }
0xa: {  	s19 =	simm.s32 $0xC;
	s8 =	sor.u32 s10, s8;
	s21 =	sshrl.u32 s2, $0x1  }
0xb: {  	s4 =	sadd.s32 s18, s3;
	s10 =	simm.s32 $0x0;
	s9 =	sadd.s32 s18, s7  }
0xc: {  	s7 =	smul.u32 $0x5A00, s8;
	s2 =	ssub.s32 s2, s21;
	s4 =	sshrl.u32 s4, $0x3  }
0xd: {  	s20 =	sshrl.u32 s9, $0x3;
	s26 =	smax.u32 s2, $0x1;
	[dreg:$0xc] =	wrdreg s4  }
0xe: {  	s9 =	sor.u32 $0x1C0D, s23;
	s22 =	sshrl.u32 s7, $0x3;
	[dreg:$0xb] =	wrdreg s26  }
0xf: {  	s0 =	sadd.s32 s20, s0;
	[dreg:$0x6] =	wrdreg s9;
	s8 =	sadd.s32 s1, s22  }
0x10: {  	s21 =	simm.s32 $0x24;
	s0 =	sadd.s32 $0x58C00, s0;
	[dreg:$0x5] =	wrdreg s8  }
0x11: {  	s18 =	simm.s32 $0x6;
	s24 =	sadd.s32 $0xA, s8;
	[dreg:$0xa] =	wrdreg s0  }
0x12: {  	s2 =	simm.s32 $0x2;
	s25 =	sadd.s32 $0x14, s8;
	[dreg:$0x7] =	wrdreg s24  }
0x13: {  	s20 =	simm.s32 $0x3F40;
	s8 =	sadd.s32 $0x1E, s8;
	[dreg:$0x8] =	wrdreg s25  }
0x14: {  	s26 =	simm.s32 $0x5;
	s22 =	simm.s32 $0x280;
	[dreg:$0x9] =	wrdreg s8  }
0x15: {  	s8 =	simm.s32 $0xD;
	s25 =	simm.s32 $0x16C0;
	s24 =	simm.s32 $0x3  }
.LBB2_1:
0x16: {  	[dreg:$0xd] =	wrdreg s10  }
0x17: {  	s0 =	rddreg [dreg:$0x4]  }
0x18: {  	[spmem:s4], [sflag:s9] =	dma.local [hbm:s0], $0x2C70  }
0x19: {  	_ =	swait.ge [sflag:s8], $0x2C70  }
0x1a: {  	[sflag:s8] =	ssyncset.done $0x0  }
0x1b: {  	[sflag:s8] =	ssyncadd.s32 $0xFFFFD390  }
0x1c: {  	[bflag:$0x0] =	sbarrier.arrive $0xFFFF  }
0x1d: {  	s17 =	simm.s32 $0x0;
	s23 =	rddreg [dreg:$0x5]  }
0x1e: {  	[tilespmem:s17], [sflag:$0xD] =	stream.linear.gather [hbm4b:s23+s17], $0x50, $0x38;
	[tilespmem:$0x1FF00] =	vst v63  }
0x1f: {  	_ =	swait.ge [sflag:s8], $0x50  }
0x20: {  	[sflag:s8] =	ssyncset.done $0x0  }
0x21: {  	s10 =	simm.s32 $0x50;
	s9 =	rddreg [dreg:$0x7];
	[sflag:s8] =	ssyncadd.s32 $0xFFFFFFB0  }
0x22: {  	[tilespmem:s10], [sflag:$0xD] =	stream.linear.gather [hbm4b:s9+s17], $0x50, $0x38;
	[tilespmem:$0x1FF00] =	vst v63  }
0x23: {  	_ =	swait.ge [sflag:s8], $0x50  }
0x24: {  	[sflag:s8] =	ssyncset.done $0x0  }
0x25: {  	s12 =	simm.s32 $0xA0;
	s11 =	rddreg [dreg:$0x8];
	[sflag:s8] =	ssyncadd.s32 $0xFFFFFFB0  }
0x26: {  	[tilespmem:s12], [sflag:$0xB] =	stream.linear.gather [hbm4b:s11+s17], $0x50, $0x38;
	[tilespmem:$0x1FF00] =	vst v63  }
0x27: {  	s14 =	simm.s32 $0xF0;
	s13 =	rddreg [dreg:$0x9]  }
0x28: {  	[tilespmem:s14], [sflag:$0xC] =	stream.linear.gather [hbm4b:s13+s17], $0x50, $0x38;
	[tilespmem:$0x1FF00] =	vst v63  }
0x29: {  	_ = 	snop  }
0x2a: {  	[tilespmem:s22], [sflag:$0x1] =	stream.indirect.gather [hbm4b:s6+s21], $0x90, s17, s21, $0xb8;
	[tilespmem:$0x1FF00] =	vst v63  }
0x2b: {  	s15 =	simm.s32 $0x28;
	s16 =	simm.s32 $0x5380  }
0x2c: {  	[tilespmem:s16], [sflag:$0x1] =	stream.indirect.gather [hbm4b:s5+s21], $0x80, s15, s21, $0xb8;
	[tilespmem:$0x1FF00] =	vst v63  }
0x2d: {  	_ = 	snop  }
0x2e: {  	[tilespmem:s25], [sflag:$0x2] =	stream.indirect.gather [hbm4b:s6+s21], $0x90, s10, s21, $0xb8;
	[tilespmem:$0x1FF00] =	vst v63  }
0x2f: {  	s23 =	simm.s32 $0x6580;
	s13 =	simm.s32 $0x0;
	s17 =	simm.s32 $0x78  }
0x30: {  	[tilespmem:s23], [sflag:$0x2] =	stream.indirect.gather [hbm4b:s5+s21], $0x80, s17, s21, $0xb8;
	[tilespmem:$0x1FF00] =	vst v63  }
.LBB2_2:
0x31: {  	_ =	swait.ge [sflag:s29], $0x1440  }
0x32: {  	[sflag:s29] =	ssyncset.done $0x0  }
0x33: {  	[sflag:s29] =	ssyncadd.s32 $0xFFFFEBC0  }
0x34: {  	_ =	swait.ge [sflag:s29], $0x1200  }
0x35: {  	p1 =	seq.s32 s13, $0x0;
	[sflag:s29] =	ssyncset.done $0x0  }
0x36: {  	s4 =	simm.s32 @!p1 $0x7;
	[sflag:s29] =	ssyncadd.s32 $0xFFFFEE00  }
0x37: {  	s14 =	sshll.u32 s13, $0x2;
	_ =	swait.ge @!p1 [sflag:s4], $0x1440  }
0x38: {  	s8 =	sand.u32 $0x4, s14;
	[sflag:s4] =	ssyncset.done @!p1 $0x0  }
0x39: {  	s17 =	smul.u32 $0x140, s8;
	[sflag:s4] =	ssyncadd.s32 @!p1 $0xFFFFEBC0  }
0x3a: {  	_ =	swait.ge [sflag:s30], $0x50  }
0x3b: {  	s10 =	sshrl.u32 s17, $0x2;
	[sflag:s30] =	ssyncset.done $0x0  }
0x3c: {  	s4 =	sadd.s32 $0xA0, s10;
	[sflag:s30] =	ssyncadd.s32 $0xFFFFFFB0  }
0x3d: {  	[tilespmem:s31], [sflag:$0x3] =	stream.indirect.gather [hbm4b:s6+s21], $0x90, s4, s21, $0xb8;
	[tilespmem:$0x1FF00] =	vst v63  }
0x3e: {  	s0 =	simm.s32 $0x7780;
	p0 =	seq.s32 s13, $0x47;
	s4 =	sadd.s32 $0x4, s14  }
0x3f: {  	s15 =	sadd.s32 $0xC8, s10;
	s8 =	smul.u32 @!p0 $0x50, s4;
	s4 =	sand.u32 @!p0 $0x4, s4  }
0x40: {  	[tilespmem:s0], [sflag:$0x3] =	stream.indirect.gather [hbm4b:s5+s21], $0x80, s15, s21, $0xb8;
	[tilespmem:$0x1FF00] =	vst v63  }
0x41: {  	s4 =	smul.u32 @!p0 $0x140, s4;
	s8 =	sadd.s32 @!p0 s7, s8  }
0x42: {  	s8 =	sshrl.u32 @!p0 s8, $0x3  }
0x43: {  	s11 =	sshrl.u32 @!p0 s4, $0x2;
	s4 =	sadd.s32 @!p0 s1, s8;
	s8 =	simm.s32 @!p0 $0x0  }
0x44: {  	[tilespmem:s11], [sflag:$0x9] =	stream.linear.gather @!p0 [hbm4b:s4+s8], $0x50, $0x38;
	[tilespmem:$0x1FF00] =	vst v63  }
0x45: {  	s8 =	simm.s32 $0x310  }
0x46: {  	v0 =	vld [tilespmem:s8+$0xFFFFFF70]  }
0x47: {  	s9 =	simm.s32 $0x5400;
	v1 =	vld [tilespmem:s8+$0xFFFFFF80]  }
0x48: {  	v2 =	vld [tilespmem:s9+$0xFFFFFF80]  }
0x49: {  	v3 =	vld [tilespmem:s9+$0xFFFFFF90]  }
0x4a: {  	v4 =	vld [tilespmem:s8+$0xFFFFFF90]  }
0x4b: {  	v5 =	vld [tilespmem:s9+$0xFFFFFFA0]  }
0x4c: {  	v6 =	vld [tilespmem:s8+$0xFFFFFFA0]  }
0x4d: {  	v7 =	vld [tilespmem:s9+$0xFFFFFFB0]  }
0x4e: {  	v8 =	vld [tilespmem:s8+$0xFFFFFFB0];
	v2 =	vmul.f32 v2, v0;
	v3 =	vmul.f32 v3, v1  }
0x4f: {  	v9 =	vld [tilespmem:s9+$0xFFFFFFC0]  }
0x50: {  	v10 =	vld [tilespmem:s8+$0xFFFFFFC0];
	v2 =	vadd.f32 v3, v2;
	v3 =	vmul.f32 v5, v4  }
0x51: {  	v5 =	vld [tilespmem:s9+$0xFFFFFFD0]  }
0x52: {  	v11 =	vld [tilespmem:s8+$0xFFFFFFD0];
	v2 =	vadd.f32 v3, v2;
	v3 =	vmul.f32 v7, v6  }
0x53: {  	v7 =	vld [tilespmem:s9+$0xFFFFFFE0]  }
0x54: {  	v12 =	vld [tilespmem:s8+$0xFFFFFFE0];
	v2 =	vadd.f32 v3, v2;
	v3 =	vmul.f32 v9, v8  }
0x55: {  	v9 =	vld [tilespmem:s9+$0xFFFFFFF0]  }
0x56: {  	v2 =	vadd.f32 v3, v2;
	v3 =	vmul.f32 v5, v10;
	_ =	sdelay $0x1  }
0x57: {  	v2 =	vadd.f32 v3, v2;
	v3 =	vmul.f32 v7, v11;
	_ =	sdelay $0x1  }
0x58: {  	v2 =	vadd.f32 v3, v2;
	v3 =	vmul.f32 v9, v12;
	_ =	sdelay $0x1  }
0x59: {  	v2 =	vadd.f32 v3, v2;
	_ =	sdelay $0x1  }
0x5a: {  	(xrf2) =	vadd.scan.msk.f32 $0xffff, v2;
	_ =	sdelay $0x6  }
0x5b: {  	v2 =	vld [tilespmem:s8+$0xFFFFFFF0];
	_ =	sdelay $0x2  }
0x5c: {  	v3, _, _ =	vpop (xrf2)  }
0x5d: {  	(v2sf) =	vpush v3, $0xF  }
0x5e: {  	(v2sf) =	vpush v2, $0x0;
	_ =	sdelay $0xd  }
0x5f: {  	s23 =	spop (v2sf)  }
0x60: {  	s12 =	spop (v2sf)  }
0x61: {  	s4 =	smul.f32 s23, s12;
	_ =	sdelay $0x1  }
0x62: {  	p2 =	slt.f32 s4, $1.000000010e-01;
	_ =	sdelay $0x1  }
0x63: {  	s4 =	simm.s32 @p2 $0x358637BD  }
0x64: {  	v0 =	vmul.f32 s4, v0  }
0x65: {  	v2 =	vmul.f32 s4, v2  }
0x66: {  	v3 =	vmul.f32 s4, v4;
	[tilespmem:s8+$0xFFFFFF70] =	vst v0  }
0x67: {  	v1 =	vmul.f32 s4, v1;
	[tilespmem:s8+$0xFFFFFFF0] =	vst v2  }
0x68: {  	v0 =	vmul.f32 s4, v12;
	[tilespmem:s8+$0xFFFFFF90] =	vst v3  }
0x69: {  	v2 =	vmul.f32 s4, v6;
	[tilespmem:s8+$0xFFFFFF80] =	vst v1  }
0x6a: {  	v1 =	vmul.f32 s4, v10;
	[tilespmem:s8+$0xFFFFFFE0] =	vst v0  }
0x6b: {  	v0 =	vmul.f32 s4, v11;
	[tilespmem:s8+$0xFFFFFFA0] =	vst v2  }
0x6c: {  	v2 =	vmul.f32 s4, v8;
	[tilespmem:s8+$0xFFFFFFC0] =	vst v1  }
0x6d: {  	v1 =	vld [tilespmem:s8+$0x0];
	[tilespmem:s8+$0xFFFFFFD0] =	vst v0  }
0x6e: {  	v0 =	vld [tilespmem:s8+$0x10];
	[tilespmem:s8+$0xFFFFFFB0] =	vst v2  }
0x6f: {  	v4 =	vld [tilespmem:s9+$0x0]  }
0x70: {  	v5 =	vld [tilespmem:s9+$0x10]  }
0x71: {  	v2 =	vld [tilespmem:s8+$0x20]  }
0x72: {  	v6 =	vld [tilespmem:s9+$0x20]  }
0x73: {  	v3 =	vld [tilespmem:s8+$0x30]  }
0x74: {  	v7 =	vld [tilespmem:s9+$0x30]  }
0x75: {  	v8 =	vld [tilespmem:s9+$0x40];
	v9 =	vmul.f32 v4, v1;
	v10 =	vmul.f32 v5, v0  }
0x76: {  	v5 =	vld [tilespmem:s8+$0x40]  }
0x77: {  	v11 =	vld [tilespmem:s9+$0x50];
	v9 =	vadd.f32 v10, v9;
	v10 =	vmul.f32 v6, v2  }
0x78: {  	v4 =	vld [tilespmem:s8+$0x50]  }
0x79: {  	v63 =	vld [tilespmem:s9+$0x60];
	v9 =	vadd.f32 v10, v9;
	v10 =	vmul.f32 v7, v3  }
0x7a: {  	v6 =	vld [tilespmem:s8+$0x60]  }
0x7b: {  	v7 =	vld [tilespmem:s8+$0x70];
	v8 =	vmul.f32 v8, v5;
	v9 =	vadd.f32 v10, v9  }
0x7c: {  	v10 =	vld [tilespmem:s9+$0x70]  }
0x7d: {  	v8 =	vadd.f32 v8, v9;
	v9 =	vmul.f32 v11, v4;
	_ =	sdelay $0x1  }
0x7e: {  	v8 =	vadd.f32 v9, v8;
	v9 =	vmul.f32 v63, v6;
	_ =	sdelay $0x1  }
0x7f: {  	v8 =	vadd.f32 v9, v8;
	v9 =	vmul.f32 v10, v7;
	_ =	sdelay $0x1  }
0x80: {  	v8 =	vadd.f32 v9, v8;
	_ =	sdelay $0x1  }
0x81: {  	(xrf2) =	vadd.scan.msk.f32 $0xffff, v8;
	_ =	sdelay $0x6  }
0x82: {  	v8 =	vld [tilespmem:s8+$0x80];
	_ =	sdelay $0x2  }
0x83: {  	v9, _, _ =	vpop (xrf2)  }
0x84: {  	(v2sf) =	vpush v9, $0xF  }
0x85: {  	s16 =	simm.s32 $0x0;
	s4 =	simm.s32 $0x310;
	(v2sf) =	vpush v8, $0x0  }
.LBB2_3:
0x86: {  	_ =	sdelay $0xa  }
0x87: {  	s16 =	sadd.s32 $0x2, s16;
	s8 =	sadd.s32 $0x120, s8;
	s9 =	sadd.s32 $0x100, s9  }
0x88: {  	p2 =	slt.u32 s16, $0x22  }
0x89: {  	s12 =	spop (v2sf)  }
0x8a: {  	s17 =	spop (v2sf)  }
0x8b: {  	s12 =	smul.f32 s12, s17;
	_ =	sdelay $0x1  }
0x8c: {  	p3 =	slt.f32 s12, $1.000000010e-01;
	_ =	sdelay $0x1  }
0x8d: {  	s12 =	simm.s32 @p3 $0x358637BD  }
0x8e: {  	v1 =	vmul.f32 s12, v1;
	v0 =	vmul.f32 s12, v0  }
0x8f: {  	v2 =	vmul.f32 s12, v2;
	v3 =	vmul.f32 s12, v3  }
0x90: {  	v4 =	vmul.f32 s12, v4;
	[tilespmem:s4+$0x0] =	vst v1;
	v1 =	vmul.f32 s12, v5  }
0x91: {  	v5 =	vmul.f32 s12, v7;
	[tilespmem:s4+$0x20] =	vst v2;
	v2 =	vmul.f32 s12, v6  }
0x92: {  	[tilespmem:s4+$0x40] =	vst v1;
	v1 =	vmul.f32 s12, v8  }
0x93: {  	[tilespmem:s4+$0x60] =	vst v2  }
0x94: {  	[tilespmem:s4+$0x70] =	vst v5  }
0x95: {  	[tilespmem:s4+$0x30] =	vst v3  }
0x96: {  	[tilespmem:s4+$0x10] =	vst v0  }
0x97: {  	v0 =	vld [tilespmem:s8+$0xFFFFFF70];
	[tilespmem:s4+$0x80] =	vst v1  }
0x98: {  	v1 =	vld [tilespmem:s8+$0xFFFFFF80];
	[tilespmem:s4+$0x50] =	vst v4;
	s4 =	smov.u32 s8  }
0x99: {  	v2 =	vld [tilespmem:s9+$0xFFFFFF80]  }
0x9a: {  	v3 =	vld [tilespmem:s9+$0xFFFFFF90]  }
0x9b: {  	v4 =	vld [tilespmem:s8+$0xFFFFFF90]  }
0x9c: {  	v5 =	vld [tilespmem:s9+$0xFFFFFFA0]  }
0x9d: {  	v6 =	vld [tilespmem:s8+$0xFFFFFFA0]  }
0x9e: {  	v7 =	vld [tilespmem:s9+$0xFFFFFFB0]  }
0x9f: {  	v2 =	vmul.f32 v2, v0;
	v8 =	vld [tilespmem:s8+$0xFFFFFFB0];
	v3 =	vmul.f32 v3, v1  }
0xa0: {  	v9 =	vld [tilespmem:s9+$0xFFFFFFC0]  }
0xa1: {  	v10 =	vld [tilespmem:s8+$0xFFFFFFC0];
	v2 =	vadd.f32 v3, v2;
	v3 =	vmul.f32 v5, v4  }
0xa2: {  	v5 =	vld [tilespmem:s9+$0xFFFFFFD0]  }
0xa3: {  	v11 =	vld [tilespmem:s8+$0xFFFFFFD0];
	v2 =	vadd.f32 v3, v2;
	v3 =	vmul.f32 v7, v6  }
0xa4: {  	v7 =	vld [tilespmem:s9+$0xFFFFFFE0]  }
0xa5: {  	v12 =	vld [tilespmem:s8+$0xFFFFFFE0];
	v2 =	vadd.f32 v3, v2;
	v3 =	vmul.f32 v9, v8  }
0xa6: {  	v9 =	vld [tilespmem:s9+$0xFFFFFFF0]  }
0xa7: {  	v2 =	vadd.f32 v3, v2;
	v3 =	vmul.f32 v5, v10;
	_ =	sdelay $0x1  }
0xa8: {  	v2 =	vadd.f32 v3, v2;
	v3 =	vmul.f32 v7, v11;
	_ =	sdelay $0x1  }
0xa9: {  	v2 =	vadd.f32 v3, v2;
	v3 =	vmul.f32 v9, v12;
	_ =	sdelay $0x1  }
0xaa: {  	v2 =	vadd.f32 v3, v2;
	_ =	sdelay $0x1  }
0xab: {  	(xrf2) =	vadd.scan.msk.f32 $0xffff, v2;
	_ =	sdelay $0x5  }
0xac: {  	v2 =	vld [tilespmem:s8+$0xFFFFFFF0];
	_ =	sdelay $0x3  }
0xad: {  	v3, _, _ =	vpop (xrf2)  }
0xae: {  	(v2sf) =	vpush v3, $0xF  }
0xaf: {  	(v2sf) =	vpush v2, $0x0;
	_ =	sdelay $0xd  }
0xb0: {  	s12 =	spop (v2sf)  }
0xb1: {  	s17 =	spop (v2sf)  }
0xb2: {  	s12 =	smul.f32 s12, s17;
	_ =	sdelay $0x1  }
0xb3: {  	p3 =	slt.f32 s12, $1.000000010e-01;
	_ =	sdelay $0x1  }
0xb4: {  	s12 =	simm.s32 @p3 $0x358637BD  }
0xb5: {  	v0 =	vmul.f32 s12, v0;
	v2 =	vmul.f32 s12, v2  }
0xb6: {  	v1 =	vmul.f32 s12, v1;
	v3 =	vmul.f32 s12, v4  }
0xb7: {  	v4 =	vmul.f32 s12, v8;
	v5 =	vmul.f32 s12, v10;
	[tilespmem:s8+$0xFFFFFF70] =	vst v0  }
0xb8: {  	v0 =	vmul.f32 s12, v6;
	v6 =	vmul.f32 s12, v12;
	[tilespmem:s8+$0xFFFFFFF0] =	vst v2  }
0xb9: {  	v2 =	vmul.f32 s12, v11;
	[tilespmem:s8+$0xFFFFFF90] =	vst v3  }
0xba: {  	[tilespmem:s8+$0xFFFFFFE0] =	vst v6  }
0xbb: {  	[tilespmem:s8+$0xFFFFFF80] =	vst v1  }
0xbc: {  	[tilespmem:s8+$0xFFFFFFA0] =	vst v0  }
0xbd: {  	[tilespmem:s8+$0xFFFFFFD0] =	vst v2;
	v0 =	vld [tilespmem:s8+$0x10]  }
0xbe: {  	[tilespmem:s8+$0xFFFFFFC0] =	vst v5;
	v1 =	vld [tilespmem:s8+$0x0]  }
0xbf: {  	[tilespmem:s8+$0xFFFFFFB0] =	vst v4;
	v2 =	vld [tilespmem:s8+$0x20]  }
0xc0: {  	v4 =	vld [tilespmem:s9+$0x0]  }
0xc1: {  	v5 =	vld [tilespmem:s9+$0x10]  }
0xc2: {  	v6 =	vld [tilespmem:s9+$0x20]  }
0xc3: {  	v7 =	vld [tilespmem:s9+$0x30]  }
0xc4: {  	v8 =	vld [tilespmem:s9+$0x40]  }
0xc5: {  	v3 =	vld [tilespmem:s8+$0x30]  }
0xc6: {  	v9 =	vmul.f32 v4, v1;
	v10 =	vmul.f32 v5, v0  }
0xc7: {  	v5 =	vld [tilespmem:s8+$0x40]  }
0xc8: {  	v4 =	vld [tilespmem:s8+$0x50];
	v9 =	vadd.f32 v10, v9;
	v10 =	vmul.f32 v6, v2  }
0xc9: {  	v11 =	vld [tilespmem:s9+$0x50]  }
0xca: {  	v6 =	vld [tilespmem:s8+$0x60];
	v9 =	vadd.f32 v10, v9;
	v10 =	vmul.f32 v7, v3  }
0xcb: {  	v12 =	vld [tilespmem:s9+$0x60]  }
0xcc: {  	v7 =	vld [tilespmem:s8+$0x70];
	v9 =	vadd.f32 v10, v9;
	v8 =	vmul.f32 v8, v5  }
0xcd: {  	v10 =	vld [tilespmem:s9+$0x70]  }
0xce: {  	v8 =	vadd.f32 v8, v9;
	v9 =	vmul.f32 v11, v4;
	_ =	sdelay $0x1  }
0xcf: {  	v8 =	vadd.f32 v9, v8;
	v9 =	vmul.f32 v12, v6;
	_ =	sdelay $0x1  }
0xd0: {  	v8 =	vadd.f32 v9, v8;
	v9 =	vmul.f32 v10, v7;
	_ =	sdelay $0x1  }
0xd1: {  	v8 =	vadd.f32 v9, v8;
	_ =	sdelay $0x1  }
0xd2: {  	(xrf2) =	vadd.scan.msk.f32 $0xffff, v8;
	_ =	sdelay $0x5  }
0xd3: {  	v8 =	vld [tilespmem:s8+$0x80];
	_ =	sdelay $0x1  }
.Ltmp0:
0xd4: {  	(pc) =	sbr.rel @p2 .LBB2_3-.Ltmp0, $4  }
0xd5: {  	_ = 	snop  }
0xd6: {  	v9, _, _ =	vpop (xrf2)  }
0xd7: {  	(v2sf) =	vpush v9, $0xF  }
0xd8: {  	(v2sf) =	vpush v8, $0x0  }
0xd9: {  	_ =	sdelay $0xc  }
0xda: {  	s8 =	spop (v2sf)  }
0xdb: {  	s9 =	spop (v2sf)  }
0xdc: {  	s8 =	smul.f32 s8, s9;
	_ =	sdelay $0x1  }
0xdd: {  	p2 =	slt.f32 s8, $1.000000010e-01;
	_ =	sdelay $0x1  }
0xde: {  	s8 =	simm.s32 @p2 $0x358637BD  }
0xdf: {  	v1 =	vmul.f32 s8, v1  }
0xe0: {  	v2 =	vmul.f32 s8, v2  }
0xe1: {  	v0 =	vmul.f32 s8, v0;
	[tilespmem:s4+$0x0] =	vst v1  }
0xe2: {  	v1 =	vmul.f32 s8, v5;
	[tilespmem:s4+$0x20] =	vst v2  }
0xe3: {  	v2 =	vmul.f32 s8, v6;
	[tilespmem:s4+$0x10] =	vst v0  }
0xe4: {  	v5 =	vmul.f32 s8, v7;
	[tilespmem:s4+$0x40] =	vst v1  }
0xe5: {  	v1 =	vmul.f32 s8, v3;
	[tilespmem:s4+$0x60] =	vst v2  }
0xe6: {  	[tilespmem:s4+$0x70] =	vst v5;
	v2 =	vmul.f32 s8, v8  }
0xe7: {  	[tilespmem:s4+$0x30] =	vst v1;
	v1 =	vmul.f32 s8, v4  }
0xe8: {  	[tilespmem:s4+$0x80] =	vst v2  }
0xe9: {  	s16 =	sadd.s32 $0x28, s10;
	[tilespmem:s4+$0x50] =	vst v1  }
0xea: {  	[spmem:s3] =	stream.indirect.scatter.add.f32 [tilespmem:s22], [sflag:$0x5], $0x90, s16, s21, $0xb8;
	[tilespmem:$0x1FF00] =	vst v63  }
0xeb: {  	_ =	swait.ge [sflag:s2], $0x1440  }
0xec: {  	[sflag:s2] =	ssyncset.done $0x0  }
0xed: {  	[sflag:s2] =	ssyncadd.s32 $0xFFFFEBC0  }
0xee: {  	_ =	swait.ge [sflag:s2], $0x1200  }
0xef: {  	[sflag:s2] =	ssyncset.done $0x0  }
0xf0: {  	s4 =	simm.s32 @!p1 $0x8;
	[sflag:s2] =	ssyncadd.s32 $0xFFFFEE00  }
0xf1: {  	_ =	swait.ge @!p1 [sflag:s4], $0x1440  }
0xf2: {  	[sflag:s4] =	ssyncset.done @!p1 $0x0  }
0xf3: {  	[sflag:s4] =	ssyncadd.s32 @!p1 $0xFFFFEBC0;
	s4 =	sadd.s32 $0x5, s14  }
0xf4: {  	s17 =	sadd.s32 $0xF0, s10;
	_ =	swait.ge [sflag:s19], $0x50;
	s8 =	smul.u32 @!p0 $0x50, s4  }
0xf5: {  	s0 =	simm.s32 $0x8980;
	s9 =	sadd.s32 $0x118, s10;
	[sflag:s19] =	ssyncset.done $0x0  }
0xf6: {  	s4 =	sand.u32 @!p0 $0x5, s4;
	[sflag:s19] =	ssyncadd.s32 $0xFFFFFFB0;
	s8 =	sadd.s32 @!p0 s7, s8  }
0xf7: {  	[tilespmem:s20], [sflag:$0x4] =	stream.indirect.gather [hbm4b:s6+s21], $0x90, s17, s21, $0xb8;
	[tilespmem:$0x1FF00] =	vst v63  }
0xf8: {  	s16 =	simm.s32 $0x1750;
	s4 =	smul.u32 @!p0 $0x140, s4;
	s12 =	sshrl.u32 @!p0 s8, $0x3  }
0xf9: {  	[tilespmem:s0], [sflag:$0x4] =	stream.indirect.gather [hbm4b:s5+s21], $0x80, s9, s21, $0xb8;
	[tilespmem:$0x1FF00] =	vst v63  }
0xfa: {  	s8 =	sshrl.u32 @!p0 s4, $0x2;
	s4 =	sadd.s32 @!p0 s1, s12;
	s12 =	simm.s32 @!p0 $0x0  }
0xfb: {  	[tilespmem:s8], [sflag:$0xA] =	stream.linear.gather @!p0 [hbm4b:s4+s12], $0x50, $0x38;
	[tilespmem:$0x1FF00] =	vst v63  }
0xfc: {  	v0 =	vld [tilespmem:s16+$0xFFFFFF70]  }
0xfd: {  	s4 =	simm.s32 $0x6600;
	v1 =	vld [tilespmem:s16+$0xFFFFFF80]  }
0xfe: {  	v2 =	vld [tilespmem:s4+$0xFFFFFF80]  }
0xff: {  	v3 =	vld [tilespmem:s4+$0xFFFFFF90]  }
0x100: {  	v4 =	vld [tilespmem:s16+$0xFFFFFF90]  }
0x101: {  	v5 =	vld [tilespmem:s4+$0xFFFFFFA0]  }
0x102: {  	v6 =	vld [tilespmem:s16+$0xFFFFFFA0]  }
0x103: {  	v7 =	vld [tilespmem:s4+$0xFFFFFFB0]  }
0x104: {  	v8 =	vld [tilespmem:s16+$0xFFFFFFB0];
	v2 =	vmul.f32 v2, v0;
	v3 =	vmul.f32 v3, v1  }
0x105: {  	v9 =	vld [tilespmem:s4+$0xFFFFFFC0]  }
0x106: {  	v10 =	vld [tilespmem:s16+$0xFFFFFFC0];
	v2 =	vadd.f32 v3, v2;
	v3 =	vmul.f32 v5, v4  }
0x107: {  	v5 =	vld [tilespmem:s4+$0xFFFFFFD0]  }
0x108: {  	v11 =	vld [tilespmem:s16+$0xFFFFFFD0];
	v2 =	vadd.f32 v3, v2;
	v3 =	vmul.f32 v7, v6  }
0x109: {  	v7 =	vld [tilespmem:s4+$0xFFFFFFE0]  }
0x10a: {  	v12 =	vld [tilespmem:s16+$0xFFFFFFE0];
	v2 =	vadd.f32 v3, v2;
	v3 =	vmul.f32 v9, v8  }
0x10b: {  	v9 =	vld [tilespmem:s4+$0xFFFFFFF0]  }
0x10c: {  	v2 =	vadd.f32 v3, v2;
	v3 =	vmul.f32 v5, v10;
	_ =	sdelay $0x1  }
0x10d: {  	v2 =	vadd.f32 v3, v2;
	v3 =	vmul.f32 v7, v11;
	_ =	sdelay $0x1  }
0x10e: {  	v2 =	vadd.f32 v3, v2;
	v3 =	vmul.f32 v9, v12;
	_ =	sdelay $0x1  }
0x10f: {  	v2 =	vadd.f32 v3, v2;
	_ =	sdelay $0x1  }
0x110: {  	(xrf2) =	vadd.scan.msk.f32 $0xffff, v2;
	_ =	sdelay $0x6  }
0x111: {  	v2 =	vld [tilespmem:s16+$0xFFFFFFF0];
	_ =	sdelay $0x2  }
0x112: {  	v3, _, _ =	vpop (xrf2)  }
0x113: {  	(v2sf) =	vpush v3, $0xF  }
0x114: {  	(v2sf) =	vpush v2, $0x0;
	_ =	sdelay $0xd  }
0x115: {  	s23 =	spop (v2sf)  }
0x116: {  	s17 =	spop (v2sf)  }
0x117: {  	s12 =	smul.f32 s23, s17;
	_ =	sdelay $0x1  }
0x118: {  	p1 =	slt.f32 s12, $1.000000010e-01;
	_ =	sdelay $0x1  }
0x119: {  	s12 =	simm.s32 @p1 $0x358637BD  }
0x11a: {  	v0 =	vmul.f32 s12, v0  }
0x11b: {  	v2 =	vmul.f32 s12, v2  }
0x11c: {  	v3 =	vmul.f32 s12, v4;
	[tilespmem:s16+$0xFFFFFF70] =	vst v0  }
0x11d: {  	v1 =	vmul.f32 s12, v1;
	[tilespmem:s16+$0xFFFFFFF0] =	vst v2  }
0x11e: {  	v0 =	vmul.f32 s12, v12;
	[tilespmem:s16+$0xFFFFFF90] =	vst v3  }
0x11f: {  	v2 =	vmul.f32 s12, v6;
	[tilespmem:s16+$0xFFFFFF80] =	vst v1  }
0x120: {  	v1 =	vmul.f32 s12, v10;
	[tilespmem:s16+$0xFFFFFFE0] =	vst v0  }
0x121: {  	v0 =	vmul.f32 s12, v11;
	[tilespmem:s16+$0xFFFFFFA0] =	vst v2  }
0x122: {  	v2 =	vmul.f32 s12, v8;
	[tilespmem:s16+$0xFFFFFFC0] =	vst v1  }
0x123: {  	v1 =	vld [tilespmem:s16+$0x0];
	[tilespmem:s16+$0xFFFFFFD0] =	vst v0  }
0x124: {  	v0 =	vld [tilespmem:s16+$0x10];
	[tilespmem:s16+$0xFFFFFFB0] =	vst v2  }
0x125: {  	v4 =	vld [tilespmem:s4+$0x0]  }
0x126: {  	v5 =	vld [tilespmem:s4+$0x10]  }
0x127: {  	v2 =	vld [tilespmem:s16+$0x20]  }
0x128: {  	v6 =	vld [tilespmem:s4+$0x20]  }
0x129: {  	v3 =	vld [tilespmem:s16+$0x30]  }
0x12a: {  	v7 =	vld [tilespmem:s4+$0x30]  }
0x12b: {  	v8 =	vld [tilespmem:s4+$0x40];
	v9 =	vmul.f32 v4, v1;
	v10 =	vmul.f32 v5, v0  }
0x12c: {  	v5 =	vld [tilespmem:s16+$0x40]  }
0x12d: {  	v11 =	vld [tilespmem:s4+$0x50];
	v9 =	vadd.f32 v10, v9;
	v10 =	vmul.f32 v6, v2  }
0x12e: {  	v4 =	vld [tilespmem:s16+$0x50]  }
0x12f: {  	v63 =	vld [tilespmem:s4+$0x60];
	v9 =	vadd.f32 v10, v9;
	v10 =	vmul.f32 v7, v3  }
0x130: {  	v6 =	vld [tilespmem:s16+$0x60]  }
0x131: {  	v7 =	vld [tilespmem:s16+$0x70];
	v8 =	vmul.f32 v8, v5;
	v9 =	vadd.f32 v10, v9  }
0x132: {  	v10 =	vld [tilespmem:s4+$0x70]  }
0x133: {  	v8 =	vadd.f32 v8, v9;
	v9 =	vmul.f32 v11, v4;
	_ =	sdelay $0x1  }
0x134: {  	v8 =	vadd.f32 v9, v8;
	v9 =	vmul.f32 v63, v6;
	_ =	sdelay $0x1  }
0x135: {  	v8 =	vadd.f32 v9, v8;
	v9 =	vmul.f32 v10, v7;
	_ =	sdelay $0x1  }
0x136: {  	v8 =	vadd.f32 v9, v8;
	_ =	sdelay $0x1  }
0x137: {  	(xrf2) =	vadd.scan.msk.f32 $0xffff, v8;
	_ =	sdelay $0x6  }
0x138: {  	v8 =	vld [tilespmem:s16+$0x80];
	_ =	sdelay $0x2  }
0x139: {  	v9, _, _ =	vpop (xrf2)  }
0x13a: {  	(v2sf) =	vpush v9, $0xF  }
0x13b: {  	s17 =	simm.s32 $0x1750;
	s12 =	simm.s32 $0x0;
	(v2sf) =	vpush v8, $0x0  }
.LBB2_5:
0x13c: {  	_ =	sdelay $0xa  }
0x13d: {  	s12 =	sadd.s32 $0x2, s12;
	s16 =	sadd.s32 $0x120, s16;
	s4 =	sadd.s32 $0x100, s4  }
0x13e: {  	p1 =	slt.u32 s12, $0x22  }
0x13f: {  	s0 =	spop (v2sf)  }
0x140: {  	s23 =	spop (v2sf)  }
0x141: {  	s0 =	smul.f32 s0, s23;
	_ =	sdelay $0x1  }
0x142: {  	p2 =	slt.f32 s0, $1.000000010e-01;
	_ =	sdelay $0x1  }
0x143: {  	s0 =	simm.s32 @p2 $0x358637BD  }
0x144: {  	v1 =	vmul.f32 s0, v1;
	v0 =	vmul.f32 s0, v0  }
0x145: {  	v2 =	vmul.f32 s0, v2;
	v3 =	vmul.f32 s0, v3  }
0x146: {  	v4 =	vmul.f32 s0, v4;
	[tilespmem:s17+$0x0] =	vst v1;
	v1 =	vmul.f32 s0, v5  }
0x147: {  	v5 =	vmul.f32 s0, v7;
	[tilespmem:s17+$0x20] =	vst v2;
	v2 =	vmul.f32 s0, v6  }
0x148: {  	[tilespmem:s17+$0x40] =	vst v1;
	v1 =	vmul.f32 s0, v8  }
0x149: {  	[tilespmem:s17+$0x60] =	vst v2  }
0x14a: {  	[tilespmem:s17+$0x70] =	vst v5  }
0x14b: {  	[tilespmem:s17+$0x30] =	vst v3  }
0x14c: {  	[tilespmem:s17+$0x10] =	vst v0  }
0x14d: {  	v0 =	vld [tilespmem:s16+$0xFFFFFF70];
	[tilespmem:s17+$0x80] =	vst v1  }
0x14e: {  	v1 =	vld [tilespmem:s16+$0xFFFFFF80];
	[tilespmem:s17+$0x50] =	vst v4;
	s17 =	smov.u32 s16  }
0x14f: {  	v2 =	vld [tilespmem:s4+$0xFFFFFF80]  }
0x150: {  	v3 =	vld [tilespmem:s4+$0xFFFFFF90]  }
0x151: {  	v4 =	vld [tilespmem:s16+$0xFFFFFF90]  }
0x152: {  	v5 =	vld [tilespmem:s4+$0xFFFFFFA0]  }
0x153: {  	v6 =	vld [tilespmem:s16+$0xFFFFFFA0]  }
0x154: {  	v7 =	vld [tilespmem:s4+$0xFFFFFFB0]  }
0x155: {  	v2 =	vmul.f32 v2, v0;
	v8 =	vld [tilespmem:s16+$0xFFFFFFB0];
	v3 =	vmul.f32 v3, v1  }
0x156: {  	v9 =	vld [tilespmem:s4+$0xFFFFFFC0]  }
0x157: {  	v10 =	vld [tilespmem:s16+$0xFFFFFFC0];
	v2 =	vadd.f32 v3, v2;
	v3 =	vmul.f32 v5, v4  }
0x158: {  	v5 =	vld [tilespmem:s4+$0xFFFFFFD0]  }
0x159: {  	v11 =	vld [tilespmem:s16+$0xFFFFFFD0];
	v2 =	vadd.f32 v3, v2;
	v3 =	vmul.f32 v7, v6  }
0x15a: {  	v7 =	vld [tilespmem:s4+$0xFFFFFFE0]  }
0x15b: {  	v12 =	vld [tilespmem:s16+$0xFFFFFFE0];
	v2 =	vadd.f32 v3, v2;
	v3 =	vmul.f32 v9, v8  }
0x15c: {  	v9 =	vld [tilespmem:s4+$0xFFFFFFF0]  }
0x15d: {  	v2 =	vadd.f32 v3, v2;
	v3 =	vmul.f32 v5, v10;
	_ =	sdelay $0x1  }
0x15e: {  	v2 =	vadd.f32 v3, v2;
	v3 =	vmul.f32 v7, v11;
	_ =	sdelay $0x1  }
0x15f: {  	v2 =	vadd.f32 v3, v2;
	v3 =	vmul.f32 v9, v12;
	_ =	sdelay $0x1  }
0x160: {  	v2 =	vadd.f32 v3, v2;
	_ =	sdelay $0x1  }
0x161: {  	(xrf2) =	vadd.scan.msk.f32 $0xffff, v2;
	_ =	sdelay $0x5  }
0x162: {  	v2 =	vld [tilespmem:s16+$0xFFFFFFF0];
	_ =	sdelay $0x3  }
0x163: {  	v3, _, _ =	vpop (xrf2)  }
0x164: {  	(v2sf) =	vpush v3, $0xF  }
0x165: {  	(v2sf) =	vpush v2, $0x0;
	_ =	sdelay $0xd  }
0x166: {  	s0 =	spop (v2sf)  }
0x167: {  	s23 =	spop (v2sf)  }
0x168: {  	s0 =	smul.f32 s0, s23;
	_ =	sdelay $0x1  }
0x169: {  	p2 =	slt.f32 s0, $1.000000010e-01;
	_ =	sdelay $0x1  }
0x16a: {  	s0 =	simm.s32 @p2 $0x358637BD  }
0x16b: {  	v0 =	vmul.f32 s0, v0;
	v2 =	vmul.f32 s0, v2  }
0x16c: {  	v1 =	vmul.f32 s0, v1;
	v3 =	vmul.f32 s0, v4  }
0x16d: {  	v4 =	vmul.f32 s0, v8;
	v5 =	vmul.f32 s0, v10;
	[tilespmem:s16+$0xFFFFFF70] =	vst v0  }
0x16e: {  	v0 =	vmul.f32 s0, v6;
	v6 =	vmul.f32 s0, v12;
	[tilespmem:s16+$0xFFFFFFF0] =	vst v2  }
0x16f: {  	v2 =	vmul.f32 s0, v11;
	[tilespmem:s16+$0xFFFFFF90] =	vst v3  }
0x170: {  	[tilespmem:s16+$0xFFFFFFE0] =	vst v6  }
0x171: {  	[tilespmem:s16+$0xFFFFFF80] =	vst v1  }
0x172: {  	[tilespmem:s16+$0xFFFFFFA0] =	vst v0  }
0x173: {  	[tilespmem:s16+$0xFFFFFFD0] =	vst v2;
	v0 =	vld [tilespmem:s16+$0x10]  }
0x174: {  	[tilespmem:s16+$0xFFFFFFC0] =	vst v5;
	v1 =	vld [tilespmem:s16+$0x0]  }
0x175: {  	[tilespmem:s16+$0xFFFFFFB0] =	vst v4;
	v2 =	vld [tilespmem:s16+$0x20]  }
0x176: {  	v4 =	vld [tilespmem:s4+$0x0]  }
0x177: {  	v5 =	vld [tilespmem:s4+$0x10]  }
0x178: {  	v6 =	vld [tilespmem:s4+$0x20]  }
0x179: {  	v7 =	vld [tilespmem:s4+$0x30]  }
0x17a: {  	v8 =	vld [tilespmem:s4+$0x40]  }
0x17b: {  	v3 =	vld [tilespmem:s16+$0x30]  }
0x17c: {  	v9 =	vmul.f32 v4, v1;
	v10 =	vmul.f32 v5, v0  }
0x17d: {  	v5 =	vld [tilespmem:s16+$0x40]  }
0x17e: {  	v4 =	vld [tilespmem:s16+$0x50];
	v9 =	vadd.f32 v10, v9;
	v10 =	vmul.f32 v6, v2  }
0x17f: {  	v11 =	vld [tilespmem:s4+$0x50]  }
0x180: {  	v6 =	vld [tilespmem:s16+$0x60];
	v9 =	vadd.f32 v10, v9;
	v10 =	vmul.f32 v7, v3  }
0x181: {  	v12 =	vld [tilespmem:s4+$0x60]  }
0x182: {  	v7 =	vld [tilespmem:s16+$0x70];
	v9 =	vadd.f32 v10, v9;
	v8 =	vmul.f32 v8, v5  }
0x183: {  	v10 =	vld [tilespmem:s4+$0x70]  }
0x184: {  	v8 =	vadd.f32 v8, v9;
	v9 =	vmul.f32 v11, v4;
	_ =	sdelay $0x1  }
0x185: {  	v8 =	vadd.f32 v9, v8;
	v9 =	vmul.f32 v12, v6;
	_ =	sdelay $0x1  }
0x186: {  	v8 =	vadd.f32 v9, v8;
	v9 =	vmul.f32 v10, v7;
	_ =	sdelay $0x1  }
0x187: {  	v8 =	vadd.f32 v9, v8;
	_ =	sdelay $0x1  }
0x188: {  	(xrf2) =	vadd.scan.msk.f32 $0xffff, v8;
	_ =	sdelay $0x5  }
0x189: {  	v8 =	vld [tilespmem:s16+$0x80];
	_ =	sdelay $0x1  }
.Ltmp1:
0x18a: {  	(pc) =	sbr.rel @p1 .LBB2_5-.Ltmp1, $4  }
0x18b: {  	_ = 	snop  }
0x18c: {  	v9, _, _ =	vpop (xrf2)  }
0x18d: {  	(v2sf) =	vpush v9, $0xF  }
0x18e: {  	(v2sf) =	vpush v8, $0x0  }
0x18f: {  	_ =	sdelay $0xc  }
0x190: {  	s0 =	spop (v2sf)  }
0x191: {  	s4 =	spop (v2sf)  }
0x192: {  	s0 =	smul.f32 s0, s4;
	_ =	sdelay $0x1  }
0x193: {  	p1 =	slt.f32 s0, $1.000000010e-01;
	_ =	sdelay $0x1  }
0x194: {  	s0 =	simm.s32 @p1 $0x358637BD  }
0x195: {  	v1 =	vmul.f32 s0, v1  }
0x196: {  	v2 =	vmul.f32 s0, v2  }
0x197: {  	v0 =	vmul.f32 s0, v0;
	[tilespmem:s17+$0x0] =	vst v1  }
0x198: {  	v1 =	vmul.f32 s0, v5;
	[tilespmem:s17+$0x20] =	vst v2  }
0x199: {  	v2 =	vmul.f32 s0, v6;
	[tilespmem:s17+$0x10] =	vst v0  }
0x19a: {  	v5 =	vmul.f32 s0, v7;
	[tilespmem:s17+$0x40] =	vst v1  }
0x19b: {  	v1 =	vmul.f32 s0, v3;
	[tilespmem:s17+$0x60] =	vst v2  }
0x19c: {  	[tilespmem:s17+$0x70] =	vst v5;
	v2 =	vmul.f32 s0, v8  }
0x19d: {  	[tilespmem:s17+$0x30] =	vst v1;
	v1 =	vmul.f32 s0, v4  }
0x19e: {  	[tilespmem:s17+$0x80] =	vst v2  }
0x19f: {  	s16 =	sadd.s32 $0x78, s10;
	[tilespmem:s17+$0x50] =	vst v1  }
0x1a0: {  	[spmem:s3] =	stream.indirect.scatter.add.f32 [tilespmem:s25], [sflag:$0x6], $0x90, s16, s21, $0xb8;
	[tilespmem:$0x1FF00] =	vst v63  }
0x1a1: {  	_ =	swait.ge [sflag:s24], $0x1440  }
0x1a2: {  	[sflag:s24] =	ssyncset.done $0x0  }
0x1a3: {  	[sflag:s24] =	ssyncadd.s32 $0xFFFFEBC0  }
0x1a4: {  	_ =	swait.ge [sflag:s24], $0x1200  }
0x1a5: {  	[sflag:s24] =	ssyncset.done $0x0  }
0x1a6: {  	[sflag:s24] =	ssyncadd.s32 $0xFFFFEE00  }
0x1a7: {  	_ =	swait.ge [sflag:s26], $0x1440  }
0x1a8: {  	[sflag:s26] =	ssyncset.done $0x0  }
0x1a9: {  	s0 =	simm.s32 @!p0 $0x9;
	[sflag:s26] =	ssyncadd.s32 $0xFFFFEBC0  }
0x1aa: {  	_ =	swait.ge @!p0 [sflag:s0], $0x50  }
0x1ab: {  	[sflag:s0] =	ssyncset.done @!p0 $0x0  }
0x1ac: {  	s4 =	simm.s32 @!p0 $0x280;
	[sflag:s0] =	ssyncadd.s32 @!p0 $0xFFFFFFB0;
	s0 =	simm.s32 @!p0 $0x24  }
0x1ad: {  	[tilespmem:s4], [sflag:$0x1] =	stream.indirect.gather @!p0 [hbm4b:s6+s0], $0x90, s11, s0, $0xb8;
	[tilespmem:$0x1FF00] =	vst v63  }
0x1ae: {  	s10 =	simm.s32 @!p0 $0x5380;
	s4 =	sor.u32 @!p0 $0x28, s11  }
0x1af: {  	[tilespmem:s10], [sflag:$0x1] =	stream.indirect.gather @!p0 [hbm4b:s5+s0], $0x80, s4, s0, $0xb8;
	[tilespmem:$0x1FF00] =	vst v63  }
0x1b0: {  	s0 =	sadd.s32 @!p0 $0x6, s14  }
0x1b1: {  	s4 =	smul.u32 @!p0 $0x50, s0  }
0x1b2: {  	s0 =	sand.u32 @!p0 $0x6, s0  }
0x1b3: {  	s0 =	smul.u32 @!p0 $0x140, s0;
	s4 =	sadd.s32 @!p0 s7, s4  }
0x1b4: {  	s4 =	sshrl.u32 @!p0 s4, $0x3  }
0x1b5: {  	s10 =	simm.s32 @!p0 $0x0;
	s0 =	sshrl.u32 @!p0 s0, $0x2;
	s4 =	sadd.s32 @!p0 s1, s4  }
0x1b6: {  	[tilespmem:s0], [sflag:$0xB] =	stream.linear.gather @!p0 [hbm4b:s4+s10], $0x50, $0x38;
	[tilespmem:$0x1FF00] =	vst v63  }
0x1b7: {  	s10 =	simm.s32 $0x2B90  }
0x1b8: {  	v0 =	vld [tilespmem:s10+$0xFFFFFF70]  }
0x1b9: {  	s4 =	simm.s32 $0x7800;
	v1 =	vld [tilespmem:s10+$0xFFFFFF80]  }
0x1ba: {  	v2 =	vld [tilespmem:s4+$0xFFFFFF80]  }
0x1bb: {  	v3 =	vld [tilespmem:s4+$0xFFFFFF90]  }
0x1bc: {  	v4 =	vld [tilespmem:s10+$0xFFFFFF90]  }
0x1bd: {  	v5 =	vld [tilespmem:s4+$0xFFFFFFA0]  }
0x1be: {  	v6 =	vld [tilespmem:s10+$0xFFFFFFA0]  }
0x1bf: {  	v7 =	vld [tilespmem:s4+$0xFFFFFFB0]  }
0x1c0: {  	v8 =	vld [tilespmem:s10+$0xFFFFFFB0];
	v2 =	vmul.f32 v2, v0;
	v3 =	vmul.f32 v3, v1  }
0x1c1: {  	v9 =	vld [tilespmem:s4+$0xFFFFFFC0]  }
0x1c2: {  	v10 =	vld [tilespmem:s10+$0xFFFFFFC0];
	v2 =	vadd.f32 v3, v2;
	v3 =	vmul.f32 v5, v4  }
0x1c3: {  	v5 =	vld [tilespmem:s4+$0xFFFFFFD0]  }
0x1c4: {  	v11 =	vld [tilespmem:s10+$0xFFFFFFD0];
	v2 =	vadd.f32 v3, v2;
	v3 =	vmul.f32 v7, v6  }
0x1c5: {  	v7 =	vld [tilespmem:s4+$0xFFFFFFE0]  }
0x1c6: {  	v12 =	vld [tilespmem:s10+$0xFFFFFFE0];
	v2 =	vadd.f32 v3, v2;
	v3 =	vmul.f32 v9, v8  }
0x1c7: {  	v9 =	vld [tilespmem:s4+$0xFFFFFFF0]  }
0x1c8: {  	v2 =	vadd.f32 v3, v2;
	v3 =	vmul.f32 v5, v10;
	_ =	sdelay $0x1  }
0x1c9: {  	v2 =	vadd.f32 v3, v2;
	v3 =	vmul.f32 v7, v11;
	_ =	sdelay $0x1  }
0x1ca: {  	v2 =	vadd.f32 v3, v2;
	v3 =	vmul.f32 v9, v12;
	_ =	sdelay $0x1  }
0x1cb: {  	v2 =	vadd.f32 v3, v2;
	_ =	sdelay $0x1  }
0x1cc: {  	(xrf2) =	vadd.scan.msk.f32 $0xffff, v2;
	_ =	sdelay $0x6  }
0x1cd: {  	v2 =	vld [tilespmem:s10+$0xFFFFFFF0];
	_ =	sdelay $0x2  }
0x1ce: {  	v3, _, _ =	vpop (xrf2)  }
0x1cf: {  	(v2sf) =	vpush v3, $0xF  }
0x1d0: {  	(v2sf) =	vpush v2, $0x0;
	_ =	sdelay $0xd  }
0x1d1: {  	s17 =	spop (v2sf)  }
0x1d2: {  	s23 =	spop (v2sf)  }
0x1d3: {  	s0 =	smul.f32 s17, s23;
	_ =	sdelay $0x1  }
0x1d4: {  	p1 =	slt.f32 s0, $1.000000010e-01;
	_ =	sdelay $0x1  }
0x1d5: {  	s0 =	simm.s32 @p1 $0x358637BD  }
0x1d6: {  	v0 =	vmul.f32 s0, v0  }
0x1d7: {  	v2 =	vmul.f32 s0, v2  }
0x1d8: {  	v3 =	vmul.f32 s0, v4;
	[tilespmem:s10+$0xFFFFFF70] =	vst v0  }
0x1d9: {  	v1 =	vmul.f32 s0, v1;
	[tilespmem:s10+$0xFFFFFFF0] =	vst v2  }
0x1da: {  	v0 =	vmul.f32 s0, v12;
	[tilespmem:s10+$0xFFFFFF90] =	vst v3  }
0x1db: {  	v2 =	vmul.f32 s0, v6;
	[tilespmem:s10+$0xFFFFFF80] =	vst v1  }
0x1dc: {  	v1 =	vmul.f32 s0, v10;
	[tilespmem:s10+$0xFFFFFFE0] =	vst v0  }
0x1dd: {  	v0 =	vmul.f32 s0, v11;
	[tilespmem:s10+$0xFFFFFFA0] =	vst v2  }
0x1de: {  	v2 =	vmul.f32 s0, v8;
	[tilespmem:s10+$0xFFFFFFC0] =	vst v1  }
0x1df: {  	v1 =	vld [tilespmem:s10+$0x0];
	[tilespmem:s10+$0xFFFFFFD0] =	vst v0  }
0x1e0: {  	v0 =	vld [tilespmem:s10+$0x10];
	[tilespmem:s10+$0xFFFFFFB0] =	vst v2  }
0x1e1: {  	v4 =	vld [tilespmem:s4+$0x0]  }
0x1e2: {  	v5 =	vld [tilespmem:s4+$0x10]  }
0x1e3: {  	v2 =	vld [tilespmem:s10+$0x20]  }
0x1e4: {  	v6 =	vld [tilespmem:s4+$0x20]  }
0x1e5: {  	v3 =	vld [tilespmem:s10+$0x30]  }
0x1e6: {  	v7 =	vld [tilespmem:s4+$0x30]  }
0x1e7: {  	v8 =	vld [tilespmem:s4+$0x40];
	v9 =	vmul.f32 v4, v1;
	v10 =	vmul.f32 v5, v0  }
0x1e8: {  	v5 =	vld [tilespmem:s10+$0x40]  }
0x1e9: {  	v11 =	vld [tilespmem:s4+$0x50];
	v9 =	vadd.f32 v10, v9;
	v10 =	vmul.f32 v6, v2  }
0x1ea: {  	v4 =	vld [tilespmem:s10+$0x50]  }
0x1eb: {  	v63 =	vld [tilespmem:s4+$0x60];
	v9 =	vadd.f32 v10, v9;
	v10 =	vmul.f32 v7, v3  }
0x1ec: {  	v6 =	vld [tilespmem:s10+$0x60]  }
0x1ed: {  	v7 =	vld [tilespmem:s10+$0x70];
	v8 =	vmul.f32 v8, v5;
	v9 =	vadd.f32 v10, v9  }
0x1ee: {  	v10 =	vld [tilespmem:s4+$0x70]  }
0x1ef: {  	v8 =	vadd.f32 v8, v9;
	v9 =	vmul.f32 v11, v4;
	_ =	sdelay $0x1  }
0x1f0: {  	v8 =	vadd.f32 v9, v8;
	v9 =	vmul.f32 v63, v6;
	_ =	sdelay $0x1  }
0x1f1: {  	v8 =	vadd.f32 v9, v8;
	v9 =	vmul.f32 v10, v7;
	_ =	sdelay $0x1  }
0x1f2: {  	v8 =	vadd.f32 v9, v8;
	_ =	sdelay $0x1  }
0x1f3: {  	(xrf2) =	vadd.scan.msk.f32 $0xffff, v8;
	_ =	sdelay $0x6  }
0x1f4: {  	v8 =	vld [tilespmem:s10+$0x80];
	_ =	sdelay $0x2  }
0x1f5: {  	v9, _, _ =	vpop (xrf2)  }
0x1f6: {  	(v2sf) =	vpush v9, $0xF  }
0x1f7: {  	s12 =	simm.s32 $0x0;
	s11 =	simm.s32 $0x2B90;
	(v2sf) =	vpush v8, $0x0  }
.LBB2_7:
0x1f8: {  	_ =	sdelay $0xa  }
0x1f9: {  	s12 =	sadd.s32 $0x2, s12;
	s10 =	sadd.s32 $0x120, s10;
	s4 =	sadd.s32 $0x100, s4  }
0x1fa: {  	p1 =	slt.u32 s12, $0x22  }
0x1fb: {  	s0 =	spop (v2sf)  }
0x1fc: {  	s16 =	spop (v2sf)  }
0x1fd: {  	s0 =	smul.f32 s0, s16;
	_ =	sdelay $0x1  }
0x1fe: {  	p2 =	slt.f32 s0, $1.000000010e-01;
	_ =	sdelay $0x1  }
0x1ff: {  	s0 =	simm.s32 @p2 $0x358637BD  }
0x200: {  	v1 =	vmul.f32 s0, v1;
	v0 =	vmul.f32 s0, v0  }
0x201: {  	v2 =	vmul.f32 s0, v2;
	v3 =	vmul.f32 s0, v3  }
0x202: {  	v4 =	vmul.f32 s0, v4;
	[tilespmem:s11+$0x0] =	vst v1;
	v1 =	vmul.f32 s0, v5  }
0x203: {  	v5 =	vmul.f32 s0, v7;
	[tilespmem:s11+$0x20] =	vst v2;
	v2 =	vmul.f32 s0, v6  }
0x204: {  	[tilespmem:s11+$0x40] =	vst v1;
	v1 =	vmul.f32 s0, v8  }
0x205: {  	[tilespmem:s11+$0x60] =	vst v2  }
0x206: {  	[tilespmem:s11+$0x70] =	vst v5  }
0x207: {  	[tilespmem:s11+$0x30] =	vst v3  }
0x208: {  	[tilespmem:s11+$0x10] =	vst v0  }
0x209: {  	v0 =	vld [tilespmem:s10+$0xFFFFFF70];
	[tilespmem:s11+$0x80] =	vst v1  }
0x20a: {  	v1 =	vld [tilespmem:s10+$0xFFFFFF80];
	[tilespmem:s11+$0x50] =	vst v4;
	s11 =	smov.u32 s10  }
0x20b: {  	v2 =	vld [tilespmem:s4+$0xFFFFFF80]  }
0x20c: {  	v3 =	vld [tilespmem:s4+$0xFFFFFF90]  }
0x20d: {  	v4 =	vld [tilespmem:s10+$0xFFFFFF90]  }
0x20e: {  	v5 =	vld [tilespmem:s4+$0xFFFFFFA0]  }
0x20f: {  	v6 =	vld [tilespmem:s10+$0xFFFFFFA0]  }
0x210: {  	v7 =	vld [tilespmem:s4+$0xFFFFFFB0]  }
0x211: {  	v2 =	vmul.f32 v2, v0;
	v8 =	vld [tilespmem:s10+$0xFFFFFFB0];
	v3 =	vmul.f32 v3, v1  }
0x212: {  	v9 =	vld [tilespmem:s4+$0xFFFFFFC0]  }
0x213: {  	v10 =	vld [tilespmem:s10+$0xFFFFFFC0];
	v2 =	vadd.f32 v3, v2;
	v3 =	vmul.f32 v5, v4  }
0x214: {  	v5 =	vld [tilespmem:s4+$0xFFFFFFD0]  }
0x215: {  	v11 =	vld [tilespmem:s10+$0xFFFFFFD0];
	v2 =	vadd.f32 v3, v2;
	v3 =	vmul.f32 v7, v6  }
0x216: {  	v7 =	vld [tilespmem:s4+$0xFFFFFFE0]  }
0x217: {  	v12 =	vld [tilespmem:s10+$0xFFFFFFE0];
	v2 =	vadd.f32 v3, v2;
	v3 =	vmul.f32 v9, v8  }
0x218: {  	v9 =	vld [tilespmem:s4+$0xFFFFFFF0]  }
0x219: {  	v2 =	vadd.f32 v3, v2;
	v3 =	vmul.f32 v5, v10;
	_ =	sdelay $0x1  }
0x21a: {  	v2 =	vadd.f32 v3, v2;
	v3 =	vmul.f32 v7, v11;
	_ =	sdelay $0x1  }
0x21b: {  	v2 =	vadd.f32 v3, v2;
	v3 =	vmul.f32 v9, v12;
	_ =	sdelay $0x1  }
0x21c: {  	v2 =	vadd.f32 v3, v2;
	_ =	sdelay $0x1  }
0x21d: {  	(xrf2) =	vadd.scan.msk.f32 $0xffff, v2;
	_ =	sdelay $0x5  }
0x21e: {  	v2 =	vld [tilespmem:s10+$0xFFFFFFF0];
	_ =	sdelay $0x3  }
0x21f: {  	v3, _, _ =	vpop (xrf2)  }
0x220: {  	(v2sf) =	vpush v3, $0xF  }
0x221: {  	(v2sf) =	vpush v2, $0x0;
	_ =	sdelay $0xd  }
0x222: {  	s0 =	spop (v2sf)  }
0x223: {  	s16 =	spop (v2sf)  }
0x224: {  	s0 =	smul.f32 s0, s16;
	_ =	sdelay $0x1  }
0x225: {  	p2 =	slt.f32 s0, $1.000000010e-01;
	_ =	sdelay $0x1  }
0x226: {  	s0 =	simm.s32 @p2 $0x358637BD  }
0x227: {  	v0 =	vmul.f32 s0, v0;
	v2 =	vmul.f32 s0, v2  }
0x228: {  	v1 =	vmul.f32 s0, v1;
	v3 =	vmul.f32 s0, v4  }
0x229: {  	v4 =	vmul.f32 s0, v8;
	v5 =	vmul.f32 s0, v10;
	[tilespmem:s10+$0xFFFFFF70] =	vst v0  }
0x22a: {  	v0 =	vmul.f32 s0, v6;
	v6 =	vmul.f32 s0, v12;
	[tilespmem:s10+$0xFFFFFFF0] =	vst v2  }
0x22b: {  	v2 =	vmul.f32 s0, v11;
	[tilespmem:s10+$0xFFFFFF90] =	vst v3  }
0x22c: {  	[tilespmem:s10+$0xFFFFFFE0] =	vst v6  }
0x22d: {  	[tilespmem:s10+$0xFFFFFF80] =	vst v1  }
0x22e: {  	[tilespmem:s10+$0xFFFFFFA0] =	vst v0  }
0x22f: {  	[tilespmem:s10+$0xFFFFFFD0] =	vst v2;
	v0 =	vld [tilespmem:s10+$0x10]  }
0x230: {  	[tilespmem:s10+$0xFFFFFFC0] =	vst v5;
	v1 =	vld [tilespmem:s10+$0x0]  }
0x231: {  	[tilespmem:s10+$0xFFFFFFB0] =	vst v4;
	v2 =	vld [tilespmem:s10+$0x20]  }
0x232: {  	v4 =	vld [tilespmem:s4+$0x0]  }
0x233: {  	v5 =	vld [tilespmem:s4+$0x10]  }
0x234: {  	v6 =	vld [tilespmem:s4+$0x20]  }
0x235: {  	v7 =	vld [tilespmem:s4+$0x30]  }
0x236: {  	v8 =	vld [tilespmem:s4+$0x40]  }
0x237: {  	v3 =	vld [tilespmem:s10+$0x30]  }
0x238: {  	v9 =	vmul.f32 v4, v1;
	v10 =	vmul.f32 v5, v0  }
0x239: {  	v5 =	vld [tilespmem:s10+$0x40]  }
0x23a: {  	v4 =	vld [tilespmem:s10+$0x50];
	v9 =	vadd.f32 v10, v9;
	v10 =	vmul.f32 v6, v2  }
0x23b: {  	v11 =	vld [tilespmem:s4+$0x50]  }
0x23c: {  	v6 =	vld [tilespmem:s10+$0x60];
	v9 =	vadd.f32 v10, v9;
	v10 =	vmul.f32 v7, v3  }
0x23d: {  	v12 =	vld [tilespmem:s4+$0x60]  }
0x23e: {  	v7 =	vld [tilespmem:s10+$0x70];
	v9 =	vadd.f32 v10, v9;
	v8 =	vmul.f32 v8, v5  }
0x23f: {  	v10 =	vld [tilespmem:s4+$0x70]  }
0x240: {  	v8 =	vadd.f32 v8, v9;
	v9 =	vmul.f32 v11, v4;
	_ =	sdelay $0x1  }
0x241: {  	v8 =	vadd.f32 v9, v8;
	v9 =	vmul.f32 v12, v6;
	_ =	sdelay $0x1  }
0x242: {  	v8 =	vadd.f32 v9, v8;
	v9 =	vmul.f32 v10, v7;
	_ =	sdelay $0x1  }
0x243: {  	v8 =	vadd.f32 v9, v8;
	_ =	sdelay $0x1  }
0x244: {  	(xrf2) =	vadd.scan.msk.f32 $0xffff, v8;
	_ =	sdelay $0x5  }
0x245: {  	v8 =	vld [tilespmem:s10+$0x80];
	_ =	sdelay $0x1  }
.Ltmp2:
0x246: {  	(pc) =	sbr.rel @p1 .LBB2_7-.Ltmp2, $4  }
0x247: {  	_ = 	snop  }
0x248: {  	v9, _, _ =	vpop (xrf2)  }
0x249: {  	(v2sf) =	vpush v9, $0xF  }
0x24a: {  	(v2sf) =	vpush v8, $0x0  }
0x24b: {  	_ =	sdelay $0xc  }
0x24c: {  	s0 =	spop (v2sf)  }
0x24d: {  	s4 =	spop (v2sf)  }
0x24e: {  	s0 =	smul.f32 s0, s4;
	_ =	sdelay $0x1  }
0x24f: {  	p1 =	slt.f32 s0, $1.000000010e-01;
	_ =	sdelay $0x1  }
0x250: {  	s0 =	simm.s32 @p1 $0x358637BD  }
0x251: {  	v1 =	vmul.f32 s0, v1  }
0x252: {  	v2 =	vmul.f32 s0, v2  }
0x253: {  	v0 =	vmul.f32 s0, v0;
	[tilespmem:s11+$0x0] =	vst v1  }
0x254: {  	v1 =	vmul.f32 s0, v5;
	[tilespmem:s11+$0x20] =	vst v2  }
0x255: {  	v2 =	vmul.f32 s0, v6;
	[tilespmem:s11+$0x10] =	vst v0  }
0x256: {  	v5 =	vmul.f32 s0, v7;
	[tilespmem:s11+$0x40] =	vst v1  }
0x257: {  	v1 =	vmul.f32 s0, v3;
	[tilespmem:s11+$0x60] =	vst v2  }
0x258: {  	[tilespmem:s11+$0x70] =	vst v5;
	v2 =	vmul.f32 s0, v8  }
0x259: {  	[tilespmem:s11+$0x30] =	vst v1;
	v1 =	vmul.f32 s0, v4  }
0x25a: {  	[tilespmem:s11+$0x80] =	vst v2  }
0x25b: {  	[tilespmem:s11+$0x50] =	vst v1  }
0x25c: {  	[spmem:s3] =	stream.indirect.scatter.add.f32 [tilespmem:s31], [sflag:$0x7], $0x90, s15, s21, $0xb8;
	[tilespmem:$0x1FF00] =	vst v63  }
0x25d: {  	_ =	swait.ge [sflag:s28], $0x1440  }
0x25e: {  	[sflag:s28] =	ssyncset.done $0x0  }
0x25f: {  	[sflag:s28] =	ssyncadd.s32 $0xFFFFEBC0  }
0x260: {  	_ =	swait.ge [sflag:s28], $0x1200  }
0x261: {  	[sflag:s28] =	ssyncset.done $0x0  }
0x262: {  	[sflag:s28] =	ssyncadd.s32 $0xFFFFEE00  }
0x263: {  	_ =	swait.ge [sflag:s18], $0x1440  }
0x264: {  	[sflag:s18] =	ssyncset.done $0x0  }
0x265: {  	s0 =	simm.s32 @!p0 $0xA;
	[sflag:s18] =	ssyncadd.s32 $0xFFFFEBC0  }
0x266: {  	_ =	swait.ge @!p0 [sflag:s0], $0x50  }
0x267: {  	[sflag:s0] =	ssyncset.done @!p0 $0x0  }
0x268: {  	s4 =	simm.s32 @!p0 $0x16C0;
	[sflag:s0] =	ssyncadd.s32 @!p0 $0xFFFFFFB0;
	s0 =	simm.s32 @!p0 $0x24  }
0x269: {  	[tilespmem:s4], [sflag:$0x2] =	stream.indirect.gather @!p0 [hbm4b:s6+s0], $0x90, s8, s0, $0xb8;
	[tilespmem:$0x1FF00] =	vst v63  }
0x26a: {  	s4 =	sadd.s32 @!p0 $0x28, s8;
	s8 =	simm.s32 @!p0 $0x6580  }
0x26b: {  	[tilespmem:s8], [sflag:$0x2] =	stream.indirect.gather @!p0 [hbm4b:s5+s0], $0x80, s4, s0, $0xb8;
	[tilespmem:$0x1FF00] =	vst v63  }
0x26c: {  	s0 =	sadd.s32 @!p0 $0x7, s14  }
0x26d: {  	s4 =	smul.u32 @!p0 $0x50, s0  }
0x26e: {  	s0 =	sand.u32 @!p0 $0x7, s0  }
0x26f: {  	s0 =	smul.u32 @!p0 $0x140, s0;
	s4 =	sadd.s32 @!p0 s7, s4  }
0x270: {  	s4 =	sshrl.u32 @!p0 s4, $0x3  }
0x271: {  	s8 =	simm.s32 @!p0 $0x0;
	s0 =	sshrl.u32 @!p0 s0, $0x2;
	s4 =	sadd.s32 @!p0 s1, s4  }
0x272: {  	[tilespmem:s0], [sflag:$0xC] =	stream.linear.gather @!p0 [hbm4b:s4+s8], $0x50, $0x38;
	[tilespmem:$0x1FF00] =	vst v63  }
0x273: {  	s8 =	simm.s32 $0x3FD0  }
0x274: {  	v0 =	vld [tilespmem:s8+$0xFFFFFF70]  }
0x275: {  	s4 =	simm.s32 $0x8A00;
	v1 =	vld [tilespmem:s8+$0xFFFFFF80]  }
0x276: {  	v2 =	vld [tilespmem:s4+$0xFFFFFF80]  }
0x277: {  	v3 =	vld [tilespmem:s4+$0xFFFFFF90]  }
0x278: {  	v4 =	vld [tilespmem:s8+$0xFFFFFF90]  }
0x279: {  	v5 =	vld [tilespmem:s4+$0xFFFFFFA0]  }
0x27a: {  	v6 =	vld [tilespmem:s8+$0xFFFFFFA0]  }
0x27b: {  	v7 =	vld [tilespmem:s4+$0xFFFFFFB0]  }
0x27c: {  	v8 =	vld [tilespmem:s8+$0xFFFFFFB0];
	v2 =	vmul.f32 v2, v0;
	v3 =	vmul.f32 v3, v1  }
0x27d: {  	v9 =	vld [tilespmem:s4+$0xFFFFFFC0]  }
0x27e: {  	v10 =	vld [tilespmem:s8+$0xFFFFFFC0];
	v2 =	vadd.f32 v3, v2;
	v3 =	vmul.f32 v5, v4  }
0x27f: {  	v5 =	vld [tilespmem:s4+$0xFFFFFFD0]  }
0x280: {  	v11 =	vld [tilespmem:s8+$0xFFFFFFD0];
	v2 =	vadd.f32 v3, v2;
	v3 =	vmul.f32 v7, v6  }
0x281: {  	v7 =	vld [tilespmem:s4+$0xFFFFFFE0]  }
0x282: {  	v12 =	vld [tilespmem:s8+$0xFFFFFFE0];
	v2 =	vadd.f32 v3, v2;
	v3 =	vmul.f32 v9, v8  }
0x283: {  	v9 =	vld [tilespmem:s4+$0xFFFFFFF0]  }
0x284: {  	v2 =	vadd.f32 v3, v2;
	v3 =	vmul.f32 v5, v10;
	_ =	sdelay $0x1  }
0x285: {  	v2 =	vadd.f32 v3, v2;
	v3 =	vmul.f32 v7, v11;
	_ =	sdelay $0x1  }
0x286: {  	v2 =	vadd.f32 v3, v2;
	v3 =	vmul.f32 v9, v12;
	_ =	sdelay $0x1  }
0x287: {  	v2 =	vadd.f32 v3, v2;
	_ =	sdelay $0x1  }
0x288: {  	(xrf2) =	vadd.scan.msk.f32 $0xffff, v2;
	_ =	sdelay $0x6  }
0x289: {  	v2 =	vld [tilespmem:s8+$0xFFFFFFF0];
	_ =	sdelay $0x2  }
0x28a: {  	v3, _, _ =	vpop (xrf2)  }
0x28b: {  	(v2sf) =	vpush v3, $0xF  }
0x28c: {  	(v2sf) =	vpush v2, $0x0;
	_ =	sdelay $0xd  }
0x28d: {  	s23 =	spop (v2sf)  }
0x28e: {  	s10 =	spop (v2sf)  }
0x28f: {  	s0 =	smul.f32 s23, s10;
	_ =	sdelay $0x1  }
0x290: {  	p0 =	slt.f32 s0, $1.000000010e-01;
	_ =	sdelay $0x1  }
0x291: {  	s0 =	simm.s32 @p0 $0x358637BD  }
0x292: {  	v0 =	vmul.f32 s0, v0  }
0x293: {  	v2 =	vmul.f32 s0, v2  }
0x294: {  	v3 =	vmul.f32 s0, v4;
	[tilespmem:s8+$0xFFFFFF70] =	vst v0  }
0x295: {  	v1 =	vmul.f32 s0, v1;
	[tilespmem:s8+$0xFFFFFFF0] =	vst v2  }
0x296: {  	v0 =	vmul.f32 s0, v12;
	[tilespmem:s8+$0xFFFFFF90] =	vst v3  }
0x297: {  	v2 =	vmul.f32 s0, v6;
	[tilespmem:s8+$0xFFFFFF80] =	vst v1  }
0x298: {  	v1 =	vmul.f32 s0, v10;
	[tilespmem:s8+$0xFFFFFFE0] =	vst v0  }
0x299: {  	v0 =	vmul.f32 s0, v11;
	[tilespmem:s8+$0xFFFFFFA0] =	vst v2  }
0x29a: {  	v2 =	vmul.f32 s0, v8;
	[tilespmem:s8+$0xFFFFFFC0] =	vst v1  }
0x29b: {  	v1 =	vld [tilespmem:s8+$0x0];
	[tilespmem:s8+$0xFFFFFFD0] =	vst v0  }
0x29c: {  	v0 =	vld [tilespmem:s8+$0x10];
	[tilespmem:s8+$0xFFFFFFB0] =	vst v2  }
0x29d: {  	v4 =	vld [tilespmem:s4+$0x0]  }
0x29e: {  	v5 =	vld [tilespmem:s4+$0x10]  }
0x29f: {  	v2 =	vld [tilespmem:s8+$0x20]  }
0x2a0: {  	v6 =	vld [tilespmem:s4+$0x20]  }
0x2a1: {  	v3 =	vld [tilespmem:s8+$0x30]  }
0x2a2: {  	v7 =	vld [tilespmem:s4+$0x30]  }
0x2a3: {  	v8 =	vld [tilespmem:s4+$0x40];
	v9 =	vmul.f32 v4, v1;
	v10 =	vmul.f32 v5, v0  }
0x2a4: {  	v5 =	vld [tilespmem:s8+$0x40]  }
0x2a5: {  	v11 =	vld [tilespmem:s4+$0x50];
	v9 =	vadd.f32 v10, v9;
	v10 =	vmul.f32 v6, v2  }
0x2a6: {  	v4 =	vld [tilespmem:s8+$0x50]  }
0x2a7: {  	v63 =	vld [tilespmem:s4+$0x60];
	v9 =	vadd.f32 v10, v9;
	v10 =	vmul.f32 v7, v3  }
0x2a8: {  	v6 =	vld [tilespmem:s8+$0x60]  }
0x2a9: {  	v7 =	vld [tilespmem:s8+$0x70];
	v8 =	vmul.f32 v8, v5;
	v9 =	vadd.f32 v10, v9  }
0x2aa: {  	v10 =	vld [tilespmem:s4+$0x70]  }
0x2ab: {  	v8 =	vadd.f32 v8, v9;
	v9 =	vmul.f32 v11, v4;
	_ =	sdelay $0x1  }
0x2ac: {  	v8 =	vadd.f32 v9, v8;
	v9 =	vmul.f32 v63, v6;
	_ =	sdelay $0x1  }
0x2ad: {  	v8 =	vadd.f32 v9, v8;
	v9 =	vmul.f32 v10, v7;
	_ =	sdelay $0x1  }
0x2ae: {  	v8 =	vadd.f32 v9, v8;
	_ =	sdelay $0x1  }
0x2af: {  	(xrf2) =	vadd.scan.msk.f32 $0xffff, v8;
	_ =	sdelay $0x6  }
0x2b0: {  	v8 =	vld [tilespmem:s8+$0x80];
	_ =	sdelay $0x2  }
0x2b1: {  	v9, _, _ =	vpop (xrf2)  }
0x2b2: {  	(v2sf) =	vpush v9, $0xF  }
0x2b3: {  	s11 =	simm.s32 $0x0;
	s10 =	simm.s32 $0x3FD0;
	(v2sf) =	vpush v8, $0x0  }
.LBB2_9:
0x2b4: {  	_ =	sdelay $0xa  }
0x2b5: {  	s11 =	sadd.s32 $0x2, s11;
	s8 =	sadd.s32 $0x120, s8;
	s4 =	sadd.s32 $0x100, s4  }
0x2b6: {  	p0 =	slt.u32 s11, $0x22  }
0x2b7: {  	s0 =	spop (v2sf)  }
0x2b8: {  	s12 =	spop (v2sf)  }
0x2b9: {  	s0 =	smul.f32 s0, s12;
	_ =	sdelay $0x1  }
0x2ba: {  	p1 =	slt.f32 s0, $1.000000010e-01;
	_ =	sdelay $0x1  }
0x2bb: {  	s0 =	simm.s32 @p1 $0x358637BD  }
0x2bc: {  	v1 =	vmul.f32 s0, v1;
	v0 =	vmul.f32 s0, v0  }
0x2bd: {  	v2 =	vmul.f32 s0, v2;
	v3 =	vmul.f32 s0, v3  }
0x2be: {  	v4 =	vmul.f32 s0, v4;
	[tilespmem:s10+$0x0] =	vst v1;
	v1 =	vmul.f32 s0, v5  }
0x2bf: {  	v5 =	vmul.f32 s0, v7;
	[tilespmem:s10+$0x20] =	vst v2;
	v2 =	vmul.f32 s0, v6  }
0x2c0: {  	[tilespmem:s10+$0x40] =	vst v1;
	v1 =	vmul.f32 s0, v8  }
0x2c1: {  	[tilespmem:s10+$0x60] =	vst v2  }
0x2c2: {  	[tilespmem:s10+$0x70] =	vst v5  }
0x2c3: {  	[tilespmem:s10+$0x30] =	vst v3  }
0x2c4: {  	[tilespmem:s10+$0x10] =	vst v0  }
0x2c5: {  	v0 =	vld [tilespmem:s8+$0xFFFFFF70];
	[tilespmem:s10+$0x80] =	vst v1  }
0x2c6: {  	v1 =	vld [tilespmem:s8+$0xFFFFFF80];
	[tilespmem:s10+$0x50] =	vst v4;
	s10 =	smov.u32 s8  }
0x2c7: {  	v2 =	vld [tilespmem:s4+$0xFFFFFF80]  }
0x2c8: {  	v3 =	vld [tilespmem:s4+$0xFFFFFF90]  }
0x2c9: {  	v4 =	vld [tilespmem:s8+$0xFFFFFF90]  }
0x2ca: {  	v5 =	vld [tilespmem:s4+$0xFFFFFFA0]  }
0x2cb: {  	v6 =	vld [tilespmem:s8+$0xFFFFFFA0]  }
0x2cc: {  	v7 =	vld [tilespmem:s4+$0xFFFFFFB0]  }
0x2cd: {  	v2 =	vmul.f32 v2, v0;
	v8 =	vld [tilespmem:s8+$0xFFFFFFB0];
	v3 =	vmul.f32 v3, v1  }
0x2ce: {  	v9 =	vld [tilespmem:s4+$0xFFFFFFC0]  }
0x2cf: {  	v10 =	vld [tilespmem:s8+$0xFFFFFFC0];
	v2 =	vadd.f32 v3, v2;
	v3 =	vmul.f32 v5, v4  }
0x2d0: {  	v5 =	vld [tilespmem:s4+$0xFFFFFFD0]  }
0x2d1: {  	v11 =	vld [tilespmem:s8+$0xFFFFFFD0];
	v2 =	vadd.f32 v3, v2;
	v3 =	vmul.f32 v7, v6  }
0x2d2: {  	v7 =	vld [tilespmem:s4+$0xFFFFFFE0]  }
0x2d3: {  	v12 =	vld [tilespmem:s8+$0xFFFFFFE0];
	v2 =	vadd.f32 v3, v2;
	v3 =	vmul.f32 v9, v8  }
0x2d4: {  	v9 =	vld [tilespmem:s4+$0xFFFFFFF0]  }
0x2d5: {  	v2 =	vadd.f32 v3, v2;
	v3 =	vmul.f32 v5, v10;
	_ =	sdelay $0x1  }
0x2d6: {  	v2 =	vadd.f32 v3, v2;
	v3 =	vmul.f32 v7, v11;
	_ =	sdelay $0x1  }
0x2d7: {  	v2 =	vadd.f32 v3, v2;
	v3 =	vmul.f32 v9, v12;
	_ =	sdelay $0x1  }
0x2d8: {  	v2 =	vadd.f32 v3, v2;
	_ =	sdelay $0x1  }
0x2d9: {  	(xrf2) =	vadd.scan.msk.f32 $0xffff, v2;
	_ =	sdelay $0x5  }
0x2da: {  	v2 =	vld [tilespmem:s8+$0xFFFFFFF0];
	_ =	sdelay $0x3  }
0x2db: {  	v3, _, _ =	vpop (xrf2)  }
0x2dc: {  	(v2sf) =	vpush v3, $0xF  }
0x2dd: {  	(v2sf) =	vpush v2, $0x0;
	_ =	sdelay $0xd  }
0x2de: {  	s0 =	spop (v2sf)  }
0x2df: {  	s12 =	spop (v2sf)  }
0x2e0: {  	s0 =	smul.f32 s0, s12;
	_ =	sdelay $0x1  }
0x2e1: {  	p1 =	slt.f32 s0, $1.000000010e-01;
	_ =	sdelay $0x1  }
0x2e2: {  	s0 =	simm.s32 @p1 $0x358637BD  }
0x2e3: {  	v0 =	vmul.f32 s0, v0;
	v2 =	vmul.f32 s0, v2  }
0x2e4: {  	v1 =	vmul.f32 s0, v1;
	v3 =	vmul.f32 s0, v4  }
0x2e5: {  	v4 =	vmul.f32 s0, v8;
	v5 =	vmul.f32 s0, v10;
	[tilespmem:s8+$0xFFFFFF70] =	vst v0  }
0x2e6: {  	v0 =	vmul.f32 s0, v6;
	v6 =	vmul.f32 s0, v12;
	[tilespmem:s8+$0xFFFFFFF0] =	vst v2  }
0x2e7: {  	v2 =	vmul.f32 s0, v11;
	[tilespmem:s8+$0xFFFFFF90] =	vst v3  }
0x2e8: {  	[tilespmem:s8+$0xFFFFFFE0] =	vst v6  }
0x2e9: {  	[tilespmem:s8+$0xFFFFFF80] =	vst v1  }
0x2ea: {  	[tilespmem:s8+$0xFFFFFFA0] =	vst v0  }
0x2eb: {  	[tilespmem:s8+$0xFFFFFFD0] =	vst v2;
	v0 =	vld [tilespmem:s8+$0x10]  }
0x2ec: {  	[tilespmem:s8+$0xFFFFFFC0] =	vst v5;
	v1 =	vld [tilespmem:s8+$0x0]  }
0x2ed: {  	[tilespmem:s8+$0xFFFFFFB0] =	vst v4;
	v2 =	vld [tilespmem:s8+$0x20]  }
0x2ee: {  	v4 =	vld [tilespmem:s4+$0x0]  }
0x2ef: {  	v5 =	vld [tilespmem:s4+$0x10]  }
0x2f0: {  	v6 =	vld [tilespmem:s4+$0x20]  }
0x2f1: {  	v7 =	vld [tilespmem:s4+$0x30]  }
0x2f2: {  	v8 =	vld [tilespmem:s4+$0x40]  }
0x2f3: {  	v3 =	vld [tilespmem:s8+$0x30]  }
0x2f4: {  	v9 =	vmul.f32 v4, v1;
	v10 =	vmul.f32 v5, v0  }
0x2f5: {  	v5 =	vld [tilespmem:s8+$0x40]  }
0x2f6: {  	v4 =	vld [tilespmem:s8+$0x50];
	v9 =	vadd.f32 v10, v9;
	v10 =	vmul.f32 v6, v2  }
0x2f7: {  	v11 =	vld [tilespmem:s4+$0x50]  }
0x2f8: {  	v6 =	vld [tilespmem:s8+$0x60];
	v9 =	vadd.f32 v10, v9;
	v10 =	vmul.f32 v7, v3  }
0x2f9: {  	v12 =	vld [tilespmem:s4+$0x60]  }
0x2fa: {  	v7 =	vld [tilespmem:s8+$0x70];
	v9 =	vadd.f32 v10, v9;
	v8 =	vmul.f32 v8, v5  }
0x2fb: {  	v10 =	vld [tilespmem:s4+$0x70]  }
0x2fc: {  	v8 =	vadd.f32 v8, v9;
	v9 =	vmul.f32 v11, v4;
	_ =	sdelay $0x1  }
0x2fd: {  	v8 =	vadd.f32 v9, v8;
	v9 =	vmul.f32 v12, v6;
	_ =	sdelay $0x1  }
0x2fe: {  	v8 =	vadd.f32 v9, v8;
	v9 =	vmul.f32 v10, v7;
	_ =	sdelay $0x1  }
0x2ff: {  	v8 =	vadd.f32 v9, v8;
	_ =	sdelay $0x1  }
0x300: {  	(xrf2) =	vadd.scan.msk.f32 $0xffff, v8;
	_ =	sdelay $0x5  }
0x301: {  	v8 =	vld [tilespmem:s8+$0x80];
	_ =	sdelay $0x1  }
.Ltmp3:
0x302: {  	(pc) =	sbr.rel @p0 .LBB2_9-.Ltmp3, $4  }
0x303: {  	_ = 	snop  }
0x304: {  	v9, _, _ =	vpop (xrf2)  }
0x305: {  	(v2sf) =	vpush v9, $0xF  }
0x306: {  	(v2sf) =	vpush v8, $0x0  }
0x307: {  	_ =	sdelay $0xc  }
0x308: {  	s0 =	spop (v2sf)  }
0x309: {  	s4 =	spop (v2sf)  }
0x30a: {  	s0 =	smul.f32 s0, s4;
	_ =	sdelay $0x1  }
0x30b: {  	p0 =	slt.f32 s0, $1.000000010e-01;
	_ =	sdelay $0x1  }
0x30c: {  	s0 =	simm.s32 @p0 $0x358637BD  }
0x30d: {  	v1 =	vmul.f32 s0, v1  }
0x30e: {  	v2 =	vmul.f32 s0, v2  }
0x30f: {  	v58 =	vmul.f32 s0, v5;
	[tilespmem:s10+$0x0] =	vst v1  }
0x310: {  	v59 =	vmul.f32 s0, v6;
	[tilespmem:s10+$0x20] =	vst v2  }
0x311: {  	v60 =	vmul.f32 s0, v7;
	[tilespmem:s10+$0x40] =	vst v58  }
0x312: {  	s13 =	sadd.s32 $0x1, s13;
	v61 =	vmul.f32 s0, v3;
	[tilespmem:s10+$0x60] =	vst v59  }
0x313: {  	p0 =	sne.s32 s13, $0x48;
	v0 =	vmul.f32 s0, v0;
	[tilespmem:s10+$0x70] =	vst v60  }
.Ltmp4:
0x314: {  	v62 =	vmul.f32 s0, v8;
	[tilespmem:s10+$0x30] =	vst v61;
	(pc) =	sbr.rel @p0 .LBB2_2-.Ltmp4, $4  }
0x315: {  	v63 =	vmul.f32 s0, v4;
	[tilespmem:s10+$0x10] =	vst v0  }
0x316: {  	[tilespmem:s10+$0x80] =	vst v62  }
0x317: {  	[tilespmem:s10+$0x50] =	vst v63  }
0x318: {  	[spmem:s3] =	stream.indirect.scatter.add.f32 [tilespmem:s20], [sflag:$0x8], $0x90, s9, s21, $0xb8;
	[tilespmem:$0x1FF00] =	vst v63  }
0x319: {  	s0 =	simm.s32 $0x7  }
0x31a: {  	_ =	swait.ge [sflag:s0], $0x1440  }
0x31b: {  	[sflag:s0] =	ssyncset.done $0x0  }
0x31c: {  	s16 =	simm.s32 $0x8;
	[sflag:s0] =	ssyncadd.s32 $0xFFFFEBC0  }
0x31d: {  	_ =	swait.ge [sflag:s16], $0x1440  }
0x31e: {  	[sflag:s16] =	ssyncset.done $0x0  }
0x31f: {  	[sflag:s16] =	ssyncadd.s32 $0xFFFFEBC0  }
0x320: {  	[bflag:$0x0] =	sbarrier.arrive $0xFFFF  }
0x321: {  	s9 =	rddreg [dreg:$0x6]  }
0x322: {  	s17 =	rddreg [dreg:$0xa]  }
0x323: {  	s8 =	simm.s32 $0xD;
	s4 =	rddreg [dreg:$0xc]  }
0x324: {  	[hbm:s17], [sflag:s9] =	dma.local [spmem:s4], $0x2C70  }
0x325: {  	_ =	swait.ge [sflag:s8], $0x2C70  }
0x326: {  	s10 =	rddreg [dreg:$0xd]  }
0x327: {  	s23 =	rddreg [dreg:$0xb];
	s10 =	sadd.s32 $0x1, s10  }
0x328: {  	p0 =	sne.s32 s10, s23  }
.Ltmp5:
0x329: {  	_ = 	snop;
	(pc) =	sbr.rel @p0 .LBB2_1-.Ltmp5, $3  }
0x32a: {  	_ =	sdelay $0x1  }
0x32b: {  	[sflag:s8] =	ssyncset.done $0x0  }
0x32c: {  	[sflag:s8] =	ssyncadd.s32 $0xFFFFD390  }
0x32d: {  	_ =	sfence.sel $0x180000  }
0x32e: {  	[bflag:$0x0] =	sbarrier.arrive $0xFFFF  }
0x32f: {  	_ =	strace $0x9000004A  }
0x330: {  	s0 =	stileid.u32;
	[bflag:$0x2] =	sbarrier.arrive $0xFFFF  }
0x331: {  	p0 =	sne.s32 s0, $0x0;
	s0 =	rddreg [dreg:$0x3]  }
0x332: {  	s0 =	sadd.s32 @!p0 $0x100000, s0  }
0x333: {  	[sflag:s0] =	ssyncadd.tile.s32 @!p0 $0x1;
	_ =	shalt  }
.Lfunc_end2:
_tile_overlayer_lowered:
.L_overlay_start_2:
0x334: {  	(tag) =	ssettag $0x2  }
0x335: {  	s0 =	rddreg [dreg:$0x0];
	s2 =	stileid.u32  }
0x336: {  	s1 =	rddreg [dreg:$0x1];
	p0 =	sne.s32 s2, $0x0  }
0x337: {  	s3 =	rddreg [dreg:$0x2];
	[bflag:$0x3] =	sbarrier.arrive $0xFFFF;
	s2 =	simm.s32 @!p0 $0x1C0D  }
0x338: {  	[timem:s3], [sflag:s2] =	dma.local @!p0 [hbm:s0], s1  }
0x339: {  	s0 =	simm.s32 @!p0 $0xD  }
0x33a: {  	_ =	swait.ge @!p0 [sflag:s0], s1  }
0x33b: {  	s1 =	ssub.s32 @!p0 $0x0, s1;
	[sflag:s0] =	ssyncset.done @!p0 $0x0  }
0x33c: {  	[sflag:s0] =	ssyncadd.s32 @!p0 s1  }
0x33d: {  	[bflag:$0x3] =	sbarrier.arrive $0xFFFF  }
0x33e: {  	_ =	shalt  }

// kernel: kernel.7.cloned.1.call-start
scs
__scs_entry_jumppad:
0x0: {  	(pc) =	sbr.rel $0x88, $3  }
0x1: {  	(tag) =	ssettag $0x0;
	lr =	simm.s32 $0x1  }
0x2: {  	[smem:$0x3F99] =	sst lr;
	_ =	strace $0xD0000000  }
0x3: {  	_ = 	snop  }
0x4: {  	_ = 	snop  }
0x5: {  	_ = 	snop  }
0x6: {  	_ = 	snop  }
0x7: {  	_ = 	snop  }
__scs_overlays_trampoline_lowered:
0x8: {  	[smem:$0x3FA8] =	sst s0  }
0x9: {  	[smem:$0x3FA9] =	sst s1  }
0xa: {  	[smem:$0x3FAA] =	sst s2  }
0xb: {  	[smem:$0x3FAB] =	sst s3  }
0xc: {  	[smem:$0x3FAC] =	sst s4  }
0xd: {  	[smem:$0x3FAD] =	sst s5  }
0xe: {  	[smem:$0x3FAE] =	sst s6  }
0xf: {  	[smem:$0x3FAF] =	sst s7  }
0x10: {  	[smem:$0x3FB0] =	sst s8  }
0x11: {  	[smem:$0x3FB1] =	sst s9;
	s0 =	simm.s32 @!p0 $0x0  }
0x12: {  	s1 =	sld [smem:$0x3F97];
	s0 =	simm.s32 @p0 $0x1  }
0x13: {  	[smem:$0x3FB2] =	sst s0;
	s0 =	simm.s32 @!p1 $0x0  }
0x14: {  	s2 =	sld [smem:$0x3F96];
	s0 =	simm.s32 @p1 $0x1  }
0x15: {  	[smem:$0x3FB3] =	sst s0;
	s0 =	simm.s32 @!p2 $0x0  }
0x16: {  	s3 =	sld [smem:$0x3FDB];
	s0 =	simm.s32 @p2 $0x1  }
0x17: {  	s4 =	simm.s32 $0x1BF5;
	[smem:$0x3FB5] =	sst s0  }
0x18: {  	s0 =	sld [smem:$0x3F98];
	_ =	swait.ge [sflag:s4], $0x0  }
0x19: {  	s7 =	sld [smem:$0x3F99]  }
0x1a: {  	s8 =	sadd.s32 $0xFFFFE003, lr  }
0x1b: {  	s9 =	sadd.s32 $0xFFFFFEF7, lr;
	s5 =	simm.s32 $0xFFFFFFFF;
	p2 =	slt.u32 s8, $0xFFFFF086  }
0x1c: {  	p1 =	slt.u32 s9, $0xF7A;
	s5 =	simm.s32 @!p2 $0x0  }
0x1d: {  	s5 =	simm.s32 @p1 $0x1;
	p0 =	seq.s32 s7, s2  }
0x1e: {  	s7 =	smul.u32 @!p0 $0xF7A, s2;
	p2 =	seq.s32 @!p0 s5, $0x0  }
0x1f: {  	s9 =	smul.u32 $0xF7A, s1;
	s8 =	simm.s32 @!p0 $0x1BF5;
	p2 =	por !p2, p0  }
0x20: {  	[sflag:s8] =	ssyncset.s32 @!p0 $0xFFFFF086;
	s6 =	sadd.s32 @!p0 s3, s7;
	s7 =	simm.s32 @!p0 $0x108  }
0x21: {  	s3 =	sadd.s32 s3, s9;
	s6 =	sadd.s32 @!p0 $0x88, s6;
	s7 =	simm.s32 @p2 $0x1082  }
0x22: {  	[simem:s7], [sflag:s8] =	dma.local @!p0 [hbm:s6], $0xF7A  }
0x23: {  	s9 =	sor.u32 $0xD0000000, s2;
	s6 =	simm.s32 $0x108;
	_ =	swait.ge @!p0 [sflag:s8], $0x0  }
0x24: {  	s3 =	sadd.s32 $0x88, s3;
	s6 =	simm.s32 @!p1 $0x1082;
	[sflag:s4] =	ssyncset.s32 $0xFFFFF086  }
0x25: {  	[simem:s6], [sflag:s4] =	dma.local [hbm:s3], $0xF7A  }
0x26: {  	[smem:$0x3F99] =	sst s1;
	(tag) =	ssettag s2;
	_ =	strace s9  }
0x27: {  	s1 =	sld [smem:$0x3FA9]  }
0x28: {  	s2 =	sld [smem:$0x3FAA]  }
0x29: {  	s4 =	sld [smem:$0x3FAC]  }
0x2a: {  	p0 =	seq.s32 s5, $0x0;
	s5 =	sld [smem:$0x3FAD]  }
0x2b: {  	s6 =	sld [smem:$0x3FAE]  }
0x2c: {  	s7 =	sld [smem:$0x3FAF]  }
0x2d: {  	s3 =	simm.s32 $0x108;
	s8 =	sld [smem:$0x3FB0]  }
0x2e: {  	s3 =	simm.s32 @!p0 $0x1082;
	s9 =	sld [smem:$0x3FB1]  }
0x2f: {  	lr =	sadd.s32 s0, s3;
	s0 =	sld [smem:$0x3FA8]  }
0x30: {  	s3 =	sld [smem:$0x3FAB]  }
0x31: {  	[smem:$0x3FB4] =	sst s10  }
0x32: {  	s10 =	sld [smem:$0x3FB2];
	_ =	sdelay $0x3  }
0x33: {  	p0 =	seq.s32 s10, $0x1;
	s10 =	sld [smem:$0x3FB4];
	_ =	sdelay $0x3  }
0x34: {  	[smem:$0x3FB4] =	sst s10  }
0x35: {  	s10 =	sld [smem:$0x3FB3];
	_ =	sdelay $0x3  }
0x36: {  	p1 =	seq.s32 s10, $0x1;
	s10 =	sld [smem:$0x3FB4];
	_ =	sdelay $0x3  }
0x37: {  	[smem:$0x3FB4] =	sst s10  }
0x38: {  	s10 =	sld [smem:$0x3FB5]  }
0x39: {  	_ = 	snop;
	(pc) =	sbr.ind lr, $3  }
0x3a: {  	_ = 	snop  }
0x3b: {  	_ = 	snop  }
0x3c: {  	p2 =	seq.s32 s10, $0x1;
	s10 =	sld [smem:$0x3FB4]  }
0x3d: {  	_ =	shalt  }
0x3e: {  	_ =	shalt  }
0x3f: {  	_ =	shalt  }
0x40: {  	_ =	shalt  }
0x41: {  	_ =	shalt  }
0x42: {  	_ =	shalt  }
0x43: {  	_ =	shalt  }
0x44: {  	_ =	shalt  }
0x45: {  	_ =	shalt  }
0x46: {  	_ =	shalt  }
0x47: {  	_ =	shalt  }
0x48: {  	_ =	shalt  }
0x49: {  	_ =	shalt  }
0x4a: {  	_ =	shalt  }
0x4b: {  	_ =	shalt  }
0x4c: {  	_ =	shalt  }
0x4d: {  	_ =	shalt  }
0x4e: {  	_ =	shalt  }
0x4f: {  	_ =	shalt  }
0x50: {  	_ =	shalt  }
0x51: {  	_ =	shalt  }
0x52: {  	_ =	shalt  }
0x53: {  	_ =	shalt  }
0x54: {  	_ =	shalt  }
0x55: {  	_ =	shalt  }
0x56: {  	_ =	shalt  }
0x57: {  	_ =	shalt  }
0x58: {  	_ =	shalt  }
0x59: {  	_ =	shalt  }
0x5a: {  	_ =	shalt  }
0x5b: {  	_ =	shalt  }
0x5c: {  	_ =	shalt  }
0x5d: {  	_ =	shalt  }
0x5e: {  	_ =	shalt  }
0x5f: {  	_ =	shalt  }
0x60: {  	_ =	shalt  }
0x61: {  	_ =	shalt  }
0x62: {  	_ =	shalt  }
0x63: {  	_ =	shalt  }
0x64: {  	_ =	shalt  }
0x65: {  	_ =	shalt  }
0x66: {  	_ =	shalt  }
0x67: {  	_ =	shalt  }
0x68: {  	_ =	shalt  }
0x69: {  	_ =	shalt  }
0x6a: {  	_ =	shalt  }
0x6b: {  	_ =	shalt  }
0x6c: {  	_ =	shalt  }
0x6d: {  	_ =	shalt  }
0x6e: {  	_ =	shalt  }
0x6f: {  	_ =	shalt  }
0x70: {  	_ =	shalt  }
0x71: {  	_ =	shalt  }
0x72: {  	_ =	shalt  }
0x73: {  	_ =	shalt  }
0x74: {  	_ =	shalt  }
0x75: {  	_ =	shalt  }
0x76: {  	_ =	shalt  }
0x77: {  	_ =	shalt  }
0x78: {  	_ =	shalt  }
0x79: {  	_ =	shalt  }
0x7a: {  	_ =	shalt  }
0x7b: {  	_ =	shalt  }
0x7c: {  	_ =	shalt  }
0x7d: {  	_ =	shalt  }
0x7e: {  	_ =	shalt  }
0x7f: {  	_ =	shalt  }
0x80: {  	_ =	shalt  }
0x81: {  	_ =	shalt  }
0x82: {  	_ =	shalt  }
0x83: {  	_ =	shalt  }
0x84: {  	_ =	shalt  }
0x85: {  	_ =	shalt  }
0x86: {  	_ =	shalt  }
0x87: {  	_ =	shalt  }
.Lfunc_end0:
.L_simem_size_0:
called_computation_lowered:
.L_overlay_start_0:
0x88: {  	s2 =	sld [smem:$0x3FD9]  }
0x89: {  	s3 =	sld [smem:$0x3FFE];
	_ =	sdelay $0x1  }
0x8a: {  	s1 =	srdreg.scid  }
0x8b: {  	s0 =	sand.u32 $0x1, s1  }
0x8c: {  	s17 =	sshll.u32 s0, $0xA;
	s2 =	sadd.s32 s3, s2  }
0x8d: {  	s2 =	sadd.s32 s2, s17  }
0x8e: {  	[smem:$0x3FC0] =	sst s2  }
0x8f: {  	_ = 	snop  }
0x90: {  	s2 =	sld [smem:$0x3FD0];
	(tm) =	ssettm $0x1  }
0x91: {  	s18 =	sld [smem:$0x3FFB];
	_ =	sdelay $0x3  }
0x92: {  	_ =	strace s18  }
0x93: {  	s3 =	sld [smem:$0x3FFC];
	_ =	sdelay $0x3  }
0x94: {  	_ =	strace s3  }
0x95: {  	s3 =	sld [smem:$0x3FFD];
	_ =	sdelay $0x3  }
0x96: {  	_ =	strace s3  }
0x97: {  	_ =	strace $0x8FFFFFFF  }
0x98: {  	s19 =	sld [smem:$0x3FDB];
	_ =	sdelay $0x1  }
0x99: {  	s4 =	simm.s32 $_scs_section_size  }
0x9a: {  	s5 =	simm.s32 $_size__tile_overlayer_lowered;
	s6 =	simm.s32 $_tile_overlayer_lowered  }
0x9b: {  	s22 =	simm.s32 $0x1BFF;
	s21 =	sshll.u32 s6, $0x1;
	s3 =	sadd.s32 s4, s19  }
0x9c: {  	s7 =	simm.s32 $0x0;
	s20 =	sshll.u32 s5, $0x1;
	s5 =	sadd.s32 s21, s3  }
0x9d: {  	[timem:s7], [sflag:s22] =	dma.local [hbm:s5], s20  }
0x9e: {  	_ =	swait.ge [sflag:s22], s20  }
0x9f: {  	s4 =	ssub.s32 $0x0, s20;
	[sflag:s22] =	ssyncset.done $0x0  }
0xa0: {  	[sflag:s22] =	ssyncadd.s32 s4;
	_ =	sdelay $0x1  }
0xa1: {  	s23 =	simm.s32 $0x1B8B  }
0xa2: {  	_ =	swait.ge [sflag:s23], $0x1  }
0xa3: {  	[sflag:s23] =	ssyncset.done $0x0  }
0xa4: {  	s25 =	simm.s32 $0x1B8E;
	s24 =	sld [smem:$0x3FFE];
	[sflag:s23] =	ssyncadd.s32 $0xFFFFFFFF  }
0xa5: {  	s26 =	simm.s32 $execute0_lowered;
	[smem:$0x3FD2] =	sst s25  }
0xa6: {  	s5 =	sshll.u32 s26, $0x1;
	_ =	strace $0x80000046;
	[dreg:$0x1] =	wrdreg $0xFFFFFFFF  }
0xa7: {  	s28 =	simm.s32 $_size_execute0_lowered;
	s3 =	sadd.s32 s3, s5;
	[dreg:$0x0] =	wrdreg $0x0  }
0xa8: {  	s5 =	sshll.u32 s28, $0x1;
	[dreg:$0x2] =	wrdreg s3  }
0xa9: {  	[dreg:$0x3] =	wrdreg s5  }
0xaa: {  	[dreg:$0x4] =	wrdreg $0xC0  }
0xab: {  	_ =	task [dreg:s7], $0x5FFFF  }
0xac: {  	[dreg:$0x1] =	wrdreg $0xFFFFFFFF  }
0xad: {  	[dreg:$0x0] =	wrdreg $0x60  }
0xae: {  	[dreg:$0x2] =	wrdreg s24  }
0xaf: {  	[dreg:$0x3] =	wrdreg s2  }
0xb0: {  	[dreg:$0x4] =	wrdreg $0x9B800  }
0xb1: {  	[dreg:$0x5] =	wrdreg $0x9  }
0xb2: {  	_ =	task.clear_ibuf [dreg:s7], $0x6FFFF;
	_ =	strace $0x90000046  }
0xb3: {  	s29 =	simm.s32 $0x9;
	_ =	strace $0x80000048  }
0xb4: {  	_ =	swait.ge [sflag:s29], $0x1  }
0xb5: {  	[sflag:s29] =	ssyncadd.s32 $0xFFFFFFFF  }
0xb6: {  	_ =	strace $0x90000048  }
0xb7: {  	_ =	sfence  }
0xb8: {  	s30 =	sld [smem:$0x0];
	_ =	sdelay $0x2  }
0xb9: {  	s31 =	sshll.u32 s1, $0xD;
	s1 =	sshrl.u32 s1, $0x2  }
0xba: {  	s3 =	sand.u32 $0x4000, s31;
	s1 =	sadd.s32 s1, s30  }
0xbb: {  	s0 =	sor.u32 s3, s0;
	s1 =	sshll.u32 s1, $0x11  }
0xbc: {  	s0 =	sor.u32 s1, s0  }
0xbd: {  	s0 =	sadd.s32 $0x8F2B, s0  }
0xbe: {  	[sflag:s0] =	ssyncadd.remote.s32 $0x1  }
0xbf: {  	_ =	sfence.sel $0xFFFF  }
0xc0: {  	[dreg:$0x0] =	wrdreg $0xFFFFFFFF;
	(pc) =	sbr.abs _section_cstart, $3  }
0xc1: {  	[dreg:$0x1] =	wrdreg $0xFFFFFFFF  }
0xc2: {  	_ =	task.clear_ibuf [dreg:s7], $0x2FFFF;
	_ =	strace $0x9FFFFFFF  }
0xc3: {  	(tm) =	ssettm $0x7FFFFFFF  }
tec
execute0_lowered:
.L_overlay_start_1:
0x0: {  	(tag) =	ssettag $0x1  }
0x1: {  	s0 =	rddreg [dreg:$0x0]  }
0x2: {  	s1 =	rddreg [dreg:$0x1]  }
0x3: {  	s3 =	rddreg [dreg:$0x2];
	s4 =	simm.s32 $0x0  }
0x4: {  	s2 =	srdreg.scid;
	s10 =	stileid.u32;
	s29 =	simm.s32 $0x1  }
0x5: {  	s30 =	simm.s32 $0xB;
	s31 =	simm.s32 $0x2B00;
	s28 =	simm.s32 $0x4  }
0x6: {  	[smem:$0x7FF] =	sst s4;
	s2 =	sand.u32 $0x1, s2;
	s18 =	smul.u32 $0x16380, s10  }
0x7: {  	s5 =	sadd.s32 $0x1E00, s0;
	s6 =	sadd.s32 $0x29600, s0;
	s19 =	sadd.s32 $0x55E00, s0  }
0x8: {  	s23 =	sshll.u32 s10, $0x6;
	_ =	strace $0x80000047;
	s7 =	smul.u32 $0x163800, s2  }
0x9: {  	s8 =	sshll.u32 s2, $0x4;
	s2 =	ssub.s32 $0x2, s2;
	[dreg:$0x4] =	wrdreg s19  }
0xa: {  	s19 =	simm.s32 $0xC;
	s8 =	sor.u32 s10, s8;
	s21 =	sshrl.u32 s2, $0x1  }
0xb: {  	s4 =	sadd.s32 s18, s3;
	s10 =	simm.s32 $0x0;
	s9 =	sadd.s32 s18, s7  }
0xc: {  	s7 =	smul.u32 $0x5A00, s8;
	s2 =	ssub.s32 s2, s21;
	s4 =	sshrl.u32 s4, $0x3  }
0xd: {  	s20 =	sshrl.u32 s9, $0x3;
	s26 =	smax.u32 s2, $0x1;
	[dreg:$0xc] =	wrdreg s4  }
0xe: {  	s9 =	sor.u32 $0x1C0D, s23;
	s22 =	sshrl.u32 s7, $0x3;
	[dreg:$0xb] =	wrdreg s26  }
0xf: {  	s0 =	sadd.s32 s20, s0;
	[dreg:$0x6] =	wrdreg s9;
	s8 =	sadd.s32 s1, s22  }
0x10: {  	s21 =	simm.s32 $0x24;
	s0 =	sadd.s32 $0x58C00, s0;
	[dreg:$0x5] =	wrdreg s8  }
0x11: {  	s18 =	simm.s32 $0x6;
	s24 =	sadd.s32 $0xA, s8;
	[dreg:$0xa] =	wrdreg s0  }
0x12: {  	s2 =	simm.s32 $0x2;
	s25 =	sadd.s32 $0x14, s8;
	[dreg:$0x7] =	wrdreg s24  }
0x13: {  	s20 =	simm.s32 $0x3F40;
	s8 =	sadd.s32 $0x1E, s8;
	[dreg:$0x8] =	wrdreg s25  }
0x14: {  	s26 =	simm.s32 $0x5;
	s22 =	simm.s32 $0x280;
	[dreg:$0x9] =	wrdreg s8  }
0x15: {  	s8 =	simm.s32 $0xD;
	s25 =	simm.s32 $0x16C0;
	s24 =	simm.s32 $0x3  }
.LBB2_1:
0x16: {  	[dreg:$0xd] =	wrdreg s10  }
0x17: {  	s0 =	rddreg [dreg:$0x4]  }
0x18: {  	[spmem:s4], [sflag:s9] =	dma.local [hbm:s0], $0x2C70  }
0x19: {  	_ =	swait.ge [sflag:s8], $0x2C70  }
0x1a: {  	[sflag:s8] =	ssyncset.done $0x0  }
0x1b: {  	[sflag:s8] =	ssyncadd.s32 $0xFFFFD390  }
0x1c: {  	[bflag:$0x0] =	sbarrier.arrive $0xFFFF  }
0x1d: {  	s17 =	simm.s32 $0x0;
	s23 =	rddreg [dreg:$0x5]  }
0x1e: {  	[tilespmem:s17], [sflag:$0xD] =	stream.linear.gather [hbm4b:s23+s17], $0x50, $0x38;
	[tilespmem:$0x1FF00] =	vst v63  }
0x1f: {  	_ =	swait.ge [sflag:s8], $0x50  }
0x20: {  	[sflag:s8] =	ssyncset.done $0x0  }
0x21: {  	s10 =	simm.s32 $0x50;
	s9 =	rddreg [dreg:$0x7];
	[sflag:s8] =	ssyncadd.s32 $0xFFFFFFB0  }
0x22: {  	[tilespmem:s10], [sflag:$0xD] =	stream.linear.gather [hbm4b:s9+s17], $0x50, $0x38;
	[tilespmem:$0x1FF00] =	vst v63  }
0x23: {  	_ =	swait.ge [sflag:s8], $0x50  }
0x24: {  	[sflag:s8] =	ssyncset.done $0x0  }
0x25: {  	s12 =	simm.s32 $0xA0;
	s11 =	rddreg [dreg:$0x8];
	[sflag:s8] =	ssyncadd.s32 $0xFFFFFFB0  }
0x26: {  	[tilespmem:s12], [sflag:$0xB] =	stream.linear.gather [hbm4b:s11+s17], $0x50, $0x38;
	[tilespmem:$0x1FF00] =	vst v63  }
0x27: {  	s14 =	simm.s32 $0xF0;
	s13 =	rddreg [dreg:$0x9]  }
0x28: {  	[tilespmem:s14], [sflag:$0xC] =	stream.linear.gather [hbm4b:s13+s17], $0x50, $0x38;
	[tilespmem:$0x1FF00] =	vst v63  }
0x29: {  	_ = 	snop  }
0x2a: {  	[tilespmem:s22], [sflag:$0x1] =	stream.indirect.gather [hbm4b:s6+s21], $0x90, s17, s21, $0xb8;
	[tilespmem:$0x1FF00] =	vst v63  }
0x2b: {  	s15 =	simm.s32 $0x28;
	s16 =	simm.s32 $0x5380  }
0x2c: {  	[tilespmem:s16], [sflag:$0x1] =	stream.indirect.gather [hbm4b:s5+s21], $0x80, s15, s21, $0xb8;
	[tilespmem:$0x1FF00] =	vst v63  }
0x2d: {  	_ = 	snop  }
0x2e: {  	[tilespmem:s25], [sflag:$0x2] =	stream.indirect.gather [hbm4b:s6+s21], $0x90, s10, s21, $0xb8;
	[tilespmem:$0x1FF00] =	vst v63  }
0x2f: {  	s23 =	simm.s32 $0x6580;
	s13 =	simm.s32 $0x0;
	s17 =	simm.s32 $0x78  }
0x30: {  	[tilespmem:s23], [sflag:$0x2] =	stream.indirect.gather [hbm4b:s5+s21], $0x80, s17, s21, $0xb8;
	[tilespmem:$0x1FF00] =	vst v63  }
.LBB2_2:
0x31: {  	_ =	swait.ge [sflag:s29], $0x1440  }
0x32: {  	[sflag:s29] =	ssyncset.done $0x0  }
0x33: {  	[sflag:s29] =	ssyncadd.s32 $0xFFFFEBC0  }
0x34: {  	_ =	swait.ge [sflag:s29], $0x1200  }
0x35: {  	p1 =	seq.s32 s13, $0x0;
	[sflag:s29] =	ssyncset.done $0x0  }
0x36: {  	s4 =	simm.s32 @!p1 $0x7;
	[sflag:s29] =	ssyncadd.s32 $0xFFFFEE00  }
0x37: {  	s14 =	sshll.u32 s13, $0x2;
	_ =	swait.ge @!p1 [sflag:s4], $0x1440  }
0x38: {  	s8 =	sand.u32 $0x4, s14;
	[sflag:s4] =	ssyncset.done @!p1 $0x0  }
0x39: {  	s17 =	smul.u32 $0x140, s8;
	[sflag:s4] =	ssyncadd.s32 @!p1 $0xFFFFEBC0  }
0x3a: {  	_ =	swait.ge [sflag:s30], $0x50  }
0x3b: {  	s10 =	sshrl.u32 s17, $0x2;
	[sflag:s30] =	ssyncset.done $0x0  }
0x3c: {  	s4 =	sadd.s32 $0xA0, s10;
	[sflag:s30] =	ssyncadd.s32 $0xFFFFFFB0  }
0x3d: {  	[tilespmem:s31], [sflag:$0x3] =	stream.indirect.gather [hbm4b:s6+s21], $0x90, s4, s21, $0xb8;
	[tilespmem:$0x1FF00] =	vst v63  }
0x3e: {  	s0 =	simm.s32 $0x7780;
	p0 =	seq.s32 s13, $0x47;
	s4 =	sadd.s32 $0x4, s14  }
0x3f: {  	s15 =	sadd.s32 $0xC8, s10;
	s8 =	smul.u32 @!p0 $0x50, s4;
	s4 =	sand.u32 @!p0 $0x4, s4  }
0x40: {  	[tilespmem:s0], [sflag:$0x3] =	stream.indirect.gather [hbm4b:s5+s21], $0x80, s15, s21, $0xb8;
	[tilespmem:$0x1FF00] =	vst v63  }
0x41: {  	s4 =	smul.u32 @!p0 $0x140, s4;
	s8 =	sadd.s32 @!p0 s7, s8  }
0x42: {  	s8 =	sshrl.u32 @!p0 s8, $0x3  }
0x43: {  	s11 =	sshrl.u32 @!p0 s4, $0x2;
	s4 =	sadd.s32 @!p0 s1, s8;
	s8 =	simm.s32 @!p0 $0x0  }
0x44: {  	[tilespmem:s11], [sflag:$0x9] =	stream.linear.gather @!p0 [hbm4b:s4+s8], $0x50, $0x38;
	[tilespmem:$0x1FF00] =	vst v63  }
0x45: {  	s8 =	simm.s32 $0x310  }
0x46: {  	v0 =	vld [tilespmem:s8+$0xFFFFFF70]  }
0x47: {  	s9 =	simm.s32 $0x5400;
	v1 =	vld [tilespmem:s8+$0xFFFFFF80]  }
0x48: {  	v2 =	vld [tilespmem:s9+$0xFFFFFF80]  }
0x49: {  	v3 =	vld [tilespmem:s9+$0xFFFFFF90]  }
0x4a: {  	v4 =	vld [tilespmem:s8+$0xFFFFFF90]  }
0x4b: {  	v5 =	vld [tilespmem:s9+$0xFFFFFFA0]  }
0x4c: {  	v6 =	vld [tilespmem:s8+$0xFFFFFFA0]  }
0x4d: {  	v7 =	vld [tilespmem:s9+$0xFFFFFFB0]  }
0x4e: {  	v8 =	vld [tilespmem:s8+$0xFFFFFFB0];
	v2 =	vmul.f32 v2, v0;
	v3 =	vmul.f32 v3, v1  }
0x4f: {  	v9 =	vld [tilespmem:s9+$0xFFFFFFC0]  }
0x50: {  	v10 =	vld [tilespmem:s8+$0xFFFFFFC0];
	v2 =	vadd.f32 v3, v2;
	v3 =	vmul.f32 v5, v4  }
0x51: {  	v5 =	vld [tilespmem:s9+$0xFFFFFFD0]  }
0x52: {  	v11 =	vld [tilespmem:s8+$0xFFFFFFD0];
	v2 =	vadd.f32 v3, v2;
	v3 =	vmul.f32 v7, v6  }
0x53: {  	v7 =	vld [tilespmem:s9+$0xFFFFFFE0]  }
0x54: {  	v12 =	vld [tilespmem:s8+$0xFFFFFFE0];
	v2 =	vadd.f32 v3, v2;
	v3 =	vmul.f32 v9, v8  }
0x55: {  	v9 =	vld [tilespmem:s9+$0xFFFFFFF0]  }
0x56: {  	v2 =	vadd.f32 v3, v2;
	v3 =	vmul.f32 v5, v10;
	_ =	sdelay $0x1  }
0x57: {  	v2 =	vadd.f32 v3, v2;
	v3 =	vmul.f32 v7, v11;
	_ =	sdelay $0x1  }
0x58: {  	v2 =	vadd.f32 v3, v2;
	v3 =	vmul.f32 v9, v12;
	_ =	sdelay $0x1  }
0x59: {  	v2 =	vadd.f32 v3, v2;
	_ =	sdelay $0x1  }
0x5a: {  	(xrf2) =	vadd.scan.msk.f32 $0xffff, v2;
	_ =	sdelay $0x6  }
0x5b: {  	v2 =	vld [tilespmem:s8+$0xFFFFFFF0];
	_ =	sdelay $0x2  }
0x5c: {  	v3, _, _ =	vpop (xrf2)  }
0x5d: {  	(v2sf) =	vpush v3, $0xF  }
0x5e: {  	(v2sf) =	vpush v2, $0x0;
	_ =	sdelay $0xd  }
0x5f: {  	s23 =	spop (v2sf)  }
0x60: {  	s12 =	spop (v2sf)  }
0x61: {  	s4 =	smul.f32 s23, s12;
	_ =	sdelay $0x1  }
0x62: {  	p2 =	slt.f32 s4, $1.000000010e-01;
	_ =	sdelay $0x1  }
0x63: {  	s4 =	simm.s32 @p2 $0x358637BD  }
0x64: {  	v0 =	vmul.f32 s4, v0  }
0x65: {  	v2 =	vmul.f32 s4, v2  }
0x66: {  	v3 =	vmul.f32 s4, v4;
	[tilespmem:s8+$0xFFFFFF70] =	vst v0  }
0x67: {  	v1 =	vmul.f32 s4, v1;
	[tilespmem:s8+$0xFFFFFFF0] =	vst v2  }
0x68: {  	v0 =	vmul.f32 s4, v12;
	[tilespmem:s8+$0xFFFFFF90] =	vst v3  }
0x69: {  	v2 =	vmul.f32 s4, v6;
	[tilespmem:s8+$0xFFFFFF80] =	vst v1  }
0x6a: {  	v1 =	vmul.f32 s4, v10;
	[tilespmem:s8+$0xFFFFFFE0] =	vst v0  }
0x6b: {  	v0 =	vmul.f32 s4, v11;
	[tilespmem:s8+$0xFFFFFFA0] =	vst v2  }
0x6c: {  	v2 =	vmul.f32 s4, v8;
	[tilespmem:s8+$0xFFFFFFC0] =	vst v1  }
0x6d: {  	v1 =	vld [tilespmem:s8+$0x0];
	[tilespmem:s8+$0xFFFFFFD0] =	vst v0  }
0x6e: {  	v0 =	vld [tilespmem:s8+$0x10];
	[tilespmem:s8+$0xFFFFFFB0] =	vst v2  }
0x6f: {  	v4 =	vld [tilespmem:s9+$0x0]  }
0x70: {  	v5 =	vld [tilespmem:s9+$0x10]  }
0x71: {  	v2 =	vld [tilespmem:s8+$0x20]  }
0x72: {  	v6 =	vld [tilespmem:s9+$0x20]  }
0x73: {  	v3 =	vld [tilespmem:s8+$0x30]  }
0x74: {  	v7 =	vld [tilespmem:s9+$0x30]  }
0x75: {  	v8 =	vld [tilespmem:s9+$0x40];
	v9 =	vmul.f32 v4, v1;
	v10 =	vmul.f32 v5, v0  }
0x76: {  	v5 =	vld [tilespmem:s8+$0x40]  }
0x77: {  	v11 =	vld [tilespmem:s9+$0x50];
	v9 =	vadd.f32 v10, v9;
	v10 =	vmul.f32 v6, v2  }
0x78: {  	v4 =	vld [tilespmem:s8+$0x50]  }
0x79: {  	v63 =	vld [tilespmem:s9+$0x60];
	v9 =	vadd.f32 v10, v9;
	v10 =	vmul.f32 v7, v3  }
0x7a: {  	v6 =	vld [tilespmem:s8+$0x60]  }
0x7b: {  	v7 =	vld [tilespmem:s8+$0x70];
	v8 =	vmul.f32 v8, v5;
	v9 =	vadd.f32 v10, v9  }
0x7c: {  	v10 =	vld [tilespmem:s9+$0x70]  }
0x7d: {  	v8 =	vadd.f32 v8, v9;
	v9 =	vmul.f32 v11, v4;
	_ =	sdelay $0x1  }
0x7e: {  	v8 =	vadd.f32 v9, v8;
	v9 =	vmul.f32 v63, v6;
	_ =	sdelay $0x1  }
0x7f: {  	v8 =	vadd.f32 v9, v8;
	v9 =	vmul.f32 v10, v7;
	_ =	sdelay $0x1  }
0x80: {  	v8 =	vadd.f32 v9, v8;
	_ =	sdelay $0x1  }
0x81: {  	(xrf2) =	vadd.scan.msk.f32 $0xffff, v8;
	_ =	sdelay $0x6  }
0x82: {  	v8 =	vld [tilespmem:s8+$0x80];
	_ =	sdelay $0x2  }
0x83: {  	v9, _, _ =	vpop (xrf2)  }
0x84: {  	(v2sf) =	vpush v9, $0xF  }
0x85: {  	s16 =	simm.s32 $0x0;
	s4 =	simm.s32 $0x310;
	(v2sf) =	vpush v8, $0x0  }
.LBB2_3:
0x86: {  	_ =	sdelay $0xa  }
0x87: {  	s16 =	sadd.s32 $0x2, s16;
	s8 =	sadd.s32 $0x120, s8;
	s9 =	sadd.s32 $0x100, s9  }
0x88: {  	p2 =	slt.u32 s16, $0x22  }
0x89: {  	s12 =	spop (v2sf)  }
0x8a: {  	s17 =	spop (v2sf)  }
0x8b: {  	s12 =	smul.f32 s12, s17;
	_ =	sdelay $0x1  }
0x8c: {  	p3 =	slt.f32 s12, $1.000000010e-01;
	_ =	sdelay $0x1  }
0x8d: {  	s12 =	simm.s32 @p3 $0x358637BD  }
0x8e: {  	v1 =	vmul.f32 s12, v1;
	v0 =	vmul.f32 s12, v0  }
0x8f: {  	v2 =	vmul.f32 s12, v2;
	v3 =	vmul.f32 s12, v3  }
0x90: {  	v4 =	vmul.f32 s12, v4;
	[tilespmem:s4+$0x0] =	vst v1;
	v1 =	vmul.f32 s12, v5  }
0x91: {  	v5 =	vmul.f32 s12, v7;
	[tilespmem:s4+$0x20] =	vst v2;
	v2 =	vmul.f32 s12, v6  }
0x92: {  	[tilespmem:s4+$0x40] =	vst v1;
	v1 =	vmul.f32 s12, v8  }
0x93: {  	[tilespmem:s4+$0x60] =	vst v2  }
0x94: {  	[tilespmem:s4+$0x70] =	vst v5  }
0x95: {  	[tilespmem:s4+$0x30] =	vst v3  }
0x96: {  	[tilespmem:s4+$0x10] =	vst v0  }
0x97: {  	v0 =	vld [tilespmem:s8+$0xFFFFFF70];
	[tilespmem:s4+$0x80] =	vst v1  }
0x98: {  	v1 =	vld [tilespmem:s8+$0xFFFFFF80];
	[tilespmem:s4+$0x50] =	vst v4;
	s4 =	smov.u32 s8  }
0x99: {  	v2 =	vld [tilespmem:s9+$0xFFFFFF80]  }
0x9a: {  	v3 =	vld [tilespmem:s9+$0xFFFFFF90]  }
0x9b: {  	v4 =	vld [tilespmem:s8+$0xFFFFFF90]  }
0x9c: {  	v5 =	vld [tilespmem:s9+$0xFFFFFFA0]  }
0x9d: {  	v6 =	vld [tilespmem:s8+$0xFFFFFFA0]  }
0x9e: {  	v7 =	vld [tilespmem:s9+$0xFFFFFFB0]  }
0x9f: {  	v2 =	vmul.f32 v2, v0;
	v8 =	vld [tilespmem:s8+$0xFFFFFFB0];
	v3 =	vmul.f32 v3, v1  }
0xa0: {  	v9 =	vld [tilespmem:s9+$0xFFFFFFC0]  }
0xa1: {  	v10 =	vld [tilespmem:s8+$0xFFFFFFC0];
	v2 =	vadd.f32 v3, v2;
	v3 =	vmul.f32 v5, v4  }
0xa2: {  	v5 =	vld [tilespmem:s9+$0xFFFFFFD0]  }
0xa3: {  	v11 =	vld [tilespmem:s8+$0xFFFFFFD0];
	v2 =	vadd.f32 v3, v2;
	v3 =	vmul.f32 v7, v6  }
0xa4: {  	v7 =	vld [tilespmem:s9+$0xFFFFFFE0]  }
0xa5: {  	v12 =	vld [tilespmem:s8+$0xFFFFFFE0];
	v2 =	vadd.f32 v3, v2;
	v3 =	vmul.f32 v9, v8  }
0xa6: {  	v9 =	vld [tilespmem:s9+$0xFFFFFFF0]  }
0xa7: {  	v2 =	vadd.f32 v3, v2;
	v3 =	vmul.f32 v5, v10;
	_ =	sdelay $0x1  }
0xa8: {  	v2 =	vadd.f32 v3, v2;
	v3 =	vmul.f32 v7, v11;
	_ =	sdelay $0x1  }
0xa9: {  	v2 =	vadd.f32 v3, v2;
	v3 =	vmul.f32 v9, v12;
	_ =	sdelay $0x1  }
0xaa: {  	v2 =	vadd.f32 v3, v2;
	_ =	sdelay $0x1  }
0xab: {  	(xrf2) =	vadd.scan.msk.f32 $0xffff, v2;
	_ =	sdelay $0x5  }
0xac: {  	v2 =	vld [tilespmem:s8+$0xFFFFFFF0];
	_ =	sdelay $0x3  }
0xad: {  	v3, _, _ =	vpop (xrf2)  }
0xae: {  	(v2sf) =	vpush v3, $0xF  }
0xaf: {  	(v2sf) =	vpush v2, $0x0;
	_ =	sdelay $0xd  }
0xb0: {  	s12 =	spop (v2sf)  }
0xb1: {  	s17 =	spop (v2sf)  }
0xb2: {  	s12 =	smul.f32 s12, s17;
	_ =	sdelay $0x1  }
0xb3: {  	p3 =	slt.f32 s12, $1.000000010e-01;
	_ =	sdelay $0x1  }
0xb4: {  	s12 =	simm.s32 @p3 $0x358637BD  }
0xb5: {  	v0 =	vmul.f32 s12, v0;
	v2 =	vmul.f32 s12, v2  }
0xb6: {  	v1 =	vmul.f32 s12, v1;
	v3 =	vmul.f32 s12, v4  }
0xb7: {  	v4 =	vmul.f32 s12, v8;
	v5 =	vmul.f32 s12, v10;
	[tilespmem:s8+$0xFFFFFF70] =	vst v0  }
0xb8: {  	v0 =	vmul.f32 s12, v6;
	v6 =	vmul.f32 s12, v12;
	[tilespmem:s8+$0xFFFFFFF0] =	vst v2  }
0xb9: {  	v2 =	vmul.f32 s12, v11;
	[tilespmem:s8+$0xFFFFFF90] =	vst v3  }
0xba: {  	[tilespmem:s8+$0xFFFFFFE0] =	vst v6  }
0xbb: {  	[tilespmem:s8+$0xFFFFFF80] =	vst v1  }
0xbc: {  	[tilespmem:s8+$0xFFFFFFA0] =	vst v0  }
0xbd: {  	[tilespmem:s8+$0xFFFFFFD0] =	vst v2;
	v0 =	vld [tilespmem:s8+$0x10]  }
0xbe: {  	[tilespmem:s8+$0xFFFFFFC0] =	vst v5;
	v1 =	vld [tilespmem:s8+$0x0]  }
0xbf: {  	[tilespmem:s8+$0xFFFFFFB0] =	vst v4;
	v2 =	vld [tilespmem:s8+$0x20]  }
0xc0: {  	v4 =	vld [tilespmem:s9+$0x0]  }
0xc1: {  	v5 =	vld [tilespmem:s9+$0x10]  }
0xc2: {  	v6 =	vld [tilespmem:s9+$0x20]  }
0xc3: {  	v7 =	vld [tilespmem:s9+$0x30]  }
0xc4: {  	v8 =	vld [tilespmem:s9+$0x40]  }
0xc5: {  	v3 =	vld [tilespmem:s8+$0x30]  }
0xc6: {  	v9 =	vmul.f32 v4, v1;
	v10 =	vmul.f32 v5, v0  }
0xc7: {  	v5 =	vld [tilespmem:s8+$0x40]  }
0xc8: {  	v4 =	vld [tilespmem:s8+$0x50];
	v9 =	vadd.f32 v10, v9;
	v10 =	vmul.f32 v6, v2  }
0xc9: {  	v11 =	vld [tilespmem:s9+$0x50]  }
0xca: {  	v6 =	vld [tilespmem:s8+$0x60];
	v9 =	vadd.f32 v10, v9;
	v10 =	vmul.f32 v7, v3  }
0xcb: {  	v12 =	vld [tilespmem:s9+$0x60]  }
0xcc: {  	v7 =	vld [tilespmem:s8+$0x70];
	v9 =	vadd.f32 v10, v9;
	v8 =	vmul.f32 v8, v5  }
0xcd: {  	v10 =	vld [tilespmem:s9+$0x70]  }
0xce: {  	v8 =	vadd.f32 v8, v9;
	v9 =	vmul.f32 v11, v4;
	_ =	sdelay $0x1  }
0xcf: {  	v8 =	vadd.f32 v9, v8;
	v9 =	vmul.f32 v12, v6;
	_ =	sdelay $0x1  }
0xd0: {  	v8 =	vadd.f32 v9, v8;
	v9 =	vmul.f32 v10, v7;
	_ =	sdelay $0x1  }
0xd1: {  	v8 =	vadd.f32 v9, v8;
	_ =	sdelay $0x1  }
0xd2: {  	(xrf2) =	vadd.scan.msk.f32 $0xffff, v8;
	_ =	sdelay $0x5  }
0xd3: {  	v8 =	vld [tilespmem:s8+$0x80];
	_ =	sdelay $0x1  }
.Ltmp0:
0xd4: {  	(pc) =	sbr.rel @p2 .LBB2_3-.Ltmp0, $4  }
0xd5: {  	_ = 	snop  }
0xd6: {  	v9, _, _ =	vpop (xrf2)  }
0xd7: {  	(v2sf) =	vpush v9, $0xF  }
0xd8: {  	(v2sf) =	vpush v8, $0x0  }
0xd9: {  	_ =	sdelay $0xc  }
0xda: {  	s8 =	spop (v2sf)  }
0xdb: {  	s9 =	spop (v2sf)  }
0xdc: {  	s8 =	smul.f32 s8, s9;
	_ =	sdelay $0x1  }
0xdd: {  	p2 =	slt.f32 s8, $1.000000010e-01;
	_ =	sdelay $0x1  }
0xde: {  	s8 =	simm.s32 @p2 $0x358637BD  }
0xdf: {  	v1 =	vmul.f32 s8, v1  }
0xe0: {  	v2 =	vmul.f32 s8, v2  }
0xe1: {  	v0 =	vmul.f32 s8, v0;
	[tilespmem:s4+$0x0] =	vst v1  }
0xe2: {  	v1 =	vmul.f32 s8, v5;
	[tilespmem:s4+$0x20] =	vst v2  }
0xe3: {  	v2 =	vmul.f32 s8, v6;
	[tilespmem:s4+$0x10] =	vst v0  }
0xe4: {  	v5 =	vmul.f32 s8, v7;
	[tilespmem:s4+$0x40] =	vst v1  }
0xe5: {  	v1 =	vmul.f32 s8, v3;
	[tilespmem:s4+$0x60] =	vst v2  }
0xe6: {  	[tilespmem:s4+$0x70] =	vst v5;
	v2 =	vmul.f32 s8, v8  }
0xe7: {  	[tilespmem:s4+$0x30] =	vst v1;
	v1 =	vmul.f32 s8, v4  }
0xe8: {  	[tilespmem:s4+$0x80] =	vst v2  }
0xe9: {  	s16 =	sadd.s32 $0x28, s10;
	[tilespmem:s4+$0x50] =	vst v1  }
0xea: {  	[spmem:s3] =	stream.indirect.scatter.add.f32 [tilespmem:s22], [sflag:$0x5], $0x90, s16, s21, $0xb8;
	[tilespmem:$0x1FF00] =	vst v63  }
0xeb: {  	_ =	swait.ge [sflag:s2], $0x1440  }
0xec: {  	[sflag:s2] =	ssyncset.done $0x0  }
0xed: {  	[sflag:s2] =	ssyncadd.s32 $0xFFFFEBC0  }
0xee: {  	_ =	swait.ge [sflag:s2], $0x1200  }
0xef: {  	[sflag:s2] =	ssyncset.done $0x0  }
0xf0: {  	s4 =	simm.s32 @!p1 $0x8;
	[sflag:s2] =	ssyncadd.s32 $0xFFFFEE00  }
0xf1: {  	_ =	swait.ge @!p1 [sflag:s4], $0x1440  }
0xf2: {  	[sflag:s4] =	ssyncset.done @!p1 $0x0  }
0xf3: {  	[sflag:s4] =	ssyncadd.s32 @!p1 $0xFFFFEBC0;
	s4 =	sadd.s32 $0x5, s14  }
0xf4: {  	s17 =	sadd.s32 $0xF0, s10;
	_ =	swait.ge [sflag:s19], $0x50;
	s8 =	smul.u32 @!p0 $0x50, s4  }
0xf5: {  	s0 =	simm.s32 $0x8980;
	s9 =	sadd.s32 $0x118, s10;
	[sflag:s19] =	ssyncset.done $0x0  }
0xf6: {  	s4 =	sand.u32 @!p0 $0x5, s4;
	[sflag:s19] =	ssyncadd.s32 $0xFFFFFFB0;
	s8 =	sadd.s32 @!p0 s7, s8  }
0xf7: {  	[tilespmem:s20], [sflag:$0x4] =	stream.indirect.gather [hbm4b:s6+s21], $0x90, s17, s21, $0xb8;
	[tilespmem:$0x1FF00] =	vst v63  }
0xf8: {  	s16 =	simm.s32 $0x1750;
	s4 =	smul.u32 @!p0 $0x140, s4;
	s12 =	sshrl.u32 @!p0 s8, $0x3  }
0xf9: {  	[tilespmem:s0], [sflag:$0x4] =	stream.indirect.gather [hbm4b:s5+s21], $0x80, s9, s21, $0xb8;
	[tilespmem:$0x1FF00] =	vst v63  }
0xfa: {  	s8 =	sshrl.u32 @!p0 s4, $0x2;
	s4 =	sadd.s32 @!p0 s1, s12;
	s12 =	simm.s32 @!p0 $0x0  }
0xfb: {  	[tilespmem:s8], [sflag:$0xA] =	stream.linear.gather @!p0 [hbm4b:s4+s12], $0x50, $0x38;
	[tilespmem:$0x1FF00] =	vst v63  }
0xfc: {  	v0 =	vld [tilespmem:s16+$0xFFFFFF70]  }
0xfd: {  	s4 =	simm.s32 $0x6600;
	v1 =	vld [tilespmem:s16+$0xFFFFFF80]  }
0xfe: {  	v2 =	vld [tilespmem:s4+$0xFFFFFF80]  }
0xff: {  	v3 =	vld [tilespmem:s4+$0xFFFFFF90]  }
0x100: {  	v4 =	vld [tilespmem:s16+$0xFFFFFF90]  }
0x101: {  	v5 =	vld [tilespmem:s4+$0xFFFFFFA0]  }
0x102: {  	v6 =	vld [tilespmem:s16+$0xFFFFFFA0]  }
0x103: {  	v7 =	vld [tilespmem:s4+$0xFFFFFFB0]  }
0x104: {  	v8 =	vld [tilespmem:s16+$0xFFFFFFB0];
	v2 =	vmul.f32 v2, v0;
	v3 =	vmul.f32 v3, v1  }
0x105: {  	v9 =	vld [tilespmem:s4+$0xFFFFFFC0]  }
0x106: {  	v10 =	vld [tilespmem:s16+$0xFFFFFFC0];
	v2 =	vadd.f32 v3, v2;
	v3 =	vmul.f32 v5, v4  }
0x107: {  	v5 =	vld [tilespmem:s4+$0xFFFFFFD0]  }
0x108: {  	v11 =	vld [tilespmem:s16+$0xFFFFFFD0];
	v2 =	vadd.f32 v3, v2;
	v3 =	vmul.f32 v7, v6  }
0x109: {  	v7 =	vld [tilespmem:s4+$0xFFFFFFE0]  }
0x10a: {  	v12 =	vld [tilespmem:s16+$0xFFFFFFE0];
	v2 =	vadd.f32 v3, v2;
	v3 =	vmul.f32 v9, v8  }
0x10b: {  	v9 =	vld [tilespmem:s4+$0xFFFFFFF0]  }
0x10c: {  	v2 =	vadd.f32 v3, v2;
	v3 =	vmul.f32 v5, v10;
	_ =	sdelay $0x1  }
0x10d: {  	v2 =	vadd.f32 v3, v2;
	v3 =	vmul.f32 v7, v11;
	_ =	sdelay $0x1  }
0x10e: {  	v2 =	vadd.f32 v3, v2;
	v3 =	vmul.f32 v9, v12;
	_ =	sdelay $0x1  }
0x10f: {  	v2 =	vadd.f32 v3, v2;
	_ =	sdelay $0x1  }
0x110: {  	(xrf2) =	vadd.scan.msk.f32 $0xffff, v2;
	_ =	sdelay $0x6  }
0x111: {  	v2 =	vld [tilespmem:s16+$0xFFFFFFF0];
	_ =	sdelay $0x2  }
0x112: {  	v3, _, _ =	vpop (xrf2)  }
0x113: {  	(v2sf) =	vpush v3, $0xF  }
0x114: {  	(v2sf) =	vpush v2, $0x0;
	_ =	sdelay $0xd  }
0x115: {  	s23 =	spop (v2sf)  }
0x116: {  	s17 =	spop (v2sf)  }
0x117: {  	s12 =	smul.f32 s23, s17;
	_ =	sdelay $0x1  }
0x118: {  	p1 =	slt.f32 s12, $1.000000010e-01;
	_ =	sdelay $0x1  }
0x119: {  	s12 =	simm.s32 @p1 $0x358637BD  }
0x11a: {  	v0 =	vmul.f32 s12, v0  }
0x11b: {  	v2 =	vmul.f32 s12, v2  }
0x11c: {  	v3 =	vmul.f32 s12, v4;
	[tilespmem:s16+$0xFFFFFF70] =	vst v0  }
0x11d: {  	v1 =	vmul.f32 s12, v1;
	[tilespmem:s16+$0xFFFFFFF0] =	vst v2  }
0x11e: {  	v0 =	vmul.f32 s12, v12;
	[tilespmem:s16+$0xFFFFFF90] =	vst v3  }
0x11f: {  	v2 =	vmul.f32 s12, v6;
	[tilespmem:s16+$0xFFFFFF80] =	vst v1  }
0x120: {  	v1 =	vmul.f32 s12, v10;
	[tilespmem:s16+$0xFFFFFFE0] =	vst v0  }
0x121: {  	v0 =	vmul.f32 s12, v11;
	[tilespmem:s16+$0xFFFFFFA0] =	vst v2  }
0x122: {  	v2 =	vmul.f32 s12, v8;
	[tilespmem:s16+$0xFFFFFFC0] =	vst v1  }
0x123: {  	v1 =	vld [tilespmem:s16+$0x0];
	[tilespmem:s16+$0xFFFFFFD0] =	vst v0  }
0x124: {  	v0 =	vld [tilespmem:s16+$0x10];
	[tilespmem:s16+$0xFFFFFFB0] =	vst v2  }
0x125: {  	v4 =	vld [tilespmem:s4+$0x0]  }
0x126: {  	v5 =	vld [tilespmem:s4+$0x10]  }
0x127: {  	v2 =	vld [tilespmem:s16+$0x20]  }
0x128: {  	v6 =	vld [tilespmem:s4+$0x20]  }
0x129: {  	v3 =	vld [tilespmem:s16+$0x30]  }
0x12a: {  	v7 =	vld [tilespmem:s4+$0x30]  }
0x12b: {  	v8 =	vld [tilespmem:s4+$0x40];
	v9 =	vmul.f32 v4, v1;
	v10 =	vmul.f32 v5, v0  }
0x12c: {  	v5 =	vld [tilespmem:s16+$0x40]  }
0x12d: {  	v11 =	vld [tilespmem:s4+$0x50];
	v9 =	vadd.f32 v10, v9;
	v10 =	vmul.f32 v6, v2  }
0x12e: {  	v4 =	vld [tilespmem:s16+$0x50]  }
0x12f: {  	v63 =	vld [tilespmem:s4+$0x60];
	v9 =	vadd.f32 v10, v9;
	v10 =	vmul.f32 v7, v3  }
0x130: {  	v6 =	vld [tilespmem:s16+$0x60]  }
0x131: {  	v7 =	vld [tilespmem:s16+$0x70];
	v8 =	vmul.f32 v8, v5;
	v9 =	vadd.f32 v10, v9  }
0x132: {  	v10 =	vld [tilespmem:s4+$0x70]  }
0x133: {  	v8 =	vadd.f32 v8, v9;
	v9 =	vmul.f32 v11, v4;
	_ =	sdelay $0x1  }
0x134: {  	v8 =	vadd.f32 v9, v8;
	v9 =	vmul.f32 v63, v6;
	_ =	sdelay $0x1  }
0x135: {  	v8 =	vadd.f32 v9, v8;
	v9 =	vmul.f32 v10, v7;
	_ =	sdelay $0x1  }
0x136: {  	v8 =	vadd.f32 v9, v8;
	_ =	sdelay $0x1  }
0x137: {  	(xrf2) =	vadd.scan.msk.f32 $0xffff, v8;
	_ =	sdelay $0x6  }
0x138: {  	v8 =	vld [tilespmem:s16+$0x80];
	_ =	sdelay $0x2  }
0x139: {  	v9, _, _ =	vpop (xrf2)  }
0x13a: {  	(v2sf) =	vpush v9, $0xF  }
0x13b: {  	s17 =	simm.s32 $0x1750;
	s12 =	simm.s32 $0x0;
	(v2sf) =	vpush v8, $0x0  }
.LBB2_5:
0x13c: {  	_ =	sdelay $0xa  }
0x13d: {  	s12 =	sadd.s32 $0x2, s12;
	s16 =	sadd.s32 $0x120, s16;
	s4 =	sadd.s32 $0x100, s4  }
0x13e: {  	p1 =	slt.u32 s12, $0x22  }
0x13f: {  	s0 =	spop (v2sf)  }
0x140: {  	s23 =	spop (v2sf)  }
0x141: {  	s0 =	smul.f32 s0, s23;
	_ =	sdelay $0x1  }
0x142: {  	p2 =	slt.f32 s0, $1.000000010e-01;
	_ =	sdelay $0x1  }
0x143: {  	s0 =	simm.s32 @p2 $0x358637BD  }
0x144: {  	v1 =	vmul.f32 s0, v1;
	v0 =	vmul.f32 s0, v0  }
0x145: {  	v2 =	vmul.f32 s0, v2;
	v3 =	vmul.f32 s0, v3  }
0x146: {  	v4 =	vmul.f32 s0, v4;
	[tilespmem:s17+$0x0] =	vst v1;
	v1 =	vmul.f32 s0, v5  }
0x147: {  	v5 =	vmul.f32 s0, v7;
	[tilespmem:s17+$0x20] =	vst v2;
	v2 =	vmul.f32 s0, v6  }
0x148: {  	[tilespmem:s17+$0x40] =	vst v1;
	v1 =	vmul.f32 s0, v8  }
0x149: {  	[tilespmem:s17+$0x60] =	vst v2  }
0x14a: {  	[tilespmem:s17+$0x70] =	vst v5  }
0x14b: {  	[tilespmem:s17+$0x30] =	vst v3  }
0x14c: {  	[tilespmem:s17+$0x10] =	vst v0  }
0x14d: {  	v0 =	vld [tilespmem:s16+$0xFFFFFF70];
	[tilespmem:s17+$0x80] =	vst v1  }
0x14e: {  	v1 =	vld [tilespmem:s16+$0xFFFFFF80];
	[tilespmem:s17+$0x50] =	vst v4;
	s17 =	smov.u32 s16  }
0x14f: {  	v2 =	vld [tilespmem:s4+$0xFFFFFF80]  }
0x150: {  	v3 =	vld [tilespmem:s4+$0xFFFFFF90]  }
0x151: {  	v4 =	vld [tilespmem:s16+$0xFFFFFF90]  }
0x152: {  	v5 =	vld [tilespmem:s4+$0xFFFFFFA0]  }
0x153: {  	v6 =	vld [tilespmem:s16+$0xFFFFFFA0]  }
0x154: {  	v7 =	vld [tilespmem:s4+$0xFFFFFFB0]  }
0x155: {  	v2 =	vmul.f32 v2, v0;
	v8 =	vld [tilespmem:s16+$0xFFFFFFB0];
	v3 =	vmul.f32 v3, v1  }
0x156: {  	v9 =	vld [tilespmem:s4+$0xFFFFFFC0]  }
0x157: {  	v10 =	vld [tilespmem:s16+$0xFFFFFFC0];
	v2 =	vadd.f32 v3, v2;
	v3 =	vmul.f32 v5, v4  }
0x158: {  	v5 =	vld [tilespmem:s4+$0xFFFFFFD0]  }
0x159: {  	v11 =	vld [tilespmem:s16+$0xFFFFFFD0];
	v2 =	vadd.f32 v3, v2;
	v3 =	vmul.f32 v7, v6  }
0x15a: {  	v7 =	vld [tilespmem:s4+$0xFFFFFFE0]  }
0x15b: {  	v12 =	vld [tilespmem:s16+$0xFFFFFFE0];
	v2 =	vadd.f32 v3, v2;
	v3 =	vmul.f32 v9, v8  }
0x15c: {  	v9 =	vld [tilespmem:s4+$0xFFFFFFF0]  }
0x15d: {  	v2 =	vadd.f32 v3, v2;
	v3 =	vmul.f32 v5, v10;
	_ =	sdelay $0x1  }
0x15e: {  	v2 =	vadd.f32 v3, v2;
	v3 =	vmul.f32 v7, v11;
	_ =	sdelay $0x1  }
0x15f: {  	v2 =	vadd.f32 v3, v2;
	v3 =	vmul.f32 v9, v12;
	_ =	sdelay $0x1  }
0x160: {  	v2 =	vadd.f32 v3, v2;
	_ =	sdelay $0x1  }
0x161: {  	(xrf2) =	vadd.scan.msk.f32 $0xffff, v2;
	_ =	sdelay $0x5  }
0x162: {  	v2 =	vld [tilespmem:s16+$0xFFFFFFF0];
	_ =	sdelay $0x3  }
0x163: {  	v3, _, _ =	vpop (xrf2)  }
0x164: {  	(v2sf) =	vpush v3, $0xF  }
0x165: {  	(v2sf) =	vpush v2, $0x0;
	_ =	sdelay $0xd  }
0x166: {  	s0 =	spop (v2sf)  }
0x167: {  	s23 =	spop (v2sf)  }
0x168: {  	s0 =	smul.f32 s0, s23;
	_ =	sdelay $0x1  }
0x169: {  	p2 =	slt.f32 s0, $1.000000010e-01;
	_ =	sdelay $0x1  }
0x16a: {  	s0 =	simm.s32 @p2 $0x358637BD  }
0x16b: {  	v0 =	vmul.f32 s0, v0;
	v2 =	vmul.f32 s0, v2  }
0x16c: {  	v1 =	vmul.f32 s0, v1;
	v3 =	vmul.f32 s0, v4  }
0x16d: {  	v4 =	vmul.f32 s0, v8;
	v5 =	vmul.f32 s0, v10;
	[tilespmem:s16+$0xFFFFFF70] =	vst v0  }
0x16e: {  	v0 =	vmul.f32 s0, v6;
	v6 =	vmul.f32 s0, v12;
	[tilespmem:s16+$0xFFFFFFF0] =	vst v2  }
0x16f: {  	v2 =	vmul.f32 s0, v11;
	[tilespmem:s16+$0xFFFFFF90] =	vst v3  }
0x170: {  	[tilespmem:s16+$0xFFFFFFE0] =	vst v6  }
0x171: {  	[tilespmem:s16+$0xFFFFFF80] =	vst v1  }
0x172: {  	[tilespmem:s16+$0xFFFFFFA0] =	vst v0  }
0x173: {  	[tilespmem:s16+$0xFFFFFFD0] =	vst v2;
	v0 =	vld [tilespmem:s16+$0x10]  }
0x174: {  	[tilespmem:s16+$0xFFFFFFC0] =	vst v5;
	v1 =	vld [tilespmem:s16+$0x0]  }
0x175: {  	[tilespmem:s16+$0xFFFFFFB0] =	vst v4;
	v2 =	vld [tilespmem:s16+$0x20]  }
0x176: {  	v4 =	vld [tilespmem:s4+$0x0]  }
0x177: {  	v5 =	vld [tilespmem:s4+$0x10]  }
0x178: {  	v6 =	vld [tilespmem:s4+$0x20]  }
0x179: {  	v7 =	vld [tilespmem:s4+$0x30]  }
0x17a: {  	v8 =	vld [tilespmem:s4+$0x40]  }
0x17b: {  	v3 =	vld [tilespmem:s16+$0x30]  }
0x17c: {  	v9 =	vmul.f32 v4, v1;
	v10 =	vmul.f32 v5, v0  }
0x17d: {  	v5 =	vld [tilespmem:s16+$0x40]  }
0x17e: {  	v4 =	vld [tilespmem:s16+$0x50];
	v9 =	vadd.f32 v10, v9;
	v10 =	vmul.f32 v6, v2  }
0x17f: {  	v11 =	vld [tilespmem:s4+$0x50]  }
0x180: {  	v6 =	vld [tilespmem:s16+$0x60];
	v9 =	vadd.f32 v10, v9;
	v10 =	vmul.f32 v7, v3  }
0x181: {  	v12 =	vld [tilespmem:s4+$0x60]  }
0x182: {  	v7 =	vld [tilespmem:s16+$0x70];
	v9 =	vadd.f32 v10, v9;
	v8 =	vmul.f32 v8, v5  }
0x183: {  	v10 =	vld [tilespmem:s4+$0x70]  }
0x184: {  	v8 =	vadd.f32 v8, v9;
	v9 =	vmul.f32 v11, v4;
	_ =	sdelay $0x1  }
0x185: {  	v8 =	vadd.f32 v9, v8;
	v9 =	vmul.f32 v12, v6;
	_ =	sdelay $0x1  }
0x186: {  	v8 =	vadd.f32 v9, v8;
	v9 =	vmul.f32 v10, v7;
	_ =	sdelay $0x1  }
0x187: {  	v8 =	vadd.f32 v9, v8;
	_ =	sdelay $0x1  }
0x188: {  	(xrf2) =	vadd.scan.msk.f32 $0xffff, v8;
	_ =	sdelay $0x5  }
0x189: {  	v8 =	vld [tilespmem:s16+$0x80];
	_ =	sdelay $0x1  }
.Ltmp1:
0x18a: {  	(pc) =	sbr.rel @p1 .LBB2_5-.Ltmp1, $4  }
0x18b: {  	_ = 	snop  }
0x18c: {  	v9, _, _ =	vpop (xrf2)  }
0x18d: {  	(v2sf) =	vpush v9, $0xF  }
0x18e: {  	(v2sf) =	vpush v8, $0x0  }
0x18f: {  	_ =	sdelay $0xc  }
0x190: {  	s0 =	spop (v2sf)  }
0x191: {  	s4 =	spop (v2sf)  }
0x192: {  	s0 =	smul.f32 s0, s4;
	_ =	sdelay $0x1  }
0x193: {  	p1 =	slt.f32 s0, $1.000000010e-01;
	_ =	sdelay $0x1  }
0x194: {  	s0 =	simm.s32 @p1 $0x358637BD  }
0x195: {  	v1 =	vmul.f32 s0, v1  }
0x196: {  	v2 =	vmul.f32 s0, v2  }
0x197: {  	v0 =	vmul.f32 s0, v0;
	[tilespmem:s17+$0x0] =	vst v1  }
0x198: {  	v1 =	vmul.f32 s0, v5;
	[tilespmem:s17+$0x20] =	vst v2  }
0x199: {  	v2 =	vmul.f32 s0, v6;
	[tilespmem:s17+$0x10] =	vst v0  }
0x19a: {  	v5 =	vmul.f32 s0, v7;
	[tilespmem:s17+$0x40] =	vst v1  }
0x19b: {  	v1 =	vmul.f32 s0, v3;
	[tilespmem:s17+$0x60] =	vst v2  }
0x19c: {  	[tilespmem:s17+$0x70] =	vst v5;
	v2 =	vmul.f32 s0, v8  }
0x19d: {  	[tilespmem:s17+$0x30] =	vst v1;
	v1 =	vmul.f32 s0, v4  }
0x19e: {  	[tilespmem:s17+$0x80] =	vst v2  }
0x19f: {  	s16 =	sadd.s32 $0x78, s10;
	[tilespmem:s17+$0x50] =	vst v1  }
0x1a0: {  	[spmem:s3] =	stream.indirect.scatter.add.f32 [tilespmem:s25], [sflag:$0x6], $0x90, s16, s21, $0xb8;
	[tilespmem:$0x1FF00] =	vst v63  }
0x1a1: {  	_ =	swait.ge [sflag:s24], $0x1440  }
0x1a2: {  	[sflag:s24] =	ssyncset.done $0x0  }
0x1a3: {  	[sflag:s24] =	ssyncadd.s32 $0xFFFFEBC0  }
0x1a4: {  	_ =	swait.ge [sflag:s24], $0x1200  }
0x1a5: {  	[sflag:s24] =	ssyncset.done $0x0  }
0x1a6: {  	[sflag:s24] =	ssyncadd.s32 $0xFFFFEE00  }
0x1a7: {  	_ =	swait.ge [sflag:s26], $0x1440  }
0x1a8: {  	[sflag:s26] =	ssyncset.done $0x0  }
0x1a9: {  	s0 =	simm.s32 @!p0 $0x9;
	[sflag:s26] =	ssyncadd.s32 $0xFFFFEBC0  }
0x1aa: {  	_ =	swait.ge @!p0 [sflag:s0], $0x50  }
0x1ab: {  	[sflag:s0] =	ssyncset.done @!p0 $0x0  }
0x1ac: {  	s4 =	simm.s32 @!p0 $0x280;
	[sflag:s0] =	ssyncadd.s32 @!p0 $0xFFFFFFB0;
	s0 =	simm.s32 @!p0 $0x24  }
0x1ad: {  	[tilespmem:s4], [sflag:$0x1] =	stream.indirect.gather @!p0 [hbm4b:s6+s0], $0x90, s11, s0, $0xb8;
	[tilespmem:$0x1FF00] =	vst v63  }
0x1ae: {  	s10 =	simm.s32 @!p0 $0x5380;
	s4 =	sor.u32 @!p0 $0x28, s11  }
0x1af: {  	[tilespmem:s10], [sflag:$0x1] =	stream.indirect.gather @!p0 [hbm4b:s5+s0], $0x80, s4, s0, $0xb8;
	[tilespmem:$0x1FF00] =	vst v63  }
0x1b0: {  	s0 =	sadd.s32 @!p0 $0x6, s14  }
0x1b1: {  	s4 =	smul.u32 @!p0 $0x50, s0  }
0x1b2: {  	s0 =	sand.u32 @!p0 $0x6, s0  }
0x1b3: {  	s0 =	smul.u32 @!p0 $0x140, s0;
	s4 =	sadd.s32 @!p0 s7, s4  }
0x1b4: {  	s4 =	sshrl.u32 @!p0 s4, $0x3  }
0x1b5: {  	s10 =	simm.s32 @!p0 $0x0;
	s0 =	sshrl.u32 @!p0 s0, $0x2;
	s4 =	sadd.s32 @!p0 s1, s4  }
0x1b6: {  	[tilespmem:s0], [sflag:$0xB] =	stream.linear.gather @!p0 [hbm4b:s4+s10], $0x50, $0x38;
	[tilespmem:$0x1FF00] =	vst v63  }
0x1b7: {  	s10 =	simm.s32 $0x2B90  }
0x1b8: {  	v0 =	vld [tilespmem:s10+$0xFFFFFF70]  }
0x1b9: {  	s4 =	simm.s32 $0x7800;
	v1 =	vld [tilespmem:s10+$0xFFFFFF80]  }
0x1ba: {  	v2 =	vld [tilespmem:s4+$0xFFFFFF80]  }
0x1bb: {  	v3 =	vld [tilespmem:s4+$0xFFFFFF90]  }
0x1bc: {  	v4 =	vld [tilespmem:s10+$0xFFFFFF90]  }
0x1bd: {  	v5 =	vld [tilespmem:s4+$0xFFFFFFA0]  }
0x1be: {  	v6 =	vld [tilespmem:s10+$0xFFFFFFA0]  }
0x1bf: {  	v7 =	vld [tilespmem:s4+$0xFFFFFFB0]  }
0x1c0: {  	v8 =	vld [tilespmem:s10+$0xFFFFFFB0];
	v2 =	vmul.f32 v2, v0;
	v3 =	vmul.f32 v3, v1  }
0x1c1: {  	v9 =	vld [tilespmem:s4+$0xFFFFFFC0]  }
0x1c2: {  	v10 =	vld [tilespmem:s10+$0xFFFFFFC0];
	v2 =	vadd.f32 v3, v2;
	v3 =	vmul.f32 v5, v4  }
0x1c3: {  	v5 =	vld [tilespmem:s4+$0xFFFFFFD0]  }
0x1c4: {  	v11 =	vld [tilespmem:s10+$0xFFFFFFD0];
	v2 =	vadd.f32 v3, v2;
	v3 =	vmul.f32 v7, v6  }
0x1c5: {  	v7 =	vld [tilespmem:s4+$0xFFFFFFE0]  }
0x1c6: {  	v12 =	vld [tilespmem:s10+$0xFFFFFFE0];
	v2 =	vadd.f32 v3, v2;
	v3 =	vmul.f32 v9, v8  }
0x1c7: {  	v9 =	vld [tilespmem:s4+$0xFFFFFFF0]  }
0x1c8: {  	v2 =	vadd.f32 v3, v2;
	v3 =	vmul.f32 v5, v10;
	_ =	sdelay $0x1  }
0x1c9: {  	v2 =	vadd.f32 v3, v2;
	v3 =	vmul.f32 v7, v11;
	_ =	sdelay $0x1  }
0x1ca: {  	v2 =	vadd.f32 v3, v2;
	v3 =	vmul.f32 v9, v12;
	_ =	sdelay $0x1  }
0x1cb: {  	v2 =	vadd.f32 v3, v2;
	_ =	sdelay $0x1  }
0x1cc: {  	(xrf2) =	vadd.scan.msk.f32 $0xffff, v2;
	_ =	sdelay $0x6  }
0x1cd: {  	v2 =	vld [tilespmem:s10+$0xFFFFFFF0];
	_ =	sdelay $0x2  }
0x1ce: {  	v3, _, _ =	vpop (xrf2)  }
0x1cf: {  	(v2sf) =	vpush v3, $0xF  }
0x1d0: {  	(v2sf) =	vpush v2, $0x0;
	_ =	sdelay $0xd  }
0x1d1: {  	s17 =	spop (v2sf)  }
0x1d2: {  	s23 =	spop (v2sf)  }
0x1d3: {  	s0 =	smul.f32 s17, s23;
	_ =	sdelay $0x1  }
0x1d4: {  	p1 =	slt.f32 s0, $1.000000010e-01;
	_ =	sdelay $0x1  }
0x1d5: {  	s0 =	simm.s32 @p1 $0x358637BD  }
0x1d6: {  	v0 =	vmul.f32 s0, v0  }
0x1d7: {  	v2 =	vmul.f32 s0, v2  }
0x1d8: {  	v3 =	vmul.f32 s0, v4;
	[tilespmem:s10+$0xFFFFFF70] =	vst v0  }
0x1d9: {  	v1 =	vmul.f32 s0, v1;
	[tilespmem:s10+$0xFFFFFFF0] =	vst v2  }
0x1da: {  	v0 =	vmul.f32 s0, v12;
	[tilespmem:s10+$0xFFFFFF90] =	vst v3  }
0x1db: {  	v2 =	vmul.f32 s0, v6;
	[tilespmem:s10+$0xFFFFFF80] =	vst v1  }
0x1dc: {  	v1 =	vmul.f32 s0, v10;
	[tilespmem:s10+$0xFFFFFFE0] =	vst v0  }
0x1dd: {  	v0 =	vmul.f32 s0, v11;
	[tilespmem:s10+$0xFFFFFFA0] =	vst v2  }
0x1de: {  	v2 =	vmul.f32 s0, v8;
	[tilespmem:s10+$0xFFFFFFC0] =	vst v1  }
0x1df: {  	v1 =	vld [tilespmem:s10+$0x0];
	[tilespmem:s10+$0xFFFFFFD0] =	vst v0  }
0x1e0: {  	v0 =	vld [tilespmem:s10+$0x10];
	[tilespmem:s10+$0xFFFFFFB0] =	vst v2  }
0x1e1: {  	v4 =	vld [tilespmem:s4+$0x0]  }
0x1e2: {  	v5 =	vld [tilespmem:s4+$0x10]  }
0x1e3: {  	v2 =	vld [tilespmem:s10+$0x20]  }
0x1e4: {  	v6 =	vld [tilespmem:s4+$0x20]  }
0x1e5: {  	v3 =	vld [tilespmem:s10+$0x30]  }
0x1e6: {  	v7 =	vld [tilespmem:s4+$0x30]  }
0x1e7: {  	v8 =	vld [tilespmem:s4+$0x40];
	v9 =	vmul.f32 v4, v1;
	v10 =	vmul.f32 v5, v0  }
0x1e8: {  	v5 =	vld [tilespmem:s10+$0x40]  }
0x1e9: {  	v11 =	vld [tilespmem:s4+$0x50];
	v9 =	vadd.f32 v10, v9;
	v10 =	vmul.f32 v6, v2  }
0x1ea: {  	v4 =	vld [tilespmem:s10+$0x50]  }
0x1eb: {  	v63 =	vld [tilespmem:s4+$0x60];
	v9 =	vadd.f32 v10, v9;
	v10 =	vmul.f32 v7, v3  }
0x1ec: {  	v6 =	vld [tilespmem:s10+$0x60]  }
0x1ed: {  	v7 =	vld [tilespmem:s10+$0x70];
	v8 =	vmul.f32 v8, v5;
	v9 =	vadd.f32 v10, v9  }
0x1ee: {  	v10 =	vld [tilespmem:s4+$0x70]  }
0x1ef: {  	v8 =	vadd.f32 v8, v9;
	v9 =	vmul.f32 v11, v4;
	_ =	sdelay $0x1  }
0x1f0: {  	v8 =	vadd.f32 v9, v8;
	v9 =	vmul.f32 v63, v6;
	_ =	sdelay $0x1  }
0x1f1: {  	v8 =	vadd.f32 v9, v8;
	v9 =	vmul.f32 v10, v7;
	_ =	sdelay $0x1  }
0x1f2: {  	v8 =	vadd.f32 v9, v8;
	_ =	sdelay $0x1  }
0x1f3: {  	(xrf2) =	vadd.scan.msk.f32 $0xffff, v8;
	_ =	sdelay $0x6  }
0x1f4: {  	v8 =	vld [tilespmem:s10+$0x80];
	_ =	sdelay $0x2  }
0x1f5: {  	v9, _, _ =	vpop (xrf2)  }
0x1f6: {  	(v2sf) =	vpush v9, $0xF  }
0x1f7: {  	s12 =	simm.s32 $0x0;
	s11 =	simm.s32 $0x2B90;
	(v2sf) =	vpush v8, $0x0  }
.LBB2_7:
0x1f8: {  	_ =	sdelay $0xa  }
0x1f9: {  	s12 =	sadd.s32 $0x2, s12;
	s10 =	sadd.s32 $0x120, s10;
	s4 =	sadd.s32 $0x100, s4  }
0x1fa: {  	p1 =	slt.u32 s12, $0x22  }
0x1fb: {  	s0 =	spop (v2sf)  }
0x1fc: {  	s16 =	spop (v2sf)  }
0x1fd: {  	s0 =	smul.f32 s0, s16;
	_ =	sdelay $0x1  }
0x1fe: {  	p2 =	slt.f32 s0, $1.000000010e-01;
	_ =	sdelay $0x1  }
0x1ff: {  	s0 =	simm.s32 @p2 $0x358637BD  }
0x200: {  	v1 =	vmul.f32 s0, v1;
	v0 =	vmul.f32 s0, v0  }
0x201: {  	v2 =	vmul.f32 s0, v2;
	v3 =	vmul.f32 s0, v3  }
0x202: {  	v4 =	vmul.f32 s0, v4;
	[tilespmem:s11+$0x0] =	vst v1;
	v1 =	vmul.f32 s0, v5  }
0x203: {  	v5 =	vmul.f32 s0, v7;
	[tilespmem:s11+$0x20] =	vst v2;
	v2 =	vmul.f32 s0, v6  }
0x204: {  	[tilespmem:s11+$0x40] =	vst v1;
	v1 =	vmul.f32 s0, v8  }
0x205: {  	[tilespmem:s11+$0x60] =	vst v2  }
0x206: {  	[tilespmem:s11+$0x70] =	vst v5  }
0x207: {  	[tilespmem:s11+$0x30] =	vst v3  }
0x208: {  	[tilespmem:s11+$0x10] =	vst v0  }
0x209: {  	v0 =	vld [tilespmem:s10+$0xFFFFFF70];
	[tilespmem:s11+$0x80] =	vst v1  }
0x20a: {  	v1 =	vld [tilespmem:s10+$0xFFFFFF80];
	[tilespmem:s11+$0x50] =	vst v4;
	s11 =	smov.u32 s10  }
0x20b: {  	v2 =	vld [tilespmem:s4+$0xFFFFFF80]  }
0x20c: {  	v3 =	vld [tilespmem:s4+$0xFFFFFF90]  }
0x20d: {  	v4 =	vld [tilespmem:s10+$0xFFFFFF90]  }
0x20e: {  	v5 =	vld [tilespmem:s4+$0xFFFFFFA0]  }
0x20f: {  	v6 =	vld [tilespmem:s10+$0xFFFFFFA0]  }
0x210: {  	v7 =	vld [tilespmem:s4+$0xFFFFFFB0]  }
0x211: {  	v2 =	vmul.f32 v2, v0;
	v8 =	vld [tilespmem:s10+$0xFFFFFFB0];
	v3 =	vmul.f32 v3, v1  }
0x212: {  	v9 =	vld [tilespmem:s4+$0xFFFFFFC0]  }
0x213: {  	v10 =	vld [tilespmem:s10+$0xFFFFFFC0];
	v2 =	vadd.f32 v3, v2;
	v3 =	vmul.f32 v5, v4  }
0x214: {  	v5 =	vld [tilespmem:s4+$0xFFFFFFD0]  }
0x215: {  	v11 =	vld [tilespmem:s10+$0xFFFFFFD0];
	v2 =	vadd.f32 v3, v2;
	v3 =	vmul.f32 v7, v6  }
0x216: {  	v7 =	vld [tilespmem:s4+$0xFFFFFFE0]  }
0x217: {  	v12 =	vld [tilespmem:s10+$0xFFFFFFE0];
	v2 =	vadd.f32 v3, v2;
	v3 =	vmul.f32 v9, v8  }
0x218: {  	v9 =	vld [tilespmem:s4+$0xFFFFFFF0]  }
0x219: {  	v2 =	vadd.f32 v3, v2;
	v3 =	vmul.f32 v5, v10;
	_ =	sdelay $0x1  }
0x21a: {  	v2 =	vadd.f32 v3, v2;
	v3 =	vmul.f32 v7, v11;
	_ =	sdelay $0x1  }
0x21b: {  	v2 =	vadd.f32 v3, v2;
	v3 =	vmul.f32 v9, v12;
	_ =	sdelay $0x1  }
0x21c: {  	v2 =	vadd.f32 v3, v2;
	_ =	sdelay $0x1  }
0x21d: {  	(xrf2) =	vadd.scan.msk.f32 $0xffff, v2;
	_ =	sdelay $0x5  }
0x21e: {  	v2 =	vld [tilespmem:s10+$0xFFFFFFF0];
	_ =	sdelay $0x3  }
0x21f: {  	v3, _, _ =	vpop (xrf2)  }
0x220: {  	(v2sf) =	vpush v3, $0xF  }
0x221: {  	(v2sf) =	vpush v2, $0x0;
	_ =	sdelay $0xd  }
0x222: {  	s0 =	spop (v2sf)  }
0x223: {  	s16 =	spop (v2sf)  }
0x224: {  	s0 =	smul.f32 s0, s16;
	_ =	sdelay $0x1  }
0x225: {  	p2 =	slt.f32 s0, $1.000000010e-01;
	_ =	sdelay $0x1  }
0x226: {  	s0 =	simm.s32 @p2 $0x358637BD  }
0x227: {  	v0 =	vmul.f32 s0, v0;
	v2 =	vmul.f32 s0, v2  }
0x228: {  	v1 =	vmul.f32 s0, v1;
	v3 =	vmul.f32 s0, v4  }
0x229: {  	v4 =	vmul.f32 s0, v8;
	v5 =	vmul.f32 s0, v10;
	[tilespmem:s10+$0xFFFFFF70] =	vst v0  }
0x22a: {  	v0 =	vmul.f32 s0, v6;
	v6 =	vmul.f32 s0, v12;
	[tilespmem:s10+$0xFFFFFFF0] =	vst v2  }
0x22b: {  	v2 =	vmul.f32 s0, v11;
	[tilespmem:s10+$0xFFFFFF90] =	vst v3  }
0x22c: {  	[tilespmem:s10+$0xFFFFFFE0] =	vst v6  }
0x22d: {  	[tilespmem:s10+$0xFFFFFF80] =	vst v1  }
0x22e: {  	[tilespmem:s10+$0xFFFFFFA0] =	vst v0  }
0x22f: {  	[tilespmem:s10+$0xFFFFFFD0] =	vst v2;
	v0 =	vld [tilespmem:s10+$0x10]  }
0x230: {  	[tilespmem:s10+$0xFFFFFFC0] =	vst v5;
	v1 =	vld [tilespmem:s10+$0x0]  }
0x231: {  	[tilespmem:s10+$0xFFFFFFB0] =	vst v4;
	v2 =	vld [tilespmem:s10+$0x20]  }
0x232: {  	v4 =	vld [tilespmem:s4+$0x0]  }
0x233: {  	v5 =	vld [tilespmem:s4+$0x10]  }
0x234: {  	v6 =	vld [tilespmem:s4+$0x20]  }
0x235: {  	v7 =	vld [tilespmem:s4+$0x30]  }
0x236: {  	v8 =	vld [tilespmem:s4+$0x40]  }
0x237: {  	v3 =	vld [tilespmem:s10+$0x30]  }
0x238: {  	v9 =	vmul.f32 v4, v1;
	v10 =	vmul.f32 v5, v0  }
0x239: {  	v5 =	vld [tilespmem:s10+$0x40]  }
0x23a: {  	v4 =	vld [tilespmem:s10+$0x50];
	v9 =	vadd.f32 v10, v9;
	v10 =	vmul.f32 v6, v2  }
0x23b: {  	v11 =	vld [tilespmem:s4+$0x50]  }
0x23c: {  	v6 =	vld [tilespmem:s10+$0x60];
	v9 =	vadd.f32 v10, v9;
	v10 =	vmul.f32 v7, v3  }
0x23d: {  	v12 =	vld [tilespmem:s4+$0x60]  }
0x23e: {  	v7 =	vld [tilespmem:s10+$0x70];
	v9 =	vadd.f32 v10, v9;
	v8 =	vmul.f32 v8, v5  }
0x23f: {  	v10 =	vld [tilespmem:s4+$0x70]  }
0x240: {  	v8 =	vadd.f32 v8, v9;
	v9 =	vmul.f32 v11, v4;
	_ =	sdelay $0x1  }
0x241: {  	v8 =	vadd.f32 v9, v8;
	v9 =	vmul.f32 v12, v6;
	_ =	sdelay $0x1  }
0x242: {  	v8 =	vadd.f32 v9, v8;
	v9 =	vmul.f32 v10, v7;
	_ =	sdelay $0x1  }
0x243: {  	v8 =	vadd.f32 v9, v8;
	_ =	sdelay $0x1  }
0x244: {  	(xrf2) =	vadd.scan.msk.f32 $0xffff, v8;
	_ =	sdelay $0x5  }
0x245: {  	v8 =	vld [tilespmem:s10+$0x80];
	_ =	sdelay $0x1  }
.Ltmp2:
0x246: {  	(pc) =	sbr.rel @p1 .LBB2_7-.Ltmp2, $4  }
0x247: {  	_ = 	snop  }
0x248: {  	v9, _, _ =	vpop (xrf2)  }
0x249: {  	(v2sf) =	vpush v9, $0xF  }
0x24a: {  	(v2sf) =	vpush v8, $0x0  }
0x24b: {  	_ =	sdelay $0xc  }
0x24c: {  	s0 =	spop (v2sf)  }
0x24d: {  	s4 =	spop (v2sf)  }
0x24e: {  	s0 =	smul.f32 s0, s4;
	_ =	sdelay $0x1  }
0x24f: {  	p1 =	slt.f32 s0, $1.000000010e-01;
	_ =	sdelay $0x1  }
0x250: {  	s0 =	simm.s32 @p1 $0x358637BD  }
0x251: {  	v1 =	vmul.f32 s0, v1  }
0x252: {  	v2 =	vmul.f32 s0, v2  }
0x253: {  	v0 =	vmul.f32 s0, v0;
	[tilespmem:s11+$0x0] =	vst v1  }
0x254: {  	v1 =	vmul.f32 s0, v5;
	[tilespmem:s11+$0x20] =	vst v2  }
0x255: {  	v2 =	vmul.f32 s0, v6;
	[tilespmem:s11+$0x10] =	vst v0  }
0x256: {  	v5 =	vmul.f32 s0, v7;
	[tilespmem:s11+$0x40] =	vst v1  }
0x257: {  	v1 =	vmul.f32 s0, v3;
	[tilespmem:s11+$0x60] =	vst v2  }
0x258: {  	[tilespmem:s11+$0x70] =	vst v5;
	v2 =	vmul.f32 s0, v8  }
0x259: {  	[tilespmem:s11+$0x30] =	vst v1;
	v1 =	vmul.f32 s0, v4  }
0x25a: {  	[tilespmem:s11+$0x80] =	vst v2  }
0x25b: {  	[tilespmem:s11+$0x50] =	vst v1  }
0x25c: {  	[spmem:s3] =	stream.indirect.scatter.add.f32 [tilespmem:s31], [sflag:$0x7], $0x90, s15, s21, $0xb8;
	[tilespmem:$0x1FF00] =	vst v63  }
0x25d: {  	_ =	swait.ge [sflag:s28], $0x1440  }
0x25e: {  	[sflag:s28] =	ssyncset.done $0x0  }
0x25f: {  	[sflag:s28] =	ssyncadd.s32 $0xFFFFEBC0  }
0x260: {  	_ =	swait.ge [sflag:s28], $0x1200  }
0x261: {  	[sflag:s28] =	ssyncset.done $0x0  }
0x262: {  	[sflag:s28] =	ssyncadd.s32 $0xFFFFEE00  }
0x263: {  	_ =	swait.ge [sflag:s18], $0x1440  }
0x264: {  	[sflag:s18] =	ssyncset.done $0x0  }
0x265: {  	s0 =	simm.s32 @!p0 $0xA;
	[sflag:s18] =	ssyncadd.s32 $0xFFFFEBC0  }
0x266: {  	_ =	swait.ge @!p0 [sflag:s0], $0x50  }
0x267: {  	[sflag:s0] =	ssyncset.done @!p0 $0x0  }
0x268: {  	s4 =	simm.s32 @!p0 $0x16C0;
	[sflag:s0] =	ssyncadd.s32 @!p0 $0xFFFFFFB0;
	s0 =	simm.s32 @!p0 $0x24  }
0x269: {  	[tilespmem:s4], [sflag:$0x2] =	stream.indirect.gather @!p0 [hbm4b:s6+s0], $0x90, s8, s0, $0xb8;
	[tilespmem:$0x1FF00] =	vst v63  }
0x26a: {  	s4 =	sadd.s32 @!p0 $0x28, s8;
	s8 =	simm.s32 @!p0 $0x6580  }
0x26b: {  	[tilespmem:s8], [sflag:$0x2] =	stream.indirect.gather @!p0 [hbm4b:s5+s0], $0x80, s4, s0, $0xb8;
	[tilespmem:$0x1FF00] =	vst v63  }
0x26c: {  	s0 =	sadd.s32 @!p0 $0x7, s14  }
0x26d: {  	s4 =	smul.u32 @!p0 $0x50, s0  }
0x26e: {  	s0 =	sand.u32 @!p0 $0x7, s0  }
0x26f: {  	s0 =	smul.u32 @!p0 $0x140, s0;
	s4 =	sadd.s32 @!p0 s7, s4  }
0x270: {  	s4 =	sshrl.u32 @!p0 s4, $0x3  }
0x271: {  	s8 =	simm.s32 @!p0 $0x0;
	s0 =	sshrl.u32 @!p0 s0, $0x2;
	s4 =	sadd.s32 @!p0 s1, s4  }
0x272: {  	[tilespmem:s0], [sflag:$0xC] =	stream.linear.gather @!p0 [hbm4b:s4+s8], $0x50, $0x38;
	[tilespmem:$0x1FF00] =	vst v63  }
0x273: {  	s8 =	simm.s32 $0x3FD0  }
0x274: {  	v0 =	vld [tilespmem:s8+$0xFFFFFF70]  }
0x275: {  	s4 =	simm.s32 $0x8A00;
	v1 =	vld [tilespmem:s8+$0xFFFFFF80]  }
0x276: {  	v2 =	vld [tilespmem:s4+$0xFFFFFF80]  }
0x277: {  	v3 =	vld [tilespmem:s4+$0xFFFFFF90]  }
0x278: {  	v4 =	vld [tilespmem:s8+$0xFFFFFF90]  }
0x279: {  	v5 =	vld [tilespmem:s4+$0xFFFFFFA0]  }
0x27a: {  	v6 =	vld [tilespmem:s8+$0xFFFFFFA0]  }
0x27b: {  	v7 =	vld [tilespmem:s4+$0xFFFFFFB0]  }
0x27c: {  	v8 =	vld [tilespmem:s8+$0xFFFFFFB0];
	v2 =	vmul.f32 v2, v0;
	v3 =	vmul.f32 v3, v1  }
0x27d: {  	v9 =	vld [tilespmem:s4+$0xFFFFFFC0]  }
0x27e: {  	v10 =	vld [tilespmem:s8+$0xFFFFFFC0];
	v2 =	vadd.f32 v3, v2;
	v3 =	vmul.f32 v5, v4  }
0x27f: {  	v5 =	vld [tilespmem:s4+$0xFFFFFFD0]  }
0x280: {  	v11 =	vld [tilespmem:s8+$0xFFFFFFD0];
	v2 =	vadd.f32 v3, v2;
	v3 =	vmul.f32 v7, v6  }
0x281: {  	v7 =	vld [tilespmem:s4+$0xFFFFFFE0]  }
0x282: {  	v12 =	vld [tilespmem:s8+$0xFFFFFFE0];
	v2 =	vadd.f32 v3, v2;
	v3 =	vmul.f32 v9, v8  }
0x283: {  	v9 =	vld [tilespmem:s4+$0xFFFFFFF0]  }
0x284: {  	v2 =	vadd.f32 v3, v2;
	v3 =	vmul.f32 v5, v10;
	_ =	sdelay $0x1  }
0x285: {  	v2 =	vadd.f32 v3, v2;
	v3 =	vmul.f32 v7, v11;
	_ =	sdelay $0x1  }
0x286: {  	v2 =	vadd.f32 v3, v2;
	v3 =	vmul.f32 v9, v12;
	_ =	sdelay $0x1  }
0x287: {  	v2 =	vadd.f32 v3, v2;
	_ =	sdelay $0x1  }
0x288: {  	(xrf2) =	vadd.scan.msk.f32 $0xffff, v2;
	_ =	sdelay $0x6  }
0x289: {  	v2 =	vld [tilespmem:s8+$0xFFFFFFF0];
	_ =	sdelay $0x2  }
0x28a: {  	v3, _, _ =	vpop (xrf2)  }
0x28b: {  	(v2sf) =	vpush v3, $0xF  }
0x28c: {  	(v2sf) =	vpush v2, $0x0;
	_ =	sdelay $0xd  }
0x28d: {  	s23 =	spop (v2sf)  }
0x28e: {  	s10 =	spop (v2sf)  }
0x28f: {  	s0 =	smul.f32 s23, s10;
	_ =	sdelay $0x1  }
0x290: {  	p0 =	slt.f32 s0, $1.000000010e-01;
	_ =	sdelay $0x1  }
0x291: {  	s0 =	simm.s32 @p0 $0x358637BD  }
0x292: {  	v0 =	vmul.f32 s0, v0  }
0x293: {  	v2 =	vmul.f32 s0, v2  }
0x294: {  	v3 =	vmul.f32 s0, v4;
	[tilespmem:s8+$0xFFFFFF70] =	vst v0  }
0x295: {  	v1 =	vmul.f32 s0, v1;
	[tilespmem:s8+$0xFFFFFFF0] =	vst v2  }
0x296: {  	v0 =	vmul.f32 s0, v12;
	[tilespmem:s8+$0xFFFFFF90] =	vst v3  }
0x297: {  	v2 =	vmul.f32 s0, v6;
	[tilespmem:s8+$0xFFFFFF80] =	vst v1  }
0x298: {  	v1 =	vmul.f32 s0, v10;
	[tilespmem:s8+$0xFFFFFFE0] =	vst v0  }
0x299: {  	v0 =	vmul.f32 s0, v11;
	[tilespmem:s8+$0xFFFFFFA0] =	vst v2  }
0x29a: {  	v2 =	vmul.f32 s0, v8;
	[tilespmem:s8+$0xFFFFFFC0] =	vst v1  }
0x29b: {  	v1 =	vld [tilespmem:s8+$0x0];
	[tilespmem:s8+$0xFFFFFFD0] =	vst v0  }
0x29c: {  	v0 =	vld [tilespmem:s8+$0x10];
	[tilespmem:s8+$0xFFFFFFB0] =	vst v2  }
0x29d: {  	v4 =	vld [tilespmem:s4+$0x0]  }
0x29e: {  	v5 =	vld [tilespmem:s4+$0x10]  }
0x29f: {  	v2 =	vld [tilespmem:s8+$0x20]  }
0x2a0: {  	v6 =	vld [tilespmem:s4+$0x20]  }
0x2a1: {  	v3 =	vld [tilespmem:s8+$0x30]  }
0x2a2: {  	v7 =	vld [tilespmem:s4+$0x30]  }
0x2a3: {  	v8 =	vld [tilespmem:s4+$0x40];
	v9 =	vmul.f32 v4, v1;
	v10 =	vmul.f32 v5, v0  }
0x2a4: {  	v5 =	vld [tilespmem:s8+$0x40]  }
0x2a5: {  	v11 =	vld [tilespmem:s4+$0x50];
	v9 =	vadd.f32 v10, v9;
	v10 =	vmul.f32 v6, v2  }
0x2a6: {  	v4 =	vld [tilespmem:s8+$0x50]  }
0x2a7: {  	v63 =	vld [tilespmem:s4+$0x60];
	v9 =	vadd.f32 v10, v9;
	v10 =	vmul.f32 v7, v3  }
0x2a8: {  	v6 =	vld [tilespmem:s8+$0x60]  }
0x2a9: {  	v7 =	vld [tilespmem:s8+$0x70];
	v8 =	vmul.f32 v8, v5;
	v9 =	vadd.f32 v10, v9  }
0x2aa: {  	v10 =	vld [tilespmem:s4+$0x70]  }
0x2ab: {  	v8 =	vadd.f32 v8, v9;
	v9 =	vmul.f32 v11, v4;
	_ =	sdelay $0x1  }
0x2ac: {  	v8 =	vadd.f32 v9, v8;
	v9 =	vmul.f32 v63, v6;
	_ =	sdelay $0x1  }
0x2ad: {  	v8 =	vadd.f32 v9, v8;
	v9 =	vmul.f32 v10, v7;
	_ =	sdelay $0x1  }
0x2ae: {  	v8 =	vadd.f32 v9, v8;
	_ =	sdelay $0x1  }
0x2af: {  	(xrf2) =	vadd.scan.msk.f32 $0xffff, v8;
	_ =	sdelay $0x6  }
0x2b0: {  	v8 =	vld [tilespmem:s8+$0x80];
	_ =	sdelay $0x2  }
0x2b1: {  	v9, _, _ =	vpop (xrf2)  }
0x2b2: {  	(v2sf) =	vpush v9, $0xF  }
0x2b3: {  	s11 =	simm.s32 $0x0;
	s10 =	simm.s32 $0x3FD0;
	(v2sf) =	vpush v8, $0x0  }
.LBB2_9:
0x2b4: {  	_ =	sdelay $0xa  }
0x2b5: {  	s11 =	sadd.s32 $0x2, s11;
	s8 =	sadd.s32 $0x120, s8;
	s4 =	sadd.s32 $0x100, s4  }
0x2b6: {  	p0 =	slt.u32 s11, $0x22  }
0x2b7: {  	s0 =	spop (v2sf)  }
0x2b8: {  	s12 =	spop (v2sf)  }
0x2b9: {  	s0 =	smul.f32 s0, s12;
	_ =	sdelay $0x1  }
0x2ba: {  	p1 =	slt.f32 s0, $1.000000010e-01;
	_ =	sdelay $0x1  }
0x2bb: {  	s0 =	simm.s32 @p1 $0x358637BD  }
0x2bc: {  	v1 =	vmul.f32 s0, v1;
	v0 =	vmul.f32 s0, v0  }
0x2bd: {  	v2 =	vmul.f32 s0, v2;
	v3 =	vmul.f32 s0, v3  }
0x2be: {  	v4 =	vmul.f32 s0, v4;
	[tilespmem:s10+$0x0] =	vst v1;
	v1 =	vmul.f32 s0, v5  }
0x2bf: {  	v5 =	vmul.f32 s0, v7;
	[tilespmem:s10+$0x20] =	vst v2;
	v2 =	vmul.f32 s0, v6  }
0x2c0: {  	[tilespmem:s10+$0x40] =	vst v1;
	v1 =	vmul.f32 s0, v8  }
0x2c1: {  	[tilespmem:s10+$0x60] =	vst v2  }
0x2c2: {  	[tilespmem:s10+$0x70] =	vst v5  }
0x2c3: {  	[tilespmem:s10+$0x30] =	vst v3  }
0x2c4: {  	[tilespmem:s10+$0x10] =	vst v0  }
0x2c5: {  	v0 =	vld [tilespmem:s8+$0xFFFFFF70];
	[tilespmem:s10+$0x80] =	vst v1  }
0x2c6: {  	v1 =	vld [tilespmem:s8+$0xFFFFFF80];
	[tilespmem:s10+$0x50] =	vst v4;
	s10 =	smov.u32 s8  }
0x2c7: {  	v2 =	vld [tilespmem:s4+$0xFFFFFF80]  }
0x2c8: {  	v3 =	vld [tilespmem:s4+$0xFFFFFF90]  }
0x2c9: {  	v4 =	vld [tilespmem:s8+$0xFFFFFF90]  }
0x2ca: {  	v5 =	vld [tilespmem:s4+$0xFFFFFFA0]  }
0x2cb: {  	v6 =	vld [tilespmem:s8+$0xFFFFFFA0]  }
0x2cc: {  	v7 =	vld [tilespmem:s4+$0xFFFFFFB0]  }
0x2cd: {  	v2 =	vmul.f32 v2, v0;
	v8 =	vld [tilespmem:s8+$0xFFFFFFB0];
	v3 =	vmul.f32 v3, v1  }
0x2ce: {  	v9 =	vld [tilespmem:s4+$0xFFFFFFC0]  }
0x2cf: {  	v10 =	vld [tilespmem:s8+$0xFFFFFFC0];
	v2 =	vadd.f32 v3, v2;
	v3 =	vmul.f32 v5, v4  }
0x2d0: {  	v5 =	vld [tilespmem:s4+$0xFFFFFFD0]  }
0x2d1: {  	v11 =	vld [tilespmem:s8+$0xFFFFFFD0];
	v2 =	vadd.f32 v3, v2;
	v3 =	vmul.f32 v7, v6  }
0x2d2: {  	v7 =	vld [tilespmem:s4+$0xFFFFFFE0]  }
0x2d3: {  	v12 =	vld [tilespmem:s8+$0xFFFFFFE0];
	v2 =	vadd.f32 v3, v2;
	v3 =	vmul.f32 v9, v8  }
0x2d4: {  	v9 =	vld [tilespmem:s4+$0xFFFFFFF0]  }
0x2d5: {  	v2 =	vadd.f32 v3, v2;
	v3 =	vmul.f32 v5, v10;
	_ =	sdelay $0x1  }
0x2d6: {  	v2 =	vadd.f32 v3, v2;
	v3 =	vmul.f32 v7, v11;
	_ =	sdelay $0x1  }
0x2d7: {  	v2 =	vadd.f32 v3, v2;
	v3 =	vmul.f32 v9, v12;
	_ =	sdelay $0x1  }
0x2d8: {  	v2 =	vadd.f32 v3, v2;
	_ =	sdelay $0x1  }
0x2d9: {  	(xrf2) =	vadd.scan.msk.f32 $0xffff, v2;
	_ =	sdelay $0x5  }
0x2da: {  	v2 =	vld [tilespmem:s8+$0xFFFFFFF0];
	_ =	sdelay $0x3  }
0x2db: {  	v3, _, _ =	vpop (xrf2)  }
0x2dc: {  	(v2sf) =	vpush v3, $0xF  }
0x2dd: {  	(v2sf) =	vpush v2, $0x0;
	_ =	sdelay $0xd  }
0x2de: {  	s0 =	spop (v2sf)  }
0x2df: {  	s12 =	spop (v2sf)  }
0x2e0: {  	s0 =	smul.f32 s0, s12;
	_ =	sdelay $0x1  }
0x2e1: {  	p1 =	slt.f32 s0, $1.000000010e-01;
	_ =	sdelay $0x1  }
0x2e2: {  	s0 =	simm.s32 @p1 $0x358637BD  }
0x2e3: {  	v0 =	vmul.f32 s0, v0;
	v2 =	vmul.f32 s0, v2  }
0x2e4: {  	v1 =	vmul.f32 s0, v1;
	v3 =	vmul.f32 s0, v4  }
0x2e5: {  	v4 =	vmul.f32 s0, v8;
	v5 =	vmul.f32 s0, v10;
	[tilespmem:s8+$0xFFFFFF70] =	vst v0  }
0x2e6: {  	v0 =	vmul.f32 s0, v6;
	v6 =	vmul.f32 s0, v12;
	[tilespmem:s8+$0xFFFFFFF0] =	vst v2  }
0x2e7: {  	v2 =	vmul.f32 s0, v11;
	[tilespmem:s8+$0xFFFFFF90] =	vst v3  }
0x2e8: {  	[tilespmem:s8+$0xFFFFFFE0] =	vst v6  }
0x2e9: {  	[tilespmem:s8+$0xFFFFFF80] =	vst v1  }
0x2ea: {  	[tilespmem:s8+$0xFFFFFFA0] =	vst v0  }
0x2eb: {  	[tilespmem:s8+$0xFFFFFFD0] =	vst v2;
	v0 =	vld [tilespmem:s8+$0x10]  }
0x2ec: {  	[tilespmem:s8+$0xFFFFFFC0] =	vst v5;
	v1 =	vld [tilespmem:s8+$0x0]  }
0x2ed: {  	[tilespmem:s8+$0xFFFFFFB0] =	vst v4;
	v2 =	vld [tilespmem:s8+$0x20]  }
0x2ee: {  	v4 =	vld [tilespmem:s4+$0x0]  }
0x2ef: {  	v5 =	vld [tilespmem:s4+$0x10]  }
0x2f0: {  	v6 =	vld [tilespmem:s4+$0x20]  }
0x2f1: {  	v7 =	vld [tilespmem:s4+$0x30]  }
0x2f2: {  	v8 =	vld [tilespmem:s4+$0x40]  }
0x2f3: {  	v3 =	vld [tilespmem:s8+$0x30]  }
0x2f4: {  	v9 =	vmul.f32 v4, v1;
	v10 =	vmul.f32 v5, v0  }
0x2f5: {  	v5 =	vld [tilespmem:s8+$0x40]  }
0x2f6: {  	v4 =	vld [tilespmem:s8+$0x50];
	v9 =	vadd.f32 v10, v9;
	v10 =	vmul.f32 v6, v2  }
0x2f7: {  	v11 =	vld [tilespmem:s4+$0x50]  }
0x2f8: {  	v6 =	vld [tilespmem:s8+$0x60];
	v9 =	vadd.f32 v10, v9;
	v10 =	vmul.f32 v7, v3  }
0x2f9: {  	v12 =	vld [tilespmem:s4+$0x60]  }
0x2fa: {  	v7 =	vld [tilespmem:s8+$0x70];
	v9 =	vadd.f32 v10, v9;
	v8 =	vmul.f32 v8, v5  }
0x2fb: {  	v10 =	vld [tilespmem:s4+$0x70]  }
0x2fc: {  	v8 =	vadd.f32 v8, v9;
	v9 =	vmul.f32 v11, v4;
	_ =	sdelay $0x1  }
0x2fd: {  	v8 =	vadd.f32 v9, v8;
	v9 =	vmul.f32 v12, v6;
	_ =	sdelay $0x1  }
0x2fe: {  	v8 =	vadd.f32 v9, v8;
	v9 =	vmul.f32 v10, v7;
	_ =	sdelay $0x1  }
0x2ff: {  	v8 =	vadd.f32 v9, v8;
	_ =	sdelay $0x1  }
0x300: {  	(xrf2) =	vadd.scan.msk.f32 $0xffff, v8;
	_ =	sdelay $0x5  }
0x301: {  	v8 =	vld [tilespmem:s8+$0x80];
	_ =	sdelay $0x1  }
.Ltmp3:
0x302: {  	(pc) =	sbr.rel @p0 .LBB2_9-.Ltmp3, $4  }
0x303: {  	_ = 	snop  }
0x304: {  	v9, _, _ =	vpop (xrf2)  }
0x305: {  	(v2sf) =	vpush v9, $0xF  }
0x306: {  	(v2sf) =	vpush v8, $0x0  }
0x307: {  	_ =	sdelay $0xc  }
0x308: {  	s0 =	spop (v2sf)  }
0x309: {  	s4 =	spop (v2sf)  }
0x30a: {  	s0 =	smul.f32 s0, s4;
	_ =	sdelay $0x1  }
0x30b: {  	p0 =	slt.f32 s0, $1.000000010e-01;
	_ =	sdelay $0x1  }
0x30c: {  	s0 =	simm.s32 @p0 $0x358637BD  }
0x30d: {  	v1 =	vmul.f32 s0, v1  }
0x30e: {  	v2 =	vmul.f32 s0, v2  }
0x30f: {  	v58 =	vmul.f32 s0, v5;
	[tilespmem:s10+$0x0] =	vst v1  }
0x310: {  	v59 =	vmul.f32 s0, v6;
	[tilespmem:s10+$0x20] =	vst v2  }
0x311: {  	v60 =	vmul.f32 s0, v7;
	[tilespmem:s10+$0x40] =	vst v58  }
0x312: {  	s13 =	sadd.s32 $0x1, s13;
	v61 =	vmul.f32 s0, v3;
	[tilespmem:s10+$0x60] =	vst v59  }
0x313: {  	p0 =	sne.s32 s13, $0x48;
	v0 =	vmul.f32 s0, v0;
	[tilespmem:s10+$0x70] =	vst v60  }
.Ltmp4:
0x314: {  	v62 =	vmul.f32 s0, v8;
	[tilespmem:s10+$0x30] =	vst v61;
	(pc) =	sbr.rel @p0 .LBB2_2-.Ltmp4, $4  }
0x315: {  	v63 =	vmul.f32 s0, v4;
	[tilespmem:s10+$0x10] =	vst v0  }
0x316: {  	[tilespmem:s10+$0x80] =	vst v62  }
0x317: {  	[tilespmem:s10+$0x50] =	vst v63  }
0x318: {  	[spmem:s3] =	stream.indirect.scatter.add.f32 [tilespmem:s20], [sflag:$0x8], $0x90, s9, s21, $0xb8;
	[tilespmem:$0x1FF00] =	vst v63  }
0x319: {  	s0 =	simm.s32 $0x7  }
0x31a: {  	_ =	swait.ge [sflag:s0], $0x1440  }
0x31b: {  	[sflag:s0] =	ssyncset.done $0x0  }
0x31c: {  	s16 =	simm.s32 $0x8;
	[sflag:s0] =	ssyncadd.s32 $0xFFFFEBC0  }
0x31d: {  	_ =	swait.ge [sflag:s16], $0x1440  }
0x31e: {  	[sflag:s16] =	ssyncset.done $0x0  }
0x31f: {  	[sflag:s16] =	ssyncadd.s32 $0xFFFFEBC0  }
0x320: {  	[bflag:$0x0] =	sbarrier.arrive $0xFFFF  }
0x321: {  	s9 =	rddreg [dreg:$0x6]  }
0x322: {  	s17 =	rddreg [dreg:$0xa]  }
0x323: {  	s8 =	simm.s32 $0xD;
	s4 =	rddreg [dreg:$0xc]  }
0x324: {  	[hbm:s17], [sflag:s9] =	dma.local [spmem:s4], $0x2C70  }
0x325: {  	_ =	swait.ge [sflag:s8], $0x2C70  }
0x326: {  	s10 =	rddreg [dreg:$0xd]  }
0x327: {  	s23 =	rddreg [dreg:$0xb];
	s10 =	sadd.s32 $0x1, s10  }
0x328: {  	p0 =	sne.s32 s10, s23  }
.Ltmp5:
0x329: {  	_ = 	snop;
	(pc) =	sbr.rel @p0 .LBB2_1-.Ltmp5, $3  }
0x32a: {  	_ =	sdelay $0x1  }
0x32b: {  	[sflag:s8] =	ssyncset.done $0x0  }
0x32c: {  	[sflag:s8] =	ssyncadd.s32 $0xFFFFD390  }
0x32d: {  	_ =	sfence.sel $0x180000  }
0x32e: {  	[bflag:$0x0] =	sbarrier.arrive $0xFFFF  }
0x32f: {  	_ =	strace $0x90000047  }
0x330: {  	s0 =	stileid.u32;
	[bflag:$0x2] =	sbarrier.arrive $0xFFFF  }
0x331: {  	p0 =	sne.s32 s0, $0x0;
	s0 =	rddreg [dreg:$0x3]  }
0x332: {  	s0 =	sadd.s32 @!p0 $0x100000, s0  }
0x333: {  	[sflag:s0] =	ssyncadd.tile.s32 @!p0 $0x1;
	_ =	shalt  }
.Lfunc_end2:
_tile_overlayer_lowered:
.L_overlay_start_2:
0x334: {  	(tag) =	ssettag $0x2  }
0x335: {  	s0 =	rddreg [dreg:$0x0];
	s2 =	stileid.u32  }
0x336: {  	s1 =	rddreg [dreg:$0x1];
	p0 =	sne.s32 s2, $0x0  }
0x337: {  	s3 =	rddreg [dreg:$0x2];
	[bflag:$0x3] =	sbarrier.arrive $0xFFFF;
	s2 =	simm.s32 @!p0 $0x1C0D  }
0x338: {  	[timem:s3], [sflag:s2] =	dma.local @!p0 [hbm:s0], s1  }
0x339: {  	s0 =	simm.s32 @!p0 $0xD  }
0x33a: {  	_ =	swait.ge @!p0 [sflag:s0], s1  }
0x33b: {  	s1 =	ssub.s32 @!p0 $0x0, s1;
	[sflag:s0] =	ssyncset.done @!p0 $0x0  }
0x33c: {  	[sflag:s0] =	ssyncadd.s32 @!p0 s1  }
0x33d: {  	[bflag:$0x3] =	sbarrier.arrive $0xFFFF  }
0x33e: {  	_ =	shalt  }

</sc_bundles>
